<compile_context>
chip_gen: v7x
topology: tpu7x:2x2x1
jax: 0.10.2.dev20260603
libtpu: 0.0.44.dev20260713+nightly
codegen_flags: <defaults>
</compile_context>

<pallas_src>
import functools

import numpy as np
import jax
import jax.numpy as jnp
from jax import lax
from jax.experimental import pallas as pl
from jax.experimental.pallas import tpu as pltpu
from jax.experimental.pallas import tpu_sc as plsc

_NUM_HEADS = 4
_TABLE = 50000
_EMB = 256
_HID = 1536
_KSIZE = 4
_B, _S = 4, 2048
_NPARTS = 8
_ROWS = _B * _S
_CONCAT = _EMB * _NPARTS

_mrng = np.random.RandomState(42)
_MULTS_NP = [_mrng.randint(2, 2 ** 31, size=_NUM_HEADS) for _ in range(2)]
_M = [int(_MULTS_NP[j // _NUM_HEADS][j % _NUM_HEADS]) for j in range(_NPARTS)]
_R16 = (1 << 16) % _TABLE

_NW = 32
_CH = 128
_HS = _S // 2
_NCH = _HS // _CH
_NBUF = 3
_HROWS = _B * _HS


def _sc_body(half, tok_hbm, table_hbm, out_hbm, tbuf, idxbuf, rows, zbuf,
             g0, g1, g2, w0, w1, w2):
    span = _S if half < 0 else _HS
    off = _HS if half == 1 else 0
    nch = span // _CH
    gs = (g0, g1, g2)
    ws = (w0, w1, w2)
    cid = lax.axis_index("c")
    sid = lax.axis_index("s")
    wid = (sid * 2 + cid).astype(jnp.int32)
    j = lax.div(wid, jnp.int32(_B))
    b = lax.rem(wid, jnp.int32(_B))

    if half == 1:
        pltpu.sync_copy(tok_hbm.at[pl.ds((b * _S + _HS - 16) * 2, 32)],
                        tbuf.at[pl.ds(0, 32)])
    else:
        for z in range(2):
            tbuf[pl.ds(z * 16, 16)] = jnp.zeros((16,), jnp.int32)
    pltpu.sync_copy(tok_hbm.at[pl.ds((b * _S + off) * 2, span * 2)],
                    tbuf.at[pl.ds(32, span * 2)])

    m_lo = jnp.uint32(0)
    m_hi = jnp.uint32(0)
    for jj in range(_NPARTS):
        sel = j == jj
        m_lo = jnp.where(sel, jnp.uint32(_M[jj] & 0xFFFF), m_lo)
        m_hi = jnp.where(sel, jnp.uint32(_M[jj] >> 16), m_hi)
    sel2 = jnp.where(j < _NUM_HEADS, jnp.uint32(1), jnp.uint32(0))

    T = jnp.uint32(_TABLE)
    R = jnp.uint32(_R16)

    def mm(h):
        a = lax.rem(h * m_lo, T)
        c = lax.rem(h * m_hi, T)
        return lax.rem(c * R + a, T)

    lane2 = lax.iota(jnp.int32, 16) * 2

    def hash_body(_, pos):
        i0 = lane2 + (32 + 2 * pos)
        t0 = plsc.load_gather(tbuf, [i0]).astype(jnp.uint32)
        t1 = plsc.load_gather(tbuf, [i0 - 2]).astype(jnp.uint32)
        t2 = plsc.load_gather(tbuf, [i0 - 4]).astype(jnp.uint32)
        h3 = lax.rem(mm(t2) + t1, T)
        pre = t1 * sel2 + h3 * (jnp.uint32(1) - sel2)
        h = lax.rem(mm(pre) + t0, T)
        idx = h.astype(jnp.int32) + j * jnp.int32(_TABLE)
        r = lax.div(pos, jnp.int32(_CH))
        co = lax.rem(pos, jnp.int32(_CH))
        idxbuf[r, pl.ds(co, 16)] = idx
        return pos + 16

    lax.fori_loop(0, span // 16, hash_body, jnp.int32(0))

    base = wid * span

    def g_copy(t, bufi):
        return pltpu.make_async_copy(
            table_hbm.at[idxbuf.at[jnp.int32(t)]],
            rows.at[jnp.int32(bufi)], gs[bufi])

    def w_copy(t, bufi):
        return pltpu.make_async_copy(
            rows.at[jnp.int32(bufi)],
            out_hbm.at[pl.ds(base + t * _CH, _CH)], ws[bufi])

    for t in range(_NBUF):
        g_copy(t, t).start()
    for t in range(nch):
        bufi = t % _NBUF
        g_copy(t, bufi).wait()
        w_copy(t, bufi).start()
        if t + _NBUF < nch:
            w_copy(t, bufi).wait()
            g_copy(t + _NBUF, bufi).start()
    for t in range(nch - _NBUF, nch):
        w_copy(t, t % _NBUF).wait()

    if half != 1:
        for r in range(2):
            for i in range(_EMB // 16):
                zbuf[r, pl.ds(i * 16, 16)] = jnp.zeros((16,), jnp.float32)
        pltpu.sync_copy(zbuf.at[pl.ds(0, 1)], out_hbm.at[pl.ds(base, 1)])

        @pl.when(j >= _NUM_HEADS)
        def _():
            pltpu.sync_copy(zbuf.at[pl.ds(1, 1)],
                            out_hbm.at[pl.ds(base + 1, 1)])


def _sc_gather(tok_flat, table_flat, half):
    span = _S if half < 0 else _HS
    mesh = plsc.VectorSubcoreMesh(
        core_axis_name="c", subcore_axis_name="s", num_cores=2,
        num_subcores=16)
    f = pl.kernel(
        functools.partial(_sc_body, half),
        out_type=jax.ShapeDtypeStruct((_NPARTS * _B * span, _EMB),
                                      jnp.float32),
        mesh=mesh,
        scratch_types=[
            pltpu.VMEM((2 * (16 + span),), jnp.int32),
            pltpu.VMEM((span // _CH, _CH), jnp.int32),
            pltpu.VMEM((_NBUF, _CH, _EMB), jnp.float32),
            pltpu.VMEM((2, _EMB), jnp.float32),
            pltpu.SemaphoreType.DMA,
            pltpu.SemaphoreType.DMA,
            pltpu.SemaphoreType.DMA,
            pltpu.SemaphoreType.DMA,
            pltpu.SemaphoreType.DMA,
            pltpu.SemaphoreType.DMA,
        ],
        compiler_params=pltpu.CompilerParams(needs_layout_passes=False),
    )
    return f(tok_flat, table_flat)


_CHUNK = 512
_NSTEP = _ROWS // _CHUNK
_NSTEPH = _HROWS // _CHUNK
_SPC = _HS // _CHUNK


def _tc_q_body(hid_ref, wq_ref, qng_ref, qnb_ref, q_ref, wqb_ref, vec_ref):
    c = pl.program_id(0)

    @pl.when(c == 0)
    def _():
        wq_sc = wq_ref[...] * qng_ref[...]
        wqb_ref[...] = wq_sc.astype(jnp.bfloat16)
        vec_ref[0:1, :] = jnp.sum(wq_sc, axis=0, keepdims=True)
        vec_ref[1:2, :] = jnp.sum(qnb_ref[...] * wq_ref[...], axis=0,
                                  keepdims=True)

    h = hid_ref[...]
    s1h = jnp.sum(h, axis=1, keepdims=True)
    s2h = jnp.sum(h * h, axis=1, keepdims=True)
    hm = s1h * (1.0 / _HID)
    hv = s2h * (1.0 / _HID) - hm * hm
    hr = lax.rsqrt(hv + 1e-5)
    qraw = jnp.dot(h.astype(jnp.bfloat16), wqb_ref[...],
                   preferred_element_type=jnp.float32)
    q_ref[...] = qraw * hr - (hr * hm) * vec_ref[0:1, :] + vec_ref[1:2, :]


def _tc_q(hidden, Wq, qn_g_col, qn_b_col):
    full = lambda *s: pl.BlockSpec(s, lambda c: tuple(c * 0 for _ in s))
    return pl.pallas_call(
        _tc_q_body,
        grid=(_NSTEP,),
        in_specs=[
            pl.BlockSpec((_CHUNK, _HID), lambda c: (c, c * 0)),
            full(_HID, _EMB),
            full(_HID, 1),
            full(_HID, 1),
        ],
        out_specs=pl.BlockSpec((_CHUNK, _EMB), lambda c: (c, c * 0)),
        out_shape=jax.ShapeDtypeStruct((_ROWS, _EMB), jnp.float32),
        scratch_shapes=[
            pltpu.VMEM((_HID, _EMB), jnp.bfloat16),
            pltpu.VMEM((8, _EMB), jnp.float32),
        ],
        compiler_params=pltpu.CompilerParams(
            dimension_semantics=("arbitrary",)),
    )(hidden, Wq, qn_g_col, qn_b_col)


def _tc_body(half, spc, *refs):
    if half == 1:
        (parts_ref, q_ref, tail_in_ref, _mvp_ref, _wp_ref, wk_ref, wv_ref,
         wo_ref, mng_ref, mnb_ref, bo_ref, on_g_ref, on_b_ref, cw_ref,
         cb_ref, mv_ref, w_ref, tail_out_ref, wkb_ref, wvb_ref, wob_ref,
         vec_ref, carry_ref, ext_ref) = refs
    else:
        (parts_ref, q_ref, tail_in_ref, wk_ref, wv_ref, wo_ref, mng_ref,
         mnb_ref, bo_ref, on_g_ref, on_b_ref, cw_ref, cb_ref, mv_ref,
         w_ref, tail_out_ref, wkb_ref, wvb_ref, wob_ref, vec_ref,
         carry_ref, ext_ref) = refs
    c = pl.program_id(0)
    cmod = lax.rem(c, jnp.int32(spc))

    @pl.when(c == 0)
    def _():
        ck = jnp.zeros((1, _EMB), jnp.float32)
        bk = jnp.zeros((1, _EMB), jnp.float32)
        cv = jnp.zeros((1, _EMB), jnp.float32)
        bv = jnp.zeros((1, _EMB), jnp.float32)
        for j in range(_NPARTS):
            gcol = mng_ref[:, pl.ds(j, 1)]
            bcol = mnb_ref[:, pl.ds(j, 1)]
            wk_sc = wk_ref[j] * gcol
            wv_sc = wv_ref[j] * gcol
            wkb_ref[j] = wk_sc.astype(jnp.bfloat16)
            wvb_ref[j] = wv_sc.astype(jnp.bfloat16)
            ck = ck + jnp.sum(wk_sc, axis=0, keepdims=True)
            cv = cv + jnp.sum(wv_sc, axis=0, keepdims=True)
            bk = bk + jnp.sum(bcol * wk_ref[j], axis=0, keepdims=True)
            bv = bv + jnp.sum(bcol * wv_ref[j], axis=0, keepdims=True)
        vec_ref[0:1, :] = ck
        vec_ref[1:2, :] = bk
        vec_ref[2:3, :] = cv
        vec_ref[3:4, :] = bv
        vec_ref[pl.ds(4, _KSIZE), :] = cw_ref[...]
        wob_ref[...] = wo_ref[...].astype(jnp.bfloat16)

    ps = [parts_ref[j] for j in range(_NPARTS)]
    acc = ps[0]
    acc2 = ps[0] * ps[0]
    for j in range(1, _NPARTS):
        acc = acc + ps[j]
        acc2 = acc2 + ps[j] * ps[j]
    s1 = jnp.sum(acc, axis=1, keepdims=True)
    s2 = jnp.sum(acc2, axis=1, keepdims=True)
    mean = s1 * (1.0 / _CONCAT)
    var = s2 * (1.0 / _CONCAT) - mean * mean
    rstd = lax.rsqrt(var + 1e-5)

    kraw = jnp.dot(ps[0].astype(jnp.bfloat16), wkb_ref[0],
                   preferred_element_type=jnp.float32)
    vraw = jnp.dot(ps[0].astype(jnp.bfloat16), wvb_ref[0],
                   preferred_element_type=jnp.float32)
    for j in range(1, _NPARTS):
        pb = ps[j].astype(jnp.bfloat16)
        kraw = kraw + jnp.dot(pb, wkb_ref[j],
                              preferred_element_type=jnp.float32)
        vraw = vraw + jnp.dot(pb, wvb_ref[j],
                              preferred_element_type=jnp.float32)
    rm = rstd * mean
    k = kraw * rstd - rm * vec_ref[0:1, :] + vec_ref[1:2, :]
    v = vraw * rstd - rm * vec_ref[2:3, :] + vec_ref[3:4, :]

    q = q_ref[...]
    scores = jnp.sum(q * k, axis=1, keepdims=True) * (1.0 / 16.0)
    w = jax.nn.sigmoid(scores)

    o = jnp.dot((w * v).astype(jnp.bfloat16), wob_ref[...],
                preferred_element_type=jnp.float32) + bo_ref[...]
    om = jnp.mean(o, axis=1, keepdims=True)
    ov = jnp.mean(o * o, axis=1, keepdims=True) - om * om
    out = (o - om) * lax.rsqrt(ov + 1e-5) * on_g_ref[...] + on_b_ref[...]

    if half != 1:
        @pl.when(cmod == 0)
        def _():
            carry_ref[...] = jnp.zeros((8, _EMB), jnp.float32)
    else:
        @pl.when(cmod == 0)
        def _():
            carry_ref[...] = tail_in_ref[0]

    ext_ref[pl.ds(0, 8), :] = carry_ref[...]
    ext_ref[pl.ds(8, _CHUNK), :] = out
    conv = cb_ref[...] + vec_ref[7:8, :] * out
    for i in range(_KSIZE - 1):
        conv = conv + vec_ref[4 + i:5 + i, :] * ext_ref[pl.ds(5 + i, _CHUNK), :]
    tail = out[_CHUNK - 8:, :]
    carry_ref[...] = tail
    tail_out_ref[...] = tail[None]

    mv_ref[...] = out + conv
    w_ref[...] = jnp.transpose(w, (1, 0))[None]


def _tc_dense(half, parts, q, tail_in, mv_prev, w_prev, Wk, Wv, Wo, mngt,
              mnbt, bo, on_g, on_b, cw, cb):
    nstep = _NSTEP if half < 0 else _NSTEPH
    spc = (_S // _CHUNK) if half < 0 else _SPC
    grid = (nstep,)
    out_shapes = (
        jax.ShapeDtypeStruct((_ROWS, _EMB), jnp.float32),
        jax.ShapeDtypeStruct((_NSTEP, 1, _CHUNK), jnp.float32),
        jax.ShapeDtypeStruct((_B, 8, _EMB), jnp.float32),
    )
    if half < 0:
        gblk = lambda c: c
        seqb = lambda c: lax.div(c, jnp.int32(4))
    else:
        gblk = lambda c: (lax.div(c, jnp.int32(2)) * 4 + half * 2
                          + lax.rem(c, jnp.int32(2)))
        seqb = lambda c: lax.div(c, jnp.int32(2))
    full = lambda *s: pl.BlockSpec(s, lambda c: tuple(c * 0 for _ in s))
    alias_specs = []
    alias_args = []
    aliases = {}
    if half == 1:
        alias_specs = [
            pl.BlockSpec((8, _EMB), lambda c: (c * 0, c * 0)),
            pl.BlockSpec((1, 1, _CHUNK), lambda c: (c * 0, c * 0, c * 0)),
        ]
        alias_args = [mv_prev, w_prev]
        aliases = {3: 0, 4: 1}
    return pl.pallas_call(
        functools.partial(_tc_body, half, spc),
        grid=grid,
        in_specs=[
            pl.BlockSpec((_NPARTS, _CHUNK, _EMB), lambda c: (c * 0, c, c * 0)),
            pl.BlockSpec((_CHUNK, _EMB), lambda c: (gblk(c), c * 0)),
            pl.BlockSpec((1, 8, _EMB), lambda c: (seqb(c), c * 0, c * 0)),
        ] + alias_specs + [
            full(_NPARTS, _EMB, _EMB),
            full(_NPARTS, _EMB, _EMB),
            full(_EMB, _EMB),
            full(_EMB, _NPARTS),
            full(_EMB, _NPARTS),
            full(1, _EMB),
            full(1, _EMB),
            full(1, _EMB),
            full(_KSIZE, _EMB),
            full(1, _EMB),
        ],
        out_specs=(
            pl.BlockSpec((_CHUNK, _EMB), lambda c: (gblk(c), c * 0)),
            pl.BlockSpec((1, 1, _CHUNK), lambda c: (gblk(c), c * 0, c * 0)),
            pl.BlockSpec((1, 8, _EMB), lambda c: (seqb(c), c * 0, c * 0)),
        ),
        out_shape=out_shapes,
        input_output_aliases=aliases,
        scratch_shapes=[
            pltpu.VMEM((_NPARTS, _EMB, _EMB), jnp.bfloat16),
            pltpu.VMEM((_NPARTS, _EMB, _EMB), jnp.bfloat16),
            pltpu.VMEM((_EMB, _EMB), jnp.bfloat16),
            pltpu.VMEM((8, _EMB), jnp.float32),
            pltpu.VMEM((8, _EMB), jnp.float32),
            pltpu.VMEM((8 + _CHUNK, _EMB), jnp.float32),
        ],
        compiler_params=pltpu.CompilerParams(
            dimension_semantics=("arbitrary",)),
    )(parts, q, tail_in, *alias_args, Wk, Wv, Wo, mngt, mnbt, bo, on_g,
      on_b, cw, cb)


def kernel(hidden_states, token_ids, tables, qn_g, qn_b, mn_g, mn_b, Wq,
           Wk, Wv, Wo, bo, on_g, on_b, conv_w, conv_b):
    tok_pairs = lax.bitcast_convert_type(token_ids, jnp.int32)
    tok_flat = tok_pairs.reshape(_ROWS * 2)
    table_flat = tables.reshape(_NPARTS * _TABLE, _EMB)
    parts = _sc_gather(tok_flat, table_flat, -1).reshape(_NPARTS, _ROWS, _EMB)

    cwr = jnp.transpose(conv_w[:, 0, :], (1, 0))

    q = _tc_q(hidden_states.reshape(_ROWS, _HID), Wq,
              qn_g.reshape(_HID, 1), qn_b.reshape(_HID, 1))

    Wk3 = Wk.reshape(_NPARTS, _EMB, _EMB)
    Wv3 = Wv.reshape(_NPARTS, _EMB, _EMB)
    mng = jnp.transpose(mn_g.reshape(_NPARTS, _EMB), (1, 0))
    mnb = jnp.transpose(mn_b.reshape(_NPARTS, _EMB), (1, 0))
    bo_r = bo.reshape(1, _EMB)
    ong = on_g.reshape(1, _EMB)
    onb = on_b.reshape(1, _EMB)
    cb_r = conv_b.reshape(1, _EMB)
    tail0 = jnp.zeros((_B, 8, _EMB), jnp.float32)

    mv, w, _ = _tc_dense(-1, parts, q, tail0, None, None, Wk3, Wv3, Wo,
                         mng, mnb, bo_r, ong, onb, cwr, cb_r)
    return mv.reshape(_B, _S, _EMB), w.reshape(_B, _S)

# --- scband reference (transcript-rebuilt; emitter-appended) ---
"""Pipeline reference for scband-engram-memory-62002147885489 (READ-ONLY COPY).

The authoritative reference and input builder live on the scoring server;
editing this copy changes nothing except your own understanding.
"""

import jax, jax.numpy as jnp
import numpy as np
jax.config.update("jax_enable_x64", True)

NGRAM_ORDERS = [2, 3]
NUM_HEADS = 4
TABLE_SIZE = 50000
EMB = 256
HID = 1536
KSIZE = 4
B, S = 4, 2048
CONCAT = EMB * len(NGRAM_ORDERS) * NUM_HEADS
_rng = np.random.RandomState(42)
MULTS = [jnp.asarray(_rng.randint(2, 2 ** 31, size=NUM_HEADS), dtype=jnp.int64) for _ in NGRAM_ORDERS]


def _layernorm(x, g, b, eps=1e-5):
    m = jnp.mean(x, axis=-1, keepdims=True)
    v = jnp.var(x, axis=-1, keepdims=True)
    return (x - m) / jnp.sqrt(v + eps) * g + b


def _hash_order(tokens, mults, n):
    # Vectorized version of MultiHeadHasher.hash_ngram over all positions/heads.
    Bn, Sn = tokens.shape
    h = jnp.zeros((mults.shape[0], Bn, Sn), dtype=jnp.int64)
    m = mults[:, None, None]
    for i in range(n):
        shift = n - 1 - i
        t = jnp.pad(tokens, ((0, 0), (shift, 0)))[:, :Sn].astype(jnp.int64)
        h = (h * m + t[None]) % TABLE_SIZE
    mask = (jnp.arange(Sn) >= (n - 1)).astype(jnp.float32)
    return h, mask


def _forward(hidden_states, tables, qn_g, qn_b, mn_g, mn_b, Wq, Wk, Wv, Wo, bo, on_g, on_b, conv_w, conv_b, token_ids):
    Bn, Sn = token_ids.shape
    parts = []
    for n_idx, n in enumerate(NGRAM_ORDERS):
        h, mask = _hash_order(token_ids, MULTS[n_idx], n)
        for h_idx in range(NUM_HEADS):
            vec = jnp.take(tables[n_idx, h_idx], h[h_idx], axis=0)  # [B, S, EMB] gather
            parts.append(vec * mask[None, :, None])
    mem = jnp.concatenate(parts, axis=-1)  # [B, S, CONCAT]
    mem = _layernorm(mem, mn_g, mn_b)
    k = mem @ Wk
    v = mem @ Wv
    q = _layernorm(hidden_states, qn_g, qn_b) @ Wq
    scores = jnp.sum(q * k, axis=-1) / jnp.sqrt(jnp.float32(EMB))
    w = jax.nn.sigmoid(scores)  # retrieval_weights [B, S]
    out = _layernorm((w[..., None] * v) @ Wo + bo, on_g, on_b)
    # causal depthwise conv1d (left pad K-1), zero-init -> residual refinement
    x = jnp.transpose(out, (0, 2, 1))
    xpad = jnp.pad(x, ((0, 0), (0, 0), (KSIZE - 1, 0)))
    conv = jnp.broadcast_to(conv_b[None, :, None], x.shape)
    for i in range(KSIZE):
        conv = conv + conv_w[:, 0, i][None, :, None] * xpad[:, :, i:i + Sn]
    mv = out + jnp.transpose(conv, (0, 2, 1))
    return mv, w


def setup_inputs(seed: int = 0) -> dict:
    key = jax.random.key(seed)
    ks = jax.random.split(key, 12)
    inp = {}
    inp["hidden_states"] = jax.random.normal(ks[0], (B, S, HID), dtype=jnp.float32)
    inp["token_ids"] = jax.random.randint(ks[1], (B, S), 0, 50000, dtype=jnp.int64)
    inp["tables"] = jax.random.normal(ks[2], (len(NGRAM_ORDERS), NUM_HEADS, TABLE_SIZE, EMB), dtype=jnp.float32) * 0.01
    inp["qn_g"] = jnp.ones((HID,), jnp.float32)
    inp["qn_b"] = jnp.zeros((HID,), jnp.float32)
    inp["mn_g"] = jnp.ones((CONCAT,), jnp.float32)
    inp["mn_b"] = jnp.zeros((CONCAT,), jnp.float32)
    inp["Wq"] = jax.random.normal(ks[3], (HID, EMB), dtype=jnp.float32) * 0.02
    inp["Wk"] = jax.random.normal(ks[4], (CONCAT, EMB), dtype=jnp.float32) * 0.02
    inp["Wv"] = jax.random.normal(ks[5], (CONCAT, EMB), dtype=jnp.float32) * 0.02
    inp["Wo"] = jax.random.normal(ks[6], (EMB, EMB), dtype=jnp.float32) * 0.02
    inp["bo"] = jnp.zeros((EMB,), jnp.float32)
    inp["on_g"] = jnp.ones((EMB,), jnp.float32)
    inp["on_b"] = jnp.zeros((EMB,), jnp.float32)
    inp["conv_w"] = jnp.zeros((EMB, 1, KSIZE), jnp.float32)
    inp["conv_b"] = jnp.zeros((EMB,), jnp.float32)
    return inp


def reference(hidden_states, token_ids, tables, qn_g, qn_b, mn_g, mn_b, Wq, Wk, Wv, Wo, bo, on_g, on_b, conv_w, conv_b):
    return _forward(hidden_states, tables, qn_g, qn_b, mn_g, mn_b, Wq, Wk, Wv, Wo, bo, on_g, on_b, conv_w, conv_b, token_ids)

if __name__ == "__main__":
    import jax
    _d = setup_inputs()
    print(jax.jit(kernel)(*tuple(_d.values())))

</pallas_src>

<mosaic_0001>
#map = affine_map<(d0, d1) -> (0)>
#map1 = affine_map<(d0, d1) -> (0, 0)>
module attributes {stable_mosaic.version = 14 : i64} {
  func.func @_sc_body(%arg0: i32, %arg1: i32, %arg2: memref<16384xi32, #tpu.memory_space<hbm>>, %arg3: memref<400000x256xf32, #tpu.memory_space<hbm>>, %arg4: memref<65536x256xf32, #tpu.memory_space<hbm>>, %arg5: memref<4128xi32, #tpu.memory_space<vmem>>, %arg6: memref<16x128xi32, #tpu.memory_space<vmem>>, %arg7: memref<3x128x256xf32, #tpu.memory_space<vmem>>, %arg8: memref<2x256xf32, #tpu.memory_space<vmem>>, %arg9: memref<!tpu.dma_semaphore, #tpu.memory_space<semaphore_mem>>, %arg10: memref<!tpu.dma_semaphore, #tpu.memory_space<semaphore_mem>>, %arg11: memref<!tpu.dma_semaphore, #tpu.memory_space<semaphore_mem>>, %arg12: memref<!tpu.dma_semaphore, #tpu.memory_space<semaphore_mem>>, %arg13: memref<!tpu.dma_semaphore, #tpu.memory_space<semaphore_mem>>, %arg14: memref<!tpu.dma_semaphore, #tpu.memory_space<semaphore_mem>>) attributes {dimension_semantics = [#tpu.dimension_semantics<core_parallel>, #tpu.dimension_semantics<subcore_parallel>], iteration_bounds = array<i64: 2, 16>, scalar_prefetch = 0 : i64, scratch_operands = 10 : i64, tpu.core_type = #tpu.core_type<sc_vector_subcore>, window_params = [{transform_indices = #map}, {transform_indices = #map1}, {transform_indices = #map1}]} {
    %mul3A = arith.constant 2 : i32
    %mul3A_0 = arith.muli %arg1, %mul3A : i32
    %add3A = arith.addi %mul3A_0, %arg0 : i32
    %div3A = arith.constant 4 : i32
    %div3A_1 = arith.divsi %add3A, %div3A : i32
    %rem3A = arith.constant 4 : i32
    %rem3A_2 = arith.remsi %add3A, %rem3A : i32
    %broadcast_in_dim3A = arith.constant 0 : i32
    %broadcast_in_dim3A_3 = vector.broadcast %broadcast_in_dim3A : i32 to vector<16xi32>
    %swap3A = arith.constant 0 : index
    %swap3A_4 = tpu.vector_load %arg5[%swap3A] {strides = array<i32>} : memref<4128xi32, #tpu.memory_space<vmem>>, vector<16xi32>,
    tpu.vector_store %arg5[%swap3A], %broadcast_in_dim3A_3 {strides = array<i32>} : memref<4128xi32, #tpu.memory_space<vmem>>, vector<16xi32>,
    %broadcast_in_dim3A_5 = arith.constant 0 : i32
    %broadcast_in_dim3A_6 = vector.broadcast %broadcast_in_dim3A_5 : i32 to vector<16xi32>
    %swap3A_7 = arith.constant 16 : index
    %swap3A_8 = tpu.vector_load %arg5[%swap3A_7] {strides = array<i32>} : memref<4128xi32, #tpu.memory_space<vmem>>, vector<16xi32>,
    tpu.vector_store %arg5[%swap3A_7], %broadcast_in_dim3A_6 {strides = array<i32>} : memref<4128xi32, #tpu.memory_space<vmem>>, vector<16xi32>,
    %mul3A_9 = arith.constant 2048 : i32
    %mul3A_10 = arith.muli %rem3A_2, %mul3A_9 : i32
    %add3A_11 = arith.constant 0 : i32
    %add3A_12 = arith.addi %mul3A_10, %add3A_11 : i32
    %mul3A_13 = arith.constant 2 : i32
    %mul3A_14 = arith.muli %add3A_12, %mul3A_13 : i32
    "tpu.region"() ({
      %run_scoped3A = tpu.sem_alloc : memref<!tpu.dma_semaphore, #tpu.memory_space<semaphore_mem>>
      %dma_start3A_1135 = arith.constant 32 : i32
      %dma_start3A_1136 = tpu.memref_slice %arg5[%dma_start3A_1135] : memref<4128xi32, #tpu.memory_space<vmem>> -> memref<4096xi32, #tpu.memory_space<vmem>>
      %dma_start3A_1137 = tpu.memref_slice %arg2[%mul3A_14] : memref<16384xi32, #tpu.memory_space<hbm>> -> memref<4096xi32, #tpu.memory_space<hbm>>
      %dma_start3A_1138 = arith.constant 32 : i32
      %dma_start3A_1139 = tpu.memref_slice %arg5[%dma_start3A_1138] : memref<4128xi32, #tpu.memory_space<vmem>> -> memref<4096xi32, #tpu.memory_space<vmem>>
      %dma_start3A_1140 = tpu.memref_slice %arg2[%mul3A_14] : memref<16384xi32, #tpu.memory_space<hbm>> -> memref<4096xi32, #tpu.memory_space<hbm>>
      tpu.enqueue_dma source(%dma_start3A_1140 : memref<4096xi32, #tpu.memory_space<hbm>>) target(%dma_start3A_1139 : memref<4096xi32, #tpu.memory_space<vmem>>) target_semaphore(%run_scoped3A : memref<!tpu.dma_semaphore, #tpu.memory_space<semaphore_mem>>)
      %dma_wait3A_1141 = arith.constant 32 : i32
      %dma_wait3A_1142 = tpu.memref_slice %arg5[%dma_wait3A_1141] : memref<4128xi32, #tpu.memory_space<vmem>> -> memref<4096xi32, #tpu.memory_space<vmem>>
      %dma_wait3A_1143 = tpu.memref_slice %arg2[%mul3A_14] : memref<16384xi32, #tpu.memory_space<hbm>> -> memref<4096xi32, #tpu.memory_space<hbm>>
      %dma_wait3A_1144 = arith.constant 32 : i32
      %dma_wait3A_1145 = tpu.memref_slice %arg5[%dma_wait3A_1144] : memref<4128xi32, #tpu.memory_space<vmem>> -> memref<4096xi32, #tpu.memory_space<vmem>>
      %dma_wait3A_1146 = tpu.memref_slice %arg2[%mul3A_14] : memref<16384xi32, #tpu.memory_space<hbm>> -> memref<4096xi32, #tpu.memory_space<hbm>>
      tpu.wait_dma2 semaphore(%run_scoped3A : memref<!tpu.dma_semaphore, #tpu.memory_space<semaphore_mem>>) src(%dma_wait3A_1146 : memref<4096xi32, #tpu.memory_space<hbm>>) dst(%dma_wait3A_1145 : memref<4096xi32, #tpu.memory_space<vmem>>)
      tpu.yield
    }) : () -> ()
    %eq3A = arith.constant 0 : i32
    %eq3A_15 = arith.cmpi eq, %div3A_1, %eq3A : i32
    %jit3A = arith.constant 56424 : i32
    %jit3A_16 = arith.constant 0 : i32
    %select_n3A = arith.select %eq3A_15, %jit3A, %jit3A_16 : i32
    %jit3A_17 = arith.constant 24545 : i32
    %jit3A_18 = arith.constant 0 : i32
    %select_n3A_19 = arith.select %eq3A_15, %jit3A_17, %jit3A_18 : i32
    %eq3A_20 = arith.constant 1 : i32
    %eq3A_21 = arith.cmpi eq, %div3A_1, %eq3A_20 : i32
    %jit3A_22 = arith.constant 15797 : i32
    %select_n3A_23 = arith.select %eq3A_21, %jit3A_22, %select_n3A : i32
    %jit3A_24 = arith.constant 19434 : i32
    %select_n3A_25 = arith.select %eq3A_21, %jit3A_24, %select_n3A_19 : i32
    %eq3A_26 = arith.constant 2 : i32
    %eq3A_27 = arith.cmpi eq, %div3A_1, %eq3A_26 : i32
    %jit3A_28 = arith.constant 862 : i32
    %select_n3A_29 = arith.select %eq3A_27, %jit3A_28, %select_n3A_23 : i32
    %jit3A_30 = arith.constant 29538 : i32
    %select_n3A_31 = arith.select %eq3A_27, %jit3A_30, %select_n3A_25 : i32
    %eq3A_32 = arith.constant 3 : i32
    %eq3A_33 = arith.cmpi eq, %div3A_1, %eq3A_32 : i32
    %jit3A_34 = arith.constant 38160 : i32
    %select_n3A_35 = arith.select %eq3A_33, %jit3A_34, %select_n3A_29 : i32
    %jit3A_36 = arith.constant 12021 : i32
    %select_n3A_37 = arith.select %eq3A_33, %jit3A_36, %select_n3A_31 : i32
    %eq3A_38 = arith.constant 4 : i32
    %eq3A_39 = arith.cmpi eq, %div3A_1, %eq3A_38 : i32
    %jit3A_40 = arith.constant 62572 : i32
    %select_n3A_41 = arith.select %eq3A_39, %jit3A_40, %select_n3A_35 : i32
    %jit3A_42 = arith.constant 15203 : i32
    %select_n3A_43 = arith.select %eq3A_39, %jit3A_42, %select_n3A_37 : i32
    %eq3A_44 = arith.constant 5 : i32
    %eq3A_45 = arith.cmpi eq, %div3A_1, %eq3A_44 : i32
    %jit3A_46 = arith.constant 54345 : i32
    %select_n3A_47 = arith.select %eq3A_45, %jit3A_46, %select_n3A_41 : i32
    %jit3A_48 = arith.constant 18329 : i32
    %select_n3A_49 = arith.select %eq3A_45, %jit3A_48, %select_n3A_43 : i32
    %eq3A_50 = arith.constant 6 : i32
    %eq3A_51 = arith.cmpi eq, %div3A_1, %eq3A_50 : i32
    %jit3A_52 = arith.constant 44734 : i32
    %select_n3A_53 = arith.select %eq3A_51, %jit3A_52, %select_n3A_47 : i32
    %jit3A_54 = arith.constant 6465 : i32
    %select_n3A_55 = arith.select %eq3A_51, %jit3A_54, %select_n3A_49 : i32
    %eq3A_56 = arith.constant 7 : i32
    %eq3A_57 = arith.cmpi eq, %div3A_1, %eq3A_56 : i32
    %jit3A_58 = arith.constant 11286 : i32
    %select_n3A_59 = arith.select %eq3A_57, %jit3A_58, %select_n3A_53 : i32
    %jit3A_60 = arith.constant 6347 : i32
    %select_n3A_61 = arith.select %eq3A_57, %jit3A_60, %select_n3A_55 : i32
    %lt3A = arith.constant 4 : i32
    %lt3A_62 = arith.cmpi slt, %div3A_1, %lt3A : i32
    %jit3A_63 = arith.constant 1 : i32
    %jit3A_64 = arith.constant 0 : i32
    %select_n3A_65 = arith.select %lt3A_62, %jit3A_63, %jit3A_64 : i32
    %iota3A = tpu.iota {dimensions = array<i32: 0>} : vector<16xi32>
    %mul3A_66 = arith.constant 2 : i32
    %mul3A_67 = vector.broadcast %mul3A_66 : i32 to vector<16xi32>
    %mul3A_68 = arith.muli %iota3A, %mul3A_67 : vector<16xi32>
    %scan3A = arith.constant 50000 : i32
    %scan3A_69 = arith.constant 15536 : i32
    %scan3A_70 = arith.constant 0 : i32
    %scan3A_71 = arith.constant 0 : i32
    %scan3A_72 = arith.constant 128 : i32
    %scan3A_73 = arith.addi %scan3A_71, %scan3A_72 : i32
    %scan3A_74 = arith.constant 1 : i32
    %scan3A_75 = scf.for %scan3A_1135 = %scan3A_71 to %scan3A_73 step %scan3A_74 iter_args(%scan3A_1136 = %scan3A_70) -> (i32)  : i32 {
      %mul3A_1137 = arith.constant 2 : i32
      %mul3A_1138 = arith.muli %mul3A_1137, %scan3A_1136 : i32
      %add3A_1139 = arith.constant 32 : i32
      %add3A_1140 = arith.addi %add3A_1139, %mul3A_1138 : i32
      %add3A_1141 = vector.broadcast %add3A_1140 : i32 to vector<16xi32>
      %add3A_1142 = arith.addi %mul3A_68, %add3A_1141 : vector<16xi32>
      %gather3A = tpu.vector_load_idx %arg5[%add3A_1142] : memref<4128xi32, #tpu.memory_space<vmem>>[vector<16xi32>], vector<16xi32>,
      %sub3A = arith.constant 2 : i32
      %sub3A_1143 = vector.broadcast %sub3A : i32 to vector<16xi32>
      %sub3A_1144 = arith.subi %add3A_1142, %sub3A_1143 : vector<16xi32>
      %gather3A_1145 = tpu.vector_load_idx %arg5[%sub3A_1144] : memref<4128xi32, #tpu.memory_space<vmem>>[vector<16xi32>], vector<16xi32>,
      %sub3A_1146 = arith.constant 4 : i32
      %sub3A_1147 = vector.broadcast %sub3A_1146 : i32 to vector<16xi32>
      %sub3A_1148 = arith.subi %add3A_1142, %sub3A_1147 : vector<16xi32>
      %gather3A_1149 = tpu.vector_load_idx %arg5[%sub3A_1148] : memref<4128xi32, #tpu.memory_space<vmem>>[vector<16xi32>], vector<16xi32>,
      %mul3A_1150 = vector.broadcast %select_n3A_59 : i32 to vector<16xi32>
      %mul3A_1151 = arith.muli %gather3A_1149, %mul3A_1150 : vector<16xi32>
      %rem3A_1152 = vector.broadcast %scan3A : i32 to vector<16xi32>
      %rem3A_1153 = arith.remui %mul3A_1151, %rem3A_1152 : vector<16xi32>
      %mul3A_1154 = vector.broadcast %select_n3A_61 : i32 to vector<16xi32>
      %mul3A_1155 = arith.muli %gather3A_1149, %mul3A_1154 : vector<16xi32>
      %rem3A_1156 = vector.broadcast %scan3A : i32 to vector<16xi32>
      %rem3A_1157 = arith.remui %mul3A_1155, %rem3A_1156 : vector<16xi32>
      %mul3A_1158 = vector.broadcast %scan3A_69 : i32 to vector<16xi32>
      %mul3A_1159 = arith.muli %rem3A_1157, %mul3A_1158 : vector<16xi32>
      %add3A_1160 = arith.addi %mul3A_1159, %rem3A_1153 : vector<16xi32>
      %rem3A_1161 = vector.broadcast %scan3A : i32 to vector<16xi32>
      %rem3A_1162 = arith.remui %add3A_1160, %rem3A_1161 : vector<16xi32>
      %add3A_1163 = arith.addi %rem3A_1162, %gather3A_1145 : vector<16xi32>
      %rem3A_1164 = vector.broadcast %scan3A : i32 to vector<16xi32>
      %rem3A_1165 = arith.remui %add3A_1163, %rem3A_1164 : vector<16xi32>
      %mul3A_1166 = vector.broadcast %select_n3A_65 : i32 to vector<16xi32>
      %mul3A_1167 = arith.muli %gather3A_1145, %mul3A_1166 : vector<16xi32>
      %sub3A_1168 = arith.constant 1 : i32
      %sub3A_1169 = arith.subi %sub3A_1168, %select_n3A_65 : i32
      %mul3A_1170 = vector.broadcast %sub3A_1169 : i32 to vector<16xi32>
      %mul3A_1171 = arith.muli %rem3A_1165, %mul3A_1170 : vector<16xi32>
      %add3A_1172 = arith.addi %mul3A_1167, %mul3A_1171 : vector<16xi32>
      %mul3A_1173 = vector.broadcast %select_n3A_59 : i32 to vector<16xi32>
      %mul3A_1174 = arith.muli %add3A_1172, %mul3A_1173 : vector<16xi32>
      %rem3A_1175 = vector.broadcast %scan3A : i32 to vector<16xi32>
      %rem3A_1176 = arith.remui %mul3A_1174, %rem3A_1175 : vector<16xi32>
      %mul3A_1177 = vector.broadcast %select_n3A_61 : i32 to vector<16xi32>
      %mul3A_1178 = arith.muli %add3A_1172, %mul3A_1177 : vector<16xi32>
      %rem3A_1179 = vector.broadcast %scan3A : i32 to vector<16xi32>
      %rem3A_1180 = arith.remui %mul3A_1178, %rem3A_1179 : vector<16xi32>
      %mul3A_1181 = vector.broadcast %scan3A_69 : i32 to vector<16xi32>
      %mul3A_1182 = arith.muli %rem3A_1180, %mul3A_1181 : vector<16xi32>
      %add3A_1183 = arith.addi %mul3A_1182, %rem3A_1176 : vector<16xi32>
      %rem3A_1184 = vector.broadcast %scan3A : i32 to vector<16xi32>
      %rem3A_1185 = arith.remui %add3A_1183, %rem3A_1184 : vector<16xi32>
      %add3A_1186 = arith.addi %rem3A_1185, %gather3A : vector<16xi32>
      %rem3A_1187 = vector.broadcast %scan3A : i32 to vector<16xi32>
      %rem3A_1188 = arith.remui %add3A_1186, %rem3A_1187 : vector<16xi32>
      %mul3A_1189 = arith.constant 50000 : i32
      %mul3A_1190 = arith.muli %div3A_1, %mul3A_1189 : i32
      %add3A_1191 = vector.broadcast %mul3A_1190 : i32 to vector<16xi32>
      %add3A_1192 = arith.addi %rem3A_1188, %add3A_1191 : vector<16xi32>
      %div3A_1193 = arith.constant 128 : i32
      %div3A_1194 = arith.divsi %scan3A_1136, %div3A_1193 : i32
      %rem3A_1195 = arith.constant 128 : i32
      %rem3A_1196 = arith.remsi %scan3A_1136, %rem3A_1195 : i32
      %swap3A_1197 = arith.index_cast %div3A_1194 : i32 to index
      %swap3A_1198 = arith.index_cast %rem3A_1196 : i32 to index
      %swap3A_1199 = tpu.vector_load %arg6[%swap3A_1197, %swap3A_1198] {strides = array<i32>} : memref<16x128xi32, #tpu.memory_space<vmem>>, vector<16xi32>,
      tpu.vector_store %arg6[%swap3A_1197, %swap3A_1198], %add3A_1192 {strides = array<i32>} : memref<16x128xi32, #tpu.memory_space<vmem>>, vector<16xi32>,
      %add3A_1200 = arith.constant 16 : i32
      %add3A_1201 = arith.addi %scan3A_1136, %add3A_1200 : i32
      scf.yield %add3A_1201 : i32
    }
    %scan3A_76 = arith.constant 128 : i32
    %mul3A_77 = arith.constant 2048 : i32
    %mul3A_78 = arith.muli %add3A, %mul3A_77 : i32
    %dma_start3A = arith.constant 0 : i32
    %dma_start3A_79 = arith.constant 0 : i32
    %dma_start3A_80 = arith.constant 0 : i32
    %dma_start3A_81 = arith.constant 0 : i32
    %dma_start3A_82 = tpu.memref_slice %arg7[%dma_start3A_79, %dma_start3A_80, %dma_start3A_81] : memref<3x128x256xf32, #tpu.memory_space<vmem>> -> memref<1x128x256xf32, #tpu.memory_space<vmem>>
    %dma_start3A_83 = tpu.memref_squeeze %dma_start3A_82 : memref<1x128x256xf32, #tpu.memory_space<vmem>> -> memref<128x256xf32, #tpu.memory_space<vmem>>
    %dma_start3A_84 = arith.constant 0 : i32
    %dma_start3A_85 = tpu.memref_slice %arg6[%dma_start3A, %dma_start3A_84] : memref<16x128xi32, #tpu.memory_space<vmem>> -> memref<1x128xi32, #tpu.memory_space<vmem>>
    %dma_start3A_86 = tpu.memref_squeeze %dma_start3A_85 : memref<1x128xi32, #tpu.memory_space<vmem>> -> memref<128xi32, #tpu.memory_space<vmem>>
    %dma_start3A_87 = arith.constant 0 : i32
    %dma_start3A_88 = arith.constant 0 : i32
    %dma_start3A_89 = tpu.memref_slice %arg3[%dma_start3A_87, %dma_start3A_88] : memref<400000x256xf32, #tpu.memory_space<hbm>> -> memref<400000x256xf32, #tpu.memory_space<hbm>>
    tpu.enqueue_indirect_dma source(%dma_start3A_89 : memref<400000x256xf32, #tpu.memory_space<hbm>>) target(%dma_start3A_83 : memref<128x256xf32, #tpu.memory_space<vmem>>) offsets(%dma_start3A_86 : memref<128xi32, #tpu.memory_space<vmem>>) semaphore(%arg9 : memref<!tpu.dma_semaphore, #tpu.memory_space<semaphore_mem>>)
    %dma_start3A_90 = arith.constant 1 : i32
    %dma_start3A_91 = arith.constant 1 : i32
    %dma_start3A_92 = arith.constant 0 : i32
    %dma_start3A_93 = arith.constant 0 : i32
    %dma_start3A_94 = tpu.memref_slice %arg7[%dma_start3A_91, %dma_start3A_92, %dma_start3A_93] : memref<3x128x256xf32, #tpu.memory_space<vmem>> -> memref<1x128x256xf32, #tpu.memory_space<vmem>>
    %dma_start3A_95 = tpu.memref_squeeze %dma_start3A_94 : memref<1x128x256xf32, #tpu.memory_space<vmem>> -> memref<128x256xf32, #tpu.memory_space<vmem>>
    %dma_start3A_96 = arith.constant 0 : i32
    %dma_start3A_97 = tpu.memref_slice %arg6[%dma_start3A_90, %dma_start3A_96] : memref<16x128xi32, #tpu.memory_space<vmem>> -> memref<1x128xi32, #tpu.memory_space<vmem>>
    %dma_start3A_98 = tpu.memref_squeeze %dma_start3A_97 : memref<1x128xi32, #tpu.memory_space<vmem>> -> memref<128xi32, #tpu.memory_space<vmem>>
    %dma_start3A_99 = arith.constant 0 : i32
    %dma_start3A_100 = arith.constant 0 : i32
    %dma_start3A_101 = tpu.memref_slice %arg3[%dma_start3A_99, %dma_start3A_100] : memref<400000x256xf32, #tpu.memory_space<hbm>> -> memref<400000x256xf32, #tpu.memory_space<hbm>>
    tpu.enqueue_indirect_dma source(%dma_start3A_101 : memref<400000x256xf32, #tpu.memory_space<hbm>>) target(%dma_start3A_95 : memref<128x256xf32, #tpu.memory_space<vmem>>) offsets(%dma_start3A_98 : memref<128xi32, #tpu.memory_space<vmem>>) semaphore(%arg10 : memref<!tpu.dma_semaphore, #tpu.memory_space<semaphore_mem>>)
    %dma_start3A_102 = arith.constant 2 : i32
    %dma_start3A_103 = arith.constant 2 : i32
    %dma_start3A_104 = arith.constant 0 : i32
    %dma_start3A_105 = arith.constant 0 : i32
    %dma_start3A_106 = tpu.memref_slice %arg7[%dma_start3A_103, %dma_start3A_104, %dma_start3A_105] : memref<3x128x256xf32, #tpu.memory_space<vmem>> -> memref<1x128x256xf32, #tpu.memory_space<vmem>>
    %dma_start3A_107 = tpu.memref_squeeze %dma_start3A_106 : memref<1x128x256xf32, #tpu.memory_space<vmem>> -> memref<128x256xf32, #tpu.memory_space<vmem>>
    %dma_start3A_108 = arith.constant 0 : i32
    %dma_start3A_109 = tpu.memref_slice %arg6[%dma_start3A_102, %dma_start3A_108] : memref<16x128xi32, #tpu.memory_space<vmem>> -> memref<1x128xi32, #tpu.memory_space<vmem>>
    %dma_start3A_110 = tpu.memref_squeeze %dma_start3A_109 : memref<1x128xi32, #tpu.memory_space<vmem>> -> memref<128xi32, #tpu.memory_space<vmem>>
    %dma_start3A_111 = arith.constant 0 : i32
    %dma_start3A_112 = arith.constant 0 : i32
    %dma_start3A_113 = tpu.memref_slice %arg3[%dma_start3A_111, %dma_start3A_112] : memref<400000x256xf32, #tpu.memory_space<hbm>> -> memref<400000x256xf32, #tpu.memory_space<hbm>>
    tpu.enqueue_indirect_dma source(%dma_start3A_113 : memref<400000x256xf32, #tpu.memory_space<hbm>>) target(%dma_start3A_107 : memref<128x256xf32, #tpu.memory_space<vmem>>) offsets(%dma_start3A_110 : memref<128xi32, #tpu.memory_space<vmem>>) semaphore(%arg11 : memref<!tpu.dma_semaphore, #tpu.memory_space<semaphore_mem>>)
    %dma_wait3A = arith.constant 0 : i32
    %dma_wait3A_114 = arith.constant 0 : i32
    %dma_wait3A_115 = arith.constant 0 : i32
    %dma_wait3A_116 = arith.constant 0 : i32
    %dma_wait3A_117 = tpu.memref_slice %arg7[%dma_wait3A_114, %dma_wait3A_115, %dma_wait3A_116] : memref<3x128x256xf32, #tpu.memory_space<vmem>> -> memref<1x128x256xf32, #tpu.memory_space<vmem>>
    %dma_wait3A_118 = tpu.memref_squeeze %dma_wait3A_117 : memref<1x128x256xf32, #tpu.memory_space<vmem>> -> memref<128x256xf32, #tpu.memory_space<vmem>>
    %dma_wait3A_119 = arith.constant 0 : i32
    %dma_wait3A_120 = tpu.memref_slice %arg6[%dma_wait3A, %dma_wait3A_119] : memref<16x128xi32, #tpu.memory_space<vmem>> -> memref<1x128xi32, #tpu.memory_space<vmem>>
    %dma_wait3A_121 = tpu.memref_squeeze %dma_wait3A_120 : memref<1x128xi32, #tpu.memory_space<vmem>> -> memref<128xi32, #tpu.memory_space<vmem>>
    %dma_wait3A_122 = arith.constant 0 : i32
    %dma_wait3A_123 = arith.constant 0 : i32
    %dma_wait3A_124 = tpu.memref_slice %arg3[%dma_wait3A_122, %dma_wait3A_123] : memref<400000x256xf32, #tpu.memory_space<hbm>> -> memref<400000x256xf32, #tpu.memory_space<hbm>>
    tpu.wait_indirect_dma semaphore(%arg9 : memref<!tpu.dma_semaphore, #tpu.memory_space<semaphore_mem>>) src(%dma_wait3A_124 : memref<400000x256xf32, #tpu.memory_space<hbm>>) dst(%dma_wait3A_118 : memref<128x256xf32, #tpu.memory_space<vmem>>)
    %add3A_125 = arith.constant 0 : i32
    %add3A_126 = arith.addi %mul3A_78, %add3A_125 : i32
    %dma_start3A_127 = arith.constant 0 : i32
    %dma_start3A_128 = arith.constant 0 : i32
    %dma_start3A_129 = arith.constant 0 : i32
    %dma_start3A_130 = tpu.memref_slice %arg7[%dma_start3A_127, %dma_start3A_128, %dma_start3A_129] : memref<3x128x256xf32, #tpu.memory_space<vmem>> -> memref<1x128x256xf32, #tpu.memory_space<vmem>>
    %dma_start3A_131 = tpu.memref_squeeze %dma_start3A_130 : memref<1x128x256xf32, #tpu.memory_space<vmem>> -> memref<128x256xf32, #tpu.memory_space<vmem>>
    %dma_start3A_132 = arith.constant 0 : i32
    %dma_start3A_133 = tpu.memref_slice %arg4[%add3A_126, %dma_start3A_132] : memref<65536x256xf32, #tpu.memory_space<hbm>> -> memref<128x256xf32, #tpu.memory_space<hbm>>
    %dma_start3A_134 = arith.constant 0 : i32
    %dma_start3A_135 = tpu.memref_slice %arg4[%add3A_126, %dma_start3A_134] : memref<65536x256xf32, #tpu.memory_space<hbm>> -> memref<128x256xf32, #tpu.memory_space<hbm>>
    %dma_start3A_136 = arith.constant 0 : i32
    %dma_start3A_137 = arith.constant 0 : i32
    %dma_start3A_138 = tpu.memref_slice %arg7[%dma_start3A_127, %dma_start3A_136, %dma_start3A_137] : memref<3x128x256xf32, #tpu.memory_space<vmem>> -> memref<1x128x256xf32, #tpu.memory_space<vmem>>
    %dma_start3A_139 = tpu.memref_squeeze %dma_start3A_138 : memref<1x128x256xf32, #tpu.memory_space<vmem>> -> memref<128x256xf32, #tpu.memory_space<vmem>>
    tpu.enqueue_dma source(%dma_start3A_139 : memref<128x256xf32, #tpu.memory_space<vmem>>) target(%dma_start3A_135 : memref<128x256xf32, #tpu.memory_space<hbm>>) target_semaphore(%arg12 : memref<!tpu.dma_semaphore, #tpu.memory_space<semaphore_mem>>)
    %add3A_140 = arith.constant 0 : i32
    %add3A_141 = arith.addi %mul3A_78, %add3A_140 : i32
    %dma_wait3A_142 = arith.constant 0 : i32
    %dma_wait3A_143 = arith.constant 0 : i32
    %dma_wait3A_144 = arith.constant 0 : i32
    %dma_wait3A_145 = tpu.memref_slice %arg7[%dma_wait3A_142, %dma_wait3A_143, %dma_wait3A_144] : memref<3x128x256xf32, #tpu.memory_space<vmem>> -> memref<1x128x256xf32, #tpu.memory_space<vmem>>
    %dma_wait3A_146 = tpu.memref_squeeze %dma_wait3A_145 : memref<1x128x256xf32, #tpu.memory_space<vmem>> -> memref<128x256xf32, #tpu.memory_space<vmem>>
    %dma_wait3A_147 = arith.constant 0 : i32
    %dma_wait3A_148 = tpu.memref_slice %arg4[%add3A_141, %dma_wait3A_147] : memref<65536x256xf32, #tpu.memory_space<hbm>> -> memref<128x256xf32, #tpu.memory_space<hbm>>
    %dma_wait3A_149 = arith.constant 0 : i32
    %dma_wait3A_150 = tpu.memref_slice %arg4[%add3A_141, %dma_wait3A_149] : memref<65536x256xf32, #tpu.memory_space<hbm>> -> memref<128x256xf32, #tpu.memory_space<hbm>>
    %dma_wait3A_151 = arith.constant 0 : i32
    %dma_wait3A_152 = arith.constant 0 : i32
    %dma_wait3A_153 = tpu.memref_slice %arg7[%dma_wait3A_142, %dma_wait3A_151, %dma_wait3A_152] : memref<3x128x256xf32, #tpu.memory_space<vmem>> -> memref<1x128x256xf32, #tpu.memory_space<vmem>>
    %dma_wait3A_154 = tpu.memref_squeeze %dma_wait3A_153 : memref<1x128x256xf32, #tpu.memory_space<vmem>> -> memref<128x256xf32, #tpu.memory_space<vmem>>
    tpu.wait_dma2 semaphore(%arg12 : memref<!tpu.dma_semaphore, #tpu.memory_space<semaphore_mem>>) src(%dma_wait3A_154 : memref<128x256xf32, #tpu.memory_space<vmem>>) dst(%dma_wait3A_150 : memref<128x256xf32, #tpu.memory_space<hbm>>)
    %dma_start3A_155 = arith.constant 3 : i32
    %dma_start3A_156 = arith.constant 0 : i32
    %dma_start3A_157 = arith.constant 0 : i32
    %dma_start3A_158 = arith.constant 0 : i32
    %dma_start3A_159 = tpu.memref_slice %arg7[%dma_start3A_156, %dma_start3A_157, %dma_start3A_158] : memref<3x128x256xf32, #tpu.memory_space<vmem>> -> memref<1x128x256xf32, #tpu.memory_space<vmem>>
    %dma_start3A_160 = tpu.memref_squeeze %dma_start3A_159 : memref<1x128x256xf32, #tpu.memory_space<vmem>> -> memref<128x256xf32, #tpu.memory_space<vmem>>
    %dma_start3A_161 = arith.constant 0 : i32
    %dma_start3A_162 = tpu.memref_slice %arg6[%dma_start3A_155, %dma_start3A_161] : memref<16x128xi32, #tpu.memory_space<vmem>> -> memref<1x128xi32, #tpu.memory_space<vmem>>
    %dma_start3A_163 = tpu.memref_squeeze %dma_start3A_162 : memref<1x128xi32, #tpu.memory_space<vmem>> -> memref<128xi32, #tpu.memory_space<vmem>>
    %dma_start3A_164 = arith.constant 0 : i32
    %dma_start3A_165 = arith.constant 0 : i32
    %dma_start3A_166 = tpu.memref_slice %arg3[%dma_start3A_164, %dma_start3A_165] : memref<400000x256xf32, #tpu.memory_space<hbm>> -> memref<400000x256xf32, #tpu.memory_space<hbm>>
    tpu.enqueue_indirect_dma source(%dma_start3A_166 : memref<400000x256xf32, #tpu.memory_space<hbm>>) target(%dma_start3A_160 : memref<128x256xf32, #tpu.memory_space<vmem>>) offsets(%dma_start3A_163 : memref<128xi32, #tpu.memory_space<vmem>>) semaphore(%arg9 : memref<!tpu.dma_semaphore, #tpu.memory_space<semaphore_mem>>)
    %dma_wait3A_167 = arith.constant 1 : i32
    %dma_wait3A_168 = arith.constant 1 : i32
    %dma_wait3A_169 = arith.constant 0 : i32
    %dma_wait3A_170 = arith.constant 0 : i32
    %dma_wait3A_171 = tpu.memref_slice %arg7[%dma_wait3A_168, %dma_wait3A_169, %dma_wait3A_170] : memref<3x128x256xf32, #tpu.memory_space<vmem>> -> memref<1x128x256xf32, #tpu.memory_space<vmem>>
    %dma_wait3A_172 = tpu.memref_squeeze %dma_wait3A_171 : memref<1x128x256xf32, #tpu.memory_space<vmem>> -> memref<128x256xf32, #tpu.memory_space<vmem>>
    %dma_wait3A_173 = arith.constant 0 : i32
    %dma_wait3A_174 = tpu.memref_slice %arg6[%dma_wait3A_167, %dma_wait3A_173] : memref<16x128xi32, #tpu.memory_space<vmem>> -> memref<1x128xi32, #tpu.memory_space<vmem>>
    %dma_wait3A_175 = tpu.memref_squeeze %dma_wait3A_174 : memref<1x128xi32, #tpu.memory_space<vmem>> -> memref<128xi32, #tpu.memory_space<vmem>>
    %dma_wait3A_176 = arith.constant 0 : i32
    %dma_wait3A_177 = arith.constant 0 : i32
    %dma_wait3A_178 = tpu.memref_slice %arg3[%dma_wait3A_176, %dma_wait3A_177] : memref<400000x256xf32, #tpu.memory_space<hbm>> -> memref<400000x256xf32, #tpu.memory_space<hbm>>
    tpu.wait_indirect_dma semaphore(%arg10 : memref<!tpu.dma_semaphore, #tpu.memory_space<semaphore_mem>>) src(%dma_wait3A_178 : memref<400000x256xf32, #tpu.memory_space<hbm>>) dst(%dma_wait3A_172 : memref<128x256xf32, #tpu.memory_space<vmem>>)
    %add3A_179 = arith.constant 128 : i32
    %add3A_180 = arith.addi %mul3A_78, %add3A_179 : i32
    %dma_start3A_181 = arith.constant 1 : i32
    %dma_start3A_182 = arith.constant 0 : i32
    %dma_start3A_183 = arith.constant 0 : i32
    %dma_start3A_184 = tpu.memref_slice %arg7[%dma_start3A_181, %dma_start3A_182, %dma_start3A_183] : memref<3x128x256xf32, #tpu.memory_space<vmem>> -> memref<1x128x256xf32, #tpu.memory_space<vmem>>
    %dma_start3A_185 = tpu.memref_squeeze %dma_start3A_184 : memref<1x128x256xf32, #tpu.memory_space<vmem>> -> memref<128x256xf32, #tpu.memory_space<vmem>>
    %dma_start3A_186 = arith.constant 0 : i32
    %dma_start3A_187 = tpu.memref_slice %arg4[%add3A_180, %dma_start3A_186] : memref<65536x256xf32, #tpu.memory_space<hbm>> -> memref<128x256xf32, #tpu.memory_space<hbm>>
    %dma_start3A_188 = arith.constant 0 : i32
    %dma_start3A_189 = tpu.memref_slice %arg4[%add3A_180, %dma_start3A_188] : memref<65536x256xf32, #tpu.memory_space<hbm>> -> memref<128x256xf32, #tpu.memory_space<hbm>>
    %dma_start3A_190 = arith.constant 0 : i32
    %dma_start3A_191 = arith.constant 0 : i32
    %dma_start3A_192 = tpu.memref_slice %arg7[%dma_start3A_181, %dma_start3A_190, %dma_start3A_191] : memref<3x128x256xf32, #tpu.memory_space<vmem>> -> memref<1x128x256xf32, #tpu.memory_space<vmem>>
    %dma_start3A_193 = tpu.memref_squeeze %dma_start3A_192 : memref<1x128x256xf32, #tpu.memory_space<vmem>> -> memref<128x256xf32, #tpu.memory_space<vmem>>
    tpu.enqueue_dma source(%dma_start3A_193 : memref<128x256xf32, #tpu.memory_space<vmem>>) target(%dma_start3A_189 : memref<128x256xf32, #tpu.memory_space<hbm>>) target_semaphore(%arg13 : memref<!tpu.dma_semaphore, #tpu.memory_space<semaphore_mem>>)
    %add3A_194 = arith.constant 128 : i32
    %add3A_195 = arith.addi %mul3A_78, %add3A_194 : i32
    %dma_wait3A_196 = arith.constant 1 : i32
    %dma_wait3A_197 = arith.constant 0 : i32
    %dma_wait3A_198 = arith.constant 0 : i32
    %dma_wait3A_199 = tpu.memref_slice %arg7[%dma_wait3A_196, %dma_wait3A_197, %dma_wait3A_198] : memref<3x128x256xf32, #tpu.memory_space<vmem>> -> memref<1x128x256xf32, #tpu.memory_space<vmem>>
    %dma_wait3A_200 = tpu.memref_squeeze %dma_wait3A_199 : memref<1x128x256xf32, #tpu.memory_space<vmem>> -> memref<128x256xf32, #tpu.memory_space<vmem>>
    %dma_wait3A_201 = arith.constant 0 : i32
    %dma_wait3A_202 = tpu.memref_slice %arg4[%add3A_195, %dma_wait3A_201] : memref<65536x256xf32, #tpu.memory_space<hbm>> -> memref<128x256xf32, #tpu.memory_space<hbm>>
    %dma_wait3A_203 = arith.constant 0 : i32
    %dma_wait3A_204 = tpu.memref_slice %arg4[%add3A_195, %dma_wait3A_203] : memref<65536x256xf32, #tpu.memory_space<hbm>> -> memref<128x256xf32, #tpu.memory_space<hbm>>
    %dma_wait3A_205 = arith.constant 0 : i32
    %dma_wait3A_206 = arith.constant 0 : i32
    %dma_wait3A_207 = tpu.memref_slice %arg7[%dma_wait3A_196, %dma_wait3A_205, %dma_wait3A_206] : memref<3x128x256xf32, #tpu.memory_space<vmem>> -> memref<1x128x256xf32, #tpu.memory_space<vmem>>
    %dma_wait3A_208 = tpu.memref_squeeze %dma_wait3A_207 : memref<1x128x256xf32, #tpu.memory_space<vmem>> -> memref<128x256xf32, #tpu.memory_space<vmem>>
    tpu.wait_dma2 semaphore(%arg13 : memref<!tpu.dma_semaphore, #tpu.memory_space<semaphore_mem>>) src(%dma_wait3A_208 : memref<128x256xf32, #tpu.memory_space<vmem>>) dst(%dma_wait3A_204 : memref<128x256xf32, #tpu.memory_space<hbm>>)
    %dma_start3A_209 = arith.constant 4 : i32
    %dma_start3A_210 = arith.constant 1 : i32
    %dma_start3A_211 = arith.constant 0 : i32
    %dma_start3A_212 = arith.constant 0 : i32
    %dma_start3A_213 = tpu.memref_slice %arg7[%dma_start3A_210, %dma_start3A_211, %dma_start3A_212] : memref<3x128x256xf32, #tpu.memory_space<vmem>> -> memref<1x128x256xf32, #tpu.memory_space<vmem>>
    %dma_start3A_214 = tpu.memref_squeeze %dma_start3A_213 : memref<1x128x256xf32, #tpu.memory_space<vmem>> -> memref<128x256xf32, #tpu.memory_space<vmem>>
    %dma_start3A_215 = arith.constant 0 : i32
    %dma_start3A_216 = tpu.memref_slice %arg6[%dma_start3A_209, %dma_start3A_215] : memref<16x128xi32, #tpu.memory_space<vmem>> -> memref<1x128xi32, #tpu.memory_space<vmem>>
    %dma_start3A_217 = tpu.memref_squeeze %dma_start3A_216 : memref<1x128xi32, #tpu.memory_space<vmem>> -> memref<128xi32, #tpu.memory_space<vmem>>
    %dma_start3A_218 = arith.constant 0 : i32
    %dma_start3A_219 = arith.constant 0 : i32
    %dma_start3A_220 = tpu.memref_slice %arg3[%dma_start3A_218, %dma_start3A_219] : memref<400000x256xf32, #tpu.memory_space<hbm>> -> memref<400000x256xf32, #tpu.memory_space<hbm>>
    tpu.enqueue_indirect_dma source(%dma_start3A_220 : memref<400000x256xf32, #tpu.memory_space<hbm>>) target(%dma_start3A_214 : memref<128x256xf32, #tpu.memory_space<vmem>>) offsets(%dma_start3A_217 : memref<128xi32, #tpu.memory_space<vmem>>) semaphore(%arg10 : memref<!tpu.dma_semaphore, #tpu.memory_space<semaphore_mem>>)
    %dma_wait3A_221 = arith.constant 2 : i32
    %dma_wait3A_222 = arith.constant 2 : i32
    %dma_wait3A_223 = arith.constant 0 : i32
    %dma_wait3A_224 = arith.constant 0 : i32
    %dma_wait3A_225 = tpu.memref_slice %arg7[%dma_wait3A_222, %dma_wait3A_223, %dma_wait3A_224] : memref<3x128x256xf32, #tpu.memory_space<vmem>> -> memref<1x128x256xf32, #tpu.memory_space<vmem>>
    %dma_wait3A_226 = tpu.memref_squeeze %dma_wait3A_225 : memref<1x128x256xf32, #tpu.memory_space<vmem>> -> memref<128x256xf32, #tpu.memory_space<vmem>>
    %dma_wait3A_227 = arith.constant 0 : i32
    %dma_wait3A_228 = tpu.memref_slice %arg6[%dma_wait3A_221, %dma_wait3A_227] : memref<16x128xi32, #tpu.memory_space<vmem>> -> memref<1x128xi32, #tpu.memory_space<vmem>>
    %dma_wait3A_229 = tpu.memref_squeeze %dma_wait3A_228 : memref<1x128xi32, #tpu.memory_space<vmem>> -> memref<128xi32, #tpu.memory_space<vmem>>
    %dma_wait3A_230 = arith.constant 0 : i32
    %dma_wait3A_231 = arith.constant 0 : i32
    %dma_wait3A_232 = tpu.memref_slice %arg3[%dma_wait3A_230, %dma_wait3A_231] : memref<400000x256xf32, #tpu.memory_space<hbm>> -> memref<400000x256xf32, #tpu.memory_space<hbm>>
    tpu.wait_indirect_dma semaphore(%arg11 : memref<!tpu.dma_semaphore, #tpu.memory_space<semaphore_mem>>) src(%dma_wait3A_232 : memref<400000x256xf32, #tpu.memory_space<hbm>>) dst(%dma_wait3A_226 : memref<128x256xf32, #tpu.memory_space<vmem>>)
    %add3A_233 = arith.constant 256 : i32
    %add3A_234 = arith.addi %mul3A_78, %add3A_233 : i32
    %dma_start3A_235 = arith.constant 2 : i32
    %dma_start3A_236 = arith.constant 0 : i32
    %dma_start3A_237 = arith.constant 0 : i32
    %dma_start3A_238 = tpu.memref_slice %arg7[%dma_start3A_235, %dma_start3A_236, %dma_start3A_237] : memref<3x128x256xf32, #tpu.memory_space<vmem>> -> memref<1x128x256xf32, #tpu.memory_space<vmem>>
    %dma_start3A_239 = tpu.memref_squeeze %dma_start3A_238 : memref<1x128x256xf32, #tpu.memory_space<vmem>> -> memref<128x256xf32, #tpu.memory_space<vmem>>
    %dma_start3A_240 = arith.constant 0 : i32
    %dma_start3A_241 = tpu.memref_slice %arg4[%add3A_234, %dma_start3A_240] : memref<65536x256xf32, #tpu.memory_space<hbm>> -> memref<128x256xf32, #tpu.memory_space<hbm>>
    %dma_start3A_242 = arith.constant 0 : i32
    %dma_start3A_243 = tpu.memref_slice %arg4[%add3A_234, %dma_start3A_242] : memref<65536x256xf32, #tpu.memory_space<hbm>> -> memref<128x256xf32, #tpu.memory_space<hbm>>
    %dma_start3A_244 = arith.constant 0 : i32
    %dma_start3A_245 = arith.constant 0 : i32
    %dma_start3A_246 = tpu.memref_slice %arg7[%dma_start3A_235, %dma_start3A_244, %dma_start3A_245] : memref<3x128x256xf32, #tpu.memory_space<vmem>> -> memref<1x128x256xf32, #tpu.memory_space<vmem>>
    %dma_start3A_247 = tpu.memref_squeeze %dma_start3A_246 : memref<1x128x256xf32, #tpu.memory_space<vmem>> -> memref<128x256xf32, #tpu.memory_space<vmem>>
    tpu.enqueue_dma source(%dma_start3A_247 : memref<128x256xf32, #tpu.memory_space<vmem>>) target(%dma_start3A_243 : memref<128x256xf32, #tpu.memory_space<hbm>>) target_semaphore(%arg14 : memref<!tpu.dma_semaphore, #tpu.memory_space<semaphore_mem>>)
    %add3A_248 = arith.constant 256 : i32
    %add3A_249 = arith.addi %mul3A_78, %add3A_248 : i32
    %dma_wait3A_250 = arith.constant 2 : i32
    %dma_wait3A_251 = arith.constant 0 : i32
    %dma_wait3A_252 = arith.constant 0 : i32
    %dma_wait3A_253 = tpu.memref_slice %arg7[%dma_wait3A_250, %dma_wait3A_251, %dma_wait3A_252] : memref<3x128x256xf32, #tpu.memory_space<vmem>> -> memref<1x128x256xf32, #tpu.memory_space<vmem>>
    %dma_wait3A_254 = tpu.memref_squeeze %dma_wait3A_253 : memref<1x128x256xf32, #tpu.memory_space<vmem>> -> memref<128x256xf32, #tpu.memory_space<vmem>>
    %dma_wait3A_255 = arith.constant 0 : i32
    %dma_wait3A_256 = tpu.memref_slice %arg4[%add3A_249, %dma_wait3A_255] : memref<65536x256xf32, #tpu.memory_space<hbm>> -> memref<128x256xf32, #tpu.memory_space<hbm>>
    %dma_wait3A_257 = arith.constant 0 : i32
    %dma_wait3A_258 = tpu.memref_slice %arg4[%add3A_249, %dma_wait3A_257] : memref<65536x256xf32, #tpu.memory_space<hbm>> -> memref<128x256xf32, #tpu.memory_space<hbm>>
    %dma_wait3A_259 = arith.constant 0 : i32
    %dma_wait3A_260 = arith.constant 0 : i32
    %dma_wait3A_261 = tpu.memref_slice %arg7[%dma_wait3A_250, %dma_wait3A_259, %dma_wait3A_260] : memref<3x128x256xf32, #tpu.memory_space<vmem>> -> memref<1x128x256xf32, #tpu.memory_space<vmem>>
    %dma_wait3A_262 = tpu.memref_squeeze %dma_wait3A_261 : memref<1x128x256xf32, #tpu.memory_space<vmem>> -> memref<128x256xf32, #tpu.memory_space<vmem>>
    tpu.wait_dma2 semaphore(%arg14 : memref<!tpu.dma_semaphore, #tpu.memory_space<semaphore_mem>>) src(%dma_wait3A_262 : memref<128x256xf32, #tpu.memory_space<vmem>>) dst(%dma_wait3A_258 : memref<128x256xf32, #tpu.memory_space<hbm>>)
    %dma_start3A_263 = arith.constant 5 : i32
    %dma_start3A_264 = arith.constant 2 : i32
    %dma_start3A_265 = arith.constant 0 : i32
    %dma_start3A_266 = arith.constant 0 : i32
    %dma_start3A_267 = tpu.memref_slice %arg7[%dma_start3A_264, %dma_start3A_265, %dma_start3A_266] : memref<3x128x256xf32, #tpu.memory_space<vmem>> -> memref<1x128x256xf32, #tpu.memory_space<vmem>>
    %dma_start3A_268 = tpu.memref_squeeze %dma_start3A_267 : memref<1x128x256xf32, #tpu.memory_space<vmem>> -> memref<128x256xf32, #tpu.memory_space<vmem>>
    %dma_start3A_269 = arith.constant 0 : i32
    %dma_start3A_270 = tpu.memref_slice %arg6[%dma_start3A_263, %dma_start3A_269] : memref<16x128xi32, #tpu.memory_space<vmem>> -> memref<1x128xi32, #tpu.memory_space<vmem>>
    %dma_start3A_271 = tpu.memref_squeeze %dma_start3A_270 : memref<1x128xi32, #tpu.memory_space<vmem>> -> memref<128xi32, #tpu.memory_space<vmem>>
    %dma_start3A_272 = arith.constant 0 : i32
    %dma_start3A_273 = arith.constant 0 : i32
    %dma_start3A_274 = tpu.memref_slice %arg3[%dma_start3A_272, %dma_start3A_273] : memref<400000x256xf32, #tpu.memory_space<hbm>> -> memref<400000x256xf32, #tpu.memory_space<hbm>>
    tpu.enqueue_indirect_dma source(%dma_start3A_274 : memref<400000x256xf32, #tpu.memory_space<hbm>>) target(%dma_start3A_268 : memref<128x256xf32, #tpu.memory_space<vmem>>) offsets(%dma_start3A_271 : memref<128xi32, #tpu.memory_space<vmem>>) semaphore(%arg11 : memref<!tpu.dma_semaphore, #tpu.memory_space<semaphore_mem>>)
    %dma_wait3A_275 = arith.constant 3 : i32
    %dma_wait3A_276 = arith.constant 0 : i32
    %dma_wait3A_277 = arith.constant 0 : i32
    %dma_wait3A_278 = arith.constant 0 : i32
    %dma_wait3A_279 = tpu.memref_slice %arg7[%dma_wait3A_276, %dma_wait3A_277, %dma_wait3A_278] : memref<3x128x256xf32, #tpu.memory_space<vmem>> -> memref<1x128x256xf32, #tpu.memory_space<vmem>>
    %dma_wait3A_280 = tpu.memref_squeeze %dma_wait3A_279 : memref<1x128x256xf32, #tpu.memory_space<vmem>> -> memref<128x256xf32, #tpu.memory_space<vmem>>
    %dma_wait3A_281 = arith.constant 0 : i32
    %dma_wait3A_282 = tpu.memref_slice %arg6[%dma_wait3A_275, %dma_wait3A_281] : memref<16x128xi32, #tpu.memory_space<vmem>> -> memref<1x128xi32, #tpu.memory_space<vmem>>
    %dma_wait3A_283 = tpu.memref_squeeze %dma_wait3A_282 : memref<1x128xi32, #tpu.memory_space<vmem>> -> memref<128xi32, #tpu.memory_space<vmem>>
    %dma_wait3A_284 = arith.constant 0 : i32
    %dma_wait3A_285 = arith.constant 0 : i32
    %dma_wait3A_286 = tpu.memref_slice %arg3[%dma_wait3A_284, %dma_wait3A_285] : memref<400000x256xf32, #tpu.memory_space<hbm>> -> memref<400000x256xf32, #tpu.memory_space<hbm>>
    tpu.wait_indirect_dma semaphore(%arg9 : memref<!tpu.dma_semaphore, #tpu.memory_space<semaphore_mem>>) src(%dma_wait3A_286 : memref<400000x256xf32, #tpu.memory_space<hbm>>) dst(%dma_wait3A_280 : memref<128x256xf32, #tpu.memory_space<vmem>>)
    %add3A_287 = arith.constant 384 : i32
    %add3A_288 = arith.addi %mul3A_78, %add3A_287 : i32
    %dma_start3A_289 = arith.constant 0 : i32
    %dma_start3A_290 = arith.constant 0 : i32
    %dma_start3A_291 = arith.constant 0 : i32
    %dma_start3A_292 = tpu.memref_slice %arg7[%dma_start3A_289, %dma_start3A_290, %dma_start3A_291] : memref<3x128x256xf32, #tpu.memory_space<vmem>> -> memref<1x128x256xf32, #tpu.memory_space<vmem>>
    %dma_start3A_293 = tpu.memref_squeeze %dma_start3A_292 : memref<1x128x256xf32, #tpu.memory_space<vmem>> -> memref<128x256xf32, #tpu.memory_space<vmem>>
    %dma_start3A_294 = arith.constant 0 : i32
    %dma_start3A_295 = tpu.memref_slice %arg4[%add3A_288, %dma_start3A_294] : memref<65536x256xf32, #tpu.memory_space<hbm>> -> memref<128x256xf32, #tpu.memory_space<hbm>>
    %dma_start3A_296 = arith.constant 0 : i32
    %dma_start3A_297 = tpu.memref_slice %arg4[%add3A_288, %dma_start3A_296] : memref<65536x256xf32, #tpu.memory_space<hbm>> -> memref<128x256xf32, #tpu.memory_space<hbm>>
    %dma_start3A_298 = arith.constant 0 : i32
    %dma_start3A_299 = arith.constant 0 : i32
    %dma_start3A_300 = tpu.memref_slice %arg7[%dma_start3A_289, %dma_start3A_298, %dma_start3A_299] : memref<3x128x256xf32, #tpu.memory_space<vmem>> -> memref<1x128x256xf32, #tpu.memory_space<vmem>>
    %dma_start3A_301 = tpu.memref_squeeze %dma_start3A_300 : memref<1x128x256xf32, #tpu.memory_space<vmem>> -> memref<128x256xf32, #tpu.memory_space<vmem>>
    tpu.enqueue_dma source(%dma_start3A_301 : memref<128x256xf32, #tpu.memory_space<vmem>>) target(%dma_start3A_297 : memref<128x256xf32, #tpu.memory_space<hbm>>) target_semaphore(%arg12 : memref<!tpu.dma_semaphore, #tpu.memory_space<semaphore_mem>>)
    %add3A_302 = arith.constant 384 : i32
    %add3A_303 = arith.addi %mul3A_78, %add3A_302 : i32
    %dma_wait3A_304 = arith.constant 0 : i32
    %dma_wait3A_305 = arith.constant 0 : i32
    %dma_wait3A_306 = arith.constant 0 : i32
    %dma_wait3A_307 = tpu.memref_slice %arg7[%dma_wait3A_304, %dma_wait3A_305, %dma_wait3A_306] : memref<3x128x256xf32, #tpu.memory_space<vmem>> -> memref<1x128x256xf32, #tpu.memory_space<vmem>>
    %dma_wait3A_308 = tpu.memref_squeeze %dma_wait3A_307 : memref<1x128x256xf32, #tpu.memory_space<vmem>> -> memref<128x256xf32, #tpu.memory_space<vmem>>
    %dma_wait3A_309 = arith.constant 0 : i32
    %dma_wait3A_310 = tpu.memref_slice %arg4[%add3A_303, %dma_wait3A_309] : memref<65536x256xf32, #tpu.memory_space<hbm>> -> memref<128x256xf32, #tpu.memory_space<hbm>>
    %dma_wait3A_311 = arith.constant 0 : i32
    %dma_wait3A_312 = tpu.memref_slice %arg4[%add3A_303, %dma_wait3A_311] : memref<65536x256xf32, #tpu.memory_space<hbm>> -> memref<128x256xf32, #tpu.memory_space<hbm>>
    %dma_wait3A_313 = arith.constant 0 : i32
    %dma_wait3A_314 = arith.constant 0 : i32
    %dma_wait3A_315 = tpu.memref_slice %arg7[%dma_wait3A_304, %dma_wait3A_313, %dma_wait3A_314] : memref<3x128x256xf32, #tpu.memory_space<vmem>> -> memref<1x128x256xf32, #tpu.memory_space<vmem>>
    %dma_wait3A_316 = tpu.memref_squeeze %dma_wait3A_315 : memref<1x128x256xf32, #tpu.memory_space<vmem>> -> memref<128x256xf32, #tpu.memory_space<vmem>>
    tpu.wait_dma2 semaphore(%arg12 : memref<!tpu.dma_semaphore, #tpu.memory_space<semaphore_mem>>) src(%dma_wait3A_316 : memref<128x256xf32, #tpu.memory_space<vmem>>) dst(%dma_wait3A_312 : memref<128x256xf32, #tpu.memory_space<hbm>>)
    %dma_start3A_317 = arith.constant 6 : i32
    %dma_start3A_318 = arith.constant 0 : i32
    %dma_start3A_319 = arith.constant 0 : i32
    %dma_start3A_320 = arith.constant 0 : i32
    %dma_start3A_321 = tpu.memref_slice %arg7[%dma_start3A_318, %dma_start3A_319, %dma_start3A_320] : memref<3x128x256xf32, #tpu.memory_space<vmem>> -> memref<1x128x256xf32, #tpu.memory_space<vmem>>
    %dma_start3A_322 = tpu.memref_squeeze %dma_start3A_321 : memref<1x128x256xf32, #tpu.memory_space<vmem>> -> memref<128x256xf32, #tpu.memory_space<vmem>>
    %dma_start3A_323 = arith.constant 0 : i32
    %dma_start3A_324 = tpu.memref_slice %arg6[%dma_start3A_317, %dma_start3A_323] : memref<16x128xi32, #tpu.memory_space<vmem>> -> memref<1x128xi32, #tpu.memory_space<vmem>>
    %dma_start3A_325 = tpu.memref_squeeze %dma_start3A_324 : memref<1x128xi32, #tpu.memory_space<vmem>> -> memref<128xi32, #tpu.memory_space<vmem>>
    %dma_start3A_326 = arith.constant 0 : i32
    %dma_start3A_327 = arith.constant 0 : i32
    %dma_start3A_328 = tpu.memref_slice %arg3[%dma_start3A_326, %dma_start3A_327] : memref<400000x256xf32, #tpu.memory_space<hbm>> -> memref<400000x256xf32, #tpu.memory_space<hbm>>
    tpu.enqueue_indirect_dma source(%dma_start3A_328 : memref<400000x256xf32, #tpu.memory_space<hbm>>) target(%dma_start3A_322 : memref<128x256xf32, #tpu.memory_space<vmem>>) offsets(%dma_start3A_325 : memref<128xi32, #tpu.memory_space<vmem>>) semaphore(%arg9 : memref<!tpu.dma_semaphore, #tpu.memory_space<semaphore_mem>>)
    %dma_wait3A_329 = arith.constant 4 : i32
    %dma_wait3A_330 = arith.constant 1 : i32
    %dma_wait3A_331 = arith.constant 0 : i32
    %dma_wait3A_332 = arith.constant 0 : i32
    %dma_wait3A_333 = tpu.memref_slice %arg7[%dma_wait3A_330, %dma_wait3A_331, %dma_wait3A_332] : memref<3x128x256xf32, #tpu.memory_space<vmem>> -> memref<1x128x256xf32, #tpu.memory_space<vmem>>
    %dma_wait3A_334 = tpu.memref_squeeze %dma_wait3A_333 : memref<1x128x256xf32, #tpu.memory_space<vmem>> -> memref<128x256xf32, #tpu.memory_space<vmem>>
    %dma_wait3A_335 = arith.constant 0 : i32
    %dma_wait3A_336 = tpu.memref_slice %arg6[%dma_wait3A_329, %dma_wait3A_335] : memref<16x128xi32, #tpu.memory_space<vmem>> -> memref<1x128xi32, #tpu.memory_space<vmem>>
    %dma_wait3A_337 = tpu.memref_squeeze %dma_wait3A_336 : memref<1x128xi32, #tpu.memory_space<vmem>> -> memref<128xi32, #tpu.memory_space<vmem>>
    %dma_wait3A_338 = arith.constant 0 : i32
    %dma_wait3A_339 = arith.constant 0 : i32
    %dma_wait3A_340 = tpu.memref_slice %arg3[%dma_wait3A_338, %dma_wait3A_339] : memref<400000x256xf32, #tpu.memory_space<hbm>> -> memref<400000x256xf32, #tpu.memory_space<hbm>>
    tpu.wait_indirect_dma semaphore(%arg10 : memref<!tpu.dma_semaphore, #tpu.memory_space<semaphore_mem>>) src(%dma_wait3A_340 : memref<400000x256xf32, #tpu.memory_space<hbm>>) dst(%dma_wait3A_334 : memref<128x256xf32, #tpu.memory_space<vmem>>)
    %add3A_341 = arith.constant 512 : i32
    %add3A_342 = arith.addi %mul3A_78, %add3A_341 : i32
    %dma_start3A_343 = arith.constant 1 : i32
    %dma_start3A_344 = arith.constant 0 : i32
    %dma_start3A_345 = arith.constant 0 : i32
    %dma_start3A_346 = tpu.memref_slice %arg7[%dma_start3A_343, %dma_start3A_344, %dma_start3A_345] : memref<3x128x256xf32, #tpu.memory_space<vmem>> -> memref<1x128x256xf32, #tpu.memory_space<vmem>>
    %dma_start3A_347 = tpu.memref_squeeze %dma_start3A_346 : memref<1x128x256xf32, #tpu.memory_space<vmem>> -> memref<128x256xf32, #tpu.memory_space<vmem>>
    %dma_start3A_348 = arith.constant 0 : i32
    %dma_start3A_349 = tpu.memref_slice %arg4[%add3A_342, %dma_start3A_348] : memref<65536x256xf32, #tpu.memory_space<hbm>> -> memref<128x256xf32, #tpu.memory_space<hbm>>
    %dma_start3A_350 = arith.constant 0 : i32
    %dma_start3A_351 = tpu.memref_slice %arg4[%add3A_342, %dma_start3A_350] : memref<65536x256xf32, #tpu.memory_space<hbm>> -> memref<128x256xf32, #tpu.memory_space<hbm>>
    %dma_start3A_352 = arith.constant 0 : i32
    %dma_start3A_353 = arith.constant 0 : i32
    %dma_start3A_354 = tpu.memref_slice %arg7[%dma_start3A_343, %dma_start3A_352, %dma_start3A_353] : memref<3x128x256xf32, #tpu.memory_space<vmem>> -> memref<1x128x256xf32, #tpu.memory_space<vmem>>
    %dma_start3A_355 = tpu.memref_squeeze %dma_start3A_354 : memref<1x128x256xf32, #tpu.memory_space<vmem>> -> memref<128x256xf32, #tpu.memory_space<vmem>>
    tpu.enqueue_dma source(%dma_start3A_355 : memref<128x256xf32, #tpu.memory_space<vmem>>) target(%dma_start3A_351 : memref<128x256xf32, #tpu.memory_space<hbm>>) target_semaphore(%arg13 : memref<!tpu.dma_semaphore, #tpu.memory_space<semaphore_mem>>)
    %add3A_356 = arith.constant 512 : i32
    %add3A_357 = arith.addi %mul3A_78, %add3A_356 : i32
    %dma_wait3A_358 = arith.constant 1 : i32
    %dma_wait3A_359 = arith.constant 0 : i32
    %dma_wait3A_360 = arith.constant 0 : i32
    %dma_wait3A_361 = tpu.memref_slice %arg7[%dma_wait3A_358, %dma_wait3A_359, %dma_wait3A_360] : memref<3x128x256xf32, #tpu.memory_space<vmem>> -> memref<1x128x256xf32, #tpu.memory_space<vmem>>
    %dma_wait3A_362 = tpu.memref_squeeze %dma_wait3A_361 : memref<1x128x256xf32, #tpu.memory_space<vmem>> -> memref<128x256xf32, #tpu.memory_space<vmem>>
    %dma_wait3A_363 = arith.constant 0 : i32
    %dma_wait3A_364 = tpu.memref_slice %arg4[%add3A_357, %dma_wait3A_363] : memref<65536x256xf32, #tpu.memory_space<hbm>> -> memref<128x256xf32, #tpu.memory_space<hbm>>
    %dma_wait3A_365 = arith.constant 0 : i32
    %dma_wait3A_366 = tpu.memref_slice %arg4[%add3A_357, %dma_wait3A_365] : memref<65536x256xf32, #tpu.memory_space<hbm>> -> memref<128x256xf32, #tpu.memory_space<hbm>>
    %dma_wait3A_367 = arith.constant 0 : i32
    %dma_wait3A_368 = arith.constant 0 : i32
    %dma_wait3A_369 = tpu.memref_slice %arg7[%dma_wait3A_358, %dma_wait3A_367, %dma_wait3A_368] : memref<3x128x256xf32, #tpu.memory_space<vmem>> -> memref<1x128x256xf32, #tpu.memory_space<vmem>>
    %dma_wait3A_370 = tpu.memref_squeeze %dma_wait3A_369 : memref<1x128x256xf32, #tpu.memory_space<vmem>> -> memref<128x256xf32, #tpu.memory_space<vmem>>
    tpu.wait_dma2 semaphore(%arg13 : memref<!tpu.dma_semaphore, #tpu.memory_space<semaphore_mem>>) src(%dma_wait3A_370 : memref<128x256xf32, #tpu.memory_space<vmem>>) dst(%dma_wait3A_366 : memref<128x256xf32, #tpu.memory_space<hbm>>)
    %dma_start3A_371 = arith.constant 7 : i32
    %dma_start3A_372 = arith.constant 1 : i32
    %dma_start3A_373 = arith.constant 0 : i32
    %dma_start3A_374 = arith.constant 0 : i32
    %dma_start3A_375 = tpu.memref_slice %arg7[%dma_start3A_372, %dma_start3A_373, %dma_start3A_374] : memref<3x128x256xf32, #tpu.memory_space<vmem>> -> memref<1x128x256xf32, #tpu.memory_space<vmem>>
    %dma_start3A_376 = tpu.memref_squeeze %dma_start3A_375 : memref<1x128x256xf32, #tpu.memory_space<vmem>> -> memref<128x256xf32, #tpu.memory_space<vmem>>
    %dma_start3A_377 = arith.constant 0 : i32
    %dma_start3A_378 = tpu.memref_slice %arg6[%dma_start3A_371, %dma_start3A_377] : memref<16x128xi32, #tpu.memory_space<vmem>> -> memref<1x128xi32, #tpu.memory_space<vmem>>
    %dma_start3A_379 = tpu.memref_squeeze %dma_start3A_378 : memref<1x128xi32, #tpu.memory_space<vmem>> -> memref<128xi32, #tpu.memory_space<vmem>>
    %dma_start3A_380 = arith.constant 0 : i32
    %dma_start3A_381 = arith.constant 0 : i32
    %dma_start3A_382 = tpu.memref_slice %arg3[%dma_start3A_380, %dma_start3A_381] : memref<400000x256xf32, #tpu.memory_space<hbm>> -> memref<400000x256xf32, #tpu.memory_space<hbm>>
    tpu.enqueue_indirect_dma source(%dma_start3A_382 : memref<400000x256xf32, #tpu.memory_space<hbm>>) target(%dma_start3A_376 : memref<128x256xf32, #tpu.memory_space<vmem>>) offsets(%dma_start3A_379 : memref<128xi32, #tpu.memory_space<vmem>>) semaphore(%arg10 : memref<!tpu.dma_semaphore, #tpu.memory_space<semaphore_mem>>)
    %dma_wait3A_383 = arith.constant 5 : i32
    %dma_wait3A_384 = arith.constant 2 : i32
    %dma_wait3A_385 = arith.constant 0 : i32
    %dma_wait3A_386 = arith.constant 0 : i32
    %dma_wait3A_387 = tpu.memref_slice %arg7[%dma_wait3A_384, %dma_wait3A_385, %dma_wait3A_386] : memref<3x128x256xf32, #tpu.memory_space<vmem>> -> memref<1x128x256xf32, #tpu.memory_space<vmem>>
    %dma_wait3A_388 = tpu.memref_squeeze %dma_wait3A_387 : memref<1x128x256xf32, #tpu.memory_space<vmem>> -> memref<128x256xf32, #tpu.memory_space<vmem>>
    %dma_wait3A_389 = arith.constant 0 : i32
    %dma_wait3A_390 = tpu.memref_slice %arg6[%dma_wait3A_383, %dma_wait3A_389] : memref<16x128xi32, #tpu.memory_space<vmem>> -> memref<1x128xi32, #tpu.memory_space<vmem>>
    %dma_wait3A_391 = tpu.memref_squeeze %dma_wait3A_390 : memref<1x128xi32, #tpu.memory_space<vmem>> -> memref<128xi32, #tpu.memory_space<vmem>>
    %dma_wait3A_392 = arith.constant 0 : i32
    %dma_wait3A_393 = arith.constant 0 : i32
    %dma_wait3A_394 = tpu.memref_slice %arg3[%dma_wait3A_392, %dma_wait3A_393] : memref<400000x256xf32, #tpu.memory_space<hbm>> -> memref<400000x256xf32, #tpu.memory_space<hbm>>
    tpu.wait_indirect_dma semaphore(%arg11 : memref<!tpu.dma_semaphore, #tpu.memory_space<semaphore_mem>>) src(%dma_wait3A_394 : memref<400000x256xf32, #tpu.memory_space<hbm>>) dst(%dma_wait3A_388 : memref<128x256xf32, #tpu.memory_space<vmem>>)
    %add3A_395 = arith.constant 640 : i32
    %add3A_396 = arith.addi %mul3A_78, %add3A_395 : i32
    %dma_start3A_397 = arith.constant 2 : i32
    %dma_start3A_398 = arith.constant 0 : i32
    %dma_start3A_399 = arith.constant 0 : i32
    %dma_start3A_400 = tpu.memref_slice %arg7[%dma_start3A_397, %dma_start3A_398, %dma_start3A_399] : memref<3x128x256xf32, #tpu.memory_space<vmem>> -> memref<1x128x256xf32, #tpu.memory_space<vmem>>
    %dma_start3A_401 = tpu.memref_squeeze %dma_start3A_400 : memref<1x128x256xf32, #tpu.memory_space<vmem>> -> memref<128x256xf32, #tpu.memory_space<vmem>>
    %dma_start3A_402 = arith.constant 0 : i32
    %dma_start3A_403 = tpu.memref_slice %arg4[%add3A_396, %dma_start3A_402] : memref<65536x256xf32, #tpu.memory_space<hbm>> -> memref<128x256xf32, #tpu.memory_space<hbm>>
    %dma_start3A_404 = arith.constant 0 : i32
    %dma_start3A_405 = tpu.memref_slice %arg4[%add3A_396, %dma_start3A_404] : memref<65536x256xf32, #tpu.memory_space<hbm>> -> memref<128x256xf32, #tpu.memory_space<hbm>>
    %dma_start3A_406 = arith.constant 0 : i32
    %dma_start3A_407 = arith.constant 0 : i32
    %dma_start3A_408 = tpu.memref_slice %arg7[%dma_start3A_397, %dma_start3A_406, %dma_start3A_407] : memref<3x128x256xf32, #tpu.memory_space<vmem>> -> memref<1x128x256xf32, #tpu.memory_space<vmem>>
    %dma_start3A_409 = tpu.memref_squeeze %dma_start3A_408 : memref<1x128x256xf32, #tpu.memory_space<vmem>> -> memref<128x256xf32, #tpu.memory_space<vmem>>
    tpu.enqueue_dma source(%dma_start3A_409 : memref<128x256xf32, #tpu.memory_space<vmem>>) target(%dma_start3A_405 : memref<128x256xf32, #tpu.memory_space<hbm>>) target_semaphore(%arg14 : memref<!tpu.dma_semaphore, #tpu.memory_space<semaphore_mem>>)
    %add3A_410 = arith.constant 640 : i32
    %add3A_411 = arith.addi %mul3A_78, %add3A_410 : i32
    %dma_wait3A_412 = arith.constant 2 : i32
    %dma_wait3A_413 = arith.constant 0 : i32
    %dma_wait3A_414 = arith.constant 0 : i32
    %dma_wait3A_415 = tpu.memref_slice %arg7[%dma_wait3A_412, %dma_wait3A_413, %dma_wait3A_414] : memref<3x128x256xf32, #tpu.memory_space<vmem>> -> memref<1x128x256xf32, #tpu.memory_space<vmem>>
    %dma_wait3A_416 = tpu.memref_squeeze %dma_wait3A_415 : memref<1x128x256xf32, #tpu.memory_space<vmem>> -> memref<128x256xf32, #tpu.memory_space<vmem>>
    %dma_wait3A_417 = arith.constant 0 : i32
    %dma_wait3A_418 = tpu.memref_slice %arg4[%add3A_411, %dma_wait3A_417] : memref<65536x256xf32, #tpu.memory_space<hbm>> -> memref<128x256xf32, #tpu.memory_space<hbm>>
    %dma_wait3A_419 = arith.constant 0 : i32
    %dma_wait3A_420 = tpu.memref_slice %arg4[%add3A_411, %dma_wait3A_419] : memref<65536x256xf32, #tpu.memory_space<hbm>> -> memref<128x256xf32, #tpu.memory_space<hbm>>
    %dma_wait3A_421 = arith.constant 0 : i32
    %dma_wait3A_422 = arith.constant 0 : i32
    %dma_wait3A_423 = tpu.memref_slice %arg7[%dma_wait3A_412, %dma_wait3A_421, %dma_wait3A_422] : memref<3x128x256xf32, #tpu.memory_space<vmem>> -> memref<1x128x256xf32, #tpu.memory_space<vmem>>
    %dma_wait3A_424 = tpu.memref_squeeze %dma_wait3A_423 : memref<1x128x256xf32, #tpu.memory_space<vmem>> -> memref<128x256xf32, #tpu.memory_space<vmem>>
    tpu.wait_dma2 semaphore(%arg14 : memref<!tpu.dma_semaphore, #tpu.memory_space<semaphore_mem>>) src(%dma_wait3A_424 : memref<128x256xf32, #tpu.memory_space<vmem>>) dst(%dma_wait3A_420 : memref<128x256xf32, #tpu.memory_space<hbm>>)
    %dma_start3A_425 = arith.constant 8 : i32
    %dma_start3A_426 = arith.constant 2 : i32
    %dma_start3A_427 = arith.constant 0 : i32
    %dma_start3A_428 = arith.constant 0 : i32
    %dma_start3A_429 = tpu.memref_slice %arg7[%dma_start3A_426, %dma_start3A_427, %dma_start3A_428] : memref<3x128x256xf32, #tpu.memory_space<vmem>> -> memref<1x128x256xf32, #tpu.memory_space<vmem>>
    %dma_start3A_430 = tpu.memref_squeeze %dma_start3A_429 : memref<1x128x256xf32, #tpu.memory_space<vmem>> -> memref<128x256xf32, #tpu.memory_space<vmem>>
    %dma_start3A_431 = arith.constant 0 : i32
    %dma_start3A_432 = tpu.memref_slice %arg6[%dma_start3A_425, %dma_start3A_431] : memref<16x128xi32, #tpu.memory_space<vmem>> -> memref<1x128xi32, #tpu.memory_space<vmem>>
    %dma_start3A_433 = tpu.memref_squeeze %dma_start3A_432 : memref<1x128xi32, #tpu.memory_space<vmem>> -> memref<128xi32, #tpu.memory_space<vmem>>
    %dma_start3A_434 = arith.constant 0 : i32
    %dma_start3A_435 = arith.constant 0 : i32
    %dma_start3A_436 = tpu.memref_slice %arg3[%dma_start3A_434, %dma_start3A_435] : memref<400000x256xf32, #tpu.memory_space<hbm>> -> memref<400000x256xf32, #tpu.memory_space<hbm>>
    tpu.enqueue_indirect_dma source(%dma_start3A_436 : memref<400000x256xf32, #tpu.memory_space<hbm>>) target(%dma_start3A_430 : memref<128x256xf32, #tpu.memory_space<vmem>>) offsets(%dma_start3A_433 : memref<128xi32, #tpu.memory_space<vmem>>) semaphore(%arg11 : memref<!tpu.dma_semaphore, #tpu.memory_space<semaphore_mem>>)
    %dma_wait3A_437 = arith.constant 6 : i32
    %dma_wait3A_438 = arith.constant 0 : i32
    %dma_wait3A_439 = arith.constant 0 : i32
    %dma_wait3A_440 = arith.constant 0 : i32
    %dma_wait3A_441 = tpu.memref_slice %arg7[%dma_wait3A_438, %dma_wait3A_439, %dma_wait3A_440] : memref<3x128x256xf32, #tpu.memory_space<vmem>> -> memref<1x128x256xf32, #tpu.memory_space<vmem>>
    %dma_wait3A_442 = tpu.memref_squeeze %dma_wait3A_441 : memref<1x128x256xf32, #tpu.memory_space<vmem>> -> memref<128x256xf32, #tpu.memory_space<vmem>>
    %dma_wait3A_443 = arith.constant 0 : i32
    %dma_wait3A_444 = tpu.memref_slice %arg6[%dma_wait3A_437, %dma_wait3A_443] : memref<16x128xi32, #tpu.memory_space<vmem>> -> memref<1x128xi32, #tpu.memory_space<vmem>>
    %dma_wait3A_445 = tpu.memref_squeeze %dma_wait3A_444 : memref<1x128xi32, #tpu.memory_space<vmem>> -> memref<128xi32, #tpu.memory_space<vmem>>
    %dma_wait3A_446 = arith.constant 0 : i32
    %dma_wait3A_447 = arith.constant 0 : i32
    %dma_wait3A_448 = tpu.memref_slice %arg3[%dma_wait3A_446, %dma_wait3A_447] : memref<400000x256xf32, #tpu.memory_space<hbm>> -> memref<400000x256xf32, #tpu.memory_space<hbm>>
    tpu.wait_indirect_dma semaphore(%arg9 : memref<!tpu.dma_semaphore, #tpu.memory_space<semaphore_mem>>) src(%dma_wait3A_448 : memref<400000x256xf32, #tpu.memory_space<hbm>>) dst(%dma_wait3A_442 : memref<128x256xf32, #tpu.memory_space<vmem>>)
    %add3A_449 = arith.constant 768 : i32
    %add3A_450 = arith.addi %mul3A_78, %add3A_449 : i32
    %dma_start3A_451 = arith.constant 0 : i32
    %dma_start3A_452 = arith.constant 0 : i32
    %dma_start3A_453 = arith.constant 0 : i32
    %dma_start3A_454 = tpu.memref_slice %arg7[%dma_start3A_451, %dma_start3A_452, %dma_start3A_453] : memref<3x128x256xf32, #tpu.memory_space<vmem>> -> memref<1x128x256xf32, #tpu.memory_space<vmem>>
    %dma_start3A_455 = tpu.memref_squeeze %dma_start3A_454 : memref<1x128x256xf32, #tpu.memory_space<vmem>> -> memref<128x256xf32, #tpu.memory_space<vmem>>
    %dma_start3A_456 = arith.constant 0 : i32
    %dma_start3A_457 = tpu.memref_slice %arg4[%add3A_450, %dma_start3A_456] : memref<65536x256xf32, #tpu.memory_space<hbm>> -> memref<128x256xf32, #tpu.memory_space<hbm>>
    %dma_start3A_458 = arith.constant 0 : i32
    %dma_start3A_459 = tpu.memref_slice %arg4[%add3A_450, %dma_start3A_458] : memref<65536x256xf32, #tpu.memory_space<hbm>> -> memref<128x256xf32, #tpu.memory_space<hbm>>
    %dma_start3A_460 = arith.constant 0 : i32
    %dma_start3A_461 = arith.constant 0 : i32
    %dma_start3A_462 = tpu.memref_slice %arg7[%dma_start3A_451, %dma_start3A_460, %dma_start3A_461] : memref<3x128x256xf32, #tpu.memory_space<vmem>> -> memref<1x128x256xf32, #tpu.memory_space<vmem>>
    %dma_start3A_463 = tpu.memref_squeeze %dma_start3A_462 : memref<1x128x256xf32, #tpu.memory_space<vmem>> -> memref<128x256xf32, #tpu.memory_space<vmem>>
    tpu.enqueue_dma source(%dma_start3A_463 : memref<128x256xf32, #tpu.memory_space<vmem>>) target(%dma_start3A_459 : memref<128x256xf32, #tpu.memory_space<hbm>>) target_semaphore(%arg12 : memref<!tpu.dma_semaphore, #tpu.memory_space<semaphore_mem>>)
    %add3A_464 = arith.constant 768 : i32
    %add3A_465 = arith.addi %mul3A_78, %add3A_464 : i32
    %dma_wait3A_466 = arith.constant 0 : i32
    %dma_wait3A_467 = arith.constant 0 : i32
    %dma_wait3A_468 = arith.constant 0 : i32
    %dma_wait3A_469 = tpu.memref_slice %arg7[%dma_wait3A_466, %dma_wait3A_467, %dma_wait3A_468] : memref<3x128x256xf32, #tpu.memory_space<vmem>> -> memref<1x128x256xf32, #tpu.memory_space<vmem>>
    %dma_wait3A_470 = tpu.memref_squeeze %dma_wait3A_469 : memref<1x128x256xf32, #tpu.memory_space<vmem>> -> memref<128x256xf32, #tpu.memory_space<vmem>>
    %dma_wait3A_471 = arith.constant 0 : i32
    %dma_wait3A_472 = tpu.memref_slice %arg4[%add3A_465, %dma_wait3A_471] : memref<65536x256xf32, #tpu.memory_space<hbm>> -> memref<128x256xf32, #tpu.memory_space<hbm>>
    %dma_wait3A_473 = arith.constant 0 : i32
    %dma_wait3A_474 = tpu.memref_slice %arg4[%add3A_465, %dma_wait3A_473] : memref<65536x256xf32, #tpu.memory_space<hbm>> -> memref<128x256xf32, #tpu.memory_space<hbm>>
    %dma_wait3A_475 = arith.constant 0 : i32
    %dma_wait3A_476 = arith.constant 0 : i32
    %dma_wait3A_477 = tpu.memref_slice %arg7[%dma_wait3A_466, %dma_wait3A_475, %dma_wait3A_476] : memref<3x128x256xf32, #tpu.memory_space<vmem>> -> memref<1x128x256xf32, #tpu.memory_space<vmem>>
    %dma_wait3A_478 = tpu.memref_squeeze %dma_wait3A_477 : memref<1x128x256xf32, #tpu.memory_space<vmem>> -> memref<128x256xf32, #tpu.memory_space<vmem>>
    tpu.wait_dma2 semaphore(%arg12 : memref<!tpu.dma_semaphore, #tpu.memory_space<semaphore_mem>>) src(%dma_wait3A_478 : memref<128x256xf32, #tpu.memory_space<vmem>>) dst(%dma_wait3A_474 : memref<128x256xf32, #tpu.memory_space<hbm>>)
    %dma_start3A_479 = arith.constant 9 : i32
    %dma_start3A_480 = arith.constant 0 : i32
    %dma_start3A_481 = arith.constant 0 : i32
    %dma_start3A_482 = arith.constant 0 : i32
    %dma_start3A_483 = tpu.memref_slice %arg7[%dma_start3A_480, %dma_start3A_481, %dma_start3A_482] : memref<3x128x256xf32, #tpu.memory_space<vmem>> -> memref<1x128x256xf32, #tpu.memory_space<vmem>>
    %dma_start3A_484 = tpu.memref_squeeze %dma_start3A_483 : memref<1x128x256xf32, #tpu.memory_space<vmem>> -> memref<128x256xf32, #tpu.memory_space<vmem>>
    %dma_start3A_485 = arith.constant 0 : i32
    %dma_start3A_486 = tpu.memref_slice %arg6[%dma_start3A_479, %dma_start3A_485] : memref<16x128xi32, #tpu.memory_space<vmem>> -> memref<1x128xi32, #tpu.memory_space<vmem>>
    %dma_start3A_487 = tpu.memref_squeeze %dma_start3A_486 : memref<1x128xi32, #tpu.memory_space<vmem>> -> memref<128xi32, #tpu.memory_space<vmem>>
    %dma_start3A_488 = arith.constant 0 : i32
    %dma_start3A_489 = arith.constant 0 : i32
    %dma_start3A_490 = tpu.memref_slice %arg3[%dma_start3A_488, %dma_start3A_489] : memref<400000x256xf32, #tpu.memory_space<hbm>> -> memref<400000x256xf32, #tpu.memory_space<hbm>>
    tpu.enqueue_indirect_dma source(%dma_start3A_490 : memref<400000x256xf32, #tpu.memory_space<hbm>>) target(%dma_start3A_484 : memref<128x256xf32, #tpu.memory_space<vmem>>) offsets(%dma_start3A_487 : memref<128xi32, #tpu.memory_space<vmem>>) semaphore(%arg9 : memref<!tpu.dma_semaphore, #tpu.memory_space<semaphore_mem>>)
    %dma_wait3A_491 = arith.constant 7 : i32
    %dma_wait3A_492 = arith.constant 1 : i32
    %dma_wait3A_493 = arith.constant 0 : i32
    %dma_wait3A_494 = arith.constant 0 : i32
    %dma_wait3A_495 = tpu.memref_slice %arg7[%dma_wait3A_492, %dma_wait3A_493, %dma_wait3A_494] : memref<3x128x256xf32, #tpu.memory_space<vmem>> -> memref<1x128x256xf32, #tpu.memory_space<vmem>>
    %dma_wait3A_496 = tpu.memref_squeeze %dma_wait3A_495 : memref<1x128x256xf32, #tpu.memory_space<vmem>> -> memref<128x256xf32, #tpu.memory_space<vmem>>
    %dma_wait3A_497 = arith.constant 0 : i32
    %dma_wait3A_498 = tpu.memref_slice %arg6[%dma_wait3A_491, %dma_wait3A_497] : memref<16x128xi32, #tpu.memory_space<vmem>> -> memref<1x128xi32, #tpu.memory_space<vmem>>
    %dma_wait3A_499 = tpu.memref_squeeze %dma_wait3A_498 : memref<1x128xi32, #tpu.memory_space<vmem>> -> memref<128xi32, #tpu.memory_space<vmem>>
    %dma_wait3A_500 = arith.constant 0 : i32
    %dma_wait3A_501 = arith.constant 0 : i32
    %dma_wait3A_502 = tpu.memref_slice %arg3[%dma_wait3A_500, %dma_wait3A_501] : memref<400000x256xf32, #tpu.memory_space<hbm>> -> memref<400000x256xf32, #tpu.memory_space<hbm>>
    tpu.wait_indirect_dma semaphore(%arg10 : memref<!tpu.dma_semaphore, #tpu.memory_space<semaphore_mem>>) src(%dma_wait3A_502 : memref<400000x256xf32, #tpu.memory_space<hbm>>) dst(%dma_wait3A_496 : memref<128x256xf32, #tpu.memory_space<vmem>>)
    %add3A_503 = arith.constant 896 : i32
    %add3A_504 = arith.addi %mul3A_78, %add3A_503 : i32
    %dma_start3A_505 = arith.constant 1 : i32
    %dma_start3A_506 = arith.constant 0 : i32
    %dma_start3A_507 = arith.constant 0 : i32
    %dma_start3A_508 = tpu.memref_slice %arg7[%dma_start3A_505, %dma_start3A_506, %dma_start3A_507] : memref<3x128x256xf32, #tpu.memory_space<vmem>> -> memref<1x128x256xf32, #tpu.memory_space<vmem>>
    %dma_start3A_509 = tpu.memref_squeeze %dma_start3A_508 : memref<1x128x256xf32, #tpu.memory_space<vmem>> -> memref<128x256xf32, #tpu.memory_space<vmem>>
    %dma_start3A_510 = arith.constant 0 : i32
    %dma_start3A_511 = tpu.memref_slice %arg4[%add3A_504, %dma_start3A_510] : memref<65536x256xf32, #tpu.memory_space<hbm>> -> memref<128x256xf32, #tpu.memory_space<hbm>>
    %dma_start3A_512 = arith.constant 0 : i32
    %dma_start3A_513 = tpu.memref_slice %arg4[%add3A_504, %dma_start3A_512] : memref<65536x256xf32, #tpu.memory_space<hbm>> -> memref<128x256xf32, #tpu.memory_space<hbm>>
    %dma_start3A_514 = arith.constant 0 : i32
    %dma_start3A_515 = arith.constant 0 : i32
    %dma_start3A_516 = tpu.memref_slice %arg7[%dma_start3A_505, %dma_start3A_514, %dma_start3A_515] : memref<3x128x256xf32, #tpu.memory_space<vmem>> -> memref<1x128x256xf32, #tpu.memory_space<vmem>>
    %dma_start3A_517 = tpu.memref_squeeze %dma_start3A_516 : memref<1x128x256xf32, #tpu.memory_space<vmem>> -> memref<128x256xf32, #tpu.memory_space<vmem>>
    tpu.enqueue_dma source(%dma_start3A_517 : memref<128x256xf32, #tpu.memory_space<vmem>>) target(%dma_start3A_513 : memref<128x256xf32, #tpu.memory_space<hbm>>) target_semaphore(%arg13 : memref<!tpu.dma_semaphore, #tpu.memory_space<semaphore_mem>>)
    %add3A_518 = arith.constant 896 : i32
    %add3A_519 = arith.addi %mul3A_78, %add3A_518 : i32
    %dma_wait3A_520 = arith.constant 1 : i32
    %dma_wait3A_521 = arith.constant 0 : i32
    %dma_wait3A_522 = arith.constant 0 : i32
    %dma_wait3A_523 = tpu.memref_slice %arg7[%dma_wait3A_520, %dma_wait3A_521, %dma_wait3A_522] : memref<3x128x256xf32, #tpu.memory_space<vmem>> -> memref<1x128x256xf32, #tpu.memory_space<vmem>>
    %dma_wait3A_524 = tpu.memref_squeeze %dma_wait3A_523 : memref<1x128x256xf32, #tpu.memory_space<vmem>> -> memref<128x256xf32, #tpu.memory_space<vmem>>
    %dma_wait3A_525 = arith.constant 0 : i32
    %dma_wait3A_526 = tpu.memref_slice %arg4[%add3A_519, %dma_wait3A_525] : memref<65536x256xf32, #tpu.memory_space<hbm>> -> memref<128x256xf32, #tpu.memory_space<hbm>>
    %dma_wait3A_527 = arith.constant 0 : i32
    %dma_wait3A_528 = tpu.memref_slice %arg4[%add3A_519, %dma_wait3A_527] : memref<65536x256xf32, #tpu.memory_space<hbm>> -> memref<128x256xf32, #tpu.memory_space<hbm>>
    %dma_wait3A_529 = arith.constant 0 : i32
    %dma_wait3A_530 = arith.constant 0 : i32
    %dma_wait3A_531 = tpu.memref_slice %arg7[%dma_wait3A_520, %dma_wait3A_529, %dma_wait3A_530] : memref<3x128x256xf32, #tpu.memory_space<vmem>> -> memref<1x128x256xf32, #tpu.memory_space<vmem>>
    %dma_wait3A_532 = tpu.memref_squeeze %dma_wait3A_531 : memref<1x128x256xf32, #tpu.memory_space<vmem>> -> memref<128x256xf32, #tpu.memory_space<vmem>>
    tpu.wait_dma2 semaphore(%arg13 : memref<!tpu.dma_semaphore, #tpu.memory_space<semaphore_mem>>) src(%dma_wait3A_532 : memref<128x256xf32, #tpu.memory_space<vmem>>) dst(%dma_wait3A_528 : memref<128x256xf32, #tpu.memory_space<hbm>>)
    %dma_start3A_533 = arith.constant 10 : i32
    %dma_start3A_534 = arith.constant 1 : i32
    %dma_start3A_535 = arith.constant 0 : i32
    %dma_start3A_536 = arith.constant 0 : i32
    %dma_start3A_537 = tpu.memref_slice %arg7[%dma_start3A_534, %dma_start3A_535, %dma_start3A_536] : memref<3x128x256xf32, #tpu.memory_space<vmem>> -> memref<1x128x256xf32, #tpu.memory_space<vmem>>
    %dma_start3A_538 = tpu.memref_squeeze %dma_start3A_537 : memref<1x128x256xf32, #tpu.memory_space<vmem>> -> memref<128x256xf32, #tpu.memory_space<vmem>>
    %dma_start3A_539 = arith.constant 0 : i32
    %dma_start3A_540 = tpu.memref_slice %arg6[%dma_start3A_533, %dma_start3A_539] : memref<16x128xi32, #tpu.memory_space<vmem>> -> memref<1x128xi32, #tpu.memory_space<vmem>>
    %dma_start3A_541 = tpu.memref_squeeze %dma_start3A_540 : memref<1x128xi32, #tpu.memory_space<vmem>> -> memref<128xi32, #tpu.memory_space<vmem>>
    %dma_start3A_542 = arith.constant 0 : i32
    %dma_start3A_543 = arith.constant 0 : i32
    %dma_start3A_544 = tpu.memref_slice %arg3[%dma_start3A_542, %dma_start3A_543] : memref<400000x256xf32, #tpu.memory_space<hbm>> -> memref<400000x256xf32, #tpu.memory_space<hbm>>
    tpu.enqueue_indirect_dma source(%dma_start3A_544 : memref<400000x256xf32, #tpu.memory_space<hbm>>) target(%dma_start3A_538 : memref<128x256xf32, #tpu.memory_space<vmem>>) offsets(%dma_start3A_541 : memref<128xi32, #tpu.memory_space<vmem>>) semaphore(%arg10 : memref<!tpu.dma_semaphore, #tpu.memory_space<semaphore_mem>>)
    %dma_wait3A_545 = arith.constant 8 : i32
    %dma_wait3A_546 = arith.constant 2 : i32
    %dma_wait3A_547 = arith.constant 0 : i32
    %dma_wait3A_548 = arith.constant 0 : i32
    %dma_wait3A_549 = tpu.memref_slice %arg7[%dma_wait3A_546, %dma_wait3A_547, %dma_wait3A_548] : memref<3x128x256xf32, #tpu.memory_space<vmem>> -> memref<1x128x256xf32, #tpu.memory_space<vmem>>
    %dma_wait3A_550 = tpu.memref_squeeze %dma_wait3A_549 : memref<1x128x256xf32, #tpu.memory_space<vmem>> -> memref<128x256xf32, #tpu.memory_space<vmem>>
    %dma_wait3A_551 = arith.constant 0 : i32
    %dma_wait3A_552 = tpu.memref_slice %arg6[%dma_wait3A_545, %dma_wait3A_551] : memref<16x128xi32, #tpu.memory_space<vmem>> -> memref<1x128xi32, #tpu.memory_space<vmem>>
    %dma_wait3A_553 = tpu.memref_squeeze %dma_wait3A_552 : memref<1x128xi32, #tpu.memory_space<vmem>> -> memref<128xi32, #tpu.memory_space<vmem>>
    %dma_wait3A_554 = arith.constant 0 : i32
    %dma_wait3A_555 = arith.constant 0 : i32
    %dma_wait3A_556 = tpu.memref_slice %arg3[%dma_wait3A_554, %dma_wait3A_555] : memref<400000x256xf32, #tpu.memory_space<hbm>> -> memref<400000x256xf32, #tpu.memory_space<hbm>>
    tpu.wait_indirect_dma semaphore(%arg11 : memref<!tpu.dma_semaphore, #tpu.memory_space<semaphore_mem>>) src(%dma_wait3A_556 : memref<400000x256xf32, #tpu.memory_space<hbm>>) dst(%dma_wait3A_550 : memref<128x256xf32, #tpu.memory_space<vmem>>)
    %add3A_557 = arith.constant 1024 : i32
    %add3A_558 = arith.addi %mul3A_78, %add3A_557 : i32
    %dma_start3A_559 = arith.constant 2 : i32
    %dma_start3A_560 = arith.constant 0 : i32
    %dma_start3A_561 = arith.constant 0 : i32
    %dma_start3A_562 = tpu.memref_slice %arg7[%dma_start3A_559, %dma_start3A_560, %dma_start3A_561] : memref<3x128x256xf32, #tpu.memory_space<vmem>> -> memref<1x128x256xf32, #tpu.memory_space<vmem>>
    %dma_start3A_563 = tpu.memref_squeeze %dma_start3A_562 : memref<1x128x256xf32, #tpu.memory_space<vmem>> -> memref<128x256xf32, #tpu.memory_space<vmem>>
    %dma_start3A_564 = arith.constant 0 : i32
    %dma_start3A_565 = tpu.memref_slice %arg4[%add3A_558, %dma_start3A_564] : memref<65536x256xf32, #tpu.memory_space<hbm>> -> memref<128x256xf32, #tpu.memory_space<hbm>>
    %dma_start3A_566 = arith.constant 0 : i32
    %dma_start3A_567 = tpu.memref_slice %arg4[%add3A_558, %dma_start3A_566] : memref<65536x256xf32, #tpu.memory_space<hbm>> -> memref<128x256xf32, #tpu.memory_space<hbm>>
    %dma_start3A_568 = arith.constant 0 : i32
    %dma_start3A_569 = arith.constant 0 : i32
    %dma_start3A_570 = tpu.memref_slice %arg7[%dma_start3A_559, %dma_start3A_568, %dma_start3A_569] : memref<3x128x256xf32, #tpu.memory_space<vmem>> -> memref<1x128x256xf32, #tpu.memory_space<vmem>>
    %dma_start3A_571 = tpu.memref_squeeze %dma_start3A_570 : memref<1x128x256xf32, #tpu.memory_space<vmem>> -> memref<128x256xf32, #tpu.memory_space<vmem>>
    tpu.enqueue_dma source(%dma_start3A_571 : memref<128x256xf32, #tpu.memory_space<vmem>>) target(%dma_start3A_567 : memref<128x256xf32, #tpu.memory_space<hbm>>) target_semaphore(%arg14 : memref<!tpu.dma_semaphore, #tpu.memory_space<semaphore_mem>>)
    %add3A_572 = arith.constant 1024 : i32
    %add3A_573 = arith.addi %mul3A_78, %add3A_572 : i32
    %dma_wait3A_574 = arith.constant 2 : i32
    %dma_wait3A_575 = arith.constant 0 : i32
    %dma_wait3A_576 = arith.constant 0 : i32
    %dma_wait3A_577 = tpu.memref_slice %arg7[%dma_wait3A_574, %dma_wait3A_575, %dma_wait3A_576] : memref<3x128x256xf32, #tpu.memory_space<vmem>> -> memref<1x128x256xf32, #tpu.memory_space<vmem>>
    %dma_wait3A_578 = tpu.memref_squeeze %dma_wait3A_577 : memref<1x128x256xf32, #tpu.memory_space<vmem>> -> memref<128x256xf32, #tpu.memory_space<vmem>>
    %dma_wait3A_579 = arith.constant 0 : i32
    %dma_wait3A_580 = tpu.memref_slice %arg4[%add3A_573, %dma_wait3A_579] : memref<65536x256xf32, #tpu.memory_space<hbm>> -> memref<128x256xf32, #tpu.memory_space<hbm>>
    %dma_wait3A_581 = arith.constant 0 : i32
    %dma_wait3A_582 = tpu.memref_slice %arg4[%add3A_573, %dma_wait3A_581] : memref<65536x256xf32, #tpu.memory_space<hbm>> -> memref<128x256xf32, #tpu.memory_space<hbm>>
    %dma_wait3A_583 = arith.constant 0 : i32
    %dma_wait3A_584 = arith.constant 0 : i32
    %dma_wait3A_585 = tpu.memref_slice %arg7[%dma_wait3A_574, %dma_wait3A_583, %dma_wait3A_584] : memref<3x128x256xf32, #tpu.memory_space<vmem>> -> memref<1x128x256xf32, #tpu.memory_space<vmem>>
    %dma_wait3A_586 = tpu.memref_squeeze %dma_wait3A_585 : memref<1x128x256xf32, #tpu.memory_space<vmem>> -> memref<128x256xf32, #tpu.memory_space<vmem>>
    tpu.wait_dma2 semaphore(%arg14 : memref<!tpu.dma_semaphore, #tpu.memory_space<semaphore_mem>>) src(%dma_wait3A_586 : memref<128x256xf32, #tpu.memory_space<vmem>>) dst(%dma_wait3A_582 : memref<128x256xf32, #tpu.memory_space<hbm>>)
    %dma_start3A_587 = arith.constant 11 : i32
    %dma_start3A_588 = arith.constant 2 : i32
    %dma_start3A_589 = arith.constant 0 : i32
    %dma_start3A_590 = arith.constant 0 : i32
    %dma_start3A_591 = tpu.memref_slice %arg7[%dma_start3A_588, %dma_start3A_589, %dma_start3A_590] : memref<3x128x256xf32, #tpu.memory_space<vmem>> -> memref<1x128x256xf32, #tpu.memory_space<vmem>>
    %dma_start3A_592 = tpu.memref_squeeze %dma_start3A_591 : memref<1x128x256xf32, #tpu.memory_space<vmem>> -> memref<128x256xf32, #tpu.memory_space<vmem>>
    %dma_start3A_593 = arith.constant 0 : i32
    %dma_start3A_594 = tpu.memref_slice %arg6[%dma_start3A_587, %dma_start3A_593] : memref<16x128xi32, #tpu.memory_space<vmem>> -> memref<1x128xi32, #tpu.memory_space<vmem>>
    %dma_start3A_595 = tpu.memref_squeeze %dma_start3A_594 : memref<1x128xi32, #tpu.memory_space<vmem>> -> memref<128xi32, #tpu.memory_space<vmem>>
    %dma_start3A_596 = arith.constant 0 : i32
    %dma_start3A_597 = arith.constant 0 : i32
    %dma_start3A_598 = tpu.memref_slice %arg3[%dma_start3A_596, %dma_start3A_597] : memref<400000x256xf32, #tpu.memory_space<hbm>> -> memref<400000x256xf32, #tpu.memory_space<hbm>>
    tpu.enqueue_indirect_dma source(%dma_start3A_598 : memref<400000x256xf32, #tpu.memory_space<hbm>>) target(%dma_start3A_592 : memref<128x256xf32, #tpu.memory_space<vmem>>) offsets(%dma_start3A_595 : memref<128xi32, #tpu.memory_space<vmem>>) semaphore(%arg11 : memref<!tpu.dma_semaphore, #tpu.memory_space<semaphore_mem>>)
    %dma_wait3A_599 = arith.constant 9 : i32
    %dma_wait3A_600 = arith.constant 0 : i32
    %dma_wait3A_601 = arith.constant 0 : i32
    %dma_wait3A_602 = arith.constant 0 : i32
    %dma_wait3A_603 = tpu.memref_slice %arg7[%dma_wait3A_600, %dma_wait3A_601, %dma_wait3A_602] : memref<3x128x256xf32, #tpu.memory_space<vmem>> -> memref<1x128x256xf32, #tpu.memory_space<vmem>>
    %dma_wait3A_604 = tpu.memref_squeeze %dma_wait3A_603 : memref<1x128x256xf32, #tpu.memory_space<vmem>> -> memref<128x256xf32, #tpu.memory_space<vmem>>
    %dma_wait3A_605 = arith.constant 0 : i32
    %dma_wait3A_606 = tpu.memref_slice %arg6[%dma_wait3A_599, %dma_wait3A_605] : memref<16x128xi32, #tpu.memory_space<vmem>> -> memref<1x128xi32, #tpu.memory_space<vmem>>
    %dma_wait3A_607 = tpu.memref_squeeze %dma_wait3A_606 : memref<1x128xi32, #tpu.memory_space<vmem>> -> memref<128xi32, #tpu.memory_space<vmem>>
    %dma_wait3A_608 = arith.constant 0 : i32
    %dma_wait3A_609 = arith.constant 0 : i32
    %dma_wait3A_610 = tpu.memref_slice %arg3[%dma_wait3A_608, %dma_wait3A_609] : memref<400000x256xf32, #tpu.memory_space<hbm>> -> memref<400000x256xf32, #tpu.memory_space<hbm>>
    tpu.wait_indirect_dma semaphore(%arg9 : memref<!tpu.dma_semaphore, #tpu.memory_space<semaphore_mem>>) src(%dma_wait3A_610 : memref<400000x256xf32, #tpu.memory_space<hbm>>) dst(%dma_wait3A_604 : memref<128x256xf32, #tpu.memory_space<vmem>>)
    %add3A_611 = arith.constant 1152 : i32
    %add3A_612 = arith.addi %mul3A_78, %add3A_611 : i32
    %dma_start3A_613 = arith.constant 0 : i32
    %dma_start3A_614 = arith.constant 0 : i32
    %dma_start3A_615 = arith.constant 0 : i32
    %dma_start3A_616 = tpu.memref_slice %arg7[%dma_start3A_613, %dma_start3A_614, %dma_start3A_615] : memref<3x128x256xf32, #tpu.memory_space<vmem>> -> memref<1x128x256xf32, #tpu.memory_space<vmem>>
    %dma_start3A_617 = tpu.memref_squeeze %dma_start3A_616 : memref<1x128x256xf32, #tpu.memory_space<vmem>> -> memref<128x256xf32, #tpu.memory_space<vmem>>
    %dma_start3A_618 = arith.constant 0 : i32
    %dma_start3A_619 = tpu.memref_slice %arg4[%add3A_612, %dma_start3A_618] : memref<65536x256xf32, #tpu.memory_space<hbm>> -> memref<128x256xf32, #tpu.memory_space<hbm>>
    %dma_start3A_620 = arith.constant 0 : i32
    %dma_start3A_621 = tpu.memref_slice %arg4[%add3A_612, %dma_start3A_620] : memref<65536x256xf32, #tpu.memory_space<hbm>> -> memref<128x256xf32, #tpu.memory_space<hbm>>
    %dma_start3A_622 = arith.constant 0 : i32
    %dma_start3A_623 = arith.constant 0 : i32
    %dma_start3A_624 = tpu.memref_slice %arg7[%dma_start3A_613, %dma_start3A_622, %dma_start3A_623] : memref<3x128x256xf32, #tpu.memory_space<vmem>> -> memref<1x128x256xf32, #tpu.memory_space<vmem>>
    %dma_start3A_625 = tpu.memref_squeeze %dma_start3A_624 : memref<1x128x256xf32, #tpu.memory_space<vmem>> -> memref<128x256xf32, #tpu.memory_space<vmem>>
    tpu.enqueue_dma source(%dma_start3A_625 : memref<128x256xf32, #tpu.memory_space<vmem>>) target(%dma_start3A_621 : memref<128x256xf32, #tpu.memory_space<hbm>>) target_semaphore(%arg12 : memref<!tpu.dma_semaphore, #tpu.memory_space<semaphore_mem>>)
    %add3A_626 = arith.constant 1152 : i32
    %add3A_627 = arith.addi %mul3A_78, %add3A_626 : i32
    %dma_wait3A_628 = arith.constant 0 : i32
    %dma_wait3A_629 = arith.constant 0 : i32
    %dma_wait3A_630 = arith.constant 0 : i32
    %dma_wait3A_631 = tpu.memref_slice %arg7[%dma_wait3A_628, %dma_wait3A_629, %dma_wait3A_630] : memref<3x128x256xf32, #tpu.memory_space<vmem>> -> memref<1x128x256xf32, #tpu.memory_space<vmem>>
    %dma_wait3A_632 = tpu.memref_squeeze %dma_wait3A_631 : memref<1x128x256xf32, #tpu.memory_space<vmem>> -> memref<128x256xf32, #tpu.memory_space<vmem>>
    %dma_wait3A_633 = arith.constant 0 : i32
    %dma_wait3A_634 = tpu.memref_slice %arg4[%add3A_627, %dma_wait3A_633] : memref<65536x256xf32, #tpu.memory_space<hbm>> -> memref<128x256xf32, #tpu.memory_space<hbm>>
    %dma_wait3A_635 = arith.constant 0 : i32
    %dma_wait3A_636 = tpu.memref_slice %arg4[%add3A_627, %dma_wait3A_635] : memref<65536x256xf32, #tpu.memory_space<hbm>> -> memref<128x256xf32, #tpu.memory_space<hbm>>
    %dma_wait3A_637 = arith.constant 0 : i32
    %dma_wait3A_638 = arith.constant 0 : i32
    %dma_wait3A_639 = tpu.memref_slice %arg7[%dma_wait3A_628, %dma_wait3A_637, %dma_wait3A_638] : memref<3x128x256xf32, #tpu.memory_space<vmem>> -> memref<1x128x256xf32, #tpu.memory_space<vmem>>
    %dma_wait3A_640 = tpu.memref_squeeze %dma_wait3A_639 : memref<1x128x256xf32, #tpu.memory_space<vmem>> -> memref<128x256xf32, #tpu.memory_space<vmem>>
    tpu.wait_dma2 semaphore(%arg12 : memref<!tpu.dma_semaphore, #tpu.memory_space<semaphore_mem>>) src(%dma_wait3A_640 : memref<128x256xf32, #tpu.memory_space<vmem>>) dst(%dma_wait3A_636 : memref<128x256xf32, #tpu.memory_space<hbm>>)
    %dma_start3A_641 = arith.constant 12 : i32
    %dma_start3A_642 = arith.constant 0 : i32
    %dma_start3A_643 = arith.constant 0 : i32
    %dma_start3A_644 = arith.constant 0 : i32
    %dma_start3A_645 = tpu.memref_slice %arg7[%dma_start3A_642, %dma_start3A_643, %dma_start3A_644] : memref<3x128x256xf32, #tpu.memory_space<vmem>> -> memref<1x128x256xf32, #tpu.memory_space<vmem>>
    %dma_start3A_646 = tpu.memref_squeeze %dma_start3A_645 : memref<1x128x256xf32, #tpu.memory_space<vmem>> -> memref<128x256xf32, #tpu.memory_space<vmem>>
    %dma_start3A_647 = arith.constant 0 : i32
    %dma_start3A_648 = tpu.memref_slice %arg6[%dma_start3A_641, %dma_start3A_647] : memref<16x128xi32, #tpu.memory_space<vmem>> -> memref<1x128xi32, #tpu.memory_space<vmem>>
    %dma_start3A_649 = tpu.memref_squeeze %dma_start3A_648 : memref<1x128xi32, #tpu.memory_space<vmem>> -> memref<128xi32, #tpu.memory_space<vmem>>
    %dma_start3A_650 = arith.constant 0 : i32
    %dma_start3A_651 = arith.constant 0 : i32
    %dma_start3A_652 = tpu.memref_slice %arg3[%dma_start3A_650, %dma_start3A_651] : memref<400000x256xf32, #tpu.memory_space<hbm>> -> memref<400000x256xf32, #tpu.memory_space<hbm>>
    tpu.enqueue_indirect_dma source(%dma_start3A_652 : memref<400000x256xf32, #tpu.memory_space<hbm>>) target(%dma_start3A_646 : memref<128x256xf32, #tpu.memory_space<vmem>>) offsets(%dma_start3A_649 : memref<128xi32, #tpu.memory_space<vmem>>) semaphore(%arg9 : memref<!tpu.dma_semaphore, #tpu.memory_space<semaphore_mem>>)
    %dma_wait3A_653 = arith.constant 10 : i32
    %dma_wait3A_654 = arith.constant 1 : i32
    %dma_wait3A_655 = arith.constant 0 : i32
    %dma_wait3A_656 = arith.constant 0 : i32
    %dma_wait3A_657 = tpu.memref_slice %arg7[%dma_wait3A_654, %dma_wait3A_655, %dma_wait3A_656] : memref<3x128x256xf32, #tpu.memory_space<vmem>> -> memref<1x128x256xf32, #tpu.memory_space<vmem>>
    %dma_wait3A_658 = tpu.memref_squeeze %dma_wait3A_657 : memref<1x128x256xf32, #tpu.memory_space<vmem>> -> memref<128x256xf32, #tpu.memory_space<vmem>>
    %dma_wait3A_659 = arith.constant 0 : i32
    %dma_wait3A_660 = tpu.memref_slice %arg6[%dma_wait3A_653, %dma_wait3A_659] : memref<16x128xi32, #tpu.memory_space<vmem>> -> memref<1x128xi32, #tpu.memory_space<vmem>>
    %dma_wait3A_661 = tpu.memref_squeeze %dma_wait3A_660 : memref<1x128xi32, #tpu.memory_space<vmem>> -> memref<128xi32, #tpu.memory_space<vmem>>
    %dma_wait3A_662 = arith.constant 0 : i32
    %dma_wait3A_663 = arith.constant 0 : i32
    %dma_wait3A_664 = tpu.memref_slice %arg3[%dma_wait3A_662, %dma_wait3A_663] : memref<400000x256xf32, #tpu.memory_space<hbm>> -> memref<400000x256xf32, #tpu.memory_space<hbm>>
    tpu.wait_indirect_dma semaphore(%arg10 : memref<!tpu.dma_semaphore, #tpu.memory_space<semaphore_mem>>) src(%dma_wait3A_664 : memref<400000x256xf32, #tpu.memory_space<hbm>>) dst(%dma_wait3A_658 : memref<128x256xf32, #tpu.memory_space<vmem>>)
    %add3A_665 = arith.constant 1280 : i32
    %add3A_666 = arith.addi %mul3A_78, %add3A_665 : i32
    %dma_start3A_667 = arith.constant 1 : i32
    %dma_start3A_668 = arith.constant 0 : i32
    %dma_start3A_669 = arith.constant 0 : i32
    %dma_start3A_670 = tpu.memref_slice %arg7[%dma_start3A_667, %dma_start3A_668, %dma_start3A_669] : memref<3x128x256xf32, #tpu.memory_space<vmem>> -> memref<1x128x256xf32, #tpu.memory_space<vmem>>
    %dma_start3A_671 = tpu.memref_squeeze %dma_start3A_670 : memref<1x128x256xf32, #tpu.memory_space<vmem>> -> memref<128x256xf32, #tpu.memory_space<vmem>>
    %dma_start3A_672 = arith.constant 0 : i32
    %dma_start3A_673 = tpu.memref_slice %arg4[%add3A_666, %dma_start3A_672] : memref<65536x256xf32, #tpu.memory_space<hbm>> -> memref<128x256xf32, #tpu.memory_space<hbm>>
    %dma_start3A_674 = arith.constant 0 : i32
    %dma_start3A_675 = tpu.memref_slice %arg4[%add3A_666, %dma_start3A_674] : memref<65536x256xf32, #tpu.memory_space<hbm>> -> memref<128x256xf32, #tpu.memory_space<hbm>>
    %dma_start3A_676 = arith.constant 0 : i32
    %dma_start3A_677 = arith.constant 0 : i32
    %dma_start3A_678 = tpu.memref_slice %arg7[%dma_start3A_667, %dma_start3A_676, %dma_start3A_677] : memref<3x128x256xf32, #tpu.memory_space<vmem>> -> memref<1x128x256xf32, #tpu.memory_space<vmem>>
    %dma_start3A_679 = tpu.memref_squeeze %dma_start3A_678 : memref<1x128x256xf32, #tpu.memory_space<vmem>> -> memref<128x256xf32, #tpu.memory_space<vmem>>
    tpu.enqueue_dma source(%dma_start3A_679 : memref<128x256xf32, #tpu.memory_space<vmem>>) target(%dma_start3A_675 : memref<128x256xf32, #tpu.memory_space<hbm>>) target_semaphore(%arg13 : memref<!tpu.dma_semaphore, #tpu.memory_space<semaphore_mem>>)
    %add3A_680 = arith.constant 1280 : i32
    %add3A_681 = arith.addi %mul3A_78, %add3A_680 : i32
    %dma_wait3A_682 = arith.constant 1 : i32
    %dma_wait3A_683 = arith.constant 0 : i32
    %dma_wait3A_684 = arith.constant 0 : i32
    %dma_wait3A_685 = tpu.memref_slice %arg7[%dma_wait3A_682, %dma_wait3A_683, %dma_wait3A_684] : memref<3x128x256xf32, #tpu.memory_space<vmem>> -> memref<1x128x256xf32, #tpu.memory_space<vmem>>
    %dma_wait3A_686 = tpu.memref_squeeze %dma_wait3A_685 : memref<1x128x256xf32, #tpu.memory_space<vmem>> -> memref<128x256xf32, #tpu.memory_space<vmem>>
    %dma_wait3A_687 = arith.constant 0 : i32
    %dma_wait3A_688 = tpu.memref_slice %arg4[%add3A_681, %dma_wait3A_687] : memref<65536x256xf32, #tpu.memory_space<hbm>> -> memref<128x256xf32, #tpu.memory_space<hbm>>
    %dma_wait3A_689 = arith.constant 0 : i32
    %dma_wait3A_690 = tpu.memref_slice %arg4[%add3A_681, %dma_wait3A_689] : memref<65536x256xf32, #tpu.memory_space<hbm>> -> memref<128x256xf32, #tpu.memory_space<hbm>>
    %dma_wait3A_691 = arith.constant 0 : i32
    %dma_wait3A_692 = arith.constant 0 : i32
    %dma_wait3A_693 = tpu.memref_slice %arg7[%dma_wait3A_682, %dma_wait3A_691, %dma_wait3A_692] : memref<3x128x256xf32, #tpu.memory_space<vmem>> -> memref<1x128x256xf32, #tpu.memory_space<vmem>>
    %dma_wait3A_694 = tpu.memref_squeeze %dma_wait3A_693 : memref<1x128x256xf32, #tpu.memory_space<vmem>> -> memref<128x256xf32, #tpu.memory_space<vmem>>
    tpu.wait_dma2 semaphore(%arg13 : memref<!tpu.dma_semaphore, #tpu.memory_space<semaphore_mem>>) src(%dma_wait3A_694 : memref<128x256xf32, #tpu.memory_space<vmem>>) dst(%dma_wait3A_690 : memref<128x256xf32, #tpu.memory_space<hbm>>)
    %dma_start3A_695 = arith.constant 13 : i32
    %dma_start3A_696 = arith.constant 1 : i32
    %dma_start3A_697 = arith.constant 0 : i32
    %dma_start3A_698 = arith.constant 0 : i32
    %dma_start3A_699 = tpu.memref_slice %arg7[%dma_start3A_696, %dma_start3A_697, %dma_start3A_698] : memref<3x128x256xf32, #tpu.memory_space<vmem>> -> memref<1x128x256xf32, #tpu.memory_space<vmem>>
    %dma_start3A_700 = tpu.memref_squeeze %dma_start3A_699 : memref<1x128x256xf32, #tpu.memory_space<vmem>> -> memref<128x256xf32, #tpu.memory_space<vmem>>
    %dma_start3A_701 = arith.constant 0 : i32
    %dma_start3A_702 = tpu.memref_slice %arg6[%dma_start3A_695, %dma_start3A_701] : memref<16x128xi32, #tpu.memory_space<vmem>> -> memref<1x128xi32, #tpu.memory_space<vmem>>
    %dma_start3A_703 = tpu.memref_squeeze %dma_start3A_702 : memref<1x128xi32, #tpu.memory_space<vmem>> -> memref<128xi32, #tpu.memory_space<vmem>>
    %dma_start3A_704 = arith.constant 0 : i32
    %dma_start3A_705 = arith.constant 0 : i32
    %dma_start3A_706 = tpu.memref_slice %arg3[%dma_start3A_704, %dma_start3A_705] : memref<400000x256xf32, #tpu.memory_space<hbm>> -> memref<400000x256xf32, #tpu.memory_space<hbm>>
    tpu.enqueue_indirect_dma source(%dma_start3A_706 : memref<400000x256xf32, #tpu.memory_space<hbm>>) target(%dma_start3A_700 : memref<128x256xf32, #tpu.memory_space<vmem>>) offsets(%dma_start3A_703 : memref<128xi32, #tpu.memory_space<vmem>>) semaphore(%arg10 : memref<!tpu.dma_semaphore, #tpu.memory_space<semaphore_mem>>)
    %dma_wait3A_707 = arith.constant 11 : i32
    %dma_wait3A_708 = arith.constant 2 : i32
    %dma_wait3A_709 = arith.constant 0 : i32
    %dma_wait3A_710 = arith.constant 0 : i32
    %dma_wait3A_711 = tpu.memref_slice %arg7[%dma_wait3A_708, %dma_wait3A_709, %dma_wait3A_710] : memref<3x128x256xf32, #tpu.memory_space<vmem>> -> memref<1x128x256xf32, #tpu.memory_space<vmem>>
    %dma_wait3A_712 = tpu.memref_squeeze %dma_wait3A_711 : memref<1x128x256xf32, #tpu.memory_space<vmem>> -> memref<128x256xf32, #tpu.memory_space<vmem>>
    %dma_wait3A_713 = arith.constant 0 : i32
    %dma_wait3A_714 = tpu.memref_slice %arg6[%dma_wait3A_707, %dma_wait3A_713] : memref<16x128xi32, #tpu.memory_space<vmem>> -> memref<1x128xi32, #tpu.memory_space<vmem>>
    %dma_wait3A_715 = tpu.memref_squeeze %dma_wait3A_714 : memref<1x128xi32, #tpu.memory_space<vmem>> -> memref<128xi32, #tpu.memory_space<vmem>>
    %dma_wait3A_716 = arith.constant 0 : i32
    %dma_wait3A_717 = arith.constant 0 : i32
    %dma_wait3A_718 = tpu.memref_slice %arg3[%dma_wait3A_716, %dma_wait3A_717] : memref<400000x256xf32, #tpu.memory_space<hbm>> -> memref<400000x256xf32, #tpu.memory_space<hbm>>
    tpu.wait_indirect_dma semaphore(%arg11 : memref<!tpu.dma_semaphore, #tpu.memory_space<semaphore_mem>>) src(%dma_wait3A_718 : memref<400000x256xf32, #tpu.memory_space<hbm>>) dst(%dma_wait3A_712 : memref<128x256xf32, #tpu.memory_space<vmem>>)
    %add3A_719 = arith.constant 1408 : i32
    %add3A_720 = arith.addi %mul3A_78, %add3A_719 : i32
    %dma_start3A_721 = arith.constant 2 : i32
    %dma_start3A_722 = arith.constant 0 : i32
    %dma_start3A_723 = arith.constant 0 : i32
    %dma_start3A_724 = tpu.memref_slice %arg7[%dma_start3A_721, %dma_start3A_722, %dma_start3A_723] : memref<3x128x256xf32, #tpu.memory_space<vmem>> -> memref<1x128x256xf32, #tpu.memory_space<vmem>>
    %dma_start3A_725 = tpu.memref_squeeze %dma_start3A_724 : memref<1x128x256xf32, #tpu.memory_space<vmem>> -> memref<128x256xf32, #tpu.memory_space<vmem>>
    %dma_start3A_726 = arith.constant 0 : i32
    %dma_start3A_727 = tpu.memref_slice %arg4[%add3A_720, %dma_start3A_726] : memref<65536x256xf32, #tpu.memory_space<hbm>> -> memref<128x256xf32, #tpu.memory_space<hbm>>
    %dma_start3A_728 = arith.constant 0 : i32
    %dma_start3A_729 = tpu.memref_slice %arg4[%add3A_720, %dma_start3A_728] : memref<65536x256xf32, #tpu.memory_space<hbm>> -> memref<128x256xf32, #tpu.memory_space<hbm>>
    %dma_start3A_730 = arith.constant 0 : i32
    %dma_start3A_731 = arith.constant 0 : i32
    %dma_start3A_732 = tpu.memref_slice %arg7[%dma_start3A_721, %dma_start3A_730, %dma_start3A_731] : memref<3x128x256xf32, #tpu.memory_space<vmem>> -> memref<1x128x256xf32, #tpu.memory_space<vmem>>
    %dma_start3A_733 = tpu.memref_squeeze %dma_start3A_732 : memref<1x128x256xf32, #tpu.memory_space<vmem>> -> memref<128x256xf32, #tpu.memory_space<vmem>>
    tpu.enqueue_dma source(%dma_start3A_733 : memref<128x256xf32, #tpu.memory_space<vmem>>) target(%dma_start3A_729 : memref<128x256xf32, #tpu.memory_space<hbm>>) target_semaphore(%arg14 : memref<!tpu.dma_semaphore, #tpu.memory_space<semaphore_mem>>)
    %add3A_734 = arith.constant 1408 : i32
    %add3A_735 = arith.addi %mul3A_78, %add3A_734 : i32
    %dma_wait3A_736 = arith.constant 2 : i32
    %dma_wait3A_737 = arith.constant 0 : i32
    %dma_wait3A_738 = arith.constant 0 : i32
    %dma_wait3A_739 = tpu.memref_slice %arg7[%dma_wait3A_736, %dma_wait3A_737, %dma_wait3A_738] : memref<3x128x256xf32, #tpu.memory_space<vmem>> -> memref<1x128x256xf32, #tpu.memory_space<vmem>>
    %dma_wait3A_740 = tpu.memref_squeeze %dma_wait3A_739 : memref<1x128x256xf32, #tpu.memory_space<vmem>> -> memref<128x256xf32, #tpu.memory_space<vmem>>
    %dma_wait3A_741 = arith.constant 0 : i32
    %dma_wait3A_742 = tpu.memref_slice %arg4[%add3A_735, %dma_wait3A_741] : memref<65536x256xf32, #tpu.memory_space<hbm>> -> memref<128x256xf32, #tpu.memory_space<hbm>>
    %dma_wait3A_743 = arith.constant 0 : i32
    %dma_wait3A_744 = tpu.memref_slice %arg4[%add3A_735, %dma_wait3A_743] : memref<65536x256xf32, #tpu.memory_space<hbm>> -> memref<128x256xf32, #tpu.memory_space<hbm>>
    %dma_wait3A_745 = arith.constant 0 : i32
    %dma_wait3A_746 = arith.constant 0 : i32
    %dma_wait3A_747 = tpu.memref_slice %arg7[%dma_wait3A_736, %dma_wait3A_745, %dma_wait3A_746] : memref<3x128x256xf32, #tpu.memory_space<vmem>> -> memref<1x128x256xf32, #tpu.memory_space<vmem>>
    %dma_wait3A_748 = tpu.memref_squeeze %dma_wait3A_747 : memref<1x128x256xf32, #tpu.memory_space<vmem>> -> memref<128x256xf32, #tpu.memory_space<vmem>>
    tpu.wait_dma2 semaphore(%arg14 : memref<!tpu.dma_semaphore, #tpu.memory_space<semaphore_mem>>) src(%dma_wait3A_748 : memref<128x256xf32, #tpu.memory_space<vmem>>) dst(%dma_wait3A_744 : memref<128x256xf32, #tpu.memory_space<hbm>>)
    %dma_start3A_749 = arith.constant 14 : i32
    %dma_start3A_750 = arith.constant 2 : i32
    %dma_start3A_751 = arith.constant 0 : i32
    %dma_start3A_752 = arith.constant 0 : i32
    %dma_start3A_753 = tpu.memref_slice %arg7[%dma_start3A_750, %dma_start3A_751, %dma_start3A_752] : memref<3x128x256xf32, #tpu.memory_space<vmem>> -> memref<1x128x256xf32, #tpu.memory_space<vmem>>
    %dma_start3A_754 = tpu.memref_squeeze %dma_start3A_753 : memref<1x128x256xf32, #tpu.memory_space<vmem>> -> memref<128x256xf32, #tpu.memory_space<vmem>>
    %dma_start3A_755 = arith.constant 0 : i32
    %dma_start3A_756 = tpu.memref_slice %arg6[%dma_start3A_749, %dma_start3A_755] : memref<16x128xi32, #tpu.memory_space<vmem>> -> memref<1x128xi32, #tpu.memory_space<vmem>>
    %dma_start3A_757 = tpu.memref_squeeze %dma_start3A_756 : memref<1x128xi32, #tpu.memory_space<vmem>> -> memref<128xi32, #tpu.memory_space<vmem>>
    %dma_start3A_758 = arith.constant 0 : i32
    %dma_start3A_759 = arith.constant 0 : i32
    %dma_start3A_760 = tpu.memref_slice %arg3[%dma_start3A_758, %dma_start3A_759] : memref<400000x256xf32, #tpu.memory_space<hbm>> -> memref<400000x256xf32, #tpu.memory_space<hbm>>
    tpu.enqueue_indirect_dma source(%dma_start3A_760 : memref<400000x256xf32, #tpu.memory_space<hbm>>) target(%dma_start3A_754 : memref<128x256xf32, #tpu.memory_space<vmem>>) offsets(%dma_start3A_757 : memref<128xi32, #tpu.memory_space<vmem>>) semaphore(%arg11 : memref<!tpu.dma_semaphore, #tpu.memory_space<semaphore_mem>>)
    %dma_wait3A_761 = arith.constant 12 : i32
    %dma_wait3A_762 = arith.constant 0 : i32
    %dma_wait3A_763 = arith.constant 0 : i32
    %dma_wait3A_764 = arith.constant 0 : i32
    %dma_wait3A_765 = tpu.memref_slice %arg7[%dma_wait3A_762, %dma_wait3A_763, %dma_wait3A_764] : memref<3x128x256xf32, #tpu.memory_space<vmem>> -> memref<1x128x256xf32, #tpu.memory_space<vmem>>
    %dma_wait3A_766 = tpu.memref_squeeze %dma_wait3A_765 : memref<1x128x256xf32, #tpu.memory_space<vmem>> -> memref<128x256xf32, #tpu.memory_space<vmem>>
    %dma_wait3A_767 = arith.constant 0 : i32
    %dma_wait3A_768 = tpu.memref_slice %arg6[%dma_wait3A_761, %dma_wait3A_767] : memref<16x128xi32, #tpu.memory_space<vmem>> -> memref<1x128xi32, #tpu.memory_space<vmem>>
    %dma_wait3A_769 = tpu.memref_squeeze %dma_wait3A_768 : memref<1x128xi32, #tpu.memory_space<vmem>> -> memref<128xi32, #tpu.memory_space<vmem>>
    %dma_wait3A_770 = arith.constant 0 : i32
    %dma_wait3A_771 = arith.constant 0 : i32
    %dma_wait3A_772 = tpu.memref_slice %arg3[%dma_wait3A_770, %dma_wait3A_771] : memref<400000x256xf32, #tpu.memory_space<hbm>> -> memref<400000x256xf32, #tpu.memory_space<hbm>>
    tpu.wait_indirect_dma semaphore(%arg9 : memref<!tpu.dma_semaphore, #tpu.memory_space<semaphore_mem>>) src(%dma_wait3A_772 : memref<400000x256xf32, #tpu.memory_space<hbm>>) dst(%dma_wait3A_766 : memref<128x256xf32, #tpu.memory_space<vmem>>)
    %add3A_773 = arith.constant 1536 : i32
    %add3A_774 = arith.addi %mul3A_78, %add3A_773 : i32
    %dma_start3A_775 = arith.constant 0 : i32
    %dma_start3A_776 = arith.constant 0 : i32
    %dma_start3A_777 = arith.constant 0 : i32
    %dma_start3A_778 = tpu.memref_slice %arg7[%dma_start3A_775, %dma_start3A_776, %dma_start3A_777] : memref<3x128x256xf32, #tpu.memory_space<vmem>> -> memref<1x128x256xf32, #tpu.memory_space<vmem>>
    %dma_start3A_779 = tpu.memref_squeeze %dma_start3A_778 : memref<1x128x256xf32, #tpu.memory_space<vmem>> -> memref<128x256xf32, #tpu.memory_space<vmem>>
    %dma_start3A_780 = arith.constant 0 : i32
    %dma_start3A_781 = tpu.memref_slice %arg4[%add3A_774, %dma_start3A_780] : memref<65536x256xf32, #tpu.memory_space<hbm>> -> memref<128x256xf32, #tpu.memory_space<hbm>>
    %dma_start3A_782 = arith.constant 0 : i32
    %dma_start3A_783 = tpu.memref_slice %arg4[%add3A_774, %dma_start3A_782] : memref<65536x256xf32, #tpu.memory_space<hbm>> -> memref<128x256xf32, #tpu.memory_space<hbm>>
    %dma_start3A_784 = arith.constant 0 : i32
    %dma_start3A_785 = arith.constant 0 : i32
    %dma_start3A_786 = tpu.memref_slice %arg7[%dma_start3A_775, %dma_start3A_784, %dma_start3A_785] : memref<3x128x256xf32, #tpu.memory_space<vmem>> -> memref<1x128x256xf32, #tpu.memory_space<vmem>>
    %dma_start3A_787 = tpu.memref_squeeze %dma_start3A_786 : memref<1x128x256xf32, #tpu.memory_space<vmem>> -> memref<128x256xf32, #tpu.memory_space<vmem>>
    tpu.enqueue_dma source(%dma_start3A_787 : memref<128x256xf32, #tpu.memory_space<vmem>>) target(%dma_start3A_783 : memref<128x256xf32, #tpu.memory_space<hbm>>) target_semaphore(%arg12 : memref<!tpu.dma_semaphore, #tpu.memory_space<semaphore_mem>>)
    %add3A_788 = arith.constant 1536 : i32
    %add3A_789 = arith.addi %mul3A_78, %add3A_788 : i32
    %dma_wait3A_790 = arith.constant 0 : i32
    %dma_wait3A_791 = arith.constant 0 : i32
    %dma_wait3A_792 = arith.constant 0 : i32
    %dma_wait3A_793 = tpu.memref_slice %arg7[%dma_wait3A_790, %dma_wait3A_791, %dma_wait3A_792] : memref<3x128x256xf32, #tpu.memory_space<vmem>> -> memref<1x128x256xf32, #tpu.memory_space<vmem>>
    %dma_wait3A_794 = tpu.memref_squeeze %dma_wait3A_793 : memref<1x128x256xf32, #tpu.memory_space<vmem>> -> memref<128x256xf32, #tpu.memory_space<vmem>>
    %dma_wait3A_795 = arith.constant 0 : i32
    %dma_wait3A_796 = tpu.memref_slice %arg4[%add3A_789, %dma_wait3A_795] : memref<65536x256xf32, #tpu.memory_space<hbm>> -> memref<128x256xf32, #tpu.memory_space<hbm>>
    %dma_wait3A_797 = arith.constant 0 : i32
    %dma_wait3A_798 = tpu.memref_slice %arg4[%add3A_789, %dma_wait3A_797] : memref<65536x256xf32, #tpu.memory_space<hbm>> -> memref<128x256xf32, #tpu.memory_space<hbm>>
    %dma_wait3A_799 = arith.constant 0 : i32
    %dma_wait3A_800 = arith.constant 0 : i32
    %dma_wait3A_801 = tpu.memref_slice %arg7[%dma_wait3A_790, %dma_wait3A_799, %dma_wait3A_800] : memref<3x128x256xf32, #tpu.memory_space<vmem>> -> memref<1x128x256xf32, #tpu.memory_space<vmem>>
    %dma_wait3A_802 = tpu.memref_squeeze %dma_wait3A_801 : memref<1x128x256xf32, #tpu.memory_space<vmem>> -> memref<128x256xf32, #tpu.memory_space<vmem>>
    tpu.wait_dma2 semaphore(%arg12 : memref<!tpu.dma_semaphore, #tpu.memory_space<semaphore_mem>>) src(%dma_wait3A_802 : memref<128x256xf32, #tpu.memory_space<vmem>>) dst(%dma_wait3A_798 : memref<128x256xf32, #tpu.memory_space<hbm>>)
    %dma_start3A_803 = arith.constant 15 : i32
    %dma_start3A_804 = arith.constant 0 : i32
    %dma_start3A_805 = arith.constant 0 : i32
    %dma_start3A_806 = arith.constant 0 : i32
    %dma_start3A_807 = tpu.memref_slice %arg7[%dma_start3A_804, %dma_start3A_805, %dma_start3A_806] : memref<3x128x256xf32, #tpu.memory_space<vmem>> -> memref<1x128x256xf32, #tpu.memory_space<vmem>>
    %dma_start3A_808 = tpu.memref_squeeze %dma_start3A_807 : memref<1x128x256xf32, #tpu.memory_space<vmem>> -> memref<128x256xf32, #tpu.memory_space<vmem>>
    %dma_start3A_809 = arith.constant 0 : i32
    %dma_start3A_810 = tpu.memref_slice %arg6[%dma_start3A_803, %dma_start3A_809] : memref<16x128xi32, #tpu.memory_space<vmem>> -> memref<1x128xi32, #tpu.memory_space<vmem>>
    %dma_start3A_811 = tpu.memref_squeeze %dma_start3A_810 : memref<1x128xi32, #tpu.memory_space<vmem>> -> memref<128xi32, #tpu.memory_space<vmem>>
    %dma_start3A_812 = arith.constant 0 : i32
    %dma_start3A_813 = arith.constant 0 : i32
    %dma_start3A_814 = tpu.memref_slice %arg3[%dma_start3A_812, %dma_start3A_813] : memref<400000x256xf32, #tpu.memory_space<hbm>> -> memref<400000x256xf32, #tpu.memory_space<hbm>>
    tpu.enqueue_indirect_dma source(%dma_start3A_814 : memref<400000x256xf32, #tpu.memory_space<hbm>>) target(%dma_start3A_808 : memref<128x256xf32, #tpu.memory_space<vmem>>) offsets(%dma_start3A_811 : memref<128xi32, #tpu.memory_space<vmem>>) semaphore(%arg9 : memref<!tpu.dma_semaphore, #tpu.memory_space<semaphore_mem>>)
    %dma_wait3A_815 = arith.constant 13 : i32
    %dma_wait3A_816 = arith.constant 1 : i32
    %dma_wait3A_817 = arith.constant 0 : i32
    %dma_wait3A_818 = arith.constant 0 : i32
    %dma_wait3A_819 = tpu.memref_slice %arg7[%dma_wait3A_816, %dma_wait3A_817, %dma_wait3A_818] : memref<3x128x256xf32, #tpu.memory_space<vmem>> -> memref<1x128x256xf32, #tpu.memory_space<vmem>>
    %dma_wait3A_820 = tpu.memref_squeeze %dma_wait3A_819 : memref<1x128x256xf32, #tpu.memory_space<vmem>> -> memref<128x256xf32, #tpu.memory_space<vmem>>
    %dma_wait3A_821 = arith.constant 0 : i32
    %dma_wait3A_822 = tpu.memref_slice %arg6[%dma_wait3A_815, %dma_wait3A_821] : memref<16x128xi32, #tpu.memory_space<vmem>> -> memref<1x128xi32, #tpu.memory_space<vmem>>
    %dma_wait3A_823 = tpu.memref_squeeze %dma_wait3A_822 : memref<1x128xi32, #tpu.memory_space<vmem>> -> memref<128xi32, #tpu.memory_space<vmem>>
    %dma_wait3A_824 = arith.constant 0 : i32
    %dma_wait3A_825 = arith.constant 0 : i32
    %dma_wait3A_826 = tpu.memref_slice %arg3[%dma_wait3A_824, %dma_wait3A_825] : memref<400000x256xf32, #tpu.memory_space<hbm>> -> memref<400000x256xf32, #tpu.memory_space<hbm>>
    tpu.wait_indirect_dma semaphore(%arg10 : memref<!tpu.dma_semaphore, #tpu.memory_space<semaphore_mem>>) src(%dma_wait3A_826 : memref<400000x256xf32, #tpu.memory_space<hbm>>) dst(%dma_wait3A_820 : memref<128x256xf32, #tpu.memory_space<vmem>>)
    %add3A_827 = arith.constant 1664 : i32
    %add3A_828 = arith.addi %mul3A_78, %add3A_827 : i32
    %dma_start3A_829 = arith.constant 1 : i32
    %dma_start3A_830 = arith.constant 0 : i32
    %dma_start3A_831 = arith.constant 0 : i32
    %dma_start3A_832 = tpu.memref_slice %arg7[%dma_start3A_829, %dma_start3A_830, %dma_start3A_831] : memref<3x128x256xf32, #tpu.memory_space<vmem>> -> memref<1x128x256xf32, #tpu.memory_space<vmem>>
    %dma_start3A_833 = tpu.memref_squeeze %dma_start3A_832 : memref<1x128x256xf32, #tpu.memory_space<vmem>> -> memref<128x256xf32, #tpu.memory_space<vmem>>
    %dma_start3A_834 = arith.constant 0 : i32
    %dma_start3A_835 = tpu.memref_slice %arg4[%add3A_828, %dma_start3A_834] : memref<65536x256xf32, #tpu.memory_space<hbm>> -> memref<128x256xf32, #tpu.memory_space<hbm>>
    %dma_start3A_836 = arith.constant 0 : i32
    %dma_start3A_837 = tpu.memref_slice %arg4[%add3A_828, %dma_start3A_836] : memref<65536x256xf32, #tpu.memory_space<hbm>> -> memref<128x256xf32, #tpu.memory_space<hbm>>
    %dma_start3A_838 = arith.constant 0 : i32
    %dma_start3A_839 = arith.constant 0 : i32
    %dma_start3A_840 = tpu.memref_slice %arg7[%dma_start3A_829, %dma_start3A_838, %dma_start3A_839] : memref<3x128x256xf32, #tpu.memory_space<vmem>> -> memref<1x128x256xf32, #tpu.memory_space<vmem>>
    %dma_start3A_841 = tpu.memref_squeeze %dma_start3A_840 : memref<1x128x256xf32, #tpu.memory_space<vmem>> -> memref<128x256xf32, #tpu.memory_space<vmem>>
    tpu.enqueue_dma source(%dma_start3A_841 : memref<128x256xf32, #tpu.memory_space<vmem>>) target(%dma_start3A_837 : memref<128x256xf32, #tpu.memory_space<hbm>>) target_semaphore(%arg13 : memref<!tpu.dma_semaphore, #tpu.memory_space<semaphore_mem>>)
    %dma_wait3A_842 = arith.constant 14 : i32
    %dma_wait3A_843 = arith.constant 2 : i32
    %dma_wait3A_844 = arith.constant 0 : i32
    %dma_wait3A_845 = arith.constant 0 : i32
    %dma_wait3A_846 = tpu.memref_slice %arg7[%dma_wait3A_843, %dma_wait3A_844, %dma_wait3A_845] : memref<3x128x256xf32, #tpu.memory_space<vmem>> -> memref<1x128x256xf32, #tpu.memory_space<vmem>>
    %dma_wait3A_847 = tpu.memref_squeeze %dma_wait3A_846 : memref<1x128x256xf32, #tpu.memory_space<vmem>> -> memref<128x256xf32, #tpu.memory_space<vmem>>
    %dma_wait3A_848 = arith.constant 0 : i32
    %dma_wait3A_849 = tpu.memref_slice %arg6[%dma_wait3A_842, %dma_wait3A_848] : memref<16x128xi32, #tpu.memory_space<vmem>> -> memref<1x128xi32, #tpu.memory_space<vmem>>
    %dma_wait3A_850 = tpu.memref_squeeze %dma_wait3A_849 : memref<1x128xi32, #tpu.memory_space<vmem>> -> memref<128xi32, #tpu.memory_space<vmem>>
    %dma_wait3A_851 = arith.constant 0 : i32
    %dma_wait3A_852 = arith.constant 0 : i32
    %dma_wait3A_853 = tpu.memref_slice %arg3[%dma_wait3A_851, %dma_wait3A_852] : memref<400000x256xf32, #tpu.memory_space<hbm>> -> memref<400000x256xf32, #tpu.memory_space<hbm>>
    tpu.wait_indirect_dma semaphore(%arg11 : memref<!tpu.dma_semaphore, #tpu.memory_space<semaphore_mem>>) src(%dma_wait3A_853 : memref<400000x256xf32, #tpu.memory_space<hbm>>) dst(%dma_wait3A_847 : memref<128x256xf32, #tpu.memory_space<vmem>>)
    %add3A_854 = arith.constant 1792 : i32
    %add3A_855 = arith.addi %mul3A_78, %add3A_854 : i32
    %dma_start3A_856 = arith.constant 2 : i32
    %dma_start3A_857 = arith.constant 0 : i32
    %dma_start3A_858 = arith.constant 0 : i32
    %dma_start3A_859 = tpu.memref_slice %arg7[%dma_start3A_856, %dma_start3A_857, %dma_start3A_858] : memref<3x128x256xf32, #tpu.memory_space<vmem>> -> memref<1x128x256xf32, #tpu.memory_space<vmem>>
    %dma_start3A_860 = tpu.memref_squeeze %dma_start3A_859 : memref<1x128x256xf32, #tpu.memory_space<vmem>> -> memref<128x256xf32, #tpu.memory_space<vmem>>
    %dma_start3A_861 = arith.constant 0 : i32
    %dma_start3A_862 = tpu.memref_slice %arg4[%add3A_855, %dma_start3A_861] : memref<65536x256xf32, #tpu.memory_space<hbm>> -> memref<128x256xf32, #tpu.memory_space<hbm>>
    %dma_start3A_863 = arith.constant 0 : i32
    %dma_start3A_864 = tpu.memref_slice %arg4[%add3A_855, %dma_start3A_863] : memref<65536x256xf32, #tpu.memory_space<hbm>> -> memref<128x256xf32, #tpu.memory_space<hbm>>
    %dma_start3A_865 = arith.constant 0 : i32
    %dma_start3A_866 = arith.constant 0 : i32
    %dma_start3A_867 = tpu.memref_slice %arg7[%dma_start3A_856, %dma_start3A_865, %dma_start3A_866] : memref<3x128x256xf32, #tpu.memory_space<vmem>> -> memref<1x128x256xf32, #tpu.memory_space<vmem>>
    %dma_start3A_868 = tpu.memref_squeeze %dma_start3A_867 : memref<1x128x256xf32, #tpu.memory_space<vmem>> -> memref<128x256xf32, #tpu.memory_space<vmem>>
    tpu.enqueue_dma source(%dma_start3A_868 : memref<128x256xf32, #tpu.memory_space<vmem>>) target(%dma_start3A_864 : memref<128x256xf32, #tpu.memory_space<hbm>>) target_semaphore(%arg14 : memref<!tpu.dma_semaphore, #tpu.memory_space<semaphore_mem>>)
    %dma_wait3A_869 = arith.constant 15 : i32
    %dma_wait3A_870 = arith.constant 0 : i32
    %dma_wait3A_871 = arith.constant 0 : i32
    %dma_wait3A_872 = arith.constant 0 : i32
    %dma_wait3A_873 = tpu.memref_slice %arg7[%dma_wait3A_870, %dma_wait3A_871, %dma_wait3A_872] : memref<3x128x256xf32, #tpu.memory_space<vmem>> -> memref<1x128x256xf32, #tpu.memory_space<vmem>>
    %dma_wait3A_874 = tpu.memref_squeeze %dma_wait3A_873 : memref<1x128x256xf32, #tpu.memory_space<vmem>> -> memref<128x256xf32, #tpu.memory_space<vmem>>
    %dma_wait3A_875 = arith.constant 0 : i32
    %dma_wait3A_876 = tpu.memref_slice %arg6[%dma_wait3A_869, %dma_wait3A_875] : memref<16x128xi32, #tpu.memory_space<vmem>> -> memref<1x128xi32, #tpu.memory_space<vmem>>
    %dma_wait3A_877 = tpu.memref_squeeze %dma_wait3A_876 : memref<1x128xi32, #tpu.memory_space<vmem>> -> memref<128xi32, #tpu.memory_space<vmem>>
    %dma_wait3A_878 = arith.constant 0 : i32
    %dma_wait3A_879 = arith.constant 0 : i32
    %dma_wait3A_880 = tpu.memref_slice %arg3[%dma_wait3A_878, %dma_wait3A_879] : memref<400000x256xf32, #tpu.memory_space<hbm>> -> memref<400000x256xf32, #tpu.memory_space<hbm>>
    tpu.wait_indirect_dma semaphore(%arg9 : memref<!tpu.dma_semaphore, #tpu.memory_space<semaphore_mem>>) src(%dma_wait3A_880 : memref<400000x256xf32, #tpu.memory_space<hbm>>) dst(%dma_wait3A_874 : memref<128x256xf32, #tpu.memory_space<vmem>>)
    %add3A_881 = arith.constant 1920 : i32
    %add3A_882 = arith.addi %mul3A_78, %add3A_881 : i32
    %dma_start3A_883 = arith.constant 0 : i32
    %dma_start3A_884 = arith.constant 0 : i32
    %dma_start3A_885 = arith.constant 0 : i32
    %dma_start3A_886 = tpu.memref_slice %arg7[%dma_start3A_883, %dma_start3A_884, %dma_start3A_885] : memref<3x128x256xf32, #tpu.memory_space<vmem>> -> memref<1x128x256xf32, #tpu.memory_space<vmem>>
    %dma_start3A_887 = tpu.memref_squeeze %dma_start3A_886 : memref<1x128x256xf32, #tpu.memory_space<vmem>> -> memref<128x256xf32, #tpu.memory_space<vmem>>
    %dma_start3A_888 = arith.constant 0 : i32
    %dma_start3A_889 = tpu.memref_slice %arg4[%add3A_882, %dma_start3A_888] : memref<65536x256xf32, #tpu.memory_space<hbm>> -> memref<128x256xf32, #tpu.memory_space<hbm>>
    %dma_start3A_890 = arith.constant 0 : i32
    %dma_start3A_891 = tpu.memref_slice %arg4[%add3A_882, %dma_start3A_890] : memref<65536x256xf32, #tpu.memory_space<hbm>> -> memref<128x256xf32, #tpu.memory_space<hbm>>
    %dma_start3A_892 = arith.constant 0 : i32
    %dma_start3A_893 = arith.constant 0 : i32
    %dma_start3A_894 = tpu.memref_slice %arg7[%dma_start3A_883, %dma_start3A_892, %dma_start3A_893] : memref<3x128x256xf32, #tpu.memory_space<vmem>> -> memref<1x128x256xf32, #tpu.memory_space<vmem>>
    %dma_start3A_895 = tpu.memref_squeeze %dma_start3A_894 : memref<1x128x256xf32, #tpu.memory_space<vmem>> -> memref<128x256xf32, #tpu.memory_space<vmem>>
    tpu.enqueue_dma source(%dma_start3A_895 : memref<128x256xf32, #tpu.memory_space<vmem>>) target(%dma_start3A_891 : memref<128x256xf32, #tpu.memory_space<hbm>>) target_semaphore(%arg12 : memref<!tpu.dma_semaphore, #tpu.memory_space<semaphore_mem>>)
    %add3A_896 = arith.constant 1664 : i32
    %add3A_897 = arith.addi %mul3A_78, %add3A_896 : i32
    %dma_wait3A_898 = arith.constant 1 : i32
    %dma_wait3A_899 = arith.constant 0 : i32
    %dma_wait3A_900 = arith.constant 0 : i32
    %dma_wait3A_901 = tpu.memref_slice %arg7[%dma_wait3A_898, %dma_wait3A_899, %dma_wait3A_900] : memref<3x128x256xf32, #tpu.memory_space<vmem>> -> memref<1x128x256xf32, #tpu.memory_space<vmem>>
    %dma_wait3A_902 = tpu.memref_squeeze %dma_wait3A_901 : memref<1x128x256xf32, #tpu.memory_space<vmem>> -> memref<128x256xf32, #tpu.memory_space<vmem>>
    %dma_wait3A_903 = arith.constant 0 : i32
    %dma_wait3A_904 = tpu.memref_slice %arg4[%add3A_897, %dma_wait3A_903] : memref<65536x256xf32, #tpu.memory_space<hbm>> -> memref<128x256xf32, #tpu.memory_space<hbm>>
    %dma_wait3A_905 = arith.constant 0 : i32
    %dma_wait3A_906 = tpu.memref_slice %arg4[%add3A_897, %dma_wait3A_905] : memref<65536x256xf32, #tpu.memory_space<hbm>> -> memref<128x256xf32, #tpu.memory_space<hbm>>
    %dma_wait3A_907 = arith.constant 0 : i32
    %dma_wait3A_908 = arith.constant 0 : i32
    %dma_wait3A_909 = tpu.memref_slice %arg7[%dma_wait3A_898, %dma_wait3A_907, %dma_wait3A_908] : memref<3x128x256xf32, #tpu.memory_space<vmem>> -> memref<1x128x256xf32, #tpu.memory_space<vmem>>
    %dma_wait3A_910 = tpu.memref_squeeze %dma_wait3A_909 : memref<1x128x256xf32, #tpu.memory_space<vmem>> -> memref<128x256xf32, #tpu.memory_space<vmem>>
    tpu.wait_dma2 semaphore(%arg13 : memref<!tpu.dma_semaphore, #tpu.memory_space<semaphore_mem>>) src(%dma_wait3A_910 : memref<128x256xf32, #tpu.memory_space<vmem>>) dst(%dma_wait3A_906 : memref<128x256xf32, #tpu.memory_space<hbm>>)
    %add3A_911 = arith.constant 1792 : i32
    %add3A_912 = arith.addi %mul3A_78, %add3A_911 : i32
    %dma_wait3A_913 = arith.constant 2 : i32
    %dma_wait3A_914 = arith.constant 0 : i32
    %dma_wait3A_915 = arith.constant 0 : i32
    %dma_wait3A_916 = tpu.memref_slice %arg7[%dma_wait3A_913, %dma_wait3A_914, %dma_wait3A_915] : memref<3x128x256xf32, #tpu.memory_space<vmem>> -> memref<1x128x256xf32, #tpu.memory_space<vmem>>
    %dma_wait3A_917 = tpu.memref_squeeze %dma_wait3A_916 : memref<1x128x256xf32, #tpu.memory_space<vmem>> -> memref<128x256xf32, #tpu.memory_space<vmem>>
    %dma_wait3A_918 = arith.constant 0 : i32
    %dma_wait3A_919 = tpu.memref_slice %arg4[%add3A_912, %dma_wait3A_918] : memref<65536x256xf32, #tpu.memory_space<hbm>> -> memref<128x256xf32, #tpu.memory_space<hbm>>
    %dma_wait3A_920 = arith.constant 0 : i32
    %dma_wait3A_921 = tpu.memref_slice %arg4[%add3A_912, %dma_wait3A_920] : memref<65536x256xf32, #tpu.memory_space<hbm>> -> memref<128x256xf32, #tpu.memory_space<hbm>>
    %dma_wait3A_922 = arith.constant 0 : i32
    %dma_wait3A_923 = arith.constant 0 : i32
    %dma_wait3A_924 = tpu.memref_slice %arg7[%dma_wait3A_913, %dma_wait3A_922, %dma_wait3A_923] : memref<3x128x256xf32, #tpu.memory_space<vmem>> -> memref<1x128x256xf32, #tpu.memory_space<vmem>>
    %dma_wait3A_925 = tpu.memref_squeeze %dma_wait3A_924 : memref<1x128x256xf32, #tpu.memory_space<vmem>> -> memref<128x256xf32, #tpu.memory_space<vmem>>
    tpu.wait_dma2 semaphore(%arg14 : memref<!tpu.dma_semaphore, #tpu.memory_space<semaphore_mem>>) src(%dma_wait3A_925 : memref<128x256xf32, #tpu.memory_space<vmem>>) dst(%dma_wait3A_921 : memref<128x256xf32, #tpu.memory_space<hbm>>)
    %add3A_926 = arith.constant 1920 : i32
    %add3A_927 = arith.addi %mul3A_78, %add3A_926 : i32
    %dma_wait3A_928 = arith.constant 0 : i32
    %dma_wait3A_929 = arith.constant 0 : i32
    %dma_wait3A_930 = arith.constant 0 : i32
    %dma_wait3A_931 = tpu.memref_slice %arg7[%dma_wait3A_928, %dma_wait3A_929, %dma_wait3A_930] : memref<3x128x256xf32, #tpu.memory_space<vmem>> -> memref<1x128x256xf32, #tpu.memory_space<vmem>>
    %dma_wait3A_932 = tpu.memref_squeeze %dma_wait3A_931 : memref<1x128x256xf32, #tpu.memory_space<vmem>> -> memref<128x256xf32, #tpu.memory_space<vmem>>
    %dma_wait3A_933 = arith.constant 0 : i32
    %dma_wait3A_934 = tpu.memref_slice %arg4[%add3A_927, %dma_wait3A_933] : memref<65536x256xf32, #tpu.memory_space<hbm>> -> memref<128x256xf32, #tpu.memory_space<hbm>>
    %dma_wait3A_935 = arith.constant 0 : i32
    %dma_wait3A_936 = tpu.memref_slice %arg4[%add3A_927, %dma_wait3A_935] : memref<65536x256xf32, #tpu.memory_space<hbm>> -> memref<128x256xf32, #tpu.memory_space<hbm>>
    %dma_wait3A_937 = arith.constant 0 : i32
    %dma_wait3A_938 = arith.constant 0 : i32
    %dma_wait3A_939 = tpu.memref_slice %arg7[%dma_wait3A_928, %dma_wait3A_937, %dma_wait3A_938] : memref<3x128x256xf32, #tpu.memory_space<vmem>> -> memref<1x128x256xf32, #tpu.memory_space<vmem>>
    %dma_wait3A_940 = tpu.memref_squeeze %dma_wait3A_939 : memref<1x128x256xf32, #tpu.memory_space<vmem>> -> memref<128x256xf32, #tpu.memory_space<vmem>>
    tpu.wait_dma2 semaphore(%arg12 : memref<!tpu.dma_semaphore, #tpu.memory_space<semaphore_mem>>) src(%dma_wait3A_940 : memref<128x256xf32, #tpu.memory_space<vmem>>) dst(%dma_wait3A_936 : memref<128x256xf32, #tpu.memory_space<hbm>>)
    %broadcast_in_dim3A_941 = arith.constant 0.000000e+00 : f32
    %broadcast_in_dim3A_942 = vector.broadcast %broadcast_in_dim3A_941 : f32 to vector<16xf32>
    %swap3A_943 = arith.constant 0 : i64
    %swap3A_944 = arith.index_cast %swap3A_943 : i64 to index
    %swap3A_945 = arith.constant 0 : index
    %swap3A_946 = tpu.vector_load %arg8[%swap3A_944, %swap3A_945] {strides = array<i32>} : memref<2x256xf32, #tpu.memory_space<vmem>>, vector<16xf32>,
    tpu.vector_store %arg8[%swap3A_944, %swap3A_945], %broadcast_in_dim3A_942 {strides = array<i32>} : memref<2x256xf32, #tpu.memory_space<vmem>>, vector<16xf32>,
    %broadcast_in_dim3A_947 = arith.constant 0.000000e+00 : f32
    %broadcast_in_dim3A_948 = vector.broadcast %broadcast_in_dim3A_947 : f32 to vector<16xf32>
    %swap3A_949 = arith.constant 0 : i64
    %swap3A_950 = arith.index_cast %swap3A_949 : i64 to index
    %swap3A_951 = arith.constant 16 : index
    %swap3A_952 = tpu.vector_load %arg8[%swap3A_950, %swap3A_951] {strides = array<i32>} : memref<2x256xf32, #tpu.memory_space<vmem>>, vector<16xf32>,
    tpu.vector_store %arg8[%swap3A_950, %swap3A_951], %broadcast_in_dim3A_948 {strides = array<i32>} : memref<2x256xf32, #tpu.memory_space<vmem>>, vector<16xf32>,
    %broadcast_in_dim3A_953 = arith.constant 0.000000e+00 : f32
    %broadcast_in_dim3A_954 = vector.broadcast %broadcast_in_dim3A_953 : f32 to vector<16xf32>
    %swap3A_955 = arith.constant 0 : i64
    %swap3A_956 = arith.index_cast %swap3A_955 : i64 to index
    %swap3A_957 = arith.constant 32 : index
    %swap3A_958 = tpu.vector_load %arg8[%swap3A_956, %swap3A_957] {strides = array<i32>} : memref<2x256xf32, #tpu.memory_space<vmem>>, vector<16xf32>,
    tpu.vector_store %arg8[%swap3A_956, %swap3A_957], %broadcast_in_dim3A_954 {strides = array<i32>} : memref<2x256xf32, #tpu.memory_space<vmem>>, vector<16xf32>,
    %broadcast_in_dim3A_959 = arith.constant 0.000000e+00 : f32
    %broadcast_in_dim3A_960 = vector.broadcast %broadcast_in_dim3A_959 : f32 to vector<16xf32>
    %swap3A_961 = arith.constant 0 : i64
    %swap3A_962 = arith.index_cast %swap3A_961 : i64 to index
    %swap3A_963 = arith.constant 48 : index
    %swap3A_964 = tpu.vector_load %arg8[%swap3A_962, %swap3A_963] {strides = array<i32>} : memref<2x256xf32, #tpu.memory_space<vmem>>, vector<16xf32>,
    tpu.vector_store %arg8[%swap3A_962, %swap3A_963], %broadcast_in_dim3A_960 {strides = array<i32>} : memref<2x256xf32, #tpu.memory_space<vmem>>, vector<16xf32>,
    %broadcast_in_dim3A_965 = arith.constant 0.000000e+00 : f32
    %broadcast_in_dim3A_966 = vector.broadcast %broadcast_in_dim3A_965 : f32 to vector<16xf32>
    %swap3A_967 = arith.constant 0 : i64
    %swap3A_968 = arith.index_cast %swap3A_967 : i64 to index
    %swap3A_969 = arith.constant 64 : index
    %swap3A_970 = tpu.vector_load %arg8[%swap3A_968, %swap3A_969] {strides = array<i32>} : memref<2x256xf32, #tpu.memory_space<vmem>>, vector<16xf32>,
    tpu.vector_store %arg8[%swap3A_968, %swap3A_969], %broadcast_in_dim3A_966 {strides = array<i32>} : memref<2x256xf32, #tpu.memory_space<vmem>>, vector<16xf32>,
    %broadcast_in_dim3A_971 = arith.constant 0.000000e+00 : f32
    %broadcast_in_dim3A_972 = vector.broadcast %broadcast_in_dim3A_971 : f32 to vector<16xf32>
    %swap3A_973 = arith.constant 0 : i64
    %swap3A_974 = arith.index_cast %swap3A_973 : i64 to index
    %swap3A_975 = arith.constant 80 : index
    %swap3A_976 = tpu.vector_load %arg8[%swap3A_974, %swap3A_975] {strides = array<i32>} : memref<2x256xf32, #tpu.memory_space<vmem>>, vector<16xf32>,
    tpu.vector_store %arg8[%swap3A_974, %swap3A_975], %broadcast_in_dim3A_972 {strides = array<i32>} : memref<2x256xf32, #tpu.memory_space<vmem>>, vector<16xf32>,
    %broadcast_in_dim3A_977 = arith.constant 0.000000e+00 : f32
    %broadcast_in_dim3A_978 = vector.broadcast %broadcast_in_dim3A_977 : f32 to vector<16xf32>
    %swap3A_979 = arith.constant 0 : i64
    %swap3A_980 = arith.index_cast %swap3A_979 : i64 to index
    %swap3A_981 = arith.constant 96 : index
    %swap3A_982 = tpu.vector_load %arg8[%swap3A_980, %swap3A_981] {strides = array<i32>} : memref<2x256xf32, #tpu.memory_space<vmem>>, vector<16xf32>,
    tpu.vector_store %arg8[%swap3A_980, %swap3A_981], %broadcast_in_dim3A_978 {strides = array<i32>} : memref<2x256xf32, #tpu.memory_space<vmem>>, vector<16xf32>,
    %broadcast_in_dim3A_983 = arith.constant 0.000000e+00 : f32
    %broadcast_in_dim3A_984 = vector.broadcast %broadcast_in_dim3A_983 : f32 to vector<16xf32>
    %swap3A_985 = arith.constant 0 : i64
    %swap3A_986 = arith.index_cast %swap3A_985 : i64 to index
    %swap3A_987 = arith.constant 112 : index
    %swap3A_988 = tpu.vector_load %arg8[%swap3A_986, %swap3A_987] {strides = array<i32>} : memref<2x256xf32, #tpu.memory_space<vmem>>, vector<16xf32>,
    tpu.vector_store %arg8[%swap3A_986, %swap3A_987], %broadcast_in_dim3A_984 {strides = array<i32>} : memref<2x256xf32, #tpu.memory_space<vmem>>, vector<16xf32>,
    %broadcast_in_dim3A_989 = arith.constant 0.000000e+00 : f32
    %broadcast_in_dim3A_990 = vector.broadcast %broadcast_in_dim3A_989 : f32 to vector<16xf32>
    %swap3A_991 = arith.constant 0 : i64
    %swap3A_992 = arith.index_cast %swap3A_991 : i64 to index
    %swap3A_993 = arith.constant 128 : index
    %swap3A_994 = tpu.vector_load %arg8[%swap3A_992, %swap3A_993] {strides = array<i32>} : memref<2x256xf32, #tpu.memory_space<vmem>>, vector<16xf32>,
    tpu.vector_store %arg8[%swap3A_992, %swap3A_993], %broadcast_in_dim3A_990 {strides = array<i32>} : memref<2x256xf32, #tpu.memory_space<vmem>>, vector<16xf32>,
    %broadcast_in_dim3A_995 = arith.constant 0.000000e+00 : f32
    %broadcast_in_dim3A_996 = vector.broadcast %broadcast_in_dim3A_995 : f32 to vector<16xf32>
    %swap3A_997 = arith.constant 0 : i64
    %swap3A_998 = arith.index_cast %swap3A_997 : i64 to index
    %swap3A_999 = arith.constant 144 : index
    %swap3A_1000 = tpu.vector_load %arg8[%swap3A_998, %swap3A_999] {strides = array<i32>} : memref<2x256xf32, #tpu.memory_space<vmem>>, vector<16xf32>,
    tpu.vector_store %arg8[%swap3A_998, %swap3A_999], %broadcast_in_dim3A_996 {strides = array<i32>} : memref<2x256xf32, #tpu.memory_space<vmem>>, vector<16xf32>,
    %broadcast_in_dim3A_1001 = arith.constant 0.000000e+00 : f32
    %broadcast_in_dim3A_1002 = vector.broadcast %broadcast_in_dim3A_1001 : f32 to vector<16xf32>
    %swap3A_1003 = arith.constant 0 : i64
    %swap3A_1004 = arith.index_cast %swap3A_1003 : i64 to index
    %swap3A_1005 = arith.constant 160 : index
    %swap3A_1006 = tpu.vector_load %arg8[%swap3A_1004, %swap3A_1005] {strides = array<i32>} : memref<2x256xf32, #tpu.memory_space<vmem>>, vector<16xf32>,
    tpu.vector_store %arg8[%swap3A_1004, %swap3A_1005], %broadcast_in_dim3A_1002 {strides = array<i32>} : memref<2x256xf32, #tpu.memory_space<vmem>>, vector<16xf32>,
    %broadcast_in_dim3A_1007 = arith.constant 0.000000e+00 : f32
    %broadcast_in_dim3A_1008 = vector.broadcast %broadcast_in_dim3A_1007 : f32 to vector<16xf32>
    %swap3A_1009 = arith.constant 0 : i64
    %swap3A_1010 = arith.index_cast %swap3A_1009 : i64 to index
    %swap3A_1011 = arith.constant 176 : index
    %swap3A_1012 = tpu.vector_load %arg8[%swap3A_1010, %swap3A_1011] {strides = array<i32>} : memref<2x256xf32, #tpu.memory_space<vmem>>, vector<16xf32>,
    tpu.vector_store %arg8[%swap3A_1010, %swap3A_1011], %broadcast_in_dim3A_1008 {strides = array<i32>} : memref<2x256xf32, #tpu.memory_space<vmem>>, vector<16xf32>,
    %broadcast_in_dim3A_1013 = arith.constant 0.000000e+00 : f32
    %broadcast_in_dim3A_1014 = vector.broadcast %broadcast_in_dim3A_1013 : f32 to vector<16xf32>
    %swap3A_1015 = arith.constant 0 : i64
    %swap3A_1016 = arith.index_cast %swap3A_1015 : i64 to index
    %swap3A_1017 = arith.constant 192 : index
    %swap3A_1018 = tpu.vector_load %arg8[%swap3A_1016, %swap3A_1017] {strides = array<i32>} : memref<2x256xf32, #tpu.memory_space<vmem>>, vector<16xf32>,
    tpu.vector_store %arg8[%swap3A_1016, %swap3A_1017], %broadcast_in_dim3A_1014 {strides = array<i32>} : memref<2x256xf32, #tpu.memory_space<vmem>>, vector<16xf32>,
    %broadcast_in_dim3A_1019 = arith.constant 0.000000e+00 : f32
    %broadcast_in_dim3A_1020 = vector.broadcast %broadcast_in_dim3A_1019 : f32 to vector<16xf32>
    %swap3A_1021 = arith.constant 0 : i64
    %swap3A_1022 = arith.index_cast %swap3A_1021 : i64 to index
    %swap3A_1023 = arith.constant 208 : index
    %swap3A_1024 = tpu.vector_load %arg8[%swap3A_1022, %swap3A_1023] {strides = array<i32>} : memref<2x256xf32, #tpu.memory_space<vmem>>, vector<16xf32>,
    tpu.vector_store %arg8[%swap3A_1022, %swap3A_1023], %broadcast_in_dim3A_1020 {strides = array<i32>} : memref<2x256xf32, #tpu.memory_space<vmem>>, vector<16xf32>,
    %broadcast_in_dim3A_1025 = arith.constant 0.000000e+00 : f32
    %broadcast_in_dim3A_1026 = vector.broadcast %broadcast_in_dim3A_1025 : f32 to vector<16xf32>
    %swap3A_1027 = arith.constant 0 : i64
    %swap3A_1028 = arith.index_cast %swap3A_1027 : i64 to index
    %swap3A_1029 = arith.constant 224 : index
    %swap3A_1030 = tpu.vector_load %arg8[%swap3A_1028, %swap3A_1029] {strides = array<i32>} : memref<2x256xf32, #tpu.memory_space<vmem>>, vector<16xf32>,
    tpu.vector_store %arg8[%swap3A_1028, %swap3A_1029], %broadcast_in_dim3A_1026 {strides = array<i32>} : memref<2x256xf32, #tpu.memory_space<vmem>>, vector<16xf32>,
    %broadcast_in_dim3A_1031 = arith.constant 0.000000e+00 : f32
    %broadcast_in_dim3A_1032 = vector.broadcast %broadcast_in_dim3A_1031 : f32 to vector<16xf32>
    %swap3A_1033 = arith.constant 0 : i64
    %swap3A_1034 = arith.index_cast %swap3A_1033 : i64 to index
    %swap3A_1035 = arith.constant 240 : index
    %swap3A_1036 = tpu.vector_load %arg8[%swap3A_1034, %swap3A_1035] {strides = array<i32>} : memref<2x256xf32, #tpu.memory_space<vmem>>, vector<16xf32>,
    tpu.vector_store %arg8[%swap3A_1034, %swap3A_1035], %broadcast_in_dim3A_1032 {strides = array<i32>} : memref<2x256xf32, #tpu.memory_space<vmem>>, vector<16xf32>,
    %broadcast_in_dim3A_1037 = arith.constant 0.000000e+00 : f32
    %broadcast_in_dim3A_1038 = vector.broadcast %broadcast_in_dim3A_1037 : f32 to vector<16xf32>
    %swap3A_1039 = arith.constant 1 : i64
    %swap3A_1040 = arith.index_cast %swap3A_1039 : i64 to index
    %swap3A_1041 = arith.constant 0 : index
    %swap3A_1042 = tpu.vector_load %arg8[%swap3A_1040, %swap3A_1041] {strides = array<i32>} : memref<2x256xf32, #tpu.memory_space<vmem>>, vector<16xf32>,
    tpu.vector_store %arg8[%swap3A_1040, %swap3A_1041], %broadcast_in_dim3A_1038 {strides = array<i32>} : memref<2x256xf32, #tpu.memory_space<vmem>>, vector<16xf32>,
    %broadcast_in_dim3A_1043 = arith.constant 0.000000e+00 : f32
    %broadcast_in_dim3A_1044 = vector.broadcast %broadcast_in_dim3A_1043 : f32 to vector<16xf32>
    %swap3A_1045 = arith.constant 1 : i64
    %swap3A_1046 = arith.index_cast %swap3A_1045 : i64 to index
    %swap3A_1047 = arith.constant 16 : index
    %swap3A_1048 = tpu.vector_load %arg8[%swap3A_1046, %swap3A_1047] {strides = array<i32>} : memref<2x256xf32, #tpu.memory_space<vmem>>, vector<16xf32>,
    tpu.vector_store %arg8[%swap3A_1046, %swap3A_1047], %broadcast_in_dim3A_1044 {strides = array<i32>} : memref<2x256xf32, #tpu.memory_space<vmem>>, vector<16xf32>,
    %broadcast_in_dim3A_1049 = arith.constant 0.000000e+00 : f32
    %broadcast_in_dim3A_1050 = vector.broadcast %broadcast_in_dim3A_1049 : f32 to vector<16xf32>
    %swap3A_1051 = arith.constant 1 : i64
    %swap3A_1052 = arith.index_cast %swap3A_1051 : i64 to index
    %swap3A_1053 = arith.constant 32 : index
    %swap3A_1054 = tpu.vector_load %arg8[%swap3A_1052, %swap3A_1053] {strides = array<i32>} : memref<2x256xf32, #tpu.memory_space<vmem>>, vector<16xf32>,
    tpu.vector_store %arg8[%swap3A_1052, %swap3A_1053], %broadcast_in_dim3A_1050 {strides = array<i32>} : memref<2x256xf32, #tpu.memory_space<vmem>>, vector<16xf32>,
    %broadcast_in_dim3A_1055 = arith.constant 0.000000e+00 : f32
    %broadcast_in_dim3A_1056 = vector.broadcast %broadcast_in_dim3A_1055 : f32 to vector<16xf32>
    %swap3A_1057 = arith.constant 1 : i64
    %swap3A_1058 = arith.index_cast %swap3A_1057 : i64 to index
    %swap3A_1059 = arith.constant 48 : index
    %swap3A_1060 = tpu.vector_load %arg8[%swap3A_1058, %swap3A_1059] {strides = array<i32>} : memref<2x256xf32, #tpu.memory_space<vmem>>, vector<16xf32>,
    tpu.vector_store %arg8[%swap3A_1058, %swap3A_1059], %broadcast_in_dim3A_1056 {strides = array<i32>} : memref<2x256xf32, #tpu.memory_space<vmem>>, vector<16xf32>,
    %broadcast_in_dim3A_1061 = arith.constant 0.000000e+00 : f32
    %broadcast_in_dim3A_1062 = vector.broadcast %broadcast_in_dim3A_1061 : f32 to vector<16xf32>
    %swap3A_1063 = arith.constant 1 : i64
    %swap3A_1064 = arith.index_cast %swap3A_1063 : i64 to index
    %swap3A_1065 = arith.constant 64 : index
    %swap3A_1066 = tpu.vector_load %arg8[%swap3A_1064, %swap3A_1065] {strides = array<i32>} : memref<2x256xf32, #tpu.memory_space<vmem>>, vector<16xf32>,
    tpu.vector_store %arg8[%swap3A_1064, %swap3A_1065], %broadcast_in_dim3A_1062 {strides = array<i32>} : memref<2x256xf32, #tpu.memory_space<vmem>>, vector<16xf32>,
    %broadcast_in_dim3A_1067 = arith.constant 0.000000e+00 : f32
    %broadcast_in_dim3A_1068 = vector.broadcast %broadcast_in_dim3A_1067 : f32 to vector<16xf32>
    %swap3A_1069 = arith.constant 1 : i64
    %swap3A_1070 = arith.index_cast %swap3A_1069 : i64 to index
    %swap3A_1071 = arith.constant 80 : index
    %swap3A_1072 = tpu.vector_load %arg8[%swap3A_1070, %swap3A_1071] {strides = array<i32>} : memref<2x256xf32, #tpu.memory_space<vmem>>, vector<16xf32>,
    tpu.vector_store %arg8[%swap3A_1070, %swap3A_1071], %broadcast_in_dim3A_1068 {strides = array<i32>} : memref<2x256xf32, #tpu.memory_space<vmem>>, vector<16xf32>,
    %broadcast_in_dim3A_1073 = arith.constant 0.000000e+00 : f32
    %broadcast_in_dim3A_1074 = vector.broadcast %broadcast_in_dim3A_1073 : f32 to vector<16xf32>
    %swap3A_1075 = arith.constant 1 : i64
    %swap3A_1076 = arith.index_cast %swap3A_1075 : i64 to index
    %swap3A_1077 = arith.constant 96 : index
    %swap3A_1078 = tpu.vector_load %arg8[%swap3A_1076, %swap3A_1077] {strides = array<i32>} : memref<2x256xf32, #tpu.memory_space<vmem>>, vector<16xf32>,
    tpu.vector_store %arg8[%swap3A_1076, %swap3A_1077], %broadcast_in_dim3A_1074 {strides = array<i32>} : memref<2x256xf32, #tpu.memory_space<vmem>>, vector<16xf32>,
    %broadcast_in_dim3A_1079 = arith.constant 0.000000e+00 : f32
    %broadcast_in_dim3A_1080 = vector.broadcast %broadcast_in_dim3A_1079 : f32 to vector<16xf32>
    %swap3A_1081 = arith.constant 1 : i64
    %swap3A_1082 = arith.index_cast %swap3A_1081 : i64 to index
    %swap3A_1083 = arith.constant 112 : index
    %swap3A_1084 = tpu.vector_load %arg8[%swap3A_1082, %swap3A_1083] {strides = array<i32>} : memref<2x256xf32, #tpu.memory_space<vmem>>, vector<16xf32>,
    tpu.vector_store %arg8[%swap3A_1082, %swap3A_1083], %broadcast_in_dim3A_1080 {strides = array<i32>} : memref<2x256xf32, #tpu.memory_space<vmem>>, vector<16xf32>,
    %broadcast_in_dim3A_1085 = arith.constant 0.000000e+00 : f32
    %broadcast_in_dim3A_1086 = vector.broadcast %broadcast_in_dim3A_1085 : f32 to vector<16xf32>
    %swap3A_1087 = arith.constant 1 : i64
    %swap3A_1088 = arith.index_cast %swap3A_1087 : i64 to index
    %swap3A_1089 = arith.constant 128 : index
    %swap3A_1090 = tpu.vector_load %arg8[%swap3A_1088, %swap3A_1089] {strides = array<i32>} : memref<2x256xf32, #tpu.memory_space<vmem>>, vector<16xf32>,
    tpu.vector_store %arg8[%swap3A_1088, %swap3A_1089], %broadcast_in_dim3A_1086 {strides = array<i32>} : memref<2x256xf32, #tpu.memory_space<vmem>>, vector<16xf32>,
    %broadcast_in_dim3A_1091 = arith.constant 0.000000e+00 : f32
    %broadcast_in_dim3A_1092 = vector.broadcast %broadcast_in_dim3A_1091 : f32 to vector<16xf32>
    %swap3A_1093 = arith.constant 1 : i64
    %swap3A_1094 = arith.index_cast %swap3A_1093 : i64 to index
    %swap3A_1095 = arith.constant 144 : index
    %swap3A_1096 = tpu.vector_load %arg8[%swap3A_1094, %swap3A_1095] {strides = array<i32>} : memref<2x256xf32, #tpu.memory_space<vmem>>, vector<16xf32>,
    tpu.vector_store %arg8[%swap3A_1094, %swap3A_1095], %broadcast_in_dim3A_1092 {strides = array<i32>} : memref<2x256xf32, #tpu.memory_space<vmem>>, vector<16xf32>,
    %broadcast_in_dim3A_1097 = arith.constant 0.000000e+00 : f32
    %broadcast_in_dim3A_1098 = vector.broadcast %broadcast_in_dim3A_1097 : f32 to vector<16xf32>
    %swap3A_1099 = arith.constant 1 : i64
    %swap3A_1100 = arith.index_cast %swap3A_1099 : i64 to index
    %swap3A_1101 = arith.constant 160 : index
    %swap3A_1102 = tpu.vector_load %arg8[%swap3A_1100, %swap3A_1101] {strides = array<i32>} : memref<2x256xf32, #tpu.memory_space<vmem>>, vector<16xf32>,
    tpu.vector_store %arg8[%swap3A_1100, %swap3A_1101], %broadcast_in_dim3A_1098 {strides = array<i32>} : memref<2x256xf32, #tpu.memory_space<vmem>>, vector<16xf32>,
    %broadcast_in_dim3A_1103 = arith.constant 0.000000e+00 : f32
    %broadcast_in_dim3A_1104 = vector.broadcast %broadcast_in_dim3A_1103 : f32 to vector<16xf32>
    %swap3A_1105 = arith.constant 1 : i64
    %swap3A_1106 = arith.index_cast %swap3A_1105 : i64 to index
    %swap3A_1107 = arith.constant 176 : index
    %swap3A_1108 = tpu.vector_load %arg8[%swap3A_1106, %swap3A_1107] {strides = array<i32>} : memref<2x256xf32, #tpu.memory_space<vmem>>, vector<16xf32>,
    tpu.vector_store %arg8[%swap3A_1106, %swap3A_1107], %broadcast_in_dim3A_1104 {strides = array<i32>} : memref<2x256xf32, #tpu.memory_space<vmem>>, vector<16xf32>,
    %broadcast_in_dim3A_1109 = arith.constant 0.000000e+00 : f32
    %broadcast_in_dim3A_1110 = vector.broadcast %broadcast_in_dim3A_1109 : f32 to vector<16xf32>
    %swap3A_1111 = arith.constant 1 : i64
    %swap3A_1112 = arith.index_cast %swap3A_1111 : i64 to index
    %swap3A_1113 = arith.constant 192 : index
    %swap3A_1114 = tpu.vector_load %arg8[%swap3A_1112, %swap3A_1113] {strides = array<i32>} : memref<2x256xf32, #tpu.memory_space<vmem>>, vector<16xf32>,
    tpu.vector_store %arg8[%swap3A_1112, %swap3A_1113], %broadcast_in_dim3A_1110 {strides = array<i32>} : memref<2x256xf32, #tpu.memory_space<vmem>>, vector<16xf32>,
    %broadcast_in_dim3A_1115 = arith.constant 0.000000e+00 : f32
    %broadcast_in_dim3A_1116 = vector.broadcast %broadcast_in_dim3A_1115 : f32 to vector<16xf32>
    %swap3A_1117 = arith.constant 1 : i64
    %swap3A_1118 = arith.index_cast %swap3A_1117 : i64 to index
    %swap3A_1119 = arith.constant 208 : index
    %swap3A_1120 = tpu.vector_load %arg8[%swap3A_1118, %swap3A_1119] {strides = array<i32>} : memref<2x256xf32, #tpu.memory_space<vmem>>, vector<16xf32>,
    tpu.vector_store %arg8[%swap3A_1118, %swap3A_1119], %broadcast_in_dim3A_1116 {strides = array<i32>} : memref<2x256xf32, #tpu.memory_space<vmem>>, vector<16xf32>,
    %broadcast_in_dim3A_1121 = arith.constant 0.000000e+00 : f32
    %broadcast_in_dim3A_1122 = vector.broadcast %broadcast_in_dim3A_1121 : f32 to vector<16xf32>
    %swap3A_1123 = arith.constant 1 : i64
    %swap3A_1124 = arith.index_cast %swap3A_1123 : i64 to index
    %swap3A_1125 = arith.constant 224 : index
    %swap3A_1126 = tpu.vector_load %arg8[%swap3A_1124, %swap3A_1125] {strides = array<i32>} : memref<2x256xf32, #tpu.memory_space<vmem>>, vector<16xf32>,
    tpu.vector_store %arg8[%swap3A_1124, %swap3A_1125], %broadcast_in_dim3A_1122 {strides = array<i32>} : memref<2x256xf32, #tpu.memory_space<vmem>>, vector<16xf32>,
    %broadcast_in_dim3A_1127 = arith.constant 0.000000e+00 : f32
    %broadcast_in_dim3A_1128 = vector.broadcast %broadcast_in_dim3A_1127 : f32 to vector<16xf32>
    %swap3A_1129 = arith.constant 1 : i64
    %swap3A_1130 = arith.index_cast %swap3A_1129 : i64 to index
    %swap3A_1131 = arith.constant 240 : index
    %swap3A_1132 = tpu.vector_load %arg8[%swap3A_1130, %swap3A_1131] {strides = array<i32>} : memref<2x256xf32, #tpu.memory_space<vmem>>, vector<16xf32>,
    tpu.vector_store %arg8[%swap3A_1130, %swap3A_1131], %broadcast_in_dim3A_1128 {strides = array<i32>} : memref<2x256xf32, #tpu.memory_space<vmem>>, vector<16xf32>,
    "tpu.region"() ({
      %run_scoped3A = tpu.sem_alloc : memref<!tpu.dma_semaphore, #tpu.memory_space<semaphore_mem>>
      %dma_start3A_1135 = arith.constant 0 : i32
      %dma_start3A_1136 = arith.constant 0 : i32
      %dma_start3A_1137 = tpu.memref_slice %arg8[%dma_start3A_1135, %dma_start3A_1136] : memref<2x256xf32, #tpu.memory_space<vmem>> -> memref<1x256xf32, #tpu.memory_space<vmem>>
      %dma_start3A_1138 = arith.constant 0 : i32
      %dma_start3A_1139 = tpu.memref_slice %arg4[%mul3A_78, %dma_start3A_1138] : memref<65536x256xf32, #tpu.memory_space<hbm>> -> memref<1x256xf32, #tpu.memory_space<hbm>>
      %dma_start3A_1140 = arith.constant 0 : i32
      %dma_start3A_1141 = tpu.memref_slice %arg4[%mul3A_78, %dma_start3A_1140] : memref<65536x256xf32, #tpu.memory_space<hbm>> -> memref<1x256xf32, #tpu.memory_space<hbm>>
      %dma_start3A_1142 = arith.constant 0 : i32
      %dma_start3A_1143 = arith.constant 0 : i32
      %dma_start3A_1144 = tpu.memref_slice %arg8[%dma_start3A_1142, %dma_start3A_1143] : memref<2x256xf32, #tpu.memory_space<vmem>> -> memref<1x256xf32, #tpu.memory_space<vmem>>
      tpu.enqueue_dma source(%dma_start3A_1144 : memref<1x256xf32, #tpu.memory_space<vmem>>) target(%dma_start3A_1141 : memref<1x256xf32, #tpu.memory_space<hbm>>) target_semaphore(%run_scoped3A : memref<!tpu.dma_semaphore, #tpu.memory_space<semaphore_mem>>)
      %dma_wait3A_1145 = arith.constant 0 : i32
      %dma_wait3A_1146 = arith.constant 0 : i32
      %dma_wait3A_1147 = tpu.memref_slice %arg8[%dma_wait3A_1145, %dma_wait3A_1146] : memref<2x256xf32, #tpu.memory_space<vmem>> -> memref<1x256xf32, #tpu.memory_space<vmem>>
      %dma_wait3A_1148 = arith.constant 0 : i32
      %dma_wait3A_1149 = tpu.memref_slice %arg4[%mul3A_78, %dma_wait3A_1148] : memref<65536x256xf32, #tpu.memory_space<hbm>> -> memref<1x256xf32, #tpu.memory_space<hbm>>
      %dma_wait3A_1150 = arith.constant 0 : i32
      %dma_wait3A_1151 = tpu.memref_slice %arg4[%mul3A_78, %dma_wait3A_1150] : memref<65536x256xf32, #tpu.memory_space<hbm>> -> memref<1x256xf32, #tpu.memory_space<hbm>>
      %dma_wait3A_1152 = arith.constant 0 : i32
      %dma_wait3A_1153 = arith.constant 0 : i32
      %dma_wait3A_1154 = tpu.memref_slice %arg8[%dma_wait3A_1152, %dma_wait3A_1153] : memref<2x256xf32, #tpu.memory_space<vmem>> -> memref<1x256xf32, #tpu.memory_space<vmem>>
      tpu.wait_dma2 semaphore(%run_scoped3A : memref<!tpu.dma_semaphore, #tpu.memory_space<semaphore_mem>>) src(%dma_wait3A_1154 : memref<1x256xf32, #tpu.memory_space<vmem>>) dst(%dma_wait3A_1151 : memref<1x256xf32, #tpu.memory_space<hbm>>)
      tpu.yield
    }) : () -> ()
    %ge3A = arith.constant 4 : i32
    %ge3A_1133 = arith.cmpi sge, %div3A_1, %ge3A : i32
    %convert_element_type3A = arith.extui %ge3A_1133 : i1 to i32
    %cond3A = arith.constant 0 : i32
    %cond3A_1134 = arith.cmpi ne, %convert_element_type3A, %cond3A : i32
    scf.if %cond3A_1134 {
      %add3A_1135 = arith.constant 1 : i32
      %add3A_1136 = arith.addi %mul3A_78, %add3A_1135 : i32
      "tpu.region"() ({
        %run_scoped3A = tpu.sem_alloc : memref<!tpu.dma_semaphore, #tpu.memory_space<semaphore_mem>>
        %dma_start3A_1137 = arith.constant 1 : i32
        %dma_start3A_1138 = arith.constant 0 : i32
        %dma_start3A_1139 = tpu.memref_slice %arg8[%dma_start3A_1137, %dma_start3A_1138] : memref<2x256xf32, #tpu.memory_space<vmem>> -> memref<1x256xf32, #tpu.memory_space<vmem>>
        %dma_start3A_1140 = arith.constant 0 : i32
        %dma_start3A_1141 = tpu.memref_slice %arg4[%add3A_1136, %dma_start3A_1140] : memref<65536x256xf32, #tpu.memory_space<hbm>> -> memref<1x256xf32, #tpu.memory_space<hbm>>
        %dma_start3A_1142 = arith.constant 0 : i32
        %dma_start3A_1143 = tpu.memref_slice %arg4[%add3A_1136, %dma_start3A_1142] : memref<65536x256xf32, #tpu.memory_space<hbm>> -> memref<1x256xf32, #tpu.memory_space<hbm>>
        %dma_start3A_1144 = arith.constant 1 : i32
        %dma_start3A_1145 = arith.constant 0 : i32
        %dma_start3A_1146 = tpu.memref_slice %arg8[%dma_start3A_1144, %dma_start3A_1145] : memref<2x256xf32, #tpu.memory_space<vmem>> -> memref<1x256xf32, #tpu.memory_space<vmem>>
        tpu.enqueue_dma source(%dma_start3A_1146 : memref<1x256xf32, #tpu.memory_space<vmem>>) target(%dma_start3A_1143 : memref<1x256xf32, #tpu.memory_space<hbm>>) target_semaphore(%run_scoped3A : memref<!tpu.dma_semaphore, #tpu.memory_space<semaphore_mem>>)
        %dma_wait3A_1147 = arith.constant 1 : i32
        %dma_wait3A_1148 = arith.constant 0 : i32
        %dma_wait3A_1149 = tpu.memref_slice %arg8[%dma_wait3A_1147, %dma_wait3A_1148] : memref<2x256xf32, #tpu.memory_space<vmem>> -> memref<1x256xf32, #tpu.memory_space<vmem>>
        %dma_wait3A_1150 = arith.constant 0 : i32
        %dma_wait3A_1151 = tpu.memref_slice %arg4[%add3A_1136, %dma_wait3A_1150] : memref<65536x256xf32, #tpu.memory_space<hbm>> -> memref<1x256xf32, #tpu.memory_space<hbm>>
        %dma_wait3A_1152 = arith.constant 0 : i32
        %dma_wait3A_1153 = tpu.memref_slice %arg4[%add3A_1136, %dma_wait3A_1152] : memref<65536x256xf32, #tpu.memory_space<hbm>> -> memref<1x256xf32, #tpu.memory_space<hbm>>
        %dma_wait3A_1154 = arith.constant 1 : i32
        %dma_wait3A_1155 = arith.constant 0 : i32
        %dma_wait3A_1156 = tpu.memref_slice %arg8[%dma_wait3A_1154, %dma_wait3A_1155] : memref<2x256xf32, #tpu.memory_space<vmem>> -> memref<1x256xf32, #tpu.memory_space<vmem>>
        tpu.wait_dma2 semaphore(%run_scoped3A : memref<!tpu.dma_semaphore, #tpu.memory_space<semaphore_mem>>) src(%dma_wait3A_1156 : memref<1x256xf32, #tpu.memory_space<vmem>>) dst(%dma_wait3A_1153 : memref<1x256xf32, #tpu.memory_space<hbm>>)
        tpu.yield
      }) : () -> ()
    } else {
    }
    return
  }
}

module attributes {stable_mosaic.version = 14 : i64} {
  func.func @_tc_q_body(%arg0: i32, %arg1: memref<512x1536xf32, #tpu.memory_space<vmem>>, %arg2: memref<1536x256xf32, #tpu.memory_space<vmem>>, %arg3: memref<1536x1xf32, #tpu.memory_space<vmem>>, %arg4: memref<1536x1xf32, #tpu.memory_space<vmem>>, %arg5: memref<512x256xf32, #tpu.memory_space<vmem>>, %arg6: memref<1536x256xbf16, #tpu.memory_space<vmem>>, %arg7: memref<8x256xf32, #tpu.memory_space<vmem>>) attributes {dimension_semantics = [#tpu.dimension_semantics<arbitrary>], iteration_bounds = array<i64: 16>, scalar_prefetch = 0 : i64, scratch_operands = 2 : i64, tpu.core_type = #tpu.core_type<tc>, window_params = [{transform_indices = @transform_0, window_bounds = array<i64: 512, 1536>}, {transform_indices = @transform_1, window_bounds = array<i64: 1536, 256>}, {transform_indices = @transform_2, window_bounds = array<i64: 1536, 1>}, {transform_indices = @transform_3, window_bounds = array<i64: 1536, 1>}, {transform_indices = @transform_4, window_bounds = array<i64: 512, 256>}]} {
    %eq3A = arith.constant 0 : i32
    %eq3A_0 = arith.cmpi eq, %arg0, %eq3A : i32
    %convert_element_type3A = arith.extui %eq3A_0 : i1 to i32
    %cond3A = arith.constant 0 : i32
    %cond3A_1 = arith.cmpi ne, %convert_element_type3A, %cond3A : i32
    scf.if %cond3A_1 {
      %get3A_39 = arith.constant 0 : index
      %get3A_40 = arith.constant 0 : index
      %get3A_41 = vector.load %arg2[%get3A_39, %get3A_40] : memref<1536x256xf32, #tpu.memory_space<vmem>>, vector<1536x256xf32>
      %get3A_42 = arith.constant 0 : index
      %get3A_43 = arith.constant 0 : index
      %get3A_44 = vector.load %arg3[%get3A_42, %get3A_43] : memref<1536x1xf32, #tpu.memory_space<vmem>>, vector<1536x1xf32>
      %mul3A_45 = vector.broadcast %get3A_44 : vector<1536x1xf32> to vector<1536x256xf32>
      %mul3A_46 = arith.mulf %get3A_41, %mul3A_45 : vector<1536x256xf32>
      %convert_element_type3A_47 = arith.truncf %mul3A_46 : vector<1536x256xf32> to vector<1536x256xbf16>
      %swap3A_48 = arith.constant 0 : index
      %swap3A_49 = arith.constant 0 : index
      %swap3A_50 = vector.load %arg6[%swap3A_48, %swap3A_49] : memref<1536x256xbf16, #tpu.memory_space<vmem>>, vector<1536x256xbf16>
      tpu.vector_store %arg6[%swap3A_48, %swap3A_49], %convert_element_type3A_47 {strides = array<i32>} : memref<1536x256xbf16, #tpu.memory_space<vmem>>, vector<1536x256xbf16>,
      %reduce_sum3A_51 = arith.constant dense<0.000000e+00> : vector<256xf32>
      %reduce_sum3A_52 = vector.multi_reduction <add>, %mul3A_46, %reduce_sum3A_51 [0] : vector<1536x256xf32> to vector<256xf32>
      %broadcast_in_dim3A_53 = vector.shape_cast %reduce_sum3A_52 : vector<256xf32> to vector<1x256xf32>
      %swap3A_54 = arith.constant 0 : index
      %swap3A_55 = arith.constant 0 : index
      %swap3A_56 = vector.load %arg7[%swap3A_54, %swap3A_55] : memref<8x256xf32, #tpu.memory_space<vmem>>, vector<1x256xf32>
      tpu.vector_store %arg7[%swap3A_54, %swap3A_55], %broadcast_in_dim3A_53 {strides = array<i32>} : memref<8x256xf32, #tpu.memory_space<vmem>>, vector<1x256xf32>,
      %get3A_57 = arith.constant 0 : index
      %get3A_58 = arith.constant 0 : index
      %get3A_59 = vector.load %arg4[%get3A_57, %get3A_58] : memref<1536x1xf32, #tpu.memory_space<vmem>>, vector<1536x1xf32>
      %get3A_60 = arith.constant 0 : index
      %get3A_61 = arith.constant 0 : index
      %get3A_62 = vector.load %arg2[%get3A_60, %get3A_61] : memref<1536x256xf32, #tpu.memory_space<vmem>>, vector<1536x256xf32>
      %mul3A_63 = vector.broadcast %get3A_59 : vector<1536x1xf32> to vector<1536x256xf32>
      %mul3A_64 = arith.mulf %mul3A_63, %get3A_62 : vector<1536x256xf32>
      %reduce_sum3A_65 = arith.constant dense<0.000000e+00> : vector<256xf32>
      %reduce_sum3A_66 = vector.multi_reduction <add>, %mul3A_64, %reduce_sum3A_65 [0] : vector<1536x256xf32> to vector<256xf32>
      %broadcast_in_dim3A_67 = vector.shape_cast %reduce_sum3A_66 : vector<256xf32> to vector<1x256xf32>
      %swap3A_68 = arith.constant 1 : index
      %swap3A_69 = arith.constant 0 : index
      %swap3A_70 = vector.load %arg7[%swap3A_68, %swap3A_69] : memref<8x256xf32, #tpu.memory_space<vmem>>, vector<1x256xf32>
      tpu.vector_store %arg7[%swap3A_68, %swap3A_69], %broadcast_in_dim3A_67 {strides = array<i32>} : memref<8x256xf32, #tpu.memory_space<vmem>>, vector<1x256xf32>,
    } else {
    }
    %get3A = arith.constant 0 : index
    %get3A_2 = arith.constant 0 : index
    %get3A_3 = vector.load %arg1[%get3A, %get3A_2] : memref<512x1536xf32, #tpu.memory_space<vmem>>, vector<512x1536xf32>
    %reduce_sum3A = arith.constant dense<0.000000e+00> : vector<512xf32>
    %reduce_sum3A_4 = vector.multi_reduction <add>, %get3A_3, %reduce_sum3A [1] : vector<512x1536xf32> to vector<512xf32>
    %broadcast_in_dim3A = vector.shape_cast %reduce_sum3A_4 : vector<512xf32> to vector<512x1xf32>
    %mul3A = arith.mulf %get3A_3, %get3A_3 : vector<512x1536xf32>
    %reduce_sum3A_5 = arith.constant dense<0.000000e+00> : vector<512xf32>
    %reduce_sum3A_6 = vector.multi_reduction <add>, %mul3A, %reduce_sum3A_5 [1] : vector<512x1536xf32> to vector<512xf32>
    %broadcast_in_dim3A_7 = vector.shape_cast %reduce_sum3A_6 : vector<512xf32> to vector<512x1xf32>
    %mul3A_8 = arith.constant 6.51041686E-4 : f32
    %mul3A_9 = vector.broadcast %mul3A_8 : f32 to vector<512x1xf32>
    %mul3A_10 = arith.mulf %broadcast_in_dim3A, %mul3A_9 : vector<512x1xf32>
    %mul3A_11 = arith.constant 6.51041686E-4 : f32
    %mul3A_12 = vector.broadcast %mul3A_11 : f32 to vector<512x1xf32>
    %mul3A_13 = arith.mulf %broadcast_in_dim3A_7, %mul3A_12 : vector<512x1xf32>
    %mul3A_14 = arith.mulf %mul3A_10, %mul3A_10 : vector<512x1xf32>
    %sub3A = arith.subf %mul3A_13, %mul3A_14 : vector<512x1xf32>
    %add3A = arith.constant 9.99999974E-6 : f32
    %add3A_15 = vector.broadcast %add3A : f32 to vector<512x1xf32>
    %add3A_16 = arith.addf %sub3A, %add3A_15 : vector<512x1xf32>
    %rsqrt3A = math.rsqrt %add3A_16 : vector<512x1xf32>
    %convert_element_type3A_17 = arith.truncf %get3A_3 : vector<512x1536xf32> to vector<512x1536xbf16>
    %get3A_18 = arith.constant 0 : index
    %get3A_19 = arith.constant 0 : index
    %get3A_20 = vector.load %arg6[%get3A_18, %get3A_19] : memref<1536x256xbf16, #tpu.memory_space<vmem>>, vector<1536x256xbf16>
    %dot_general3A = arith.constant dense<0.000000e+00> : vector<512x256xf32>
    %dot_general3A_21 = tpu.matmul %convert_element_type3A_17, %get3A_20, %dot_general3A {dimension_numbers = #tpu.dot_dimension_numbers<[1], [0], [0], [1], [0, 0, 1, 1], [], []>, transpose_lhs_hint = false} : vector<512x1536xbf16>, vector<1536x256xbf16>, vector<512x256xf32> -> vector<512x256xf32>
    %mul3A_22 = vector.broadcast %rsqrt3A : vector<512x1xf32> to vector<512x256xf32>
    %mul3A_23 = arith.mulf %dot_general3A_21, %mul3A_22 : vector<512x256xf32>
    %mul3A_24 = arith.mulf %rsqrt3A, %mul3A_10 : vector<512x1xf32>
    %get3A_25 = arith.constant 0 : index
    %get3A_26 = arith.constant 0 : index
    %get3A_27 = vector.load %arg7[%get3A_25, %get3A_26] : memref<8x256xf32, #tpu.memory_space<vmem>>, vector<1x256xf32>
    %mul3A_28 = vector.broadcast %mul3A_24 : vector<512x1xf32> to vector<512x256xf32>
    %mul3A_29 = vector.broadcast %get3A_27 : vector<1x256xf32> to vector<512x256xf32>
    %mul3A_30 = arith.mulf %mul3A_28, %mul3A_29 : vector<512x256xf32>
    %sub3A_31 = arith.subf %mul3A_23, %mul3A_30 : vector<512x256xf32>
    %get3A_32 = arith.constant 1 : index
    %get3A_33 = arith.constant 0 : index
    %get3A_34 = vector.load %arg7[%get3A_32, %get3A_33] : memref<8x256xf32, #tpu.memory_space<vmem>>, vector<1x256xf32>
    %add3A_35 = vector.broadcast %get3A_34 : vector<1x256xf32> to vector<512x256xf32>
    %add3A_36 = arith.addf %sub3A_31, %add3A_35 : vector<512x256xf32>
    %swap3A = arith.constant 0 : index
    %swap3A_37 = arith.constant 0 : index
    %swap3A_38 = vector.load %arg5[%swap3A, %swap3A_37] : memref<512x256xf32, #tpu.memory_space<vmem>>, vector<512x256xf32>
    tpu.vector_store %arg5[%swap3A, %swap3A_37], %add3A_36 {strides = array<i32>} : memref<512x256xf32, #tpu.memory_space<vmem>>, vector<512x256xf32>,
    return
  }
  func.func @transform_0(%arg0: i32) -> (i32, i32) {
    %mul3A = arith.constant 0 : i32
    %mul3A_0 = arith.muli %arg0, %mul3A : i32
    %c0_i32 = arith.constant 0 : i32
    return %arg0, %mul3A_0 : i32, i32
  }
  func.func @transform_1(%arg0: i32) -> (i32, i32) {
    %mul3A = arith.constant 0 : i32
    %mul3A_0 = arith.muli %arg0, %mul3A : i32
    %mul3A_1 = arith.constant 0 : i32
    %mul3A_2 = arith.muli %arg0, %mul3A_1 : i32
    %c0_i32 = arith.constant 0 : i32
    return %mul3A_0, %mul3A_2 : i32, i32
  }
  func.func @transform_2(%arg0: i32) -> (i32, i32) {
    %mul3A = arith.constant 0 : i32
    %mul3A_0 = arith.muli %arg0, %mul3A : i32
    %mul3A_1 = arith.constant 0 : i32
    %mul3A_2 = arith.muli %arg0, %mul3A_1 : i32
    %c0_i32 = arith.constant 0 : i32
    return %mul3A_0, %mul3A_2 : i32, i32
  }
  func.func @transform_3(%arg0: i32) -> (i32, i32) {
    %mul3A = arith.constant 0 : i32
    %mul3A_0 = arith.muli %arg0, %mul3A : i32
    %mul3A_1 = arith.constant 0 : i32
    %mul3A_2 = arith.muli %arg0, %mul3A_1 : i32
    %c0_i32 = arith.constant 0 : i32
    return %mul3A_0, %mul3A_2 : i32, i32
  }
  func.func @transform_4(%arg0: i32) -> (i32, i32) {
    %mul3A = arith.constant 0 : i32
    %mul3A_0 = arith.muli %arg0, %mul3A : i32
    %c0_i32 = arith.constant 0 : i32
    return %arg0, %mul3A_0 : i32, i32
  }
}

module attributes {stable_mosaic.version = 14 : i64} {
  func.func @_tc_body(%arg0: i32, %arg1: memref<8x512x256xf32, #tpu.memory_space<vmem>>, %arg2: memref<512x256xf32, #tpu.memory_space<vmem>>, %arg3: memref<1x8x256xf32, #tpu.memory_space<vmem>>, %arg4: memref<8x256x256xf32, #tpu.memory_space<vmem>>, %arg5: memref<8x256x256xf32, #tpu.memory_space<vmem>>, %arg6: memref<256x256xf32, #tpu.memory_space<vmem>>, %arg7: memref<256x8xf32, #tpu.memory_space<vmem>>, %arg8: memref<256x8xf32, #tpu.memory_space<vmem>>, %arg9: memref<1x256xf32, #tpu.memory_space<vmem>>, %arg10: memref<1x256xf32, #tpu.memory_space<vmem>>, %arg11: memref<1x256xf32, #tpu.memory_space<vmem>>, %arg12: memref<4x256xf32, #tpu.memory_space<vmem>>, %arg13: memref<1x256xf32, #tpu.memory_space<vmem>>, %arg14: memref<512x256xf32, #tpu.memory_space<vmem>>, %arg15: memref<1x1x512xf32, #tpu.memory_space<vmem>>, %arg16: memref<1x8x256xf32, #tpu.memory_space<vmem>>, %arg17: memref<8x256x256xbf16, #tpu.memory_space<vmem>>, %arg18: memref<8x256x256xbf16, #tpu.memory_space<vmem>>, %arg19: memref<256x256xbf16, #tpu.memory_space<vmem>>, %arg20: memref<8x256xf32, #tpu.memory_space<vmem>>, %arg21: memref<8x256xf32, #tpu.memory_space<vmem>>, %arg22: memref<520x256xf32, #tpu.memory_space<vmem>>) attributes {dimension_semantics = [#tpu.dimension_semantics<arbitrary>], iteration_bounds = array<i64: 16>, scalar_prefetch = 0 : i64, scratch_operands = 6 : i64, tpu.core_type = #tpu.core_type<tc>, window_params = [{transform_indices = @transform_0, window_bounds = array<i64: 8, 512, 256>}, {transform_indices = @transform_1, window_bounds = array<i64: 512, 256>}, {transform_indices = @transform_2, window_bounds = array<i64: 1, 8, 256>}, {transform_indices = @transform_3, window_bounds = array<i64: 8, 256, 256>}, {transform_indices = @transform_4, window_bounds = array<i64: 8, 256, 256>}, {transform_indices = @transform_5, window_bounds = array<i64: 256, 256>}, {transform_indices = @transform_6, window_bounds = array<i64: 256, 8>}, {transform_indices = @transform_7, window_bounds = array<i64: 256, 8>}, {transform_indices = @transform_8, window_bounds = array<i64: 1, 256>}, {transform_indices = @transform_9, window_bounds = array<i64: 1, 256>}, {transform_indices = @transform_10, window_bounds = array<i64: 1, 256>}, {transform_indices = @transform_11, window_bounds = array<i64: 4, 256>}, {transform_indices = @transform_12, window_bounds = array<i64: 1, 256>}, {transform_indices = @transform_13, window_bounds = array<i64: 512, 256>}, {transform_indices = @transform_14, window_bounds = array<i64: 1, 1, 512>}, {transform_indices = @transform_15, window_bounds = array<i64: 1, 8, 256>}]} {
    %rem3A = arith.constant 4 : i32
    %rem3A_0 = arith.remsi %arg0, %rem3A : i32
    %eq3A = arith.constant 0 : i32
    %eq3A_1 = arith.cmpi eq, %arg0, %eq3A : i32
    %convert_element_type3A = arith.extui %eq3A_1 : i1 to i32
    %cond3A = arith.constant 0 : i32
    %cond3A_2 = arith.cmpi ne, %convert_element_type3A, %cond3A : i32
    scf.if %cond3A_2 {
      %broadcast_in_dim3A_366 = arith.constant 0.000000e+00 : f32
      %broadcast_in_dim3A_367 = vector.broadcast %broadcast_in_dim3A_366 : f32 to vector<1x256xf32>
      %broadcast_in_dim3A_368 = arith.constant 0.000000e+00 : f32
      %broadcast_in_dim3A_369 = vector.broadcast %broadcast_in_dim3A_368 : f32 to vector<1x256xf32>
      %broadcast_in_dim3A_370 = arith.constant 0.000000e+00 : f32
      %broadcast_in_dim3A_371 = vector.broadcast %broadcast_in_dim3A_370 : f32 to vector<1x256xf32>
      %broadcast_in_dim3A_372 = arith.constant 0.000000e+00 : f32
      %broadcast_in_dim3A_373 = vector.broadcast %broadcast_in_dim3A_372 : f32 to vector<1x256xf32>
      %get3A_374 = arith.constant 0 : index
      %get3A_375 = arith.constant 0 : index
      %get3A_376 = vector.load %arg7[%get3A_374, %get3A_375] : memref<256x8xf32, #tpu.memory_space<vmem>>, vector<256x1xf32>
      %get3A_377 = arith.constant 0 : index
      %get3A_378 = arith.constant 0 : index
      %get3A_379 = vector.load %arg8[%get3A_377, %get3A_378] : memref<256x8xf32, #tpu.memory_space<vmem>>, vector<256x1xf32>
      %get3A_380 = arith.constant 0 : index
      %get3A_381 = arith.constant 0 : index
      %get3A_382 = arith.constant 0 : index
      %get3A_383 = vector.load %arg4[%get3A_380, %get3A_381, %get3A_382] : memref<8x256x256xf32, #tpu.memory_space<vmem>>, vector<1x256x256xf32>
      %get3A_384 = vector.shape_cast %get3A_383 : vector<1x256x256xf32> to vector<256x256xf32>
      %mul3A_385 = vector.broadcast %get3A_376 : vector<256x1xf32> to vector<256x256xf32>
      %mul3A_386 = arith.mulf %get3A_384, %mul3A_385 : vector<256x256xf32>
      %get3A_387 = arith.constant 0 : index
      %get3A_388 = arith.constant 0 : index
      %get3A_389 = arith.constant 0 : index
      %get3A_390 = vector.load %arg5[%get3A_387, %get3A_388, %get3A_389] : memref<8x256x256xf32, #tpu.memory_space<vmem>>, vector<1x256x256xf32>
      %get3A_391 = vector.shape_cast %get3A_390 : vector<1x256x256xf32> to vector<256x256xf32>
      %mul3A_392 = vector.broadcast %get3A_376 : vector<256x1xf32> to vector<256x256xf32>
      %mul3A_393 = arith.mulf %get3A_391, %mul3A_392 : vector<256x256xf32>
      %convert_element_type3A_394 = arith.truncf %mul3A_386 : vector<256x256xf32> to vector<256x256xbf16>
      %swap3A_395 = arith.constant 0 : index
      %swap3A_396 = arith.constant 0 : index
      %swap3A_397 = arith.constant 0 : index
      %swap3A_398 = vector.load %arg17[%swap3A_395, %swap3A_396, %swap3A_397] : memref<8x256x256xbf16, #tpu.memory_space<vmem>>, vector<1x256x256xbf16>
      %swap3A_399 = vector.shape_cast %swap3A_398 : vector<1x256x256xbf16> to vector<256x256xbf16>
      %swap3A_400 = vector.shape_cast %convert_element_type3A_394 : vector<256x256xbf16> to vector<1x256x256xbf16>
      tpu.vector_store %arg17[%swap3A_395, %swap3A_396, %swap3A_397], %swap3A_400 {strides = array<i32>} : memref<8x256x256xbf16, #tpu.memory_space<vmem>>, vector<1x256x256xbf16>,
      %convert_element_type3A_401 = arith.truncf %mul3A_393 : vector<256x256xf32> to vector<256x256xbf16>
      %swap3A_402 = arith.constant 0 : index
      %swap3A_403 = arith.constant 0 : index
      %swap3A_404 = arith.constant 0 : index
      %swap3A_405 = vector.load %arg18[%swap3A_402, %swap3A_403, %swap3A_404] : memref<8x256x256xbf16, #tpu.memory_space<vmem>>, vector<1x256x256xbf16>
      %swap3A_406 = vector.shape_cast %swap3A_405 : vector<1x256x256xbf16> to vector<256x256xbf16>
      %swap3A_407 = vector.shape_cast %convert_element_type3A_401 : vector<256x256xbf16> to vector<1x256x256xbf16>
      tpu.vector_store %arg18[%swap3A_402, %swap3A_403, %swap3A_404], %swap3A_407 {strides = array<i32>} : memref<8x256x256xbf16, #tpu.memory_space<vmem>>, vector<1x256x256xbf16>,
      %reduce_sum3A_408 = arith.constant dense<0.000000e+00> : vector<256xf32>
      %reduce_sum3A_409 = vector.multi_reduction <add>, %mul3A_386, %reduce_sum3A_408 [0] : vector<256x256xf32> to vector<256xf32>
      %broadcast_in_dim3A_410 = vector.shape_cast %reduce_sum3A_409 : vector<256xf32> to vector<1x256xf32>
      %add3A_411 = arith.addf %broadcast_in_dim3A_367, %broadcast_in_dim3A_410 : vector<1x256xf32>
      %reduce_sum3A_412 = arith.constant dense<0.000000e+00> : vector<256xf32>
      %reduce_sum3A_413 = vector.multi_reduction <add>, %mul3A_393, %reduce_sum3A_412 [0] : vector<256x256xf32> to vector<256xf32>
      %broadcast_in_dim3A_414 = vector.shape_cast %reduce_sum3A_413 : vector<256xf32> to vector<1x256xf32>
      %add3A_415 = arith.addf %broadcast_in_dim3A_371, %broadcast_in_dim3A_414 : vector<1x256xf32>
      %get3A_416 = arith.constant 0 : index
      %get3A_417 = arith.constant 0 : index
      %get3A_418 = arith.constant 0 : index
      %get3A_419 = vector.load %arg4[%get3A_416, %get3A_417, %get3A_418] : memref<8x256x256xf32, #tpu.memory_space<vmem>>, vector<1x256x256xf32>
      %get3A_420 = vector.shape_cast %get3A_419 : vector<1x256x256xf32> to vector<256x256xf32>
      %mul3A_421 = vector.broadcast %get3A_379 : vector<256x1xf32> to vector<256x256xf32>
      %mul3A_422 = arith.mulf %mul3A_421, %get3A_420 : vector<256x256xf32>
      %reduce_sum3A_423 = arith.constant dense<0.000000e+00> : vector<256xf32>
      %reduce_sum3A_424 = vector.multi_reduction <add>, %mul3A_422, %reduce_sum3A_423 [0] : vector<256x256xf32> to vector<256xf32>
      %broadcast_in_dim3A_425 = vector.shape_cast %reduce_sum3A_424 : vector<256xf32> to vector<1x256xf32>
      %add3A_426 = arith.addf %broadcast_in_dim3A_369, %broadcast_in_dim3A_425 : vector<1x256xf32>
      %get3A_427 = arith.constant 0 : index
      %get3A_428 = arith.constant 0 : index
      %get3A_429 = arith.constant 0 : index
      %get3A_430 = vector.load %arg5[%get3A_427, %get3A_428, %get3A_429] : memref<8x256x256xf32, #tpu.memory_space<vmem>>, vector<1x256x256xf32>
      %get3A_431 = vector.shape_cast %get3A_430 : vector<1x256x256xf32> to vector<256x256xf32>
      %mul3A_432 = vector.broadcast %get3A_379 : vector<256x1xf32> to vector<256x256xf32>
      %mul3A_433 = arith.mulf %mul3A_432, %get3A_431 : vector<256x256xf32>
      %reduce_sum3A_434 = arith.constant dense<0.000000e+00> : vector<256xf32>
      %reduce_sum3A_435 = vector.multi_reduction <add>, %mul3A_433, %reduce_sum3A_434 [0] : vector<256x256xf32> to vector<256xf32>
      %broadcast_in_dim3A_436 = vector.shape_cast %reduce_sum3A_435 : vector<256xf32> to vector<1x256xf32>
      %add3A_437 = arith.addf %broadcast_in_dim3A_373, %broadcast_in_dim3A_436 : vector<1x256xf32>
      %get3A_438 = arith.constant 0 : index
      %get3A_439 = arith.constant 1 : index
      %get3A_440 = vector.load %arg7[%get3A_438, %get3A_439] : memref<256x8xf32, #tpu.memory_space<vmem>>, vector<256x1xf32>
      %get3A_441 = arith.constant 0 : index
      %get3A_442 = arith.constant 1 : index
      %get3A_443 = vector.load %arg8[%get3A_441, %get3A_442] : memref<256x8xf32, #tpu.memory_space<vmem>>, vector<256x1xf32>
      %get3A_444 = arith.constant 1 : index
      %get3A_445 = arith.constant 0 : index
      %get3A_446 = arith.constant 0 : index
      %get3A_447 = vector.load %arg4[%get3A_444, %get3A_445, %get3A_446] : memref<8x256x256xf32, #tpu.memory_space<vmem>>, vector<1x256x256xf32>
      %get3A_448 = vector.shape_cast %get3A_447 : vector<1x256x256xf32> to vector<256x256xf32>
      %mul3A_449 = vector.broadcast %get3A_440 : vector<256x1xf32> to vector<256x256xf32>
      %mul3A_450 = arith.mulf %get3A_448, %mul3A_449 : vector<256x256xf32>
      %get3A_451 = arith.constant 1 : index
      %get3A_452 = arith.constant 0 : index
      %get3A_453 = arith.constant 0 : index
      %get3A_454 = vector.load %arg5[%get3A_451, %get3A_452, %get3A_453] : memref<8x256x256xf32, #tpu.memory_space<vmem>>, vector<1x256x256xf32>
      %get3A_455 = vector.shape_cast %get3A_454 : vector<1x256x256xf32> to vector<256x256xf32>
      %mul3A_456 = vector.broadcast %get3A_440 : vector<256x1xf32> to vector<256x256xf32>
      %mul3A_457 = arith.mulf %get3A_455, %mul3A_456 : vector<256x256xf32>
      %convert_element_type3A_458 = arith.truncf %mul3A_450 : vector<256x256xf32> to vector<256x256xbf16>
      %swap3A_459 = arith.constant 1 : index
      %swap3A_460 = arith.constant 0 : index
      %swap3A_461 = arith.constant 0 : index
      %swap3A_462 = vector.load %arg17[%swap3A_459, %swap3A_460, %swap3A_461] : memref<8x256x256xbf16, #tpu.memory_space<vmem>>, vector<1x256x256xbf16>
      %swap3A_463 = vector.shape_cast %swap3A_462 : vector<1x256x256xbf16> to vector<256x256xbf16>
      %swap3A_464 = vector.shape_cast %convert_element_type3A_458 : vector<256x256xbf16> to vector<1x256x256xbf16>
      tpu.vector_store %arg17[%swap3A_459, %swap3A_460, %swap3A_461], %swap3A_464 {strides = array<i32>} : memref<8x256x256xbf16, #tpu.memory_space<vmem>>, vector<1x256x256xbf16>,
      %convert_element_type3A_465 = arith.truncf %mul3A_457 : vector<256x256xf32> to vector<256x256xbf16>
      %swap3A_466 = arith.constant 1 : index
      %swap3A_467 = arith.constant 0 : index
      %swap3A_468 = arith.constant 0 : index
      %swap3A_469 = vector.load %arg18[%swap3A_466, %swap3A_467, %swap3A_468] : memref<8x256x256xbf16, #tpu.memory_space<vmem>>, vector<1x256x256xbf16>
      %swap3A_470 = vector.shape_cast %swap3A_469 : vector<1x256x256xbf16> to vector<256x256xbf16>
      %swap3A_471 = vector.shape_cast %convert_element_type3A_465 : vector<256x256xbf16> to vector<1x256x256xbf16>
      tpu.vector_store %arg18[%swap3A_466, %swap3A_467, %swap3A_468], %swap3A_471 {strides = array<i32>} : memref<8x256x256xbf16, #tpu.memory_space<vmem>>, vector<1x256x256xbf16>,
      %reduce_sum3A_472 = arith.constant dense<0.000000e+00> : vector<256xf32>
      %reduce_sum3A_473 = vector.multi_reduction <add>, %mul3A_450, %reduce_sum3A_472 [0] : vector<256x256xf32> to vector<256xf32>
      %broadcast_in_dim3A_474 = vector.shape_cast %reduce_sum3A_473 : vector<256xf32> to vector<1x256xf32>
      %add3A_475 = arith.addf %add3A_411, %broadcast_in_dim3A_474 : vector<1x256xf32>
      %reduce_sum3A_476 = arith.constant dense<0.000000e+00> : vector<256xf32>
      %reduce_sum3A_477 = vector.multi_reduction <add>, %mul3A_457, %reduce_sum3A_476 [0] : vector<256x256xf32> to vector<256xf32>
      %broadcast_in_dim3A_478 = vector.shape_cast %reduce_sum3A_477 : vector<256xf32> to vector<1x256xf32>
      %add3A_479 = arith.addf %add3A_415, %broadcast_in_dim3A_478 : vector<1x256xf32>
      %get3A_480 = arith.constant 1 : index
      %get3A_481 = arith.constant 0 : index
      %get3A_482 = arith.constant 0 : index
      %get3A_483 = vector.load %arg4[%get3A_480, %get3A_481, %get3A_482] : memref<8x256x256xf32, #tpu.memory_space<vmem>>, vector<1x256x256xf32>
      %get3A_484 = vector.shape_cast %get3A_483 : vector<1x256x256xf32> to vector<256x256xf32>
      %mul3A_485 = vector.broadcast %get3A_443 : vector<256x1xf32> to vector<256x256xf32>
      %mul3A_486 = arith.mulf %mul3A_485, %get3A_484 : vector<256x256xf32>
      %reduce_sum3A_487 = arith.constant dense<0.000000e+00> : vector<256xf32>
      %reduce_sum3A_488 = vector.multi_reduction <add>, %mul3A_486, %reduce_sum3A_487 [0] : vector<256x256xf32> to vector<256xf32>
      %broadcast_in_dim3A_489 = vector.shape_cast %reduce_sum3A_488 : vector<256xf32> to vector<1x256xf32>
      %add3A_490 = arith.addf %add3A_426, %broadcast_in_dim3A_489 : vector<1x256xf32>
      %get3A_491 = arith.constant 1 : index
      %get3A_492 = arith.constant 0 : index
      %get3A_493 = arith.constant 0 : index
      %get3A_494 = vector.load %arg5[%get3A_491, %get3A_492, %get3A_493] : memref<8x256x256xf32, #tpu.memory_space<vmem>>, vector<1x256x256xf32>
      %get3A_495 = vector.shape_cast %get3A_494 : vector<1x256x256xf32> to vector<256x256xf32>
      %mul3A_496 = vector.broadcast %get3A_443 : vector<256x1xf32> to vector<256x256xf32>
      %mul3A_497 = arith.mulf %mul3A_496, %get3A_495 : vector<256x256xf32>
      %reduce_sum3A_498 = arith.constant dense<0.000000e+00> : vector<256xf32>
      %reduce_sum3A_499 = vector.multi_reduction <add>, %mul3A_497, %reduce_sum3A_498 [0] : vector<256x256xf32> to vector<256xf32>
      %broadcast_in_dim3A_500 = vector.shape_cast %reduce_sum3A_499 : vector<256xf32> to vector<1x256xf32>
      %add3A_501 = arith.addf %add3A_437, %broadcast_in_dim3A_500 : vector<1x256xf32>
      %get3A_502 = arith.constant 0 : index
      %get3A_503 = arith.constant 2 : index
      %get3A_504 = vector.load %arg7[%get3A_502, %get3A_503] : memref<256x8xf32, #tpu.memory_space<vmem>>, vector<256x1xf32>
      %get3A_505 = arith.constant 0 : index
      %get3A_506 = arith.constant 2 : index
      %get3A_507 = vector.load %arg8[%get3A_505, %get3A_506] : memref<256x8xf32, #tpu.memory_space<vmem>>, vector<256x1xf32>
      %get3A_508 = arith.constant 2 : index
      %get3A_509 = arith.constant 0 : index
      %get3A_510 = arith.constant 0 : index
      %get3A_511 = vector.load %arg4[%get3A_508, %get3A_509, %get3A_510] : memref<8x256x256xf32, #tpu.memory_space<vmem>>, vector<1x256x256xf32>
      %get3A_512 = vector.shape_cast %get3A_511 : vector<1x256x256xf32> to vector<256x256xf32>
      %mul3A_513 = vector.broadcast %get3A_504 : vector<256x1xf32> to vector<256x256xf32>
      %mul3A_514 = arith.mulf %get3A_512, %mul3A_513 : vector<256x256xf32>
      %get3A_515 = arith.constant 2 : index
      %get3A_516 = arith.constant 0 : index
      %get3A_517 = arith.constant 0 : index
      %get3A_518 = vector.load %arg5[%get3A_515, %get3A_516, %get3A_517] : memref<8x256x256xf32, #tpu.memory_space<vmem>>, vector<1x256x256xf32>
      %get3A_519 = vector.shape_cast %get3A_518 : vector<1x256x256xf32> to vector<256x256xf32>
      %mul3A_520 = vector.broadcast %get3A_504 : vector<256x1xf32> to vector<256x256xf32>
      %mul3A_521 = arith.mulf %get3A_519, %mul3A_520 : vector<256x256xf32>
      %convert_element_type3A_522 = arith.truncf %mul3A_514 : vector<256x256xf32> to vector<256x256xbf16>
      %swap3A_523 = arith.constant 2 : index
      %swap3A_524 = arith.constant 0 : index
      %swap3A_525 = arith.constant 0 : index
      %swap3A_526 = vector.load %arg17[%swap3A_523, %swap3A_524, %swap3A_525] : memref<8x256x256xbf16, #tpu.memory_space<vmem>>, vector<1x256x256xbf16>
      %swap3A_527 = vector.shape_cast %swap3A_526 : vector<1x256x256xbf16> to vector<256x256xbf16>
      %swap3A_528 = vector.shape_cast %convert_element_type3A_522 : vector<256x256xbf16> to vector<1x256x256xbf16>
      tpu.vector_store %arg17[%swap3A_523, %swap3A_524, %swap3A_525], %swap3A_528 {strides = array<i32>} : memref<8x256x256xbf16, #tpu.memory_space<vmem>>, vector<1x256x256xbf16>,
      %convert_element_type3A_529 = arith.truncf %mul3A_521 : vector<256x256xf32> to vector<256x256xbf16>
      %swap3A_530 = arith.constant 2 : index
      %swap3A_531 = arith.constant 0 : index
      %swap3A_532 = arith.constant 0 : index
      %swap3A_533 = vector.load %arg18[%swap3A_530, %swap3A_531, %swap3A_532] : memref<8x256x256xbf16, #tpu.memory_space<vmem>>, vector<1x256x256xbf16>
      %swap3A_534 = vector.shape_cast %swap3A_533 : vector<1x256x256xbf16> to vector<256x256xbf16>
      %swap3A_535 = vector.shape_cast %convert_element_type3A_529 : vector<256x256xbf16> to vector<1x256x256xbf16>
      tpu.vector_store %arg18[%swap3A_530, %swap3A_531, %swap3A_532], %swap3A_535 {strides = array<i32>} : memref<8x256x256xbf16, #tpu.memory_space<vmem>>, vector<1x256x256xbf16>,
      %reduce_sum3A_536 = arith.constant dense<0.000000e+00> : vector<256xf32>
      %reduce_sum3A_537 = vector.multi_reduction <add>, %mul3A_514, %reduce_sum3A_536 [0] : vector<256x256xf32> to vector<256xf32>
      %broadcast_in_dim3A_538 = vector.shape_cast %reduce_sum3A_537 : vector<256xf32> to vector<1x256xf32>
      %add3A_539 = arith.addf %add3A_475, %broadcast_in_dim3A_538 : vector<1x256xf32>
      %reduce_sum3A_540 = arith.constant dense<0.000000e+00> : vector<256xf32>
      %reduce_sum3A_541 = vector.multi_reduction <add>, %mul3A_521, %reduce_sum3A_540 [0] : vector<256x256xf32> to vector<256xf32>
      %broadcast_in_dim3A_542 = vector.shape_cast %reduce_sum3A_541 : vector<256xf32> to vector<1x256xf32>
      %add3A_543 = arith.addf %add3A_479, %broadcast_in_dim3A_542 : vector<1x256xf32>
      %get3A_544 = arith.constant 2 : index
      %get3A_545 = arith.constant 0 : index
      %get3A_546 = arith.constant 0 : index
      %get3A_547 = vector.load %arg4[%get3A_544, %get3A_545, %get3A_546] : memref<8x256x256xf32, #tpu.memory_space<vmem>>, vector<1x256x256xf32>
      %get3A_548 = vector.shape_cast %get3A_547 : vector<1x256x256xf32> to vector<256x256xf32>
      %mul3A_549 = vector.broadcast %get3A_507 : vector<256x1xf32> to vector<256x256xf32>
      %mul3A_550 = arith.mulf %mul3A_549, %get3A_548 : vector<256x256xf32>
      %reduce_sum3A_551 = arith.constant dense<0.000000e+00> : vector<256xf32>
      %reduce_sum3A_552 = vector.multi_reduction <add>, %mul3A_550, %reduce_sum3A_551 [0] : vector<256x256xf32> to vector<256xf32>
      %broadcast_in_dim3A_553 = vector.shape_cast %reduce_sum3A_552 : vector<256xf32> to vector<1x256xf32>
      %add3A_554 = arith.addf %add3A_490, %broadcast_in_dim3A_553 : vector<1x256xf32>
      %get3A_555 = arith.constant 2 : index
      %get3A_556 = arith.constant 0 : index
      %get3A_557 = arith.constant 0 : index
      %get3A_558 = vector.load %arg5[%get3A_555, %get3A_556, %get3A_557] : memref<8x256x256xf32, #tpu.memory_space<vmem>>, vector<1x256x256xf32>
      %get3A_559 = vector.shape_cast %get3A_558 : vector<1x256x256xf32> to vector<256x256xf32>
      %mul3A_560 = vector.broadcast %get3A_507 : vector<256x1xf32> to vector<256x256xf32>
      %mul3A_561 = arith.mulf %mul3A_560, %get3A_559 : vector<256x256xf32>
      %reduce_sum3A_562 = arith.constant dense<0.000000e+00> : vector<256xf32>
      %reduce_sum3A_563 = vector.multi_reduction <add>, %mul3A_561, %reduce_sum3A_562 [0] : vector<256x256xf32> to vector<256xf32>
      %broadcast_in_dim3A_564 = vector.shape_cast %reduce_sum3A_563 : vector<256xf32> to vector<1x256xf32>
      %add3A_565 = arith.addf %add3A_501, %broadcast_in_dim3A_564 : vector<1x256xf32>
      %get3A_566 = arith.constant 0 : index
      %get3A_567 = arith.constant 3 : index
      %get3A_568 = vector.load %arg7[%get3A_566, %get3A_567] : memref<256x8xf32, #tpu.memory_space<vmem>>, vector<256x1xf32>
      %get3A_569 = arith.constant 0 : index
      %get3A_570 = arith.constant 3 : index
      %get3A_571 = vector.load %arg8[%get3A_569, %get3A_570] : memref<256x8xf32, #tpu.memory_space<vmem>>, vector<256x1xf32>
      %get3A_572 = arith.constant 3 : index
      %get3A_573 = arith.constant 0 : index
      %get3A_574 = arith.constant 0 : index
      %get3A_575 = vector.load %arg4[%get3A_572, %get3A_573, %get3A_574] : memref<8x256x256xf32, #tpu.memory_space<vmem>>, vector<1x256x256xf32>
      %get3A_576 = vector.shape_cast %get3A_575 : vector<1x256x256xf32> to vector<256x256xf32>
      %mul3A_577 = vector.broadcast %get3A_568 : vector<256x1xf32> to vector<256x256xf32>
      %mul3A_578 = arith.mulf %get3A_576, %mul3A_577 : vector<256x256xf32>
      %get3A_579 = arith.constant 3 : index
      %get3A_580 = arith.constant 0 : index
      %get3A_581 = arith.constant 0 : index
      %get3A_582 = vector.load %arg5[%get3A_579, %get3A_580, %get3A_581] : memref<8x256x256xf32, #tpu.memory_space<vmem>>, vector<1x256x256xf32>
      %get3A_583 = vector.shape_cast %get3A_582 : vector<1x256x256xf32> to vector<256x256xf32>
      %mul3A_584 = vector.broadcast %get3A_568 : vector<256x1xf32> to vector<256x256xf32>
      %mul3A_585 = arith.mulf %get3A_583, %mul3A_584 : vector<256x256xf32>
      %convert_element_type3A_586 = arith.truncf %mul3A_578 : vector<256x256xf32> to vector<256x256xbf16>
      %swap3A_587 = arith.constant 3 : index
      %swap3A_588 = arith.constant 0 : index
      %swap3A_589 = arith.constant 0 : index
      %swap3A_590 = vector.load %arg17[%swap3A_587, %swap3A_588, %swap3A_589] : memref<8x256x256xbf16, #tpu.memory_space<vmem>>, vector<1x256x256xbf16>
      %swap3A_591 = vector.shape_cast %swap3A_590 : vector<1x256x256xbf16> to vector<256x256xbf16>
      %swap3A_592 = vector.shape_cast %convert_element_type3A_586 : vector<256x256xbf16> to vector<1x256x256xbf16>
      tpu.vector_store %arg17[%swap3A_587, %swap3A_588, %swap3A_589], %swap3A_592 {strides = array<i32>} : memref<8x256x256xbf16, #tpu.memory_space<vmem>>, vector<1x256x256xbf16>,
      %convert_element_type3A_593 = arith.truncf %mul3A_585 : vector<256x256xf32> to vector<256x256xbf16>
      %swap3A_594 = arith.constant 3 : index
      %swap3A_595 = arith.constant 0 : index
      %swap3A_596 = arith.constant 0 : index
      %swap3A_597 = vector.load %arg18[%swap3A_594, %swap3A_595, %swap3A_596] : memref<8x256x256xbf16, #tpu.memory_space<vmem>>, vector<1x256x256xbf16>
      %swap3A_598 = vector.shape_cast %swap3A_597 : vector<1x256x256xbf16> to vector<256x256xbf16>
      %swap3A_599 = vector.shape_cast %convert_element_type3A_593 : vector<256x256xbf16> to vector<1x256x256xbf16>
      tpu.vector_store %arg18[%swap3A_594, %swap3A_595, %swap3A_596], %swap3A_599 {strides = array<i32>} : memref<8x256x256xbf16, #tpu.memory_space<vmem>>, vector<1x256x256xbf16>,
      %reduce_sum3A_600 = arith.constant dense<0.000000e+00> : vector<256xf32>
      %reduce_sum3A_601 = vector.multi_reduction <add>, %mul3A_578, %reduce_sum3A_600 [0] : vector<256x256xf32> to vector<256xf32>
      %broadcast_in_dim3A_602 = vector.shape_cast %reduce_sum3A_601 : vector<256xf32> to vector<1x256xf32>
      %add3A_603 = arith.addf %add3A_539, %broadcast_in_dim3A_602 : vector<1x256xf32>
      %reduce_sum3A_604 = arith.constant dense<0.000000e+00> : vector<256xf32>
      %reduce_sum3A_605 = vector.multi_reduction <add>, %mul3A_585, %reduce_sum3A_604 [0] : vector<256x256xf32> to vector<256xf32>
      %broadcast_in_dim3A_606 = vector.shape_cast %reduce_sum3A_605 : vector<256xf32> to vector<1x256xf32>
      %add3A_607 = arith.addf %add3A_543, %broadcast_in_dim3A_606 : vector<1x256xf32>
      %get3A_608 = arith.constant 3 : index
      %get3A_609 = arith.constant 0 : index
      %get3A_610 = arith.constant 0 : index
      %get3A_611 = vector.load %arg4[%get3A_608, %get3A_609, %get3A_610] : memref<8x256x256xf32, #tpu.memory_space<vmem>>, vector<1x256x256xf32>
      %get3A_612 = vector.shape_cast %get3A_611 : vector<1x256x256xf32> to vector<256x256xf32>
      %mul3A_613 = vector.broadcast %get3A_571 : vector<256x1xf32> to vector<256x256xf32>
      %mul3A_614 = arith.mulf %mul3A_613, %get3A_612 : vector<256x256xf32>
      %reduce_sum3A_615 = arith.constant dense<0.000000e+00> : vector<256xf32>
      %reduce_sum3A_616 = vector.multi_reduction <add>, %mul3A_614, %reduce_sum3A_615 [0] : vector<256x256xf32> to vector<256xf32>
      %broadcast_in_dim3A_617 = vector.shape_cast %reduce_sum3A_616 : vector<256xf32> to vector<1x256xf32>
      %add3A_618 = arith.addf %add3A_554, %broadcast_in_dim3A_617 : vector<1x256xf32>
      %get3A_619 = arith.constant 3 : index
      %get3A_620 = arith.constant 0 : index
      %get3A_621 = arith.constant 0 : index
      %get3A_622 = vector.load %arg5[%get3A_619, %get3A_620, %get3A_621] : memref<8x256x256xf32, #tpu.memory_space<vmem>>, vector<1x256x256xf32>
      %get3A_623 = vector.shape_cast %get3A_622 : vector<1x256x256xf32> to vector<256x256xf32>
      %mul3A_624 = vector.broadcast %get3A_571 : vector<256x1xf32> to vector<256x256xf32>
      %mul3A_625 = arith.mulf %mul3A_624, %get3A_623 : vector<256x256xf32>
      %reduce_sum3A_626 = arith.constant dense<0.000000e+00> : vector<256xf32>
      %reduce_sum3A_627 = vector.multi_reduction <add>, %mul3A_625, %reduce_sum3A_626 [0] : vector<256x256xf32> to vector<256xf32>
      %broadcast_in_dim3A_628 = vector.shape_cast %reduce_sum3A_627 : vector<256xf32> to vector<1x256xf32>
      %add3A_629 = arith.addf %add3A_565, %broadcast_in_dim3A_628 : vector<1x256xf32>
      %get3A_630 = arith.constant 0 : index
      %get3A_631 = arith.constant 4 : index
      %get3A_632 = vector.load %arg7[%get3A_630, %get3A_631] : memref<256x8xf32, #tpu.memory_space<vmem>>, vector<256x1xf32>
      %get3A_633 = arith.constant 0 : index
      %get3A_634 = arith.constant 4 : index
      %get3A_635 = vector.load %arg8[%get3A_633, %get3A_634] : memref<256x8xf32, #tpu.memory_space<vmem>>, vector<256x1xf32>
      %get3A_636 = arith.constant 4 : index
      %get3A_637 = arith.constant 0 : index
      %get3A_638 = arith.constant 0 : index
      %get3A_639 = vector.load %arg4[%get3A_636, %get3A_637, %get3A_638] : memref<8x256x256xf32, #tpu.memory_space<vmem>>, vector<1x256x256xf32>
      %get3A_640 = vector.shape_cast %get3A_639 : vector<1x256x256xf32> to vector<256x256xf32>
      %mul3A_641 = vector.broadcast %get3A_632 : vector<256x1xf32> to vector<256x256xf32>
      %mul3A_642 = arith.mulf %get3A_640, %mul3A_641 : vector<256x256xf32>
      %get3A_643 = arith.constant 4 : index
      %get3A_644 = arith.constant 0 : index
      %get3A_645 = arith.constant 0 : index
      %get3A_646 = vector.load %arg5[%get3A_643, %get3A_644, %get3A_645] : memref<8x256x256xf32, #tpu.memory_space<vmem>>, vector<1x256x256xf32>
      %get3A_647 = vector.shape_cast %get3A_646 : vector<1x256x256xf32> to vector<256x256xf32>
      %mul3A_648 = vector.broadcast %get3A_632 : vector<256x1xf32> to vector<256x256xf32>
      %mul3A_649 = arith.mulf %get3A_647, %mul3A_648 : vector<256x256xf32>
      %convert_element_type3A_650 = arith.truncf %mul3A_642 : vector<256x256xf32> to vector<256x256xbf16>
      %swap3A_651 = arith.constant 4 : index
      %swap3A_652 = arith.constant 0 : index
      %swap3A_653 = arith.constant 0 : index
      %swap3A_654 = vector.load %arg17[%swap3A_651, %swap3A_652, %swap3A_653] : memref<8x256x256xbf16, #tpu.memory_space<vmem>>, vector<1x256x256xbf16>
      %swap3A_655 = vector.shape_cast %swap3A_654 : vector<1x256x256xbf16> to vector<256x256xbf16>
      %swap3A_656 = vector.shape_cast %convert_element_type3A_650 : vector<256x256xbf16> to vector<1x256x256xbf16>
      tpu.vector_store %arg17[%swap3A_651, %swap3A_652, %swap3A_653], %swap3A_656 {strides = array<i32>} : memref<8x256x256xbf16, #tpu.memory_space<vmem>>, vector<1x256x256xbf16>,
      %convert_element_type3A_657 = arith.truncf %mul3A_649 : vector<256x256xf32> to vector<256x256xbf16>
      %swap3A_658 = arith.constant 4 : index
      %swap3A_659 = arith.constant 0 : index
      %swap3A_660 = arith.constant 0 : index
      %swap3A_661 = vector.load %arg18[%swap3A_658, %swap3A_659, %swap3A_660] : memref<8x256x256xbf16, #tpu.memory_space<vmem>>, vector<1x256x256xbf16>
      %swap3A_662 = vector.shape_cast %swap3A_661 : vector<1x256x256xbf16> to vector<256x256xbf16>
      %swap3A_663 = vector.shape_cast %convert_element_type3A_657 : vector<256x256xbf16> to vector<1x256x256xbf16>
      tpu.vector_store %arg18[%swap3A_658, %swap3A_659, %swap3A_660], %swap3A_663 {strides = array<i32>} : memref<8x256x256xbf16, #tpu.memory_space<vmem>>, vector<1x256x256xbf16>,
      %reduce_sum3A_664 = arith.constant dense<0.000000e+00> : vector<256xf32>
      %reduce_sum3A_665 = vector.multi_reduction <add>, %mul3A_642, %reduce_sum3A_664 [0] : vector<256x256xf32> to vector<256xf32>
      %broadcast_in_dim3A_666 = vector.shape_cast %reduce_sum3A_665 : vector<256xf32> to vector<1x256xf32>
      %add3A_667 = arith.addf %add3A_603, %broadcast_in_dim3A_666 : vector<1x256xf32>
      %reduce_sum3A_668 = arith.constant dense<0.000000e+00> : vector<256xf32>
      %reduce_sum3A_669 = vector.multi_reduction <add>, %mul3A_649, %reduce_sum3A_668 [0] : vector<256x256xf32> to vector<256xf32>
      %broadcast_in_dim3A_670 = vector.shape_cast %reduce_sum3A_669 : vector<256xf32> to vector<1x256xf32>
      %add3A_671 = arith.addf %add3A_607, %broadcast_in_dim3A_670 : vector<1x256xf32>
      %get3A_672 = arith.constant 4 : index
      %get3A_673 = arith.constant 0 : index
      %get3A_674 = arith.constant 0 : index
      %get3A_675 = vector.load %arg4[%get3A_672, %get3A_673, %get3A_674] : memref<8x256x256xf32, #tpu.memory_space<vmem>>, vector<1x256x256xf32>
      %get3A_676 = vector.shape_cast %get3A_675 : vector<1x256x256xf32> to vector<256x256xf32>
      %mul3A_677 = vector.broadcast %get3A_635 : vector<256x1xf32> to vector<256x256xf32>
      %mul3A_678 = arith.mulf %mul3A_677, %get3A_676 : vector<256x256xf32>
      %reduce_sum3A_679 = arith.constant dense<0.000000e+00> : vector<256xf32>
      %reduce_sum3A_680 = vector.multi_reduction <add>, %mul3A_678, %reduce_sum3A_679 [0] : vector<256x256xf32> to vector<256xf32>
      %broadcast_in_dim3A_681 = vector.shape_cast %reduce_sum3A_680 : vector<256xf32> to vector<1x256xf32>
      %add3A_682 = arith.addf %add3A_618, %broadcast_in_dim3A_681 : vector<1x256xf32>
      %get3A_683 = arith.constant 4 : index
      %get3A_684 = arith.constant 0 : index
      %get3A_685 = arith.constant 0 : index
      %get3A_686 = vector.load %arg5[%get3A_683, %get3A_684, %get3A_685] : memref<8x256x256xf32, #tpu.memory_space<vmem>>, vector<1x256x256xf32>
      %get3A_687 = vector.shape_cast %get3A_686 : vector<1x256x256xf32> to vector<256x256xf32>
      %mul3A_688 = vector.broadcast %get3A_635 : vector<256x1xf32> to vector<256x256xf32>
      %mul3A_689 = arith.mulf %mul3A_688, %get3A_687 : vector<256x256xf32>
      %reduce_sum3A_690 = arith.constant dense<0.000000e+00> : vector<256xf32>
      %reduce_sum3A_691 = vector.multi_reduction <add>, %mul3A_689, %reduce_sum3A_690 [0] : vector<256x256xf32> to vector<256xf32>
      %broadcast_in_dim3A_692 = vector.shape_cast %reduce_sum3A_691 : vector<256xf32> to vector<1x256xf32>
      %add3A_693 = arith.addf %add3A_629, %broadcast_in_dim3A_692 : vector<1x256xf32>
      %get3A_694 = arith.constant 0 : index
      %get3A_695 = arith.constant 5 : index
      %get3A_696 = vector.load %arg7[%get3A_694, %get3A_695] : memref<256x8xf32, #tpu.memory_space<vmem>>, vector<256x1xf32>
      %get3A_697 = arith.constant 0 : index
      %get3A_698 = arith.constant 5 : index
      %get3A_699 = vector.load %arg8[%get3A_697, %get3A_698] : memref<256x8xf32, #tpu.memory_space<vmem>>, vector<256x1xf32>
      %get3A_700 = arith.constant 5 : index
      %get3A_701 = arith.constant 0 : index
      %get3A_702 = arith.constant 0 : index
      %get3A_703 = vector.load %arg4[%get3A_700, %get3A_701, %get3A_702] : memref<8x256x256xf32, #tpu.memory_space<vmem>>, vector<1x256x256xf32>
      %get3A_704 = vector.shape_cast %get3A_703 : vector<1x256x256xf32> to vector<256x256xf32>
      %mul3A_705 = vector.broadcast %get3A_696 : vector<256x1xf32> to vector<256x256xf32>
      %mul3A_706 = arith.mulf %get3A_704, %mul3A_705 : vector<256x256xf32>
      %get3A_707 = arith.constant 5 : index
      %get3A_708 = arith.constant 0 : index
      %get3A_709 = arith.constant 0 : index
      %get3A_710 = vector.load %arg5[%get3A_707, %get3A_708, %get3A_709] : memref<8x256x256xf32, #tpu.memory_space<vmem>>, vector<1x256x256xf32>
      %get3A_711 = vector.shape_cast %get3A_710 : vector<1x256x256xf32> to vector<256x256xf32>
      %mul3A_712 = vector.broadcast %get3A_696 : vector<256x1xf32> to vector<256x256xf32>
      %mul3A_713 = arith.mulf %get3A_711, %mul3A_712 : vector<256x256xf32>
      %convert_element_type3A_714 = arith.truncf %mul3A_706 : vector<256x256xf32> to vector<256x256xbf16>
      %swap3A_715 = arith.constant 5 : index
      %swap3A_716 = arith.constant 0 : index
      %swap3A_717 = arith.constant 0 : index
      %swap3A_718 = vector.load %arg17[%swap3A_715, %swap3A_716, %swap3A_717] : memref<8x256x256xbf16, #tpu.memory_space<vmem>>, vector<1x256x256xbf16>
      %swap3A_719 = vector.shape_cast %swap3A_718 : vector<1x256x256xbf16> to vector<256x256xbf16>
      %swap3A_720 = vector.shape_cast %convert_element_type3A_714 : vector<256x256xbf16> to vector<1x256x256xbf16>
      tpu.vector_store %arg17[%swap3A_715, %swap3A_716, %swap3A_717], %swap3A_720 {strides = array<i32>} : memref<8x256x256xbf16, #tpu.memory_space<vmem>>, vector<1x256x256xbf16>,
      %convert_element_type3A_721 = arith.truncf %mul3A_713 : vector<256x256xf32> to vector<256x256xbf16>
      %swap3A_722 = arith.constant 5 : index
      %swap3A_723 = arith.constant 0 : index
      %swap3A_724 = arith.constant 0 : index
      %swap3A_725 = vector.load %arg18[%swap3A_722, %swap3A_723, %swap3A_724] : memref<8x256x256xbf16, #tpu.memory_space<vmem>>, vector<1x256x256xbf16>
      %swap3A_726 = vector.shape_cast %swap3A_725 : vector<1x256x256xbf16> to vector<256x256xbf16>
      %swap3A_727 = vector.shape_cast %convert_element_type3A_721 : vector<256x256xbf16> to vector<1x256x256xbf16>
      tpu.vector_store %arg18[%swap3A_722, %swap3A_723, %swap3A_724], %swap3A_727 {strides = array<i32>} : memref<8x256x256xbf16, #tpu.memory_space<vmem>>, vector<1x256x256xbf16>,
      %reduce_sum3A_728 = arith.constant dense<0.000000e+00> : vector<256xf32>
      %reduce_sum3A_729 = vector.multi_reduction <add>, %mul3A_706, %reduce_sum3A_728 [0] : vector<256x256xf32> to vector<256xf32>
      %broadcast_in_dim3A_730 = vector.shape_cast %reduce_sum3A_729 : vector<256xf32> to vector<1x256xf32>
      %add3A_731 = arith.addf %add3A_667, %broadcast_in_dim3A_730 : vector<1x256xf32>
      %reduce_sum3A_732 = arith.constant dense<0.000000e+00> : vector<256xf32>
      %reduce_sum3A_733 = vector.multi_reduction <add>, %mul3A_713, %reduce_sum3A_732 [0] : vector<256x256xf32> to vector<256xf32>
      %broadcast_in_dim3A_734 = vector.shape_cast %reduce_sum3A_733 : vector<256xf32> to vector<1x256xf32>
      %add3A_735 = arith.addf %add3A_671, %broadcast_in_dim3A_734 : vector<1x256xf32>
      %get3A_736 = arith.constant 5 : index
      %get3A_737 = arith.constant 0 : index
      %get3A_738 = arith.constant 0 : index
      %get3A_739 = vector.load %arg4[%get3A_736, %get3A_737, %get3A_738] : memref<8x256x256xf32, #tpu.memory_space<vmem>>, vector<1x256x256xf32>
      %get3A_740 = vector.shape_cast %get3A_739 : vector<1x256x256xf32> to vector<256x256xf32>
      %mul3A_741 = vector.broadcast %get3A_699 : vector<256x1xf32> to vector<256x256xf32>
      %mul3A_742 = arith.mulf %mul3A_741, %get3A_740 : vector<256x256xf32>
      %reduce_sum3A_743 = arith.constant dense<0.000000e+00> : vector<256xf32>
      %reduce_sum3A_744 = vector.multi_reduction <add>, %mul3A_742, %reduce_sum3A_743 [0] : vector<256x256xf32> to vector<256xf32>
      %broadcast_in_dim3A_745 = vector.shape_cast %reduce_sum3A_744 : vector<256xf32> to vector<1x256xf32>
      %add3A_746 = arith.addf %add3A_682, %broadcast_in_dim3A_745 : vector<1x256xf32>
      %get3A_747 = arith.constant 5 : index
      %get3A_748 = arith.constant 0 : index
      %get3A_749 = arith.constant 0 : index
      %get3A_750 = vector.load %arg5[%get3A_747, %get3A_748, %get3A_749] : memref<8x256x256xf32, #tpu.memory_space<vmem>>, vector<1x256x256xf32>
      %get3A_751 = vector.shape_cast %get3A_750 : vector<1x256x256xf32> to vector<256x256xf32>
      %mul3A_752 = vector.broadcast %get3A_699 : vector<256x1xf32> to vector<256x256xf32>
      %mul3A_753 = arith.mulf %mul3A_752, %get3A_751 : vector<256x256xf32>
      %reduce_sum3A_754 = arith.constant dense<0.000000e+00> : vector<256xf32>
      %reduce_sum3A_755 = vector.multi_reduction <add>, %mul3A_753, %reduce_sum3A_754 [0] : vector<256x256xf32> to vector<256xf32>
      %broadcast_in_dim3A_756 = vector.shape_cast %reduce_sum3A_755 : vector<256xf32> to vector<1x256xf32>
      %add3A_757 = arith.addf %add3A_693, %broadcast_in_dim3A_756 : vector<1x256xf32>
      %get3A_758 = arith.constant 0 : index
      %get3A_759 = arith.constant 6 : index
      %get3A_760 = vector.load %arg7[%get3A_758, %get3A_759] : memref<256x8xf32, #tpu.memory_space<vmem>>, vector<256x1xf32>
      %get3A_761 = arith.constant 0 : index
      %get3A_762 = arith.constant 6 : index
      %get3A_763 = vector.load %arg8[%get3A_761, %get3A_762] : memref<256x8xf32, #tpu.memory_space<vmem>>, vector<256x1xf32>
      %get3A_764 = arith.constant 6 : index
      %get3A_765 = arith.constant 0 : index
      %get3A_766 = arith.constant 0 : index
      %get3A_767 = vector.load %arg4[%get3A_764, %get3A_765, %get3A_766] : memref<8x256x256xf32, #tpu.memory_space<vmem>>, vector<1x256x256xf32>
      %get3A_768 = vector.shape_cast %get3A_767 : vector<1x256x256xf32> to vector<256x256xf32>
      %mul3A_769 = vector.broadcast %get3A_760 : vector<256x1xf32> to vector<256x256xf32>
      %mul3A_770 = arith.mulf %get3A_768, %mul3A_769 : vector<256x256xf32>
      %get3A_771 = arith.constant 6 : index
      %get3A_772 = arith.constant 0 : index
      %get3A_773 = arith.constant 0 : index
      %get3A_774 = vector.load %arg5[%get3A_771, %get3A_772, %get3A_773] : memref<8x256x256xf32, #tpu.memory_space<vmem>>, vector<1x256x256xf32>
      %get3A_775 = vector.shape_cast %get3A_774 : vector<1x256x256xf32> to vector<256x256xf32>
      %mul3A_776 = vector.broadcast %get3A_760 : vector<256x1xf32> to vector<256x256xf32>
      %mul3A_777 = arith.mulf %get3A_775, %mul3A_776 : vector<256x256xf32>
      %convert_element_type3A_778 = arith.truncf %mul3A_770 : vector<256x256xf32> to vector<256x256xbf16>
      %swap3A_779 = arith.constant 6 : index
      %swap3A_780 = arith.constant 0 : index
      %swap3A_781 = arith.constant 0 : index
      %swap3A_782 = vector.load %arg17[%swap3A_779, %swap3A_780, %swap3A_781] : memref<8x256x256xbf16, #tpu.memory_space<vmem>>, vector<1x256x256xbf16>
      %swap3A_783 = vector.shape_cast %swap3A_782 : vector<1x256x256xbf16> to vector<256x256xbf16>
      %swap3A_784 = vector.shape_cast %convert_element_type3A_778 : vector<256x256xbf16> to vector<1x256x256xbf16>
      tpu.vector_store %arg17[%swap3A_779, %swap3A_780, %swap3A_781], %swap3A_784 {strides = array<i32>} : memref<8x256x256xbf16, #tpu.memory_space<vmem>>, vector<1x256x256xbf16>,
      %convert_element_type3A_785 = arith.truncf %mul3A_777 : vector<256x256xf32> to vector<256x256xbf16>
      %swap3A_786 = arith.constant 6 : index
      %swap3A_787 = arith.constant 0 : index
      %swap3A_788 = arith.constant 0 : index
      %swap3A_789 = vector.load %arg18[%swap3A_786, %swap3A_787, %swap3A_788] : memref<8x256x256xbf16, #tpu.memory_space<vmem>>, vector<1x256x256xbf16>
      %swap3A_790 = vector.shape_cast %swap3A_789 : vector<1x256x256xbf16> to vector<256x256xbf16>
      %swap3A_791 = vector.shape_cast %convert_element_type3A_785 : vector<256x256xbf16> to vector<1x256x256xbf16>
      tpu.vector_store %arg18[%swap3A_786, %swap3A_787, %swap3A_788], %swap3A_791 {strides = array<i32>} : memref<8x256x256xbf16, #tpu.memory_space<vmem>>, vector<1x256x256xbf16>,
      %reduce_sum3A_792 = arith.constant dense<0.000000e+00> : vector<256xf32>
      %reduce_sum3A_793 = vector.multi_reduction <add>, %mul3A_770, %reduce_sum3A_792 [0] : vector<256x256xf32> to vector<256xf32>
      %broadcast_in_dim3A_794 = vector.shape_cast %reduce_sum3A_793 : vector<256xf32> to vector<1x256xf32>
      %add3A_795 = arith.addf %add3A_731, %broadcast_in_dim3A_794 : vector<1x256xf32>
      %reduce_sum3A_796 = arith.constant dense<0.000000e+00> : vector<256xf32>
      %reduce_sum3A_797 = vector.multi_reduction <add>, %mul3A_777, %reduce_sum3A_796 [0] : vector<256x256xf32> to vector<256xf32>
      %broadcast_in_dim3A_798 = vector.shape_cast %reduce_sum3A_797 : vector<256xf32> to vector<1x256xf32>
      %add3A_799 = arith.addf %add3A_735, %broadcast_in_dim3A_798 : vector<1x256xf32>
      %get3A_800 = arith.constant 6 : index
      %get3A_801 = arith.constant 0 : index
      %get3A_802 = arith.constant 0 : index
      %get3A_803 = vector.load %arg4[%get3A_800, %get3A_801, %get3A_802] : memref<8x256x256xf32, #tpu.memory_space<vmem>>, vector<1x256x256xf32>
      %get3A_804 = vector.shape_cast %get3A_803 : vector<1x256x256xf32> to vector<256x256xf32>
      %mul3A_805 = vector.broadcast %get3A_763 : vector<256x1xf32> to vector<256x256xf32>
      %mul3A_806 = arith.mulf %mul3A_805, %get3A_804 : vector<256x256xf32>
      %reduce_sum3A_807 = arith.constant dense<0.000000e+00> : vector<256xf32>
      %reduce_sum3A_808 = vector.multi_reduction <add>, %mul3A_806, %reduce_sum3A_807 [0] : vector<256x256xf32> to vector<256xf32>
      %broadcast_in_dim3A_809 = vector.shape_cast %reduce_sum3A_808 : vector<256xf32> to vector<1x256xf32>
      %add3A_810 = arith.addf %add3A_746, %broadcast_in_dim3A_809 : vector<1x256xf32>
      %get3A_811 = arith.constant 6 : index
      %get3A_812 = arith.constant 0 : index
      %get3A_813 = arith.constant 0 : index
      %get3A_814 = vector.load %arg5[%get3A_811, %get3A_812, %get3A_813] : memref<8x256x256xf32, #tpu.memory_space<vmem>>, vector<1x256x256xf32>
      %get3A_815 = vector.shape_cast %get3A_814 : vector<1x256x256xf32> to vector<256x256xf32>
      %mul3A_816 = vector.broadcast %get3A_763 : vector<256x1xf32> to vector<256x256xf32>
      %mul3A_817 = arith.mulf %mul3A_816, %get3A_815 : vector<256x256xf32>
      %reduce_sum3A_818 = arith.constant dense<0.000000e+00> : vector<256xf32>
      %reduce_sum3A_819 = vector.multi_reduction <add>, %mul3A_817, %reduce_sum3A_818 [0] : vector<256x256xf32> to vector<256xf32>
      %broadcast_in_dim3A_820 = vector.shape_cast %reduce_sum3A_819 : vector<256xf32> to vector<1x256xf32>
      %add3A_821 = arith.addf %add3A_757, %broadcast_in_dim3A_820 : vector<1x256xf32>
      %get3A_822 = arith.constant 0 : index
      %get3A_823 = arith.constant 7 : index
      %get3A_824 = vector.load %arg7[%get3A_822, %get3A_823] : memref<256x8xf32, #tpu.memory_space<vmem>>, vector<256x1xf32>
      %get3A_825 = arith.constant 0 : index
      %get3A_826 = arith.constant 7 : index
      %get3A_827 = vector.load %arg8[%get3A_825, %get3A_826] : memref<256x8xf32, #tpu.memory_space<vmem>>, vector<256x1xf32>
      %get3A_828 = arith.constant 7 : index
      %get3A_829 = arith.constant 0 : index
      %get3A_830 = arith.constant 0 : index
      %get3A_831 = vector.load %arg4[%get3A_828, %get3A_829, %get3A_830] : memref<8x256x256xf32, #tpu.memory_space<vmem>>, vector<1x256x256xf32>
      %get3A_832 = vector.shape_cast %get3A_831 : vector<1x256x256xf32> to vector<256x256xf32>
      %mul3A_833 = vector.broadcast %get3A_824 : vector<256x1xf32> to vector<256x256xf32>
      %mul3A_834 = arith.mulf %get3A_832, %mul3A_833 : vector<256x256xf32>
      %get3A_835 = arith.constant 7 : index
      %get3A_836 = arith.constant 0 : index
      %get3A_837 = arith.constant 0 : index
      %get3A_838 = vector.load %arg5[%get3A_835, %get3A_836, %get3A_837] : memref<8x256x256xf32, #tpu.memory_space<vmem>>, vector<1x256x256xf32>
      %get3A_839 = vector.shape_cast %get3A_838 : vector<1x256x256xf32> to vector<256x256xf32>
      %mul3A_840 = vector.broadcast %get3A_824 : vector<256x1xf32> to vector<256x256xf32>
      %mul3A_841 = arith.mulf %get3A_839, %mul3A_840 : vector<256x256xf32>
      %convert_element_type3A_842 = arith.truncf %mul3A_834 : vector<256x256xf32> to vector<256x256xbf16>
      %swap3A_843 = arith.constant 7 : index
      %swap3A_844 = arith.constant 0 : index
      %swap3A_845 = arith.constant 0 : index
      %swap3A_846 = vector.load %arg17[%swap3A_843, %swap3A_844, %swap3A_845] : memref<8x256x256xbf16, #tpu.memory_space<vmem>>, vector<1x256x256xbf16>
      %swap3A_847 = vector.shape_cast %swap3A_846 : vector<1x256x256xbf16> to vector<256x256xbf16>
      %swap3A_848 = vector.shape_cast %convert_element_type3A_842 : vector<256x256xbf16> to vector<1x256x256xbf16>
      tpu.vector_store %arg17[%swap3A_843, %swap3A_844, %swap3A_845], %swap3A_848 {strides = array<i32>} : memref<8x256x256xbf16, #tpu.memory_space<vmem>>, vector<1x256x256xbf16>,
      %convert_element_type3A_849 = arith.truncf %mul3A_841 : vector<256x256xf32> to vector<256x256xbf16>
      %swap3A_850 = arith.constant 7 : index
      %swap3A_851 = arith.constant 0 : index
      %swap3A_852 = arith.constant 0 : index
      %swap3A_853 = vector.load %arg18[%swap3A_850, %swap3A_851, %swap3A_852] : memref<8x256x256xbf16, #tpu.memory_space<vmem>>, vector<1x256x256xbf16>
      %swap3A_854 = vector.shape_cast %swap3A_853 : vector<1x256x256xbf16> to vector<256x256xbf16>
      %swap3A_855 = vector.shape_cast %convert_element_type3A_849 : vector<256x256xbf16> to vector<1x256x256xbf16>
      tpu.vector_store %arg18[%swap3A_850, %swap3A_851, %swap3A_852], %swap3A_855 {strides = array<i32>} : memref<8x256x256xbf16, #tpu.memory_space<vmem>>, vector<1x256x256xbf16>,
      %reduce_sum3A_856 = arith.constant dense<0.000000e+00> : vector<256xf32>
      %reduce_sum3A_857 = vector.multi_reduction <add>, %mul3A_834, %reduce_sum3A_856 [0] : vector<256x256xf32> to vector<256xf32>
      %broadcast_in_dim3A_858 = vector.shape_cast %reduce_sum3A_857 : vector<256xf32> to vector<1x256xf32>
      %add3A_859 = arith.addf %add3A_795, %broadcast_in_dim3A_858 : vector<1x256xf32>
      %reduce_sum3A_860 = arith.constant dense<0.000000e+00> : vector<256xf32>
      %reduce_sum3A_861 = vector.multi_reduction <add>, %mul3A_841, %reduce_sum3A_860 [0] : vector<256x256xf32> to vector<256xf32>
      %broadcast_in_dim3A_862 = vector.shape_cast %reduce_sum3A_861 : vector<256xf32> to vector<1x256xf32>
      %add3A_863 = arith.addf %add3A_799, %broadcast_in_dim3A_862 : vector<1x256xf32>
      %get3A_864 = arith.constant 7 : index
      %get3A_865 = arith.constant 0 : index
      %get3A_866 = arith.constant 0 : index
      %get3A_867 = vector.load %arg4[%get3A_864, %get3A_865, %get3A_866] : memref<8x256x256xf32, #tpu.memory_space<vmem>>, vector<1x256x256xf32>
      %get3A_868 = vector.shape_cast %get3A_867 : vector<1x256x256xf32> to vector<256x256xf32>
      %mul3A_869 = vector.broadcast %get3A_827 : vector<256x1xf32> to vector<256x256xf32>
      %mul3A_870 = arith.mulf %mul3A_869, %get3A_868 : vector<256x256xf32>
      %reduce_sum3A_871 = arith.constant dense<0.000000e+00> : vector<256xf32>
      %reduce_sum3A_872 = vector.multi_reduction <add>, %mul3A_870, %reduce_sum3A_871 [0] : vector<256x256xf32> to vector<256xf32>
      %broadcast_in_dim3A_873 = vector.shape_cast %reduce_sum3A_872 : vector<256xf32> to vector<1x256xf32>
      %add3A_874 = arith.addf %add3A_810, %broadcast_in_dim3A_873 : vector<1x256xf32>
      %get3A_875 = arith.constant 7 : index
      %get3A_876 = arith.constant 0 : index
      %get3A_877 = arith.constant 0 : index
      %get3A_878 = vector.load %arg5[%get3A_875, %get3A_876, %get3A_877] : memref<8x256x256xf32, #tpu.memory_space<vmem>>, vector<1x256x256xf32>
      %get3A_879 = vector.shape_cast %get3A_878 : vector<1x256x256xf32> to vector<256x256xf32>
      %mul3A_880 = vector.broadcast %get3A_827 : vector<256x1xf32> to vector<256x256xf32>
      %mul3A_881 = arith.mulf %mul3A_880, %get3A_879 : vector<256x256xf32>
      %reduce_sum3A_882 = arith.constant dense<0.000000e+00> : vector<256xf32>
      %reduce_sum3A_883 = vector.multi_reduction <add>, %mul3A_881, %reduce_sum3A_882 [0] : vector<256x256xf32> to vector<256xf32>
      %broadcast_in_dim3A_884 = vector.shape_cast %reduce_sum3A_883 : vector<256xf32> to vector<1x256xf32>
      %add3A_885 = arith.addf %add3A_821, %broadcast_in_dim3A_884 : vector<1x256xf32>
      %swap3A_886 = arith.constant 0 : index
      %swap3A_887 = arith.constant 0 : index
      %swap3A_888 = vector.load %arg20[%swap3A_886, %swap3A_887] : memref<8x256xf32, #tpu.memory_space<vmem>>, vector<1x256xf32>
      tpu.vector_store %arg20[%swap3A_886, %swap3A_887], %add3A_859 {strides = array<i32>} : memref<8x256xf32, #tpu.memory_space<vmem>>, vector<1x256xf32>,
      %swap3A_889 = arith.constant 1 : index
      %swap3A_890 = arith.constant 0 : index
      %swap3A_891 = vector.load %arg20[%swap3A_889, %swap3A_890] : memref<8x256xf32, #tpu.memory_space<vmem>>, vector<1x256xf32>
      tpu.vector_store %arg20[%swap3A_889, %swap3A_890], %add3A_874 {strides = array<i32>} : memref<8x256xf32, #tpu.memory_space<vmem>>, vector<1x256xf32>,
      %swap3A_892 = arith.constant 2 : index
      %swap3A_893 = arith.constant 0 : index
      %swap3A_894 = vector.load %arg20[%swap3A_892, %swap3A_893] : memref<8x256xf32, #tpu.memory_space<vmem>>, vector<1x256xf32>
      tpu.vector_store %arg20[%swap3A_892, %swap3A_893], %add3A_863 {strides = array<i32>} : memref<8x256xf32, #tpu.memory_space<vmem>>, vector<1x256xf32>,
      %swap3A_895 = arith.constant 3 : index
      %swap3A_896 = arith.constant 0 : index
      %swap3A_897 = vector.load %arg20[%swap3A_895, %swap3A_896] : memref<8x256xf32, #tpu.memory_space<vmem>>, vector<1x256xf32>
      tpu.vector_store %arg20[%swap3A_895, %swap3A_896], %add3A_885 {strides = array<i32>} : memref<8x256xf32, #tpu.memory_space<vmem>>, vector<1x256xf32>,
      %get3A_898 = arith.constant 0 : index
      %get3A_899 = arith.constant 0 : index
      %get3A_900 = vector.load %arg12[%get3A_898, %get3A_899] : memref<4x256xf32, #tpu.memory_space<vmem>>, vector<4x256xf32>
      %swap3A_901 = arith.constant 4 : index
      %swap3A_902 = arith.constant 0 : index
      %swap3A_903 = vector.load %arg20[%swap3A_901, %swap3A_902] : memref<8x256xf32, #tpu.memory_space<vmem>>, vector<4x256xf32>
      tpu.vector_store %arg20[%swap3A_901, %swap3A_902], %get3A_900 {strides = array<i32>} : memref<8x256xf32, #tpu.memory_space<vmem>>, vector<4x256xf32>,
      %get3A_904 = arith.constant 0 : index
      %get3A_905 = arith.constant 0 : index
      %get3A_906 = vector.load %arg6[%get3A_904, %get3A_905] : memref<256x256xf32, #tpu.memory_space<vmem>>, vector<256x256xf32>
      %convert_element_type3A_907 = arith.truncf %get3A_906 : vector<256x256xf32> to vector<256x256xbf16>
      %swap3A_908 = arith.constant 0 : index
      %swap3A_909 = arith.constant 0 : index
      %swap3A_910 = vector.load %arg19[%swap3A_908, %swap3A_909] : memref<256x256xbf16, #tpu.memory_space<vmem>>, vector<256x256xbf16>
      tpu.vector_store %arg19[%swap3A_908, %swap3A_909], %convert_element_type3A_907 {strides = array<i32>} : memref<256x256xbf16, #tpu.memory_space<vmem>>, vector<256x256xbf16>,
    } else {
    }
    %get3A = arith.constant 0 : index
    %get3A_3 = arith.constant 0 : index
    %get3A_4 = arith.constant 0 : index
    %get3A_5 = vector.load %arg1[%get3A, %get3A_3, %get3A_4] : memref<8x512x256xf32, #tpu.memory_space<vmem>>, vector<1x512x256xf32>
    %get3A_6 = vector.shape_cast %get3A_5 : vector<1x512x256xf32> to vector<512x256xf32>
    %get3A_7 = arith.constant 1 : index
    %get3A_8 = arith.constant 0 : index
    %get3A_9 = arith.constant 0 : index
    %get3A_10 = vector.load %arg1[%get3A_7, %get3A_8, %get3A_9] : memref<8x512x256xf32, #tpu.memory_space<vmem>>, vector<1x512x256xf32>
    %get3A_11 = vector.shape_cast %get3A_10 : vector<1x512x256xf32> to vector<512x256xf32>
    %get3A_12 = arith.constant 2 : index
    %get3A_13 = arith.constant 0 : index
    %get3A_14 = arith.constant 0 : index
    %get3A_15 = vector.load %arg1[%get3A_12, %get3A_13, %get3A_14] : memref<8x512x256xf32, #tpu.memory_space<vmem>>, vector<1x512x256xf32>
    %get3A_16 = vector.shape_cast %get3A_15 : vector<1x512x256xf32> to vector<512x256xf32>
    %get3A_17 = arith.constant 3 : index
    %get3A_18 = arith.constant 0 : index
    %get3A_19 = arith.constant 0 : index
    %get3A_20 = vector.load %arg1[%get3A_17, %get3A_18, %get3A_19] : memref<8x512x256xf32, #tpu.memory_space<vmem>>, vector<1x512x256xf32>
    %get3A_21 = vector.shape_cast %get3A_20 : vector<1x512x256xf32> to vector<512x256xf32>
    %get3A_22 = arith.constant 4 : index
    %get3A_23 = arith.constant 0 : index
    %get3A_24 = arith.constant 0 : index
    %get3A_25 = vector.load %arg1[%get3A_22, %get3A_23, %get3A_24] : memref<8x512x256xf32, #tpu.memory_space<vmem>>, vector<1x512x256xf32>
    %get3A_26 = vector.shape_cast %get3A_25 : vector<1x512x256xf32> to vector<512x256xf32>
    %get3A_27 = arith.constant 5 : index
    %get3A_28 = arith.constant 0 : index
    %get3A_29 = arith.constant 0 : index
    %get3A_30 = vector.load %arg1[%get3A_27, %get3A_28, %get3A_29] : memref<8x512x256xf32, #tpu.memory_space<vmem>>, vector<1x512x256xf32>
    %get3A_31 = vector.shape_cast %get3A_30 : vector<1x512x256xf32> to vector<512x256xf32>
    %get3A_32 = arith.constant 6 : index
    %get3A_33 = arith.constant 0 : index
    %get3A_34 = arith.constant 0 : index
    %get3A_35 = vector.load %arg1[%get3A_32, %get3A_33, %get3A_34] : memref<8x512x256xf32, #tpu.memory_space<vmem>>, vector<1x512x256xf32>
    %get3A_36 = vector.shape_cast %get3A_35 : vector<1x512x256xf32> to vector<512x256xf32>
    %get3A_37 = arith.constant 7 : index
    %get3A_38 = arith.constant 0 : index
    %get3A_39 = arith.constant 0 : index
    %get3A_40 = vector.load %arg1[%get3A_37, %get3A_38, %get3A_39] : memref<8x512x256xf32, #tpu.memory_space<vmem>>, vector<1x512x256xf32>
    %get3A_41 = vector.shape_cast %get3A_40 : vector<1x512x256xf32> to vector<512x256xf32>
    %mul3A = arith.mulf %get3A_6, %get3A_6 : vector<512x256xf32>
    %add3A = arith.addf %get3A_6, %get3A_11 : vector<512x256xf32>
    %mul3A_42 = arith.mulf %get3A_11, %get3A_11 : vector<512x256xf32>
    %add3A_43 = arith.addf %mul3A, %mul3A_42 : vector<512x256xf32>
    %add3A_44 = arith.addf %add3A, %get3A_16 : vector<512x256xf32>
    %mul3A_45 = arith.mulf %get3A_16, %get3A_16 : vector<512x256xf32>
    %add3A_46 = arith.addf %add3A_43, %mul3A_45 : vector<512x256xf32>
    %add3A_47 = arith.addf %add3A_44, %get3A_21 : vector<512x256xf32>
    %mul3A_48 = arith.mulf %get3A_21, %get3A_21 : vector<512x256xf32>
    %add3A_49 = arith.addf %add3A_46, %mul3A_48 : vector<512x256xf32>
    %add3A_50 = arith.addf %add3A_47, %get3A_26 : vector<512x256xf32>
    %mul3A_51 = arith.mulf %get3A_26, %get3A_26 : vector<512x256xf32>
    %add3A_52 = arith.addf %add3A_49, %mul3A_51 : vector<512x256xf32>
    %add3A_53 = arith.addf %add3A_50, %get3A_31 : vector<512x256xf32>
    %mul3A_54 = arith.mulf %get3A_31, %get3A_31 : vector<512x256xf32>
    %add3A_55 = arith.addf %add3A_52, %mul3A_54 : vector<512x256xf32>
    %add3A_56 = arith.addf %add3A_53, %get3A_36 : vector<512x256xf32>
    %mul3A_57 = arith.mulf %get3A_36, %get3A_36 : vector<512x256xf32>
    %add3A_58 = arith.addf %add3A_55, %mul3A_57 : vector<512x256xf32>
    %add3A_59 = arith.addf %add3A_56, %get3A_41 : vector<512x256xf32>
    %mul3A_60 = arith.mulf %get3A_41, %get3A_41 : vector<512x256xf32>
    %add3A_61 = arith.addf %add3A_58, %mul3A_60 : vector<512x256xf32>
    %reduce_sum3A = arith.constant dense<0.000000e+00> : vector<512xf32>
    %reduce_sum3A_62 = vector.multi_reduction <add>, %add3A_59, %reduce_sum3A [1] : vector<512x256xf32> to vector<512xf32>
    %broadcast_in_dim3A = vector.shape_cast %reduce_sum3A_62 : vector<512xf32> to vector<512x1xf32>
    %reduce_sum3A_63 = arith.constant dense<0.000000e+00> : vector<512xf32>
    %reduce_sum3A_64 = vector.multi_reduction <add>, %add3A_61, %reduce_sum3A_63 [1] : vector<512x256xf32> to vector<512xf32>
    %broadcast_in_dim3A_65 = vector.shape_cast %reduce_sum3A_64 : vector<512xf32> to vector<512x1xf32>
    %mul3A_66 = arith.constant 4.8828125E-4 : f32
    %mul3A_67 = vector.broadcast %mul3A_66 : f32 to vector<512x1xf32>
    %mul3A_68 = arith.mulf %broadcast_in_dim3A, %mul3A_67 : vector<512x1xf32>
    %mul3A_69 = arith.constant 4.8828125E-4 : f32
    %mul3A_70 = vector.broadcast %mul3A_69 : f32 to vector<512x1xf32>
    %mul3A_71 = arith.mulf %broadcast_in_dim3A_65, %mul3A_70 : vector<512x1xf32>
    %mul3A_72 = arith.mulf %mul3A_68, %mul3A_68 : vector<512x1xf32>
    %sub3A = arith.subf %mul3A_71, %mul3A_72 : vector<512x1xf32>
    %add3A_73 = arith.constant 9.99999974E-6 : f32
    %add3A_74 = vector.broadcast %add3A_73 : f32 to vector<512x1xf32>
    %add3A_75 = arith.addf %sub3A, %add3A_74 : vector<512x1xf32>
    %rsqrt3A = math.rsqrt %add3A_75 : vector<512x1xf32>
    %convert_element_type3A_76 = arith.truncf %get3A_6 : vector<512x256xf32> to vector<512x256xbf16>
    %get3A_77 = arith.constant 0 : index
    %get3A_78 = arith.constant 0 : index
    %get3A_79 = arith.constant 0 : index
    %get3A_80 = vector.load %arg17[%get3A_77, %get3A_78, %get3A_79] : memref<8x256x256xbf16, #tpu.memory_space<vmem>>, vector<1x256x256xbf16>
    %get3A_81 = vector.shape_cast %get3A_80 : vector<1x256x256xbf16> to vector<256x256xbf16>
    %dot_general3A = arith.constant dense<0.000000e+00> : vector<512x256xf32>
    %dot_general3A_82 = tpu.matmul %convert_element_type3A_76, %get3A_81, %dot_general3A {dimension_numbers = #tpu.dot_dimension_numbers<[1], [0], [0], [1], [0, 0, 1, 1], [], []>, transpose_lhs_hint = false} : vector<512x256xbf16>, vector<256x256xbf16>, vector<512x256xf32> -> vector<512x256xf32>
    %convert_element_type3A_83 = arith.truncf %get3A_6 : vector<512x256xf32> to vector<512x256xbf16>
    %get3A_84 = arith.constant 0 : index
    %get3A_85 = arith.constant 0 : index
    %get3A_86 = arith.constant 0 : index
    %get3A_87 = vector.load %arg18[%get3A_84, %get3A_85, %get3A_86] : memref<8x256x256xbf16, #tpu.memory_space<vmem>>, vector<1x256x256xbf16>
    %get3A_88 = vector.shape_cast %get3A_87 : vector<1x256x256xbf16> to vector<256x256xbf16>
    %dot_general3A_89 = arith.constant dense<0.000000e+00> : vector<512x256xf32>
    %dot_general3A_90 = tpu.matmul %convert_element_type3A_83, %get3A_88, %dot_general3A_89 {dimension_numbers = #tpu.dot_dimension_numbers<[1], [0], [0], [1], [0, 0, 1, 1], [], []>, transpose_lhs_hint = false} : vector<512x256xbf16>, vector<256x256xbf16>, vector<512x256xf32> -> vector<512x256xf32>
    %convert_element_type3A_91 = arith.truncf %get3A_11 : vector<512x256xf32> to vector<512x256xbf16>
    %get3A_92 = arith.constant 1 : index
    %get3A_93 = arith.constant 0 : index
    %get3A_94 = arith.constant 0 : index
    %get3A_95 = vector.load %arg17[%get3A_92, %get3A_93, %get3A_94] : memref<8x256x256xbf16, #tpu.memory_space<vmem>>, vector<1x256x256xbf16>
    %get3A_96 = vector.shape_cast %get3A_95 : vector<1x256x256xbf16> to vector<256x256xbf16>
    %dot_general3A_97 = arith.constant dense<0.000000e+00> : vector<512x256xf32>
    %dot_general3A_98 = tpu.matmul %convert_element_type3A_91, %get3A_96, %dot_general3A_97 {dimension_numbers = #tpu.dot_dimension_numbers<[1], [0], [0], [1], [0, 0, 1, 1], [], []>, transpose_lhs_hint = false} : vector<512x256xbf16>, vector<256x256xbf16>, vector<512x256xf32> -> vector<512x256xf32>
    %add3A_99 = arith.addf %dot_general3A_82, %dot_general3A_98 : vector<512x256xf32>
    %get3A_100 = arith.constant 1 : index
    %get3A_101 = arith.constant 0 : index
    %get3A_102 = arith.constant 0 : index
    %get3A_103 = vector.load %arg18[%get3A_100, %get3A_101, %get3A_102] : memref<8x256x256xbf16, #tpu.memory_space<vmem>>, vector<1x256x256xbf16>
    %get3A_104 = vector.shape_cast %get3A_103 : vector<1x256x256xbf16> to vector<256x256xbf16>
    %dot_general3A_105 = arith.constant dense<0.000000e+00> : vector<512x256xf32>
    %dot_general3A_106 = tpu.matmul %convert_element_type3A_91, %get3A_104, %dot_general3A_105 {dimension_numbers = #tpu.dot_dimension_numbers<[1], [0], [0], [1], [0, 0, 1, 1], [], []>, transpose_lhs_hint = false} : vector<512x256xbf16>, vector<256x256xbf16>, vector<512x256xf32> -> vector<512x256xf32>
    %add3A_107 = arith.addf %dot_general3A_90, %dot_general3A_106 : vector<512x256xf32>
    %convert_element_type3A_108 = arith.truncf %get3A_16 : vector<512x256xf32> to vector<512x256xbf16>
    %get3A_109 = arith.constant 2 : index
    %get3A_110 = arith.constant 0 : index
    %get3A_111 = arith.constant 0 : index
    %get3A_112 = vector.load %arg17[%get3A_109, %get3A_110, %get3A_111] : memref<8x256x256xbf16, #tpu.memory_space<vmem>>, vector<1x256x256xbf16>
    %get3A_113 = vector.shape_cast %get3A_112 : vector<1x256x256xbf16> to vector<256x256xbf16>
    %dot_general3A_114 = arith.constant dense<0.000000e+00> : vector<512x256xf32>
    %dot_general3A_115 = tpu.matmul %convert_element_type3A_108, %get3A_113, %dot_general3A_114 {dimension_numbers = #tpu.dot_dimension_numbers<[1], [0], [0], [1], [0, 0, 1, 1], [], []>, transpose_lhs_hint = false} : vector<512x256xbf16>, vector<256x256xbf16>, vector<512x256xf32> -> vector<512x256xf32>
    %add3A_116 = arith.addf %add3A_99, %dot_general3A_115 : vector<512x256xf32>
    %get3A_117 = arith.constant 2 : index
    %get3A_118 = arith.constant 0 : index
    %get3A_119 = arith.constant 0 : index
    %get3A_120 = vector.load %arg18[%get3A_117, %get3A_118, %get3A_119] : memref<8x256x256xbf16, #tpu.memory_space<vmem>>, vector<1x256x256xbf16>
    %get3A_121 = vector.shape_cast %get3A_120 : vector<1x256x256xbf16> to vector<256x256xbf16>
    %dot_general3A_122 = arith.constant dense<0.000000e+00> : vector<512x256xf32>
    %dot_general3A_123 = tpu.matmul %convert_element_type3A_108, %get3A_121, %dot_general3A_122 {dimension_numbers = #tpu.dot_dimension_numbers<[1], [0], [0], [1], [0, 0, 1, 1], [], []>, transpose_lhs_hint = false} : vector<512x256xbf16>, vector<256x256xbf16>, vector<512x256xf32> -> vector<512x256xf32>
    %add3A_124 = arith.addf %add3A_107, %dot_general3A_123 : vector<512x256xf32>
    %convert_element_type3A_125 = arith.truncf %get3A_21 : vector<512x256xf32> to vector<512x256xbf16>
    %get3A_126 = arith.constant 3 : index
    %get3A_127 = arith.constant 0 : index
    %get3A_128 = arith.constant 0 : index
    %get3A_129 = vector.load %arg17[%get3A_126, %get3A_127, %get3A_128] : memref<8x256x256xbf16, #tpu.memory_space<vmem>>, vector<1x256x256xbf16>
    %get3A_130 = vector.shape_cast %get3A_129 : vector<1x256x256xbf16> to vector<256x256xbf16>
    %dot_general3A_131 = arith.constant dense<0.000000e+00> : vector<512x256xf32>
    %dot_general3A_132 = tpu.matmul %convert_element_type3A_125, %get3A_130, %dot_general3A_131 {dimension_numbers = #tpu.dot_dimension_numbers<[1], [0], [0], [1], [0, 0, 1, 1], [], []>, transpose_lhs_hint = false} : vector<512x256xbf16>, vector<256x256xbf16>, vector<512x256xf32> -> vector<512x256xf32>
    %add3A_133 = arith.addf %add3A_116, %dot_general3A_132 : vector<512x256xf32>
    %get3A_134 = arith.constant 3 : index
    %get3A_135 = arith.constant 0 : index
    %get3A_136 = arith.constant 0 : index
    %get3A_137 = vector.load %arg18[%get3A_134, %get3A_135, %get3A_136] : memref<8x256x256xbf16, #tpu.memory_space<vmem>>, vector<1x256x256xbf16>
    %get3A_138 = vector.shape_cast %get3A_137 : vector<1x256x256xbf16> to vector<256x256xbf16>
    %dot_general3A_139 = arith.constant dense<0.000000e+00> : vector<512x256xf32>
    %dot_general3A_140 = tpu.matmul %convert_element_type3A_125, %get3A_138, %dot_general3A_139 {dimension_numbers = #tpu.dot_dimension_numbers<[1], [0], [0], [1], [0, 0, 1, 1], [], []>, transpose_lhs_hint = false} : vector<512x256xbf16>, vector<256x256xbf16>, vector<512x256xf32> -> vector<512x256xf32>
    %add3A_141 = arith.addf %add3A_124, %dot_general3A_140 : vector<512x256xf32>
    %convert_element_type3A_142 = arith.truncf %get3A_26 : vector<512x256xf32> to vector<512x256xbf16>
    %get3A_143 = arith.constant 4 : index
    %get3A_144 = arith.constant 0 : index
    %get3A_145 = arith.constant 0 : index
    %get3A_146 = vector.load %arg17[%get3A_143, %get3A_144, %get3A_145] : memref<8x256x256xbf16, #tpu.memory_space<vmem>>, vector<1x256x256xbf16>
    %get3A_147 = vector.shape_cast %get3A_146 : vector<1x256x256xbf16> to vector<256x256xbf16>
    %dot_general3A_148 = arith.constant dense<0.000000e+00> : vector<512x256xf32>
    %dot_general3A_149 = tpu.matmul %convert_element_type3A_142, %get3A_147, %dot_general3A_148 {dimension_numbers = #tpu.dot_dimension_numbers<[1], [0], [0], [1], [0, 0, 1, 1], [], []>, transpose_lhs_hint = false} : vector<512x256xbf16>, vector<256x256xbf16>, vector<512x256xf32> -> vector<512x256xf32>
    %add3A_150 = arith.addf %add3A_133, %dot_general3A_149 : vector<512x256xf32>
    %get3A_151 = arith.constant 4 : index
    %get3A_152 = arith.constant 0 : index
    %get3A_153 = arith.constant 0 : index
    %get3A_154 = vector.load %arg18[%get3A_151, %get3A_152, %get3A_153] : memref<8x256x256xbf16, #tpu.memory_space<vmem>>, vector<1x256x256xbf16>
    %get3A_155 = vector.shape_cast %get3A_154 : vector<1x256x256xbf16> to vector<256x256xbf16>
    %dot_general3A_156 = arith.constant dense<0.000000e+00> : vector<512x256xf32>
    %dot_general3A_157 = tpu.matmul %convert_element_type3A_142, %get3A_155, %dot_general3A_156 {dimension_numbers = #tpu.dot_dimension_numbers<[1], [0], [0], [1], [0, 0, 1, 1], [], []>, transpose_lhs_hint = false} : vector<512x256xbf16>, vector<256x256xbf16>, vector<512x256xf32> -> vector<512x256xf32>
    %add3A_158 = arith.addf %add3A_141, %dot_general3A_157 : vector<512x256xf32>
    %convert_element_type3A_159 = arith.truncf %get3A_31 : vector<512x256xf32> to vector<512x256xbf16>
    %get3A_160 = arith.constant 5 : index
    %get3A_161 = arith.constant 0 : index
    %get3A_162 = arith.constant 0 : index
    %get3A_163 = vector.load %arg17[%get3A_160, %get3A_161, %get3A_162] : memref<8x256x256xbf16, #tpu.memory_space<vmem>>, vector<1x256x256xbf16>
    %get3A_164 = vector.shape_cast %get3A_163 : vector<1x256x256xbf16> to vector<256x256xbf16>
    %dot_general3A_165 = arith.constant dense<0.000000e+00> : vector<512x256xf32>
    %dot_general3A_166 = tpu.matmul %convert_element_type3A_159, %get3A_164, %dot_general3A_165 {dimension_numbers = #tpu.dot_dimension_numbers<[1], [0], [0], [1], [0, 0, 1, 1], [], []>, transpose_lhs_hint = false} : vector<512x256xbf16>, vector<256x256xbf16>, vector<512x256xf32> -> vector<512x256xf32>
    %add3A_167 = arith.addf %add3A_150, %dot_general3A_166 : vector<512x256xf32>
    %get3A_168 = arith.constant 5 : index
    %get3A_169 = arith.constant 0 : index
    %get3A_170 = arith.constant 0 : index
    %get3A_171 = vector.load %arg18[%get3A_168, %get3A_169, %get3A_170] : memref<8x256x256xbf16, #tpu.memory_space<vmem>>, vector<1x256x256xbf16>
    %get3A_172 = vector.shape_cast %get3A_171 : vector<1x256x256xbf16> to vector<256x256xbf16>
    %dot_general3A_173 = arith.constant dense<0.000000e+00> : vector<512x256xf32>
    %dot_general3A_174 = tpu.matmul %convert_element_type3A_159, %get3A_172, %dot_general3A_173 {dimension_numbers = #tpu.dot_dimension_numbers<[1], [0], [0], [1], [0, 0, 1, 1], [], []>, transpose_lhs_hint = false} : vector<512x256xbf16>, vector<256x256xbf16>, vector<512x256xf32> -> vector<512x256xf32>
    %add3A_175 = arith.addf %add3A_158, %dot_general3A_174 : vector<512x256xf32>
    %convert_element_type3A_176 = arith.truncf %get3A_36 : vector<512x256xf32> to vector<512x256xbf16>
    %get3A_177 = arith.constant 6 : index
    %get3A_178 = arith.constant 0 : index
    %get3A_179 = arith.constant 0 : index
    %get3A_180 = vector.load %arg17[%get3A_177, %get3A_178, %get3A_179] : memref<8x256x256xbf16, #tpu.memory_space<vmem>>, vector<1x256x256xbf16>
    %get3A_181 = vector.shape_cast %get3A_180 : vector<1x256x256xbf16> to vector<256x256xbf16>
    %dot_general3A_182 = arith.constant dense<0.000000e+00> : vector<512x256xf32>
    %dot_general3A_183 = tpu.matmul %convert_element_type3A_176, %get3A_181, %dot_general3A_182 {dimension_numbers = #tpu.dot_dimension_numbers<[1], [0], [0], [1], [0, 0, 1, 1], [], []>, transpose_lhs_hint = false} : vector<512x256xbf16>, vector<256x256xbf16>, vector<512x256xf32> -> vector<512x256xf32>
    %add3A_184 = arith.addf %add3A_167, %dot_general3A_183 : vector<512x256xf32>
    %get3A_185 = arith.constant 6 : index
    %get3A_186 = arith.constant 0 : index
    %get3A_187 = arith.constant 0 : index
    %get3A_188 = vector.load %arg18[%get3A_185, %get3A_186, %get3A_187] : memref<8x256x256xbf16, #tpu.memory_space<vmem>>, vector<1x256x256xbf16>
    %get3A_189 = vector.shape_cast %get3A_188 : vector<1x256x256xbf16> to vector<256x256xbf16>
    %dot_general3A_190 = arith.constant dense<0.000000e+00> : vector<512x256xf32>
    %dot_general3A_191 = tpu.matmul %convert_element_type3A_176, %get3A_189, %dot_general3A_190 {dimension_numbers = #tpu.dot_dimension_numbers<[1], [0], [0], [1], [0, 0, 1, 1], [], []>, transpose_lhs_hint = false} : vector<512x256xbf16>, vector<256x256xbf16>, vector<512x256xf32> -> vector<512x256xf32>
    %add3A_192 = arith.addf %add3A_175, %dot_general3A_191 : vector<512x256xf32>
    %convert_element_type3A_193 = arith.truncf %get3A_41 : vector<512x256xf32> to vector<512x256xbf16>
    %get3A_194 = arith.constant 7 : index
    %get3A_195 = arith.constant 0 : index
    %get3A_196 = arith.constant 0 : index
    %get3A_197 = vector.load %arg17[%get3A_194, %get3A_195, %get3A_196] : memref<8x256x256xbf16, #tpu.memory_space<vmem>>, vector<1x256x256xbf16>
    %get3A_198 = vector.shape_cast %get3A_197 : vector<1x256x256xbf16> to vector<256x256xbf16>
    %dot_general3A_199 = arith.constant dense<0.000000e+00> : vector<512x256xf32>
    %dot_general3A_200 = tpu.matmul %convert_element_type3A_193, %get3A_198, %dot_general3A_199 {dimension_numbers = #tpu.dot_dimension_numbers<[1], [0], [0], [1], [0, 0, 1, 1], [], []>, transpose_lhs_hint = false} : vector<512x256xbf16>, vector<256x256xbf16>, vector<512x256xf32> -> vector<512x256xf32>
    %add3A_201 = arith.addf %add3A_184, %dot_general3A_200 : vector<512x256xf32>
    %get3A_202 = arith.constant 7 : index
    %get3A_203 = arith.constant 0 : index
    %get3A_204 = arith.constant 0 : index
    %get3A_205 = vector.load %arg18[%get3A_202, %get3A_203, %get3A_204] : memref<8x256x256xbf16, #tpu.memory_space<vmem>>, vector<1x256x256xbf16>
    %get3A_206 = vector.shape_cast %get3A_205 : vector<1x256x256xbf16> to vector<256x256xbf16>
    %dot_general3A_207 = arith.constant dense<0.000000e+00> : vector<512x256xf32>
    %dot_general3A_208 = tpu.matmul %convert_element_type3A_193, %get3A_206, %dot_general3A_207 {dimension_numbers = #tpu.dot_dimension_numbers<[1], [0], [0], [1], [0, 0, 1, 1], [], []>, transpose_lhs_hint = false} : vector<512x256xbf16>, vector<256x256xbf16>, vector<512x256xf32> -> vector<512x256xf32>
    %add3A_209 = arith.addf %add3A_192, %dot_general3A_208 : vector<512x256xf32>
    %mul3A_210 = arith.mulf %rsqrt3A, %mul3A_68 : vector<512x1xf32>
    %mul3A_211 = vector.broadcast %rsqrt3A : vector<512x1xf32> to vector<512x256xf32>
    %mul3A_212 = arith.mulf %add3A_201, %mul3A_211 : vector<512x256xf32>
    %get3A_213 = arith.constant 0 : index
    %get3A_214 = arith.constant 0 : index
    %get3A_215 = vector.load %arg20[%get3A_213, %get3A_214] : memref<8x256xf32, #tpu.memory_space<vmem>>, vector<1x256xf32>
    %mul3A_216 = vector.broadcast %mul3A_210 : vector<512x1xf32> to vector<512x256xf32>
    %mul3A_217 = vector.broadcast %get3A_215 : vector<1x256xf32> to vector<512x256xf32>
    %mul3A_218 = arith.mulf %mul3A_216, %mul3A_217 : vector<512x256xf32>
    %sub3A_219 = arith.subf %mul3A_212, %mul3A_218 : vector<512x256xf32>
    %get3A_220 = arith.constant 1 : index
    %get3A_221 = arith.constant 0 : index
    %get3A_222 = vector.load %arg20[%get3A_220, %get3A_221] : memref<8x256xf32, #tpu.memory_space<vmem>>, vector<1x256xf32>
    %add3A_223 = vector.broadcast %get3A_222 : vector<1x256xf32> to vector<512x256xf32>
    %add3A_224 = arith.addf %sub3A_219, %add3A_223 : vector<512x256xf32>
    %mul3A_225 = vector.broadcast %rsqrt3A : vector<512x1xf32> to vector<512x256xf32>
    %mul3A_226 = arith.mulf %add3A_209, %mul3A_225 : vector<512x256xf32>
    %get3A_227 = arith.constant 2 : index
    %get3A_228 = arith.constant 0 : index
    %get3A_229 = vector.load %arg20[%get3A_227, %get3A_228] : memref<8x256xf32, #tpu.memory_space<vmem>>, vector<1x256xf32>
    %mul3A_230 = vector.broadcast %mul3A_210 : vector<512x1xf32> to vector<512x256xf32>
    %mul3A_231 = vector.broadcast %get3A_229 : vector<1x256xf32> to vector<512x256xf32>
    %mul3A_232 = arith.mulf %mul3A_230, %mul3A_231 : vector<512x256xf32>
    %sub3A_233 = arith.subf %mul3A_226, %mul3A_232 : vector<512x256xf32>
    %get3A_234 = arith.constant 3 : index
    %get3A_235 = arith.constant 0 : index
    %get3A_236 = vector.load %arg20[%get3A_234, %get3A_235] : memref<8x256xf32, #tpu.memory_space<vmem>>, vector<1x256xf32>
    %add3A_237 = vector.broadcast %get3A_236 : vector<1x256xf32> to vector<512x256xf32>
    %add3A_238 = arith.addf %sub3A_233, %add3A_237 : vector<512x256xf32>
    %get3A_239 = arith.constant 0 : index
    %get3A_240 = arith.constant 0 : index
    %get3A_241 = vector.load %arg2[%get3A_239, %get3A_240] : memref<512x256xf32, #tpu.memory_space<vmem>>, vector<512x256xf32>
    %mul3A_242 = arith.mulf %get3A_241, %add3A_224 : vector<512x256xf32>
    %reduce_sum3A_243 = arith.constant dense<0.000000e+00> : vector<512xf32>
    %reduce_sum3A_244 = vector.multi_reduction <add>, %mul3A_242, %reduce_sum3A_243 [1] : vector<512x256xf32> to vector<512xf32>
    %broadcast_in_dim3A_245 = vector.shape_cast %reduce_sum3A_244 : vector<512xf32> to vector<512x1xf32>
    %mul3A_246 = arith.constant 6.250000e-02 : f32
    %mul3A_247 = vector.broadcast %mul3A_246 : f32 to vector<512x1xf32>
    %mul3A_248 = arith.mulf %broadcast_in_dim3A_245, %mul3A_247 : vector<512x1xf32>
    %logistic3A = arith.negf %mul3A_248 : vector<512x1xf32>
    %logistic3A_249 = math.exp %logistic3A : vector<512x1xf32>
    %logistic3A_250 = arith.constant 1.000000e+00 : f32
    %logistic3A_251 = vector.broadcast %logistic3A_250 : f32 to vector<512x1xf32>
    %logistic3A_252 = arith.addf %logistic3A_251, %logistic3A_249 : vector<512x1xf32>
    %logistic3A_253 = arith.divf %logistic3A_251, %logistic3A_252 : vector<512x1xf32>
    %mul3A_254 = vector.broadcast %logistic3A_253 : vector<512x1xf32> to vector<512x256xf32>
    %mul3A_255 = arith.mulf %mul3A_254, %add3A_238 : vector<512x256xf32>
    %convert_element_type3A_256 = arith.truncf %mul3A_255 : vector<512x256xf32> to vector<512x256xbf16>
    %get3A_257 = arith.constant 0 : index
    %get3A_258 = arith.constant 0 : index
    %get3A_259 = vector.load %arg19[%get3A_257, %get3A_258] : memref<256x256xbf16, #tpu.memory_space<vmem>>, vector<256x256xbf16>
    %dot_general3A_260 = arith.constant dense<0.000000e+00> : vector<512x256xf32>
    %dot_general3A_261 = tpu.matmul %convert_element_type3A_256, %get3A_259, %dot_general3A_260 {dimension_numbers = #tpu.dot_dimension_numbers<[1], [0], [0], [1], [0, 0, 1, 1], [], []>, transpose_lhs_hint = false} : vector<512x256xbf16>, vector<256x256xbf16>, vector<512x256xf32> -> vector<512x256xf32>
    %get3A_262 = arith.constant 0 : index
    %get3A_263 = arith.constant 0 : index
    %get3A_264 = vector.load %arg9[%get3A_262, %get3A_263] : memref<1x256xf32, #tpu.memory_space<vmem>>, vector<1x256xf32>
    %add3A_265 = vector.broadcast %get3A_264 : vector<1x256xf32> to vector<512x256xf32>
    %add3A_266 = arith.addf %dot_general3A_261, %add3A_265 : vector<512x256xf32>
    %reduce_sum3A_267 = arith.constant dense<0.000000e+00> : vector<512xf32>
    %reduce_sum3A_268 = vector.multi_reduction <add>, %add3A_266, %reduce_sum3A_267 [1] : vector<512x256xf32> to vector<512xf32>
    %broadcast_in_dim3A_269 = vector.shape_cast %reduce_sum3A_268 : vector<512xf32> to vector<512x1xf32>
    %div3A = arith.constant 2.560000e+02 : f32
    %div3A_270 = vector.broadcast %div3A : f32 to vector<512x1xf32>
    %div3A_271 = arith.divf %broadcast_in_dim3A_269, %div3A_270 : vector<512x1xf32>
    %mul3A_272 = arith.mulf %add3A_266, %add3A_266 : vector<512x256xf32>
    %reduce_sum3A_273 = arith.constant dense<0.000000e+00> : vector<512xf32>
    %reduce_sum3A_274 = vector.multi_reduction <add>, %mul3A_272, %reduce_sum3A_273 [1] : vector<512x256xf32> to vector<512xf32>
    %broadcast_in_dim3A_275 = vector.shape_cast %reduce_sum3A_274 : vector<512xf32> to vector<512x1xf32>
    %div3A_276 = arith.constant 2.560000e+02 : f32
    %div3A_277 = vector.broadcast %div3A_276 : f32 to vector<512x1xf32>
    %div3A_278 = arith.divf %broadcast_in_dim3A_275, %div3A_277 : vector<512x1xf32>
    %mul3A_279 = arith.mulf %div3A_271, %div3A_271 : vector<512x1xf32>
    %sub3A_280 = arith.subf %div3A_278, %mul3A_279 : vector<512x1xf32>
    %sub3A_281 = vector.broadcast %div3A_271 : vector<512x1xf32> to vector<512x256xf32>
    %sub3A_282 = arith.subf %add3A_266, %sub3A_281 : vector<512x256xf32>
    %add3A_283 = arith.constant 9.99999974E-6 : f32
    %add3A_284 = vector.broadcast %add3A_283 : f32 to vector<512x1xf32>
    %add3A_285 = arith.addf %sub3A_280, %add3A_284 : vector<512x1xf32>
    %rsqrt3A_286 = math.rsqrt %add3A_285 : vector<512x1xf32>
    %mul3A_287 = vector.broadcast %rsqrt3A_286 : vector<512x1xf32> to vector<512x256xf32>
    %mul3A_288 = arith.mulf %sub3A_282, %mul3A_287 : vector<512x256xf32>
    %get3A_289 = arith.constant 0 : index
    %get3A_290 = arith.constant 0 : index
    %get3A_291 = vector.load %arg10[%get3A_289, %get3A_290] : memref<1x256xf32, #tpu.memory_space<vmem>>, vector<1x256xf32>
    %mul3A_292 = vector.broadcast %get3A_291 : vector<1x256xf32> to vector<512x256xf32>
    %mul3A_293 = arith.mulf %mul3A_288, %mul3A_292 : vector<512x256xf32>
    %get3A_294 = arith.constant 0 : index
    %get3A_295 = arith.constant 0 : index
    %get3A_296 = vector.load %arg11[%get3A_294, %get3A_295] : memref<1x256xf32, #tpu.memory_space<vmem>>, vector<1x256xf32>
    %add3A_297 = vector.broadcast %get3A_296 : vector<1x256xf32> to vector<512x256xf32>
    %add3A_298 = arith.addf %mul3A_293, %add3A_297 : vector<512x256xf32>
    %eq3A_299 = arith.constant 0 : i32
    %eq3A_300 = arith.cmpi eq, %rem3A_0, %eq3A_299 : i32
    %convert_element_type3A_301 = arith.extui %eq3A_300 : i1 to i32
    %cond3A_302 = arith.constant 0 : i32
    %cond3A_303 = arith.cmpi ne, %convert_element_type3A_301, %cond3A_302 : i32
    scf.if %cond3A_303 {
      %broadcast_in_dim3A_366 = arith.constant 0.000000e+00 : f32
      %broadcast_in_dim3A_367 = vector.broadcast %broadcast_in_dim3A_366 : f32 to vector<8x256xf32>
      %swap3A_368 = arith.constant 0 : index
      %swap3A_369 = arith.constant 0 : index
      %swap3A_370 = vector.load %arg21[%swap3A_368, %swap3A_369] : memref<8x256xf32, #tpu.memory_space<vmem>>, vector<8x256xf32>
      tpu.vector_store %arg21[%swap3A_368, %swap3A_369], %broadcast_in_dim3A_367 {strides = array<i32>} : memref<8x256xf32, #tpu.memory_space<vmem>>, vector<8x256xf32>,
    } else {
    }
    %get3A_304 = arith.constant 0 : index
    %get3A_305 = arith.constant 0 : index
    %get3A_306 = vector.load %arg21[%get3A_304, %get3A_305] : memref<8x256xf32, #tpu.memory_space<vmem>>, vector<8x256xf32>
    %swap3A = arith.constant 0 : index
    %swap3A_307 = arith.constant 0 : index
    %swap3A_308 = vector.load %arg22[%swap3A, %swap3A_307] : memref<520x256xf32, #tpu.memory_space<vmem>>, vector<8x256xf32>
    tpu.vector_store %arg22[%swap3A, %swap3A_307], %get3A_306 {strides = array<i32>} : memref<520x256xf32, #tpu.memory_space<vmem>>, vector<8x256xf32>,
    %swap3A_309 = arith.constant 8 : index
    %swap3A_310 = arith.constant 0 : index
    %swap3A_311 = vector.load %arg22[%swap3A_309, %swap3A_310] : memref<520x256xf32, #tpu.memory_space<vmem>>, vector<512x256xf32>
    tpu.vector_store %arg22[%swap3A_309, %swap3A_310], %add3A_298 {strides = array<i32>} : memref<520x256xf32, #tpu.memory_space<vmem>>, vector<512x256xf32>,
    %get3A_312 = arith.constant 0 : index
    %get3A_313 = arith.constant 0 : index
    %get3A_314 = vector.load %arg13[%get3A_312, %get3A_313] : memref<1x256xf32, #tpu.memory_space<vmem>>, vector<1x256xf32>
    %get3A_315 = arith.constant 7 : index
    %get3A_316 = arith.constant 0 : index
    %get3A_317 = vector.load %arg20[%get3A_315, %get3A_316] : memref<8x256xf32, #tpu.memory_space<vmem>>, vector<1x256xf32>
    %mul3A_318 = vector.broadcast %get3A_317 : vector<1x256xf32> to vector<512x256xf32>
    %mul3A_319 = arith.mulf %mul3A_318, %add3A_298 : vector<512x256xf32>
    %add3A_320 = vector.broadcast %get3A_314 : vector<1x256xf32> to vector<512x256xf32>
    %add3A_321 = arith.addf %add3A_320, %mul3A_319 : vector<512x256xf32>
    %get3A_322 = arith.constant 4 : index
    %get3A_323 = arith.constant 0 : index
    %get3A_324 = vector.load %arg20[%get3A_322, %get3A_323] : memref<8x256xf32, #tpu.memory_space<vmem>>, vector<1x256xf32>
    %get3A_325 = arith.constant 5 : index
    %get3A_326 = arith.constant 0 : index
    %get3A_327 = vector.load %arg22[%get3A_325, %get3A_326] : memref<520x256xf32, #tpu.memory_space<vmem>>, vector<512x256xf32>
    %mul3A_328 = vector.broadcast %get3A_324 : vector<1x256xf32> to vector<512x256xf32>
    %mul3A_329 = arith.mulf %mul3A_328, %get3A_327 : vector<512x256xf32>
    %add3A_330 = arith.addf %add3A_321, %mul3A_329 : vector<512x256xf32>
    %get3A_331 = arith.constant 5 : index
    %get3A_332 = arith.constant 0 : index
    %get3A_333 = vector.load %arg20[%get3A_331, %get3A_332] : memref<8x256xf32, #tpu.memory_space<vmem>>, vector<1x256xf32>
    %get3A_334 = arith.constant 6 : index
    %get3A_335 = arith.constant 0 : index
    %get3A_336 = vector.load %arg22[%get3A_334, %get3A_335] : memref<520x256xf32, #tpu.memory_space<vmem>>, vector<512x256xf32>
    %mul3A_337 = vector.broadcast %get3A_333 : vector<1x256xf32> to vector<512x256xf32>
    %mul3A_338 = arith.mulf %mul3A_337, %get3A_336 : vector<512x256xf32>
    %add3A_339 = arith.addf %add3A_330, %mul3A_338 : vector<512x256xf32>
    %get3A_340 = arith.constant 6 : index
    %get3A_341 = arith.constant 0 : index
    %get3A_342 = vector.load %arg20[%get3A_340, %get3A_341] : memref<8x256xf32, #tpu.memory_space<vmem>>, vector<1x256xf32>
    %get3A_343 = arith.constant 7 : index
    %get3A_344 = arith.constant 0 : index
    %get3A_345 = vector.load %arg22[%get3A_343, %get3A_344] : memref<520x256xf32, #tpu.memory_space<vmem>>, vector<512x256xf32>
    %mul3A_346 = vector.broadcast %get3A_342 : vector<1x256xf32> to vector<512x256xf32>
    %mul3A_347 = arith.mulf %mul3A_346, %get3A_345 : vector<512x256xf32>
    %add3A_348 = arith.addf %add3A_339, %mul3A_347 : vector<512x256xf32>
    %slice3A = vector.extract_strided_slice %add3A_298 {offsets = [504, 0], sizes = [8, 256], strides = [1, 1]} : vector<512x256xf32> to vector<8x256xf32>
    %swap3A_349 = arith.constant 0 : index
    %swap3A_350 = arith.constant 0 : index
    %swap3A_351 = vector.load %arg21[%swap3A_349, %swap3A_350] : memref<8x256xf32, #tpu.memory_space<vmem>>, vector<8x256xf32>
    tpu.vector_store %arg21[%swap3A_349, %swap3A_350], %slice3A {strides = array<i32>} : memref<8x256xf32, #tpu.memory_space<vmem>>, vector<8x256xf32>,
    %broadcast_in_dim3A_352 = vector.shape_cast %slice3A : vector<8x256xf32> to vector<1x8x256xf32>
    %swap3A_353 = arith.constant 0 : index
    %swap3A_354 = arith.constant 0 : index
    %swap3A_355 = arith.constant 0 : index
    %swap3A_356 = vector.load %arg16[%swap3A_353, %swap3A_354, %swap3A_355] : memref<1x8x256xf32, #tpu.memory_space<vmem>>, vector<1x8x256xf32>
    tpu.vector_store %arg16[%swap3A_353, %swap3A_354, %swap3A_355], %broadcast_in_dim3A_352 {strides = array<i32>} : memref<1x8x256xf32, #tpu.memory_space<vmem>>, vector<1x8x256xf32>,
    %add3A_357 = arith.addf %add3A_298, %add3A_348 : vector<512x256xf32>
    %swap3A_358 = arith.constant 0 : index
    %swap3A_359 = arith.constant 0 : index
    %swap3A_360 = vector.load %arg14[%swap3A_358, %swap3A_359] : memref<512x256xf32, #tpu.memory_space<vmem>>, vector<512x256xf32>
    tpu.vector_store %arg14[%swap3A_358, %swap3A_359], %add3A_357 {strides = array<i32>} : memref<512x256xf32, #tpu.memory_space<vmem>>, vector<512x256xf32>,
    %transpose3A = tpu.transpose %logistic3A_253, [1, 0] : vector<512x1xf32> -> vector<1x512xf32>
    %broadcast_in_dim3A_361 = vector.shape_cast %transpose3A : vector<1x512xf32> to vector<1x1x512xf32>
    %swap3A_362 = arith.constant 0 : index
    %swap3A_363 = arith.constant 0 : index
    %swap3A_364 = arith.constant 0 : index
    %swap3A_365 = vector.load %arg15[%swap3A_362, %swap3A_363, %swap3A_364] : memref<1x1x512xf32, #tpu.memory_space<vmem>>, vector<1x1x512xf32>
    tpu.vector_store %arg15[%swap3A_362, %swap3A_363, %swap3A_364], %broadcast_in_dim3A_361 {strides = array<i32>} : memref<1x1x512xf32, #tpu.memory_space<vmem>>, vector<1x1x512xf32>,
    return
  }
  func.func @transform_0(%arg0: i32) -> (i32, i32, i32) {
    %mul3A = arith.constant 0 : i32
    %mul3A_0 = arith.muli %arg0, %mul3A : i32
    %mul3A_1 = arith.constant 0 : i32
    %mul3A_2 = arith.muli %arg0, %mul3A_1 : i32
    %c0_i32 = arith.constant 0 : i32
    return %mul3A_0, %arg0, %mul3A_2 : i32, i32, i32
  }
  func.func @transform_1(%arg0: i32) -> (i32, i32) {
    %mul3A = arith.constant 0 : i32
    %mul3A_0 = arith.muli %arg0, %mul3A : i32
    %c0_i32 = arith.constant 0 : i32
    return %arg0, %mul3A_0 : i32, i32
  }
  func.func @transform_2(%arg0: i32) -> (i32, i32, i32) {
    %div3A = arith.constant 4 : i32
    %div3A_0 = arith.divsi %arg0, %div3A : i32
    %mul3A = arith.constant 0 : i32
    %mul3A_1 = arith.muli %arg0, %mul3A : i32
    %mul3A_2 = arith.constant 0 : i32
    %mul3A_3 = arith.muli %arg0, %mul3A_2 : i32
    %c0_i32 = arith.constant 0 : i32
    return %div3A_0, %mul3A_1, %mul3A_3 : i32, i32, i32
  }
  func.func @transform_3(%arg0: i32) -> (i32, i32, i32) {
    %mul3A = arith.constant 0 : i32
    %mul3A_0 = arith.muli %arg0, %mul3A : i32
    %mul3A_1 = arith.constant 0 : i32
    %mul3A_2 = arith.muli %arg0, %mul3A_1 : i32
    %mul3A_3 = arith.constant 0 : i32
    %mul3A_4 = arith.muli %arg0, %mul3A_3 : i32
    %c0_i32 = arith.constant 0 : i32
    return %mul3A_0, %mul3A_2, %mul3A_4 : i32, i32, i32
  }
  func.func @transform_4(%arg0: i32) -> (i32, i32, i32) {
    %mul3A = arith.constant 0 : i32
    %mul3A_0 = arith.muli %arg0, %mul3A : i32
    %mul3A_1 = arith.constant 0 : i32
    %mul3A_2 = arith.muli %arg0, %mul3A_1 : i32
    %mul3A_3 = arith.constant 0 : i32
    %mul3A_4 = arith.muli %arg0, %mul3A_3 : i32
    %c0_i32 = arith.constant 0 : i32
    return %mul3A_0, %mul3A_2, %mul3A_4 : i32, i32, i32
  }
  func.func @transform_5(%arg0: i32) -> (i32, i32) {
    %mul3A = arith.constant 0 : i32
    %mul3A_0 = arith.muli %arg0, %mul3A : i32
    %mul3A_1 = arith.constant 0 : i32
    %mul3A_2 = arith.muli %arg0, %mul3A_1 : i32
    %c0_i32 = arith.constant 0 : i32
    return %mul3A_0, %mul3A_2 : i32, i32
  }
  func.func @transform_6(%arg0: i32) -> (i32, i32) {
    %mul3A = arith.constant 0 : i32
    %mul3A_0 = arith.muli %arg0, %mul3A : i32
    %mul3A_1 = arith.constant 0 : i32
    %mul3A_2 = arith.muli %arg0, %mul3A_1 : i32
    %c0_i32 = arith.constant 0 : i32
    return %mul3A_0, %mul3A_2 : i32, i32
  }
  func.func @transform_7(%arg0: i32) -> (i32, i32) {
    %mul3A = arith.constant 0 : i32
    %mul3A_0 = arith.muli %arg0, %mul3A : i32
    %mul3A_1 = arith.constant 0 : i32
    %mul3A_2 = arith.muli %arg0, %mul3A_1 : i32
    %c0_i32 = arith.constant 0 : i32
    return %mul3A_0, %mul3A_2 : i32, i32
  }
  func.func @transform_8(%arg0: i32) -> (i32, i32) {
    %mul3A = arith.constant 0 : i32
    %mul3A_0 = arith.muli %arg0, %mul3A : i32
    %mul3A_1 = arith.constant 0 : i32
    %mul3A_2 = arith.muli %arg0, %mul3A_1 : i32
    %c0_i32 = arith.constant 0 : i32
    return %mul3A_0, %mul3A_2 : i32, i32
  }
  func.func @transform_9(%arg0: i32) -> (i32, i32) {
    %mul3A = arith.constant 0 : i32
    %mul3A_0 = arith.muli %arg0, %mul3A : i32
    %mul3A_1 = arith.constant 0 : i32
    %mul3A_2 = arith.muli %arg0, %mul3A_1 : i32
    %c0_i32 = arith.constant 0 : i32
    return %mul3A_0, %mul3A_2 : i32, i32
  }
  func.func @transform_10(%arg0: i32) -> (i32, i32) {
    %mul3A = arith.constant 0 : i32
    %mul3A_0 = arith.muli %arg0, %mul3A : i32
    %mul3A_1 = arith.constant 0 : i32
    %mul3A_2 = arith.muli %arg0, %mul3A_1 : i32
    %c0_i32 = arith.constant 0 : i32
    return %mul3A_0, %mul3A_2 : i32, i32
  }
  func.func @transform_11(%arg0: i32) -> (i32, i32) {
    %mul3A = arith.constant 0 : i32
    %mul3A_0 = arith.muli %arg0, %mul3A : i32
    %mul3A_1 = arith.constant 0 : i32
    %mul3A_2 = arith.muli %arg0, %mul3A_1 : i32
    %c0_i32 = arith.constant 0 : i32
    return %mul3A_0, %mul3A_2 : i32, i32
  }
  func.func @transform_12(%arg0: i32) -> (i32, i32) {
    %mul3A = arith.constant 0 : i32
    %mul3A_0 = arith.muli %arg0, %mul3A : i32
    %mul3A_1 = arith.constant 0 : i32
    %mul3A_2 = arith.muli %arg0, %mul3A_1 : i32
    %c0_i32 = arith.constant 0 : i32
    return %mul3A_0, %mul3A_2 : i32, i32
  }
  func.func @transform_13(%arg0: i32) -> (i32, i32) {
    %mul3A = arith.constant 0 : i32
    %mul3A_0 = arith.muli %arg0, %mul3A : i32
    %c0_i32 = arith.constant 0 : i32
    return %arg0, %mul3A_0 : i32, i32
  }
  func.func @transform_14(%arg0: i32) -> (i32, i32, i32) {
    %mul3A = arith.constant 0 : i32
    %mul3A_0 = arith.muli %arg0, %mul3A : i32
    %mul3A_1 = arith.constant 0 : i32
    %mul3A_2 = arith.muli %arg0, %mul3A_1 : i32
    %c0_i32 = arith.constant 0 : i32
    return %arg0, %mul3A_0, %mul3A_2 : i32, i32, i32
  }
  func.func @transform_15(%arg0: i32) -> (i32, i32, i32) {
    %div3A = arith.constant 4 : i32
    %div3A_0 = arith.divsi %arg0, %div3A : i32
    %mul3A = arith.constant 0 : i32
    %mul3A_1 = arith.muli %arg0, %mul3A : i32
    %mul3A_2 = arith.constant 0 : i32
    %mul3A_3 = arith.muli %arg0, %mul3A_2 : i32
    %c0_i32 = arith.constant 0 : i32
    return %div3A_0, %mul3A_1, %mul3A_3 : i32, i32, i32
  }
}

</mosaic_0001>

<sc_bundles>
// kernel: kernel.5.cloned.1.call-start
scs
__scs_entry_jumppad:
0x0: {  	(pc) =	sbr.rel $0x88, $3  }
0x1: {  	(tag) =	ssettag $0x0;
	lr =	simm.s32 $0x1  }
0x2: {  	[smem:$0x3F91] =	sst lr;
	_ =	strace $0xD0000000  }
0x3: {  	_ = 	snop  }
0x4: {  	_ = 	snop  }
0x5: {  	_ = 	snop  }
0x6: {  	_ = 	snop  }
0x7: {  	_ = 	snop  }
__scs_overlays_trampoline_lowered:
0x8: {  	[smem:$0x3FA0] =	sst s0  }
0x9: {  	[smem:$0x3FA1] =	sst s1  }
0xa: {  	[smem:$0x3FA2] =	sst s2  }
0xb: {  	[smem:$0x3FA3] =	sst s3  }
0xc: {  	[smem:$0x3FA4] =	sst s4  }
0xd: {  	[smem:$0x3FA5] =	sst s5  }
0xe: {  	[smem:$0x3FA6] =	sst s6  }
0xf: {  	[smem:$0x3FA7] =	sst s7  }
0x10: {  	[smem:$0x3FA8] =	sst s8  }
0x11: {  	[smem:$0x3FA9] =	sst s9;
	s0 =	simm.s32 @!p0 $0x0  }
0x12: {  	s1 =	sld [smem:$0x3F8F];
	s0 =	simm.s32 @p0 $0x1  }
0x13: {  	[smem:$0x3FAA] =	sst s0;
	s0 =	simm.s32 @!p1 $0x0  }
0x14: {  	s2 =	sld [smem:$0x3F8E];
	s0 =	simm.s32 @p1 $0x1  }
0x15: {  	[smem:$0x3FAB] =	sst s0;
	s0 =	simm.s32 @!p2 $0x0  }
0x16: {  	s3 =	sld [smem:$0x3FDB];
	s0 =	simm.s32 @p2 $0x1  }
0x17: {  	s4 =	simm.s32 $0x1BF5;
	[smem:$0x3FAD] =	sst s0  }
0x18: {  	s0 =	sld [smem:$0x3F90];
	_ =	swait.ge [sflag:s4], $0x0  }
0x19: {  	s7 =	sld [smem:$0x3F91]  }
0x1a: {  	s8 =	sadd.s32 $0xFFFFE003, lr  }
0x1b: {  	s9 =	sadd.s32 $0xFFFFFEF7, lr;
	s5 =	simm.s32 $0xFFFFFFFF;
	p2 =	slt.u32 s8, $0xFFFFF086  }
0x1c: {  	p1 =	slt.u32 s9, $0xF7A;
	s5 =	simm.s32 @!p2 $0x0  }
0x1d: {  	s5 =	simm.s32 @p1 $0x1;
	p0 =	seq.s32 s7, s2  }
0x1e: {  	s7 =	smul.u32 @!p0 $0xF7A, s2;
	p2 =	seq.s32 @!p0 s5, $0x0  }
0x1f: {  	s9 =	smul.u32 $0xF7A, s1;
	s8 =	simm.s32 @!p0 $0x1BF5;
	p2 =	por !p2, p0  }
0x20: {  	[sflag:s8] =	ssyncset.s32 @!p0 $0xFFFFF086;
	s6 =	sadd.s32 @!p0 s3, s7;
	s7 =	simm.s32 @!p0 $0x108  }
0x21: {  	s3 =	sadd.s32 s3, s9;
	s6 =	sadd.s32 @!p0 $0x88, s6;
	s7 =	simm.s32 @p2 $0x1082  }
0x22: {  	[simem:s7], [sflag:s8] =	dma.local @!p0 [hbm:s6], $0xF7A  }
0x23: {  	s9 =	sor.u32 $0xD0000000, s2;
	s6 =	simm.s32 $0x108;
	_ =	swait.ge @!p0 [sflag:s8], $0x0  }
0x24: {  	s3 =	sadd.s32 $0x88, s3;
	s6 =	simm.s32 @!p1 $0x1082;
	[sflag:s4] =	ssyncset.s32 $0xFFFFF086  }
0x25: {  	[simem:s6], [sflag:s4] =	dma.local [hbm:s3], $0xF7A  }
0x26: {  	[smem:$0x3F91] =	sst s1;
	(tag) =	ssettag s2;
	_ =	strace s9  }
0x27: {  	s1 =	sld [smem:$0x3FA1]  }
0x28: {  	s2 =	sld [smem:$0x3FA2]  }
0x29: {  	s4 =	sld [smem:$0x3FA4]  }
0x2a: {  	p0 =	seq.s32 s5, $0x0;
	s5 =	sld [smem:$0x3FA5]  }
0x2b: {  	s6 =	sld [smem:$0x3FA6]  }
0x2c: {  	s7 =	sld [smem:$0x3FA7]  }
0x2d: {  	s3 =	simm.s32 $0x108;
	s8 =	sld [smem:$0x3FA8]  }
0x2e: {  	s3 =	simm.s32 @!p0 $0x1082;
	s9 =	sld [smem:$0x3FA9]  }
0x2f: {  	lr =	sadd.s32 s0, s3;
	s0 =	sld [smem:$0x3FA0]  }
0x30: {  	s3 =	sld [smem:$0x3FA3]  }
0x31: {  	[smem:$0x3FAC] =	sst s10  }
0x32: {  	s10 =	sld [smem:$0x3FAA];
	_ =	sdelay $0x3  }
0x33: {  	p0 =	seq.s32 s10, $0x1;
	s10 =	sld [smem:$0x3FAC];
	_ =	sdelay $0x3  }
0x34: {  	[smem:$0x3FAC] =	sst s10  }
0x35: {  	s10 =	sld [smem:$0x3FAB];
	_ =	sdelay $0x3  }
0x36: {  	p1 =	seq.s32 s10, $0x1;
	s10 =	sld [smem:$0x3FAC];
	_ =	sdelay $0x3  }
0x37: {  	[smem:$0x3FAC] =	sst s10  }
0x38: {  	s10 =	sld [smem:$0x3FAD]  }
0x39: {  	_ = 	snop;
	(pc) =	sbr.ind lr, $3  }
0x3a: {  	_ = 	snop  }
0x3b: {  	_ = 	snop  }
0x3c: {  	p2 =	seq.s32 s10, $0x1;
	s10 =	sld [smem:$0x3FAC]  }
0x3d: {  	_ =	shalt  }
0x3e: {  	_ =	shalt  }
0x3f: {  	_ =	shalt  }
0x40: {  	_ =	shalt  }
0x41: {  	_ =	shalt  }
0x42: {  	_ =	shalt  }
0x43: {  	_ =	shalt  }
0x44: {  	_ =	shalt  }
0x45: {  	_ =	shalt  }
0x46: {  	_ =	shalt  }
0x47: {  	_ =	shalt  }
0x48: {  	_ =	shalt  }
0x49: {  	_ =	shalt  }
0x4a: {  	_ =	shalt  }
0x4b: {  	_ =	shalt  }
0x4c: {  	_ =	shalt  }
0x4d: {  	_ =	shalt  }
0x4e: {  	_ =	shalt  }
0x4f: {  	_ =	shalt  }
0x50: {  	_ =	shalt  }
0x51: {  	_ =	shalt  }
0x52: {  	_ =	shalt  }
0x53: {  	_ =	shalt  }
0x54: {  	_ =	shalt  }
0x55: {  	_ =	shalt  }
0x56: {  	_ =	shalt  }
0x57: {  	_ =	shalt  }
0x58: {  	_ =	shalt  }
0x59: {  	_ =	shalt  }
0x5a: {  	_ =	shalt  }
0x5b: {  	_ =	shalt  }
0x5c: {  	_ =	shalt  }
0x5d: {  	_ =	shalt  }
0x5e: {  	_ =	shalt  }
0x5f: {  	_ =	shalt  }
0x60: {  	_ =	shalt  }
0x61: {  	_ =	shalt  }
0x62: {  	_ =	shalt  }
0x63: {  	_ =	shalt  }
0x64: {  	_ =	shalt  }
0x65: {  	_ =	shalt  }
0x66: {  	_ =	shalt  }
0x67: {  	_ =	shalt  }
0x68: {  	_ =	shalt  }
0x69: {  	_ =	shalt  }
0x6a: {  	_ =	shalt  }
0x6b: {  	_ =	shalt  }
0x6c: {  	_ =	shalt  }
0x6d: {  	_ =	shalt  }
0x6e: {  	_ =	shalt  }
0x6f: {  	_ =	shalt  }
0x70: {  	_ =	shalt  }
0x71: {  	_ =	shalt  }
0x72: {  	_ =	shalt  }
0x73: {  	_ =	shalt  }
0x74: {  	_ =	shalt  }
0x75: {  	_ =	shalt  }
0x76: {  	_ =	shalt  }
0x77: {  	_ =	shalt  }
0x78: {  	_ =	shalt  }
0x79: {  	_ =	shalt  }
0x7a: {  	_ =	shalt  }
0x7b: {  	_ =	shalt  }
0x7c: {  	_ =	shalt  }
0x7d: {  	_ =	shalt  }
0x7e: {  	_ =	shalt  }
0x7f: {  	_ =	shalt  }
0x80: {  	_ =	shalt  }
0x81: {  	_ =	shalt  }
0x82: {  	_ =	shalt  }
0x83: {  	_ =	shalt  }
0x84: {  	_ =	shalt  }
0x85: {  	_ =	shalt  }
0x86: {  	_ =	shalt  }
0x87: {  	_ =	shalt  }
.Lfunc_end0:
.L_simem_size_0:
called_computation_lowered:
.L_overlay_start_0:
0x88: {  	s2 =	sld [smem:$0x3FD9]  }
0x89: {  	s3 =	sld [smem:$0x3FFE];
	_ =	sdelay $0x1  }
0x8a: {  	s1 =	srdreg.scid  }
0x8b: {  	s0 =	sand.u32 $0x1, s1  }
0x8c: {  	s14 =	sshll.u32 s0, $0xA;
	s2 =	sadd.s32 s3, s2  }
0x8d: {  	s2 =	sadd.s32 s2, s14  }
0x8e: {  	[smem:$0x3FB8] =	sst s2  }
0x8f: {  	_ = 	snop  }
0x90: {  	s2 =	sld [smem:$0x3FD0];
	_ =	sdelay $0x2  }
0x91: {  	s4 =	simm.s32 $0xA;
	s5 =	simm.s32 $0x10;
	s15 =	sld [smem:$0x3FC7]  }
0x92: {  	[smem:s5], [sflag:s4] =	dma.local [hbm:s2], $0x1  }
0x93: {  	_ =	swait.eq [sflag:s4], $0x1  }
0x94: {  	[sflag:s4] =	ssyncset.done $0x0  }
0x95: {  	[sflag:s4] =	ssyncadd.s32 $0xFFFFFFFF  }
0x96: {  	s16 =	sld [smem:$0x10];
	(tm) =	ssettm $0x1  }
0x97: {  	s17 =	sld [smem:$0x3FFB];
	_ =	sdelay $0x3  }
0x98: {  	_ =	strace s17  }
0x99: {  	s4 =	sld [smem:$0x3FFC];
	_ =	sdelay $0x3  }
0x9a: {  	_ =	strace s4  }
0x9b: {  	s4 =	sld [smem:$0x3FFD];
	_ =	sdelay $0x3  }
0x9c: {  	_ =	strace s4  }
0x9d: {  	_ =	strace $0x8FFFFFFF  }
0x9e: {  	s18 =	sld [smem:$0x3FDB];
	_ =	sdelay $0x1  }
0x9f: {  	s19 =	simm.s32 $_scs_section_size  }
0xa0: {  	s6 =	simm.s32 $_size__tile_overlayer_lowered;
	s7 =	simm.s32 $_tile_overlayer_lowered  }
0xa1: {  	s22 =	simm.s32 $0x1BFF;
	s21 =	sshll.u32 s7, $0x1;
	s4 =	sadd.s32 s19, s18  }
0xa2: {  	s8 =	simm.s32 $0x0;
	s20 =	sshll.u32 s6, $0x1;
	s6 =	sadd.s32 s21, s4  }
0xa3: {  	[timem:s8], [sflag:s22] =	dma.local [hbm:s6], s20  }
0xa4: {  	_ =	swait.ge [sflag:s22], s20  }
0xa5: {  	s5 =	ssub.s32 $0x0, s20;
	[sflag:s22] =	ssyncset.done $0x0  }
0xa6: {  	[sflag:s22] =	ssyncadd.s32 s5;
	_ =	sdelay $0x1  }
0xa7: {  	s23 =	simm.s32 $0x1B8B  }
0xa8: {  	_ =	swait.ge [sflag:s23], $0x1  }
0xa9: {  	[sflag:s23] =	ssyncset.done $0x0  }
0xaa: {  	s25 =	simm.s32 $0x1B8E;
	s24 =	sld [smem:$0x3FFE];
	[sflag:s23] =	ssyncadd.s32 $0xFFFFFFFF  }
0xab: {  	s26 =	simm.s32 $execute0_lowered;
	[smem:$0x3FD2] =	sst s25  }
0xac: {  	s6 =	sshll.u32 s26, $0x1;
	_ =	strace $0x80000046;
	[dreg:$0x1] =	wrdreg $0xFFFFFFFF  }
0xad: {  	s28 =	simm.s32 $_size_execute0_lowered;
	s4 =	sadd.s32 s4, s6;
	[dreg:$0x0] =	wrdreg $0x0  }
0xae: {  	s6 =	sshll.u32 s28, $0x1;
	[dreg:$0x2] =	wrdreg s4  }
0xaf: {  	[dreg:$0x3] =	wrdreg s6  }
0xb0: {  	[dreg:$0x4] =	wrdreg $0xC0  }
0xb1: {  	_ =	task [dreg:s8], $0x5FFFF  }
0xb2: {  	[dreg:$0x1] =	wrdreg $0xFFFFFFFF  }
0xb3: {  	[dreg:$0x0] =	wrdreg $0x60  }
0xb4: {  	[dreg:$0x2] =	wrdreg s16  }
0xb5: {  	[dreg:$0x3] =	wrdreg s15  }
0xb6: {  	[dreg:$0x4] =	wrdreg s24  }
0xb7: {  	[dreg:$0x5] =	wrdreg $0x9  }
0xb8: {  	_ =	task.clear_ibuf [dreg:s8], $0x6FFFF;
	_ =	strace $0x90000046  }
0xb9: {  	s29 =	simm.s32 $0x9;
	_ =	strace $0x80000048  }
0xba: {  	_ =	swait.ge [sflag:s29], $0x1  }
0xbb: {  	[sflag:s29] =	ssyncadd.s32 $0xFFFFFFFF  }
0xbc: {  	_ =	strace $0x90000048  }
0xbd: {  	_ =	sfence  }
0xbe: {  	s30 =	sld [smem:$0x0];
	_ =	sdelay $0x2  }
0xbf: {  	s31 =	sshll.u32 s1, $0xD;
	s1 =	sshrl.u32 s1, $0x2  }
0xc0: {  	s3 =	sand.u32 $0x4000, s31;
	s1 =	sadd.s32 s1, s30  }
0xc1: {  	s0 =	sor.u32 s3, s0;
	s1 =	sshll.u32 s1, $0x11  }
0xc2: {  	s0 =	sor.u32 s1, s0  }
0xc3: {  	s0 =	sadd.s32 $0x8F2B, s0  }
0xc4: {  	[sflag:s0] =	ssyncadd.remote.s32 $0x1  }
0xc5: {  	_ =	sfence.sel $0xFFFF  }
0xc6: {  	[dreg:$0x0] =	wrdreg $0xFFFFFFFF;
	(pc) =	sbr.abs _section_cstart, $3  }
0xc7: {  	[dreg:$0x1] =	wrdreg $0xFFFFFFFF  }
0xc8: {  	_ =	task.clear_ibuf [dreg:s8], $0x2FFFF;
	_ =	strace $0x9FFFFFFF  }
0xc9: {  	(tm) =	ssettm $0x7FFFFFFF  }
tec
execute0_lowered:
.L_overlay_start_1:
0x0: {  	(tag) =	ssettag $0x1  }
0x1: {  	s4 =	srdreg.scid;
	s9 =	stileid.u32  }
0x2: {  	s4 =	sand.u32 $0x1, s4;
	s5 =	sshll.u32 s9, $0x1  }
0x3: {  	s0 =	rddreg [dreg:$0x0];
	s5 =	sor.u32 s4, s5  }
0x4: {  	s2 =	rddreg [dreg:$0x1];
	s6 =	sshll.u32 s5, $0x10;
	s5 =	sshll.u32 s5, $0x9  }
0x5: {  	s1 =	rddreg [dreg:$0x2];
	s3 =	simm.s32 $0x0;
	s7 =	sand.u32 $0x600, s5  }
0x6: {  	[smem:$0x7FF] =	sst s3;
	s1 =	sadd.s32 s6, s1;
	s0 =	sadd.s32 s0, s7  }
0x7: {  	_ =	strace $0x80000047;
	s10 =	sadd.s32 $0x1C00, s1;
	[dreg:$0x4] =	wrdreg s0  }
0x8: {  	s14 =	simm.s32 $0x5FE1;
	s11 =	sadd.s32 $0x2C00, s1;
	[dreg:$0x5] =	wrdreg s10  }
0x9: {  	s15 =	simm.s32 $0x1;
	s12 =	sadd.s32 $0x3C00, s1;
	[dreg:$0x6] =	wrdreg s11  }
0xa: {  	s31 =	sshrl.u32 s9, $0x1;
	s13 =	sadd.s32 $0x4C00, s1;
	[dreg:$0x7] =	wrdreg s12  }
0xb: {  	p0 =	slt.u32 s9, $0x2;
	s16 =	sadd.s32 $0x5C00, s1;
	[dreg:$0x8] =	wrdreg s13  }
0xc: {  	s8 =	sand.u32 $0xE, s9;
	s18 =	sadd.s32 $0x6C00, s1;
	[dreg:$0x9] =	wrdreg s16  }
0xd: {  	s4 =	ssub.s32 $0x2, s4;
	s19 =	sadd.s32 $0x7C00, s1;
	[dreg:$0xa] =	wrdreg s18  }
0xe: {  	p1 =	seq.s32 s8, $0x2;
	s20 =	sadd.s32 $0x8C00, s1;
	[dreg:$0xb] =	wrdreg s19  }
0xf: {  	s14 =	simm.s32 @!p0 $0x0;
	s21 =	sadd.s32 $0x9C00, s1;
	[dreg:$0xc] =	wrdreg s20  }
0x10: {  	s17 =	smul.u32 $0xC350, s31;
	s22 =	sadd.s32 $0xAC00, s1;
	[dreg:$0xd] =	wrdreg s21  }
0x11: {  	s30 =	sshrl.u32 s4, $0x1;
	s23 =	sadd.s32 $0xBC00, s1;
	[dreg:$0xe] =	wrdreg s22  }
0x12: {  	s14 =	simm.s32 @p1 $0x4BEA;
	s24 =	sadd.s32 $0xCC00, s1;
	[dreg:$0xf] =	wrdreg s23  }
0x13: {  	s4 =	ssub.s32 s4, s30;
	s25 =	sadd.s32 $0xDC00, s1;
	[dreg:$0x10] =	wrdreg s24  }
0x14: {  	s5 =	simm.s32 $0xDC68;
	s26 =	sadd.s32 $0xEC00, s1;
	[dreg:$0x11] =	wrdreg s25  }
0x15: {  	s5 =	simm.s32 @!p0 $0x0;
	s28 =	sadd.s32 $0xFC00, s1;
	[dreg:$0x12] =	wrdreg s26  }
0x16: {  	p0 =	seq.s32 s8, $0x4;
	s29 =	sadd.s32 $0x10C00, s1;
	[dreg:$0x13] =	wrdreg s28  }
0x17: {  	s7 =	simm.s32 $0x1;
	s30 =	sadd.s32 $0x1C10, s1;
	[dreg:$0x14] =	wrdreg s29  }
0x18: {  	s31 =	smax.u32 s4, $0x1;
	s5 =	simm.s32 @p1 $0x3DB5;
	[dreg:$0x15] =	wrdreg s30  }
0x19: {  	p1 =	seq.s32 s8, $0x6;
	s14 =	simm.s32 @p0 $0x7362;
	[dreg:$0x16] =	wrdreg s31  }
0x1a: {  	s5 =	simm.s32 @p0 $0x35E;
	p0 =	seq.s32 s8, $0x8;
	s14 =	simm.s32 @p1 $0x2EF5  }
0x1b: {  	s5 =	simm.s32 @p1 $0x9510;
	p1 =	seq.s32 s8, $0xA;
	s14 =	simm.s32 @p0 $0x3B63  }
0x1c: {  	v11 =	vlaneseq.u32;
	s5 =	simm.s32 @p0 $0xF46C;
	p0 =	seq.s32 s8, $0xC;
	s14 =	simm.s32 @p1 $0x4799  }
0x1d: {  	v6 =	vimm.s32 $0x0;
	vm0 =	vmmov $0xffff;
	v2 =	vmul.u32 $0x2, v11;
	s5 =	simm.s32 @p1 $0xD449;
	p1 =	sgt.u32 s9, $0xD;
	s14 =	simm.s32 @p0 $0x1941  }
0x1e: {  	v12 =	vimm.f32 $0.0e+00;
	v10 =	vshrl.u32 v11, $0x3;
	v9 =	vand.u32 $0x7, v11;
	s24 =	simm.s32 $0x7;
	s5 =	simm.s32 @p0 $0xAEBE;
	s14 =	simm.s32 @p1 $0x18CB  }
0x1f: {  	v11 =	vor.u32 $0x8, v11;
	v10 =	vmul.u32 $0x8, v10;
	v7 =	vadd.s32 $0xFFFFFFFE, v2;
	p0 =	slt.u32 s9, $0x8;
	s5 =	simm.s32 @p1 $0x2C16;
	p1 =	sgt.u32 s9, $0x7  }
0x20: {  	v8 =	vadd.s32 $0xFFFFFFFC, v2;
	v5 =	vmov s17;
	s0 =	simm.s32 $0x0;
	s15 =	simm.s32 @!p0 $0x0;
	v1 =	vmov s14;
	s7 =	simm.s32 @!p1 $0x0  }
0x21: {  	s19 =	simm.s32 $0x1;
	s21 =	simm.s32 $0x2;
	s14 =	simm.s32 $0x5;
	v0 =	vmov s5;
	v3 =	vmov s15;
	v4 =	vmov s7  }
.LBB2_1:
0x22: {  	[dreg:$0x17] =	wrdreg s0;
	[tilespmem:$0x0] =	vst v6;
	s5 =	simm.s32 $0x20  }
0x23: {  	[tilespmem:$0x10] =	vst v6;
	s17 =	rddreg [dreg:$0x4];
	v13 =	vadd.s32 s5, v8  }
0x24: {  	[tilespmem:s5], [sflag:$0x7] =	stream.linear.gather [hbm4b:s17+s3], $0x1000, $0x38;
	[tilespmem:$0x19A80] =	vst v63  }
0x25: {  	_ =	swait.ge [sflag:s24], $0x1000  }
0x26: {  	[sflag:s24] =	ssyncset.done $0x0  }
0x27: {  	[sflag:s24] =	ssyncadd.s32 $0xFFFFF000  }
0x28: {  	v13 =	vld.idx.msk [tilespmem:v13+s3+$0x0], $0xffff;
	_ =	sdelay $0x4  }
0x29: {  	v14 =	vmul.u32 v1, v13;
	_ =	sdelay $0x1  }
0x2a: {  	v13 =	vmul.u32 v0, v13;
	v15 =	vshrl.u32 v14, $0x4  }
0x2b: {  	v15 =	vmulhi.u32 $0xA7C5AC5, v15  }
0x2c: {  	v16 =	vshrl.u32 v13, $0x4  }
0x2d: {  	v16 =	vmulhi.u32 $0xA7C5AC5, v16;
	v15 =	vshrl.u32 v15, $0x7  }
0x2e: {  	v15 =	vmul.u32 $0xC350, v15  }
0x2f: {  	v16 =	vshrl.u32 v16, $0x7  }
0x30: {  	v17 =	vadd.s32 s5, v7;
	v16 =	vmul.u32 $0xC350, v16;
	v14 =	vsub.s32 v14, v15  }
0x31: {  	v14 =	vmul.u32 $0x3CB0, v14  }
0x32: {  	v13 =	vsub.s32 v13, v16  }
0x33: {  	v13 =	vadd.s32 v13, v14  }
0x34: {  	v14 =	vmulhi.u32 $0x14F8B589, v13  }
0x35: {  	v15 =	vld.idx.msk [tilespmem:v17+s3+$0x0], $0xffff  }
0x36: {  	v14 =	vshrl.u32 v14, $0xC  }
0x37: {  	v14 =	vmul.u32 $0xC350, v14;
	_ =	sdelay $0x1  }
0x38: {  	v13 =	vsub.s32 v13, v14  }
0x39: {  	v13 =	vadd.s32 v15, v13  }
0x3a: {  	v14 =	vshrl.u32 v13, $0x4  }
0x3b: {  	v14 =	vmulhi.u32 $0xA7C5AC5, v14;
	_ =	sdelay $0x1  }
0x3c: {  	v14 =	vshrl.u32 v14, $0x7  }
0x3d: {  	v14 =	vmul.u32 $0xC350, v14;
	_ =	sdelay $0x1  }
0x3e: {  	v13 =	vsub.s32 v13, v14  }
0x3f: {  	v14 =	vmul.u32 v3, v15;
	v13 =	vmul.u32 v4, v13;
	_ =	sdelay $0x1  }
0x40: {  	v13 =	vadd.s32 v14, v13  }
0x41: {  	v14 =	vmul.u32 v1, v13;
	_ =	sdelay $0x1  }
0x42: {  	v13 =	vmul.u32 v0, v13;
	v15 =	vshrl.u32 v14, $0x4  }
0x43: {  	v15 =	vmulhi.u32 $0xA7C5AC5, v15  }
0x44: {  	v16 =	vshrl.u32 v13, $0x4  }
0x45: {  	v16 =	vmulhi.u32 $0xA7C5AC5, v16;
	v15 =	vshrl.u32 v15, $0x7  }
0x46: {  	v15 =	vmul.u32 $0xC350, v15  }
0x47: {  	v16 =	vshrl.u32 v16, $0x7  }
0x48: {  	v17 =	vor.u32 s5, v2;
	v16 =	vmul.u32 $0xC350, v16;
	v14 =	vsub.s32 v14, v15  }
0x49: {  	v14 =	vmul.u32 $0x3CB0, v14  }
0x4a: {  	v13 =	vsub.s32 v13, v16  }
0x4b: {  	v13 =	vadd.s32 v13, v14  }
0x4c: {  	v14 =	vmulhi.u32 $0x14F8B589, v13  }
0x4d: {  	v15 =	vld.idx.msk [tilespmem:v17+s3+$0x0], $0xffff  }
0x4e: {  	v14 =	vshrl.u32 v14, $0xC  }
0x4f: {  	v14 =	vmul.u32 $0xC350, v14;
	_ =	sdelay $0x1  }
0x50: {  	v13 =	vsub.s32 v13, v14  }
0x51: {  	v14 =	vadd.s32 v15, v13  }
0x52: {  	v13 =	vshrl.u32 v14, $0x4  }
0x53: {  	v13 =	vmulhi.u32 $0xA7C5AC5, v13;
	_ =	sdelay $0x1  }
0x54: {  	s18 =	simm.s32 $0x0;
	s5 =	simm.s32 $0x40;
	v15 =	vshrl.u32 v13, $0x7  }
0x55: {  	s26 =	simm.s32 $0x0;
	s17 =	simm.s32 $0x10;
	s24 =	simm.s32 $0x20;
	v13 =	vadd.s32 s5, v8;
	v15 =	vmul.u32 $0xC350, v15  }
.LBB2_2:
0x56: {  	p1 =	sne.s32 s24, $0x7F0;
	s28 =	sand.u32 $0xFFFFFE00, s18  }
0x57: {  	s29 =	sand.u32 $0x70, s26;
	s26 =	smov.u32 s17;
	v14 =	vsub.s32 v14, v15;
	s28 =	sshra.s32 s28, $0x2  }
0x58: {  	s17 =	smov.u32 s24;
	v14 =	vadd.s32 v5, v14;
	s28 =	sor.u32 s29, s28  }
0x59: {  	[tilespmem:s28+$0x1080] =	vst v14  }
0x5a: {  	v13 =	vld.idx.msk [tilespmem:v13+s3+$0x0], $0xffff;
	_ =	sdelay $0x5  }
0x5b: {  	v14 =	vmul.u32 v1, v13;
	_ =	sdelay $0x1  }
0x5c: {  	v13 =	vmul.u32 v0, v13;
	v15 =	vshrl.u32 v14, $0x4  }
0x5d: {  	v15 =	vmulhi.u32 $0xA7C5AC5, v15  }
0x5e: {  	v16 =	vshrl.u32 v13, $0x4  }
0x5f: {  	v16 =	vmulhi.u32 $0xA7C5AC5, v16;
	v15 =	vshrl.u32 v15, $0x7  }
0x60: {  	v15 =	vmul.u32 $0xC350, v15  }
0x61: {  	v17 =	vadd.s32 s5, v7;
	v16 =	vshrl.u32 v16, $0x7  }
0x62: {  	v16 =	vmul.u32 $0xC350, v16;
	v14 =	vsub.s32 v14, v15  }
0x63: {  	v14 =	vmul.u32 $0x3CB0, v14  }
0x64: {  	v13 =	vsub.s32 v13, v16  }
0x65: {  	v13 =	vadd.s32 v13, v14  }
0x66: {  	v15 =	vmulhi.u32 $0x14F8B589, v13;
	v14 =	vld.idx.msk [tilespmem:v17+s3+$0x0], $0xffff;
	_ =	sdelay $0x1  }
0x67: {  	v15 =	vshrl.u32 v15, $0xC  }
0x68: {  	v15 =	vmul.u32 $0xC350, v15;
	_ =	sdelay $0x1  }
0x69: {  	v13 =	vsub.s32 v13, v15  }
0x6a: {  	v13 =	vadd.s32 v14, v13  }
0x6b: {  	v15 =	vshrl.u32 v13, $0x4  }
0x6c: {  	v15 =	vmulhi.u32 $0xA7C5AC5, v15;
	_ =	sdelay $0x1  }
0x6d: {  	v15 =	vshrl.u32 v15, $0x7  }
0x6e: {  	v15 =	vmul.u32 $0xC350, v15;
	_ =	sdelay $0x1  }
0x6f: {  	v13 =	vsub.s32 v13, v15  }
0x70: {  	v14 =	vmul.u32 v3, v14;
	v13 =	vmul.u32 v4, v13;
	_ =	sdelay $0x1  }
0x71: {  	v13 =	vadd.s32 v14, v13  }
0x72: {  	v14 =	vmul.u32 v1, v13;
	_ =	sdelay $0x1  }
0x73: {  	v13 =	vmul.u32 v0, v13;
	v15 =	vshrl.u32 v14, $0x4  }
0x74: {  	v15 =	vmulhi.u32 $0xA7C5AC5, v15  }
0x75: {  	v16 =	vshrl.u32 v13, $0x4  }
0x76: {  	v16 =	vmulhi.u32 $0xA7C5AC5, v16;
	v15 =	vshrl.u32 v15, $0x7  }
0x77: {  	v15 =	vmul.u32 $0xC350, v15  }
0x78: {  	v17 =	vor.u32 s5, v2;
	v16 =	vshrl.u32 v16, $0x7  }
0x79: {  	v16 =	vmul.u32 $0xC350, v16;
	v14 =	vsub.s32 v14, v15  }
0x7a: {  	v14 =	vmul.u32 $0x3CB0, v14  }
0x7b: {  	v13 =	vsub.s32 v13, v16  }
0x7c: {  	v13 =	vadd.s32 v13, v14  }
0x7d: {  	v15 =	vmulhi.u32 $0x14F8B589, v13;
	v14 =	vld.idx.msk [tilespmem:v17+s3+$0x0], $0xffff;
	_ =	sdelay $0x1  }
0x7e: {  	v15 =	vshrl.u32 v15, $0xC  }
0x7f: {  	v15 =	vmul.u32 $0xC350, v15;
	_ =	sdelay $0x1  }
0x80: {  	v13 =	vsub.s32 v13, v15  }
0x81: {  	v14 =	vadd.s32 v14, v13  }
.Ltmp0:
0x82: {  	v13 =	vshrl.u32 v14, $0x4;
	(pc) =	sbr.rel @p1 .LBB2_2-.Ltmp0, $3  }
0x83: {  	v13 =	vmulhi.u32 $0xA7C5AC5, v13;
	_ =	sdelay $0x1  }
0x84: {  	s5 =	sadd.s32 $0x20, s5;
	v15 =	vshrl.u32 v13, $0x7  }
0x85: {  	s24 =	sadd.s32 $0x10, s24;
	s18 =	sadd.s32 $0x40, s18;
	v13 =	vadd.s32 s5, v8;
	v15 =	vmul.u32 $0xC350, v15  }
0x86: {  	s24 =	sand.u32 $0xFFFFFE00, s18  }
0x87: {  	s26 =	sand.u32 $0x70, s26;
	v14 =	vsub.s32 v14, v15;
	s24 =	sshra.s32 s24, $0x2  }
0x88: {  	s24 =	sor.u32 s26, s24;
	v14 =	vadd.s32 v5, v14  }
0x89: {  	[tilespmem:s24+$0x1080] =	vst v14  }
0x8a: {  	v13 =	vld.idx.msk [tilespmem:v13+s3+$0x0], $0xffff;
	_ =	sdelay $0x4  }
0x8b: {  	v14 =	vmul.u32 v1, v13;
	_ =	sdelay $0x1  }
0x8c: {  	v13 =	vmul.u32 v0, v13;
	v15 =	vshrl.u32 v14, $0x4  }
0x8d: {  	v15 =	vmulhi.u32 $0xA7C5AC5, v15  }
0x8e: {  	v16 =	vshrl.u32 v13, $0x4  }
0x8f: {  	v16 =	vmulhi.u32 $0xA7C5AC5, v16;
	v15 =	vshrl.u32 v15, $0x7  }
0x90: {  	v15 =	vmul.u32 $0xC350, v15  }
0x91: {  	v16 =	vshrl.u32 v16, $0x7  }
0x92: {  	v17 =	vadd.s32 s5, v7;
	v16 =	vmul.u32 $0xC350, v16;
	v14 =	vsub.s32 v14, v15  }
0x93: {  	v14 =	vmul.u32 $0x3CB0, v14  }
0x94: {  	v13 =	vsub.s32 v13, v16  }
0x95: {  	v13 =	vadd.s32 v13, v14  }
0x96: {  	v14 =	vmulhi.u32 $0x14F8B589, v13  }
0x97: {  	v15 =	vld.idx.msk [tilespmem:v17+s3+$0x0], $0xffff  }
0x98: {  	v14 =	vshrl.u32 v14, $0xC  }
0x99: {  	v14 =	vmul.u32 $0xC350, v14;
	_ =	sdelay $0x1  }
0x9a: {  	v13 =	vsub.s32 v13, v14  }
0x9b: {  	v13 =	vadd.s32 v15, v13  }
0x9c: {  	v14 =	vshrl.u32 v13, $0x4  }
0x9d: {  	v14 =	vmulhi.u32 $0xA7C5AC5, v14;
	_ =	sdelay $0x1  }
0x9e: {  	v14 =	vshrl.u32 v14, $0x7  }
0x9f: {  	v14 =	vmul.u32 $0xC350, v14;
	_ =	sdelay $0x1  }
0xa0: {  	v13 =	vsub.s32 v13, v14  }
0xa1: {  	v14 =	vmul.u32 v3, v15;
	v13 =	vmul.u32 v4, v13;
	_ =	sdelay $0x1  }
0xa2: {  	v13 =	vadd.s32 v14, v13  }
0xa3: {  	v14 =	vmul.u32 v1, v13;
	_ =	sdelay $0x1  }
0xa4: {  	v13 =	vmul.u32 v0, v13;
	v15 =	vshrl.u32 v14, $0x4  }
0xa5: {  	v15 =	vmulhi.u32 $0xA7C5AC5, v15  }
0xa6: {  	v62 =	vshrl.u32 v13, $0x4  }
0xa7: {  	v16 =	vmulhi.u32 $0xA7C5AC5, v62;
	v15 =	vshrl.u32 v15, $0x7  }
0xa8: {  	v15 =	vmul.u32 $0xC350, v15  }
0xa9: {  	v16 =	vshrl.u32 v16, $0x7  }
0xaa: {  	v63 =	vor.u32 s5, v2;
	v16 =	vmul.u32 $0xC350, v16;
	v14 =	vsub.s32 v14, v15  }
0xab: {  	v14 =	vmul.u32 $0x3CB0, v14  }
0xac: {  	v13 =	vsub.s32 v13, v16  }
0xad: {  	v13 =	vadd.s32 v13, v14  }
0xae: {  	v14 =	vmulhi.u32 $0x14F8B589, v13  }
0xaf: {  	v15 =	vld.idx.msk [tilespmem:v63+s3+$0x0], $0xffff  }
0xb0: {  	v14 =	vshrl.u32 v14, $0xC  }
0xb1: {  	v14 =	vmul.u32 $0xC350, v14;
	_ =	sdelay $0x1  }
0xb2: {  	v13 =	vsub.s32 v13, v14  }
0xb3: {  	v13 =	vadd.s32 v15, v13  }
0xb4: {  	v14 =	vshrl.u32 v13, $0x4  }
0xb5: {  	v14 =	vmulhi.u32 $0xA7C5AC5, v14;
	_ =	sdelay $0x1  }
0xb6: {  	v14 =	vshrl.u32 v14, $0x7  }
0xb7: {  	s1 =	sadd.s32 $0x40, s18;
	v14 =	vmul.u32 $0xC350, v14  }
0xb8: {  	s5 =	sand.u32 $0xFFFFFE00, s1  }
0xb9: {  	s17 =	sand.u32 $0x70, s17;
	s5 =	sshra.s32 s5, $0x2;
	v13 =	vsub.s32 v13, v14  }
0xba: {  	s5 =	sor.u32 s17, s5;
	v13 =	vadd.s32 v5, v13  }
0xbb: {  	[tilespmem:s5+$0x1080] =	vst v13  }
0xbc: {  	v13 =	vld [tilespmem:$0x1080];
	_ =	sdelay $0x4  }
0xbd: {  	v14 =	vshll.u32 v13, $0x1  }
0xbe: {  	v13 =	vand.u32 $0x7, v13;
	v14 =	vand.u32 $0xFFFFFFF0, v14  }
0xbf: {  	v13 =	vor.u32 v13, v14  }
0xc0: {  	v14 =	vperm.xlane v13, v9;
	_ =	sdelay $0x1  }
0xc1: {  	v13 =	vperm.xlane v13, v11;
	v14 =	vadd.s32 v10, v14;
	_ =	sdelay $0x1  }
0xc2: {  	v13 =	vadd.s32 v10, v13;
	_ =	sdelay $0x1  }
0xc3: {  	s24 =	simm.s32 $0x1880  }
0xc4: {  	[tilespmem:s24], [sflag:$0x1] =	stream.indirect_vreg.gather [hbm4b:s2+s3], $0x80, v14, vm0, $0xb8;
	[tilespmem:$0x19A80] =	vst v63  }
0xc5: {  	s0 =	simm.s32 $0x2080  }
0xc6: {  	[tilespmem:s0], [sflag:$0x1] =	stream.indirect_vreg.gather [hbm4b:s2+s3], $0x80, v13, vm0, $0xb8;
	[tilespmem:$0x19A80] =	vst v63  }
0xc7: {  	v13 =	vld [tilespmem:$0x1090];
	_ =	sdelay $0x4  }
0xc8: {  	v14 =	vshll.u32 v13, $0x1  }
0xc9: {  	v13 =	vand.u32 $0x7, v13;
	v14 =	vand.u32 $0xFFFFFFF0, v14  }
0xca: {  	v13 =	vor.u32 v13, v14  }
0xcb: {  	v14 =	vperm.xlane v13, v9;
	_ =	sdelay $0x1  }
0xcc: {  	v13 =	vperm.xlane v13, v11;
	v14 =	vadd.s32 v10, v14;
	_ =	sdelay $0x1  }
0xcd: {  	v13 =	vadd.s32 v10, v13;
	_ =	sdelay $0x1  }
0xce: {  	s4 =	simm.s32 $0x2880  }
0xcf: {  	[tilespmem:s4], [sflag:$0x1] =	stream.indirect_vreg.gather [hbm4b:s2+s3], $0x80, v14, vm0, $0xb8;
	[tilespmem:$0x19A80] =	vst v63  }
0xd0: {  	s5 =	simm.s32 $0x3080  }
0xd1: {  	[tilespmem:s5], [sflag:$0x1] =	stream.indirect_vreg.gather [hbm4b:s2+s3], $0x80, v13, vm0, $0xb8;
	[tilespmem:$0x19A80] =	vst v63  }
0xd2: {  	v13 =	vld [tilespmem:$0x10A0];
	_ =	sdelay $0x4  }
0xd3: {  	v14 =	vshll.u32 v13, $0x1  }
0xd4: {  	v13 =	vand.u32 $0x7, v13;
	v14 =	vand.u32 $0xFFFFFFF0, v14  }
0xd5: {  	v13 =	vor.u32 v13, v14  }
0xd6: {  	v14 =	vperm.xlane v13, v9;
	_ =	sdelay $0x1  }
0xd7: {  	v13 =	vperm.xlane v13, v11;
	v14 =	vadd.s32 v10, v14;
	_ =	sdelay $0x1  }
0xd8: {  	v13 =	vadd.s32 v10, v13;
	_ =	sdelay $0x1  }
0xd9: {  	s6 =	simm.s32 $0x3880  }
0xda: {  	[tilespmem:s6], [sflag:$0x1] =	stream.indirect_vreg.gather [hbm4b:s2+s3], $0x80, v14, vm0, $0xb8;
	[tilespmem:$0x19A80] =	vst v63  }
0xdb: {  	s7 =	simm.s32 $0x4080  }
0xdc: {  	[tilespmem:s7], [sflag:$0x1] =	stream.indirect_vreg.gather [hbm4b:s2+s3], $0x80, v13, vm0, $0xb8;
	[tilespmem:$0x19A80] =	vst v63  }
0xdd: {  	v13 =	vld [tilespmem:$0x10B0];
	_ =	sdelay $0x4  }
0xde: {  	v14 =	vshll.u32 v13, $0x1  }
0xdf: {  	v13 =	vand.u32 $0x7, v13;
	v14 =	vand.u32 $0xFFFFFFF0, v14  }
0xe0: {  	v13 =	vor.u32 v13, v14  }
0xe1: {  	v14 =	vperm.xlane v13, v9;
	_ =	sdelay $0x1  }
0xe2: {  	v13 =	vperm.xlane v13, v11;
	v14 =	vadd.s32 v10, v14;
	_ =	sdelay $0x1  }
0xe3: {  	v13 =	vadd.s32 v10, v13;
	_ =	sdelay $0x1  }
0xe4: {  	s8 =	simm.s32 $0x4880  }
0xe5: {  	[tilespmem:s8], [sflag:$0x1] =	stream.indirect_vreg.gather [hbm4b:s2+s3], $0x80, v14, vm0, $0xb8;
	[tilespmem:$0x19A80] =	vst v63  }
0xe6: {  	s9 =	simm.s32 $0x5080  }
0xe7: {  	[tilespmem:s9], [sflag:$0x1] =	stream.indirect_vreg.gather [hbm4b:s2+s3], $0x80, v13, vm0, $0xb8;
	[tilespmem:$0x19A80] =	vst v63  }
0xe8: {  	v13 =	vld [tilespmem:$0x10C0];
	_ =	sdelay $0x4  }
0xe9: {  	v14 =	vshll.u32 v13, $0x1  }
0xea: {  	v13 =	vand.u32 $0x7, v13;
	v14 =	vand.u32 $0xFFFFFFF0, v14  }
0xeb: {  	v13 =	vor.u32 v13, v14  }
0xec: {  	v14 =	vperm.xlane v13, v9;
	_ =	sdelay $0x1  }
0xed: {  	v13 =	vperm.xlane v13, v11;
	v14 =	vadd.s32 v10, v14;
	_ =	sdelay $0x1  }
0xee: {  	v13 =	vadd.s32 v10, v13;
	_ =	sdelay $0x1  }
0xef: {  	s10 =	simm.s32 $0x5880  }
0xf0: {  	[tilespmem:s10], [sflag:$0x1] =	stream.indirect_vreg.gather [hbm4b:s2+s3], $0x80, v14, vm0, $0xb8;
	[tilespmem:$0x19A80] =	vst v63  }
0xf1: {  	s11 =	simm.s32 $0x6080  }
0xf2: {  	[tilespmem:s11], [sflag:$0x1] =	stream.indirect_vreg.gather [hbm4b:s2+s3], $0x80, v13, vm0, $0xb8;
	[tilespmem:$0x19A80] =	vst v63  }
0xf3: {  	v13 =	vld [tilespmem:$0x10D0];
	_ =	sdelay $0x4  }
0xf4: {  	v14 =	vshll.u32 v13, $0x1  }
0xf5: {  	v13 =	vand.u32 $0x7, v13;
	v14 =	vand.u32 $0xFFFFFFF0, v14  }
0xf6: {  	v13 =	vor.u32 v13, v14  }
0xf7: {  	v14 =	vperm.xlane v13, v9;
	_ =	sdelay $0x1  }
0xf8: {  	v13 =	vperm.xlane v13, v11;
	v14 =	vadd.s32 v10, v14;
	_ =	sdelay $0x1  }
0xf9: {  	v13 =	vadd.s32 v10, v13;
	_ =	sdelay $0x1  }
0xfa: {  	s12 =	simm.s32 $0x6880  }
0xfb: {  	[tilespmem:s12], [sflag:$0x1] =	stream.indirect_vreg.gather [hbm4b:s2+s3], $0x80, v14, vm0, $0xb8;
	[tilespmem:$0x19A80] =	vst v63  }
0xfc: {  	s15 =	simm.s32 $0x7080  }
0xfd: {  	[tilespmem:s15], [sflag:$0x1] =	stream.indirect_vreg.gather [hbm4b:s2+s3], $0x80, v13, vm0, $0xb8;
	[tilespmem:$0x19A80] =	vst v63  }
0xfe: {  	v13 =	vld [tilespmem:$0x10E0];
	_ =	sdelay $0x4  }
0xff: {  	v14 =	vshll.u32 v13, $0x1  }
0x100: {  	v13 =	vand.u32 $0x7, v13;
	v14 =	vand.u32 $0xFFFFFFF0, v14  }
0x101: {  	v13 =	vor.u32 v13, v14  }
0x102: {  	v14 =	vperm.xlane v13, v9;
	_ =	sdelay $0x1  }
0x103: {  	v13 =	vperm.xlane v13, v11;
	v14 =	vadd.s32 v10, v14;
	_ =	sdelay $0x1  }
0x104: {  	v13 =	vadd.s32 v10, v13;
	_ =	sdelay $0x1  }
0x105: {  	s16 =	simm.s32 $0x7880  }
0x106: {  	[tilespmem:s16], [sflag:$0x1] =	stream.indirect_vreg.gather [hbm4b:s2+s3], $0x80, v14, vm0, $0xb8;
	[tilespmem:$0x19A80] =	vst v63  }
0x107: {  	s18 =	simm.s32 $0x8080  }
0x108: {  	[tilespmem:s18], [sflag:$0x1] =	stream.indirect_vreg.gather [hbm4b:s2+s3], $0x80, v13, vm0, $0xb8;
	[tilespmem:$0x19A80] =	vst v63  }
0x109: {  	v13 =	vld [tilespmem:$0x10F0];
	_ =	sdelay $0x4  }
0x10a: {  	v14 =	vshll.u32 v13, $0x1  }
0x10b: {  	v13 =	vand.u32 $0x7, v13;
	v14 =	vand.u32 $0xFFFFFFF0, v14  }
0x10c: {  	v13 =	vor.u32 v13, v14  }
0x10d: {  	v14 =	vperm.xlane v13, v9;
	_ =	sdelay $0x1  }
0x10e: {  	v13 =	vperm.xlane v13, v11;
	v14 =	vadd.s32 v10, v14;
	_ =	sdelay $0x1  }
0x10f: {  	v13 =	vadd.s32 v10, v13;
	_ =	sdelay $0x1  }
0x110: {  	s20 =	simm.s32 $0x8880  }
0x111: {  	[tilespmem:s20], [sflag:$0x1] =	stream.indirect_vreg.gather [hbm4b:s2+s3], $0x80, v14, vm0, $0xb8;
	[tilespmem:$0x19A80] =	vst v63  }
0x112: {  	s22 =	simm.s32 $0x9080  }
0x113: {  	[tilespmem:s22], [sflag:$0x1] =	stream.indirect_vreg.gather [hbm4b:s2+s3], $0x80, v13, vm0, $0xb8;
	[tilespmem:$0x19A80] =	vst v63  }
0x114: {  	v13 =	vld [tilespmem:$0x1100];
	_ =	sdelay $0x4  }
0x115: {  	v14 =	vshll.u32 v13, $0x1  }
0x116: {  	v13 =	vand.u32 $0x7, v13;
	v14 =	vand.u32 $0xFFFFFFF0, v14  }
0x117: {  	v13 =	vor.u32 v13, v14  }
0x118: {  	v14 =	vperm.xlane v13, v9;
	_ =	sdelay $0x1  }
0x119: {  	v13 =	vperm.xlane v13, v11;
	v14 =	vadd.s32 v10, v14;
	_ =	sdelay $0x1  }
0x11a: {  	v13 =	vadd.s32 v10, v13;
	_ =	sdelay $0x1  }
0x11b: {  	s28 =	simm.s32 $0x9880  }
0x11c: {  	[tilespmem:s28], [sflag:$0x2] =	stream.indirect_vreg.gather [hbm4b:s2+s3], $0x80, v14, vm0, $0xb8;
	[tilespmem:$0x19A80] =	vst v63  }
0x11d: {  	s23 =	simm.s32 $0xA080  }
0x11e: {  	[tilespmem:s23], [sflag:$0x2] =	stream.indirect_vreg.gather [hbm4b:s2+s3], $0x80, v13, vm0, $0xb8;
	[tilespmem:$0x19A80] =	vst v63  }
0x11f: {  	v13 =	vld [tilespmem:$0x1110];
	_ =	sdelay $0x4  }
0x120: {  	v14 =	vshll.u32 v13, $0x1  }
0x121: {  	v13 =	vand.u32 $0x7, v13;
	v14 =	vand.u32 $0xFFFFFFF0, v14  }
0x122: {  	v13 =	vor.u32 v13, v14  }
0x123: {  	v14 =	vperm.xlane v13, v9;
	_ =	sdelay $0x1  }
0x124: {  	v13 =	vperm.xlane v13, v11;
	v14 =	vadd.s32 v10, v14;
	_ =	sdelay $0x1  }
0x125: {  	v13 =	vadd.s32 v10, v13;
	_ =	sdelay $0x1  }
0x126: {  	s25 =	simm.s32 $0xA880  }
0x127: {  	[tilespmem:s25], [sflag:$0x2] =	stream.indirect_vreg.gather [hbm4b:s2+s3], $0x80, v14, vm0, $0xb8;
	[tilespmem:$0x19A80] =	vst v63  }
0x128: {  	s26 =	simm.s32 $0xB080  }
0x129: {  	[tilespmem:s26], [sflag:$0x2] =	stream.indirect_vreg.gather [hbm4b:s2+s3], $0x80, v13, vm0, $0xb8;
	[tilespmem:$0x19A80] =	vst v63  }
0x12a: {  	v13 =	vld [tilespmem:$0x1120];
	_ =	sdelay $0x4  }
0x12b: {  	v14 =	vshll.u32 v13, $0x1  }
0x12c: {  	v13 =	vand.u32 $0x7, v13;
	v14 =	vand.u32 $0xFFFFFFF0, v14  }
0x12d: {  	v13 =	vor.u32 v13, v14  }
0x12e: {  	v14 =	vperm.xlane v13, v9;
	_ =	sdelay $0x1  }
0x12f: {  	v13 =	vperm.xlane v13, v11;
	v14 =	vadd.s32 v10, v14;
	_ =	sdelay $0x1  }
0x130: {  	v13 =	vadd.s32 v10, v13;
	_ =	sdelay $0x1  }
0x131: {  	s29 =	simm.s32 $0xB880  }
0x132: {  	[tilespmem:s29], [sflag:$0x2] =	stream.indirect_vreg.gather [hbm4b:s2+s3], $0x80, v14, vm0, $0xb8;
	[tilespmem:$0x19A80] =	vst v63  }
0x133: {  	s30 =	simm.s32 $0xC080  }
0x134: {  	[tilespmem:s30], [sflag:$0x2] =	stream.indirect_vreg.gather [hbm4b:s2+s3], $0x80, v13, vm0, $0xb8;
	[tilespmem:$0x19A80] =	vst v63  }
0x135: {  	v13 =	vld [tilespmem:$0x1130];
	_ =	sdelay $0x4  }
0x136: {  	v14 =	vshll.u32 v13, $0x1  }
0x137: {  	v13 =	vand.u32 $0x7, v13;
	v14 =	vand.u32 $0xFFFFFFF0, v14  }
0x138: {  	v13 =	vor.u32 v13, v14  }
0x139: {  	v14 =	vperm.xlane v13, v9;
	_ =	sdelay $0x1  }
0x13a: {  	v13 =	vperm.xlane v13, v11;
	v14 =	vadd.s32 v10, v14;
	_ =	sdelay $0x1  }
0x13b: {  	v13 =	vadd.s32 v10, v13;
	_ =	sdelay $0x1  }
0x13c: {  	s31 =	simm.s32 $0xC880  }
0x13d: {  	[tilespmem:s31], [sflag:$0x2] =	stream.indirect_vreg.gather [hbm4b:s2+s3], $0x80, v14, vm0, $0xb8;
	[tilespmem:$0x19A80] =	vst v63  }
0x13e: {  	s8 =	simm.s32 $0xD080  }
0x13f: {  	[tilespmem:s8], [sflag:$0x2] =	stream.indirect_vreg.gather [hbm4b:s2+s3], $0x80, v13, vm0, $0xb8;
	[tilespmem:$0x19A80] =	vst v63  }
0x140: {  	v13 =	vld [tilespmem:$0x1140];
	_ =	sdelay $0x4  }
0x141: {  	v14 =	vshll.u32 v13, $0x1  }
0x142: {  	v13 =	vand.u32 $0x7, v13;
	v14 =	vand.u32 $0xFFFFFFF0, v14  }
0x143: {  	v13 =	vor.u32 v13, v14  }
0x144: {  	v14 =	vperm.xlane v13, v9;
	_ =	sdelay $0x1  }
0x145: {  	v13 =	vperm.xlane v13, v11;
	v14 =	vadd.s32 v10, v14;
	_ =	sdelay $0x1  }
0x146: {  	v13 =	vadd.s32 v10, v13;
	_ =	sdelay $0x1  }
0x147: {  	s9 =	simm.s32 $0xD880  }
0x148: {  	[tilespmem:s9], [sflag:$0x2] =	stream.indirect_vreg.gather [hbm4b:s2+s3], $0x80, v14, vm0, $0xb8;
	[tilespmem:$0x19A80] =	vst v63  }
0x149: {  	s16 =	simm.s32 $0xE080  }
0x14a: {  	[tilespmem:s16], [sflag:$0x2] =	stream.indirect_vreg.gather [hbm4b:s2+s3], $0x80, v13, vm0, $0xb8;
	[tilespmem:$0x19A80] =	vst v63  }
0x14b: {  	v13 =	vld [tilespmem:$0x1150];
	_ =	sdelay $0x4  }
0x14c: {  	v14 =	vshll.u32 v13, $0x1  }
0x14d: {  	v13 =	vand.u32 $0x7, v13;
	v14 =	vand.u32 $0xFFFFFFF0, v14  }
0x14e: {  	v13 =	vor.u32 v13, v14  }
0x14f: {  	v14 =	vperm.xlane v13, v9;
	_ =	sdelay $0x1  }
0x150: {  	v13 =	vperm.xlane v13, v11;
	v14 =	vadd.s32 v10, v14;
	_ =	sdelay $0x1  }
0x151: {  	v13 =	vadd.s32 v10, v13;
	_ =	sdelay $0x1  }
0x152: {  	s18 =	simm.s32 $0xE880  }
0x153: {  	[tilespmem:s18], [sflag:$0x2] =	stream.indirect_vreg.gather [hbm4b:s2+s3], $0x80, v14, vm0, $0xb8;
	[tilespmem:$0x19A80] =	vst v63  }
0x154: {  	s20 =	simm.s32 $0xF080  }
0x155: {  	[tilespmem:s20], [sflag:$0x2] =	stream.indirect_vreg.gather [hbm4b:s2+s3], $0x80, v13, vm0, $0xb8;
	[tilespmem:$0x19A80] =	vst v63  }
0x156: {  	v13 =	vld [tilespmem:$0x1160];
	_ =	sdelay $0x4  }
0x157: {  	v14 =	vshll.u32 v13, $0x1  }
0x158: {  	v13 =	vand.u32 $0x7, v13;
	v14 =	vand.u32 $0xFFFFFFF0, v14  }
0x159: {  	v13 =	vor.u32 v13, v14  }
0x15a: {  	v14 =	vperm.xlane v13, v9;
	_ =	sdelay $0x1  }
0x15b: {  	v13 =	vperm.xlane v13, v11;
	v14 =	vadd.s32 v10, v14;
	_ =	sdelay $0x1  }
0x15c: {  	v13 =	vadd.s32 v10, v13;
	_ =	sdelay $0x1  }
0x15d: {  	s22 =	simm.s32 $0xF880  }
0x15e: {  	[tilespmem:s22], [sflag:$0x2] =	stream.indirect_vreg.gather [hbm4b:s2+s3], $0x80, v14, vm0, $0xb8;
	[tilespmem:$0x19A80] =	vst v63  }
0x15f: {  	s23 =	simm.s32 $0x10080  }
0x160: {  	[tilespmem:s23], [sflag:$0x2] =	stream.indirect_vreg.gather [hbm4b:s2+s3], $0x80, v13, vm0, $0xb8;
	[tilespmem:$0x19A80] =	vst v63  }
0x161: {  	v13 =	vld [tilespmem:$0x1170];
	_ =	sdelay $0x4  }
0x162: {  	v14 =	vshll.u32 v13, $0x1  }
0x163: {  	v13 =	vand.u32 $0x7, v13;
	v14 =	vand.u32 $0xFFFFFFF0, v14  }
0x164: {  	v13 =	vor.u32 v13, v14  }
0x165: {  	v14 =	vperm.xlane v13, v9;
	_ =	sdelay $0x1  }
0x166: {  	v13 =	vperm.xlane v13, v11;
	v14 =	vadd.s32 v10, v14;
	_ =	sdelay $0x1  }
0x167: {  	v13 =	vadd.s32 v10, v13;
	_ =	sdelay $0x1  }
0x168: {  	s26 =	simm.s32 $0x10880  }
0x169: {  	[tilespmem:s26], [sflag:$0x2] =	stream.indirect_vreg.gather [hbm4b:s2+s3], $0x80, v14, vm0, $0xb8;
	[tilespmem:$0x19A80] =	vst v63  }
0x16a: {  	s8 =	simm.s32 $0x11080  }
0x16b: {  	[tilespmem:s8], [sflag:$0x2] =	stream.indirect_vreg.gather [hbm4b:s2+s3], $0x80, v13, vm0, $0xb8;
	[tilespmem:$0x19A80] =	vst v63  }
0x16c: {  	v13 =	vld [tilespmem:$0x1180];
	_ =	sdelay $0x4  }
0x16d: {  	v14 =	vshll.u32 v13, $0x1  }
0x16e: {  	v13 =	vand.u32 $0x7, v13;
	v14 =	vand.u32 $0xFFFFFFF0, v14  }
0x16f: {  	v13 =	vor.u32 v13, v14  }
0x170: {  	v14 =	vperm.xlane v13, v9;
	_ =	sdelay $0x1  }
0x171: {  	v13 =	vperm.xlane v13, v11;
	v14 =	vadd.s32 v10, v14;
	_ =	sdelay $0x1  }
0x172: {  	v13 =	vadd.s32 v10, v13;
	_ =	sdelay $0x1  }
0x173: {  	s26 =	simm.s32 $0x11880  }
0x174: {  	[tilespmem:s26], [sflag:$0x3] =	stream.indirect_vreg.gather [hbm4b:s2+s3], $0x80, v14, vm0, $0xb8;
	[tilespmem:$0x19A80] =	vst v63  }
0x175: {  	s9 =	simm.s32 $0x12080  }
0x176: {  	[tilespmem:s9], [sflag:$0x3] =	stream.indirect_vreg.gather [hbm4b:s2+s3], $0x80, v13, vm0, $0xb8;
	[tilespmem:$0x19A80] =	vst v63  }
0x177: {  	v13 =	vld [tilespmem:$0x1190];
	_ =	sdelay $0x4  }
0x178: {  	v14 =	vshll.u32 v13, $0x1  }
0x179: {  	v13 =	vand.u32 $0x7, v13;
	v14 =	vand.u32 $0xFFFFFFF0, v14  }
0x17a: {  	v13 =	vor.u32 v13, v14  }
0x17b: {  	v14 =	vperm.xlane v13, v9;
	_ =	sdelay $0x1  }
0x17c: {  	v13 =	vperm.xlane v13, v11;
	v14 =	vadd.s32 v10, v14;
	_ =	sdelay $0x1  }
0x17d: {  	v13 =	vadd.s32 v10, v13;
	_ =	sdelay $0x1  }
0x17e: {  	s18 =	simm.s32 $0x12880  }
0x17f: {  	[tilespmem:s18], [sflag:$0x3] =	stream.indirect_vreg.gather [hbm4b:s2+s3], $0x80, v14, vm0, $0xb8;
	[tilespmem:$0x19A80] =	vst v63  }
0x180: {  	s8 =	simm.s32 $0x13080  }
0x181: {  	[tilespmem:s8], [sflag:$0x3] =	stream.indirect_vreg.gather [hbm4b:s2+s3], $0x80, v13, vm0, $0xb8;
	[tilespmem:$0x19A80] =	vst v63  }
0x182: {  	v13 =	vld [tilespmem:$0x11A0];
	_ =	sdelay $0x4  }
0x183: {  	v14 =	vshll.u32 v13, $0x1  }
0x184: {  	v13 =	vand.u32 $0x7, v13;
	v14 =	vand.u32 $0xFFFFFFF0, v14  }
0x185: {  	v13 =	vor.u32 v13, v14  }
0x186: {  	v14 =	vperm.xlane v13, v9;
	_ =	sdelay $0x1  }
0x187: {  	v13 =	vperm.xlane v13, v11;
	v14 =	vadd.s32 v10, v14;
	_ =	sdelay $0x1  }
0x188: {  	v13 =	vadd.s32 v10, v13;
	_ =	sdelay $0x1  }
0x189: {  	s9 =	simm.s32 $0x13880  }
0x18a: {  	[tilespmem:s9], [sflag:$0x3] =	stream.indirect_vreg.gather [hbm4b:s2+s3], $0x80, v14, vm0, $0xb8;
	[tilespmem:$0x19A80] =	vst v63  }
0x18b: {  	s18 =	simm.s32 $0x14080  }
0x18c: {  	[tilespmem:s18], [sflag:$0x3] =	stream.indirect_vreg.gather [hbm4b:s2+s3], $0x80, v13, vm0, $0xb8;
	[tilespmem:$0x19A80] =	vst v63  }
0x18d: {  	v13 =	vld [tilespmem:$0x11B0];
	_ =	sdelay $0x4  }
0x18e: {  	v14 =	vshll.u32 v13, $0x1  }
0x18f: {  	v13 =	vand.u32 $0x7, v13;
	v14 =	vand.u32 $0xFFFFFFF0, v14  }
0x190: {  	v13 =	vor.u32 v13, v14  }
0x191: {  	v14 =	vperm.xlane v13, v9;
	_ =	sdelay $0x1  }
0x192: {  	v13 =	vperm.xlane v13, v11;
	v14 =	vadd.s32 v10, v14;
	_ =	sdelay $0x1  }
0x193: {  	v13 =	vadd.s32 v10, v13;
	_ =	sdelay $0x1  }
0x194: {  	s8 =	simm.s32 $0x14880  }
0x195: {  	[tilespmem:s8], [sflag:$0x3] =	stream.indirect_vreg.gather [hbm4b:s2+s3], $0x80, v14, vm0, $0xb8;
	[tilespmem:$0x19A80] =	vst v63  }
0x196: {  	s9 =	simm.s32 $0x15080  }
0x197: {  	[tilespmem:s9], [sflag:$0x3] =	stream.indirect_vreg.gather [hbm4b:s2+s3], $0x80, v13, vm0, $0xb8;
	[tilespmem:$0x19A80] =	vst v63  }
0x198: {  	v13 =	vld [tilespmem:$0x11C0];
	_ =	sdelay $0x4  }
0x199: {  	v14 =	vshll.u32 v13, $0x1  }
0x19a: {  	v13 =	vand.u32 $0x7, v13;
	v14 =	vand.u32 $0xFFFFFFF0, v14  }
0x19b: {  	v13 =	vor.u32 v13, v14  }
0x19c: {  	v14 =	vperm.xlane v13, v9;
	_ =	sdelay $0x1  }
0x19d: {  	v13 =	vperm.xlane v13, v11;
	v14 =	vadd.s32 v10, v14;
	_ =	sdelay $0x1  }
0x19e: {  	v13 =	vadd.s32 v10, v13;
	_ =	sdelay $0x1  }
0x19f: {  	s18 =	simm.s32 $0x15880  }
0x1a0: {  	[tilespmem:s18], [sflag:$0x3] =	stream.indirect_vreg.gather [hbm4b:s2+s3], $0x80, v14, vm0, $0xb8;
	[tilespmem:$0x19A80] =	vst v63  }
0x1a1: {  	s8 =	simm.s32 $0x16080  }
0x1a2: {  	[tilespmem:s8], [sflag:$0x3] =	stream.indirect_vreg.gather [hbm4b:s2+s3], $0x80, v13, vm0, $0xb8;
	[tilespmem:$0x19A80] =	vst v63  }
0x1a3: {  	v13 =	vld [tilespmem:$0x11D0];
	_ =	sdelay $0x4  }
0x1a4: {  	v14 =	vshll.u32 v13, $0x1  }
0x1a5: {  	v13 =	vand.u32 $0x7, v13;
	v14 =	vand.u32 $0xFFFFFFF0, v14  }
0x1a6: {  	v13 =	vor.u32 v13, v14  }
0x1a7: {  	v14 =	vperm.xlane v13, v9;
	_ =	sdelay $0x1  }
0x1a8: {  	v13 =	vperm.xlane v13, v11;
	v14 =	vadd.s32 v10, v14;
	_ =	sdelay $0x1  }
0x1a9: {  	v13 =	vadd.s32 v10, v13;
	_ =	sdelay $0x1  }
0x1aa: {  	s9 =	simm.s32 $0x16880  }
0x1ab: {  	[tilespmem:s9], [sflag:$0x3] =	stream.indirect_vreg.gather [hbm4b:s2+s3], $0x80, v14, vm0, $0xb8;
	[tilespmem:$0x19A80] =	vst v63  }
0x1ac: {  	s18 =	simm.s32 $0x17080  }
0x1ad: {  	[tilespmem:s18], [sflag:$0x3] =	stream.indirect_vreg.gather [hbm4b:s2+s3], $0x80, v13, vm0, $0xb8;
	[tilespmem:$0x19A80] =	vst v63  }
0x1ae: {  	v13 =	vld [tilespmem:$0x11E0];
	_ =	sdelay $0x4  }
0x1af: {  	v14 =	vshll.u32 v13, $0x1  }
0x1b0: {  	v13 =	vand.u32 $0x7, v13;
	v14 =	vand.u32 $0xFFFFFFF0, v14  }
0x1b1: {  	v13 =	vor.u32 v13, v14  }
0x1b2: {  	v14 =	vperm.xlane v13, v9;
	_ =	sdelay $0x1  }
0x1b3: {  	v13 =	vperm.xlane v13, v11;
	v14 =	vadd.s32 v10, v14;
	_ =	sdelay $0x1  }
0x1b4: {  	v13 =	vadd.s32 v10, v13;
	_ =	sdelay $0x1  }
0x1b5: {  	s8 =	simm.s32 $0x17880  }
0x1b6: {  	[tilespmem:s8], [sflag:$0x3] =	stream.indirect_vreg.gather [hbm4b:s2+s3], $0x80, v14, vm0, $0xb8;
	[tilespmem:$0x19A80] =	vst v63  }
0x1b7: {  	s9 =	simm.s32 $0x18080  }
0x1b8: {  	[tilespmem:s9], [sflag:$0x3] =	stream.indirect_vreg.gather [hbm4b:s2+s3], $0x80, v13, vm0, $0xb8;
	[tilespmem:$0x19A80] =	vst v63  }
0x1b9: {  	v13 =	vld [tilespmem:$0x11F0];
	_ =	sdelay $0x4  }
0x1ba: {  	v14 =	vshll.u32 v13, $0x1  }
0x1bb: {  	v13 =	vand.u32 $0x7, v13;
	v14 =	vand.u32 $0xFFFFFFF0, v14  }
0x1bc: {  	v13 =	vor.u32 v13, v14  }
0x1bd: {  	v14 =	vperm.xlane v13, v9;
	_ =	sdelay $0x1  }
0x1be: {  	v13 =	vperm.xlane v13, v11;
	v14 =	vadd.s32 v10, v14;
	_ =	sdelay $0x1  }
0x1bf: {  	v13 =	vadd.s32 v10, v13;
	_ =	sdelay $0x1  }
0x1c0: {  	s18 =	simm.s32 $0x18880  }
0x1c1: {  	[tilespmem:s18], [sflag:$0x3] =	stream.indirect_vreg.gather [hbm4b:s2+s3], $0x80, v14, vm0, $0xb8;
	[tilespmem:$0x19A80] =	vst v63  }
0x1c2: {  	s8 =	simm.s32 $0x19080  }
0x1c3: {  	[tilespmem:s8], [sflag:$0x3] =	stream.indirect_vreg.gather [hbm4b:s2+s3], $0x80, v13, vm0, $0xb8;
	[tilespmem:$0x19A80] =	vst v63  }
0x1c4: {  	_ =	swait.ge [sflag:s19], $0x8000  }
0x1c5: {  	[sflag:s19] =	ssyncset.done $0x0  }
0x1c6: {  	s0 =	simm.s32 $0x4;
	s9 =	rddreg [dreg:$0x5];
	[sflag:s19] =	ssyncadd.s32 $0xFFFF8000  }
0x1c7: {  	[hbm4b:s9+s3] =	stream.linear.scatter [tilespmem:s24], [sflag:$0x4], $0x8000, $0x38;
	[tilespmem:$0x19A80] =	vst v63  }
0x1c8: {  	_ =	swait.ge [sflag:s0], $0x8000  }
0x1c9: {  	[sflag:s0] =	ssyncset.done $0x0  }
0x1ca: {  	[sflag:s0] =	ssyncadd.s32 $0xFFFF8000  }
0x1cb: {  	v13 =	vld [tilespmem:$0x1200];
	_ =	sdelay $0x4  }
0x1cc: {  	v14 =	vshll.u32 v13, $0x1  }
0x1cd: {  	v13 =	vand.u32 $0x7, v13;
	v14 =	vand.u32 $0xFFFFFFF0, v14  }
0x1ce: {  	v13 =	vor.u32 v13, v14  }
0x1cf: {  	v14 =	vperm.xlane v13, v9;
	_ =	sdelay $0x1  }
0x1d0: {  	v13 =	vperm.xlane v13, v11;
	v14 =	vadd.s32 v10, v14;
	_ =	sdelay $0x1  }
0x1d1: {  	v13 =	vadd.s32 v10, v13;
	_ =	sdelay $0x2  }
0x1d2: {  	[tilespmem:s24], [sflag:$0x1] =	stream.indirect_vreg.gather [hbm4b:s2+s3], $0x80, v14, vm0, $0xb8;
	[tilespmem:$0x19A80] =	vst v63  }
0x1d3: {  	s1 =	simm.s32 $0x2080  }
0x1d4: {  	[tilespmem:s1], [sflag:$0x1] =	stream.indirect_vreg.gather [hbm4b:s2+s3], $0x80, v13, vm0, $0xb8;
	[tilespmem:$0x19A80] =	vst v63  }
0x1d5: {  	v13 =	vld [tilespmem:$0x1210];
	_ =	sdelay $0x4  }
0x1d6: {  	v14 =	vshll.u32 v13, $0x1  }
0x1d7: {  	v13 =	vand.u32 $0x7, v13;
	v14 =	vand.u32 $0xFFFFFFF0, v14  }
0x1d8: {  	v13 =	vor.u32 v13, v14  }
0x1d9: {  	v14 =	vperm.xlane v13, v9;
	_ =	sdelay $0x1  }
0x1da: {  	v13 =	vperm.xlane v13, v11;
	v14 =	vadd.s32 v10, v14;
	_ =	sdelay $0x1  }
0x1db: {  	v13 =	vadd.s32 v10, v13;
	_ =	sdelay $0x1  }
0x1dc: {  	s17 =	simm.s32 $0x2880  }
0x1dd: {  	[tilespmem:s17], [sflag:$0x1] =	stream.indirect_vreg.gather [hbm4b:s2+s3], $0x80, v14, vm0, $0xb8;
	[tilespmem:$0x19A80] =	vst v63  }
0x1de: {  	s4 =	simm.s32 $0x3080  }
0x1df: {  	[tilespmem:s4], [sflag:$0x1] =	stream.indirect_vreg.gather [hbm4b:s2+s3], $0x80, v13, vm0, $0xb8;
	[tilespmem:$0x19A80] =	vst v63  }
0x1e0: {  	v13 =	vld [tilespmem:$0x1220];
	_ =	sdelay $0x4  }
0x1e1: {  	v14 =	vshll.u32 v13, $0x1  }
0x1e2: {  	v13 =	vand.u32 $0x7, v13;
	v14 =	vand.u32 $0xFFFFFFF0, v14  }
0x1e3: {  	v13 =	vor.u32 v13, v14  }
0x1e4: {  	v14 =	vperm.xlane v13, v9;
	_ =	sdelay $0x1  }
0x1e5: {  	v13 =	vperm.xlane v13, v11;
	v14 =	vadd.s32 v10, v14;
	_ =	sdelay $0x1  }
0x1e6: {  	v13 =	vadd.s32 v10, v13;
	_ =	sdelay $0x1  }
0x1e7: {  	s18 =	simm.s32 $0x3880  }
0x1e8: {  	[tilespmem:s18], [sflag:$0x1] =	stream.indirect_vreg.gather [hbm4b:s2+s3], $0x80, v14, vm0, $0xb8;
	[tilespmem:$0x19A80] =	vst v63  }
0x1e9: {  	s6 =	simm.s32 $0x4080  }
0x1ea: {  	[tilespmem:s6], [sflag:$0x1] =	stream.indirect_vreg.gather [hbm4b:s2+s3], $0x80, v13, vm0, $0xb8;
	[tilespmem:$0x19A80] =	vst v63  }
0x1eb: {  	v13 =	vld [tilespmem:$0x1230];
	_ =	sdelay $0x4  }
0x1ec: {  	v14 =	vshll.u32 v13, $0x1  }
0x1ed: {  	v13 =	vand.u32 $0x7, v13;
	v14 =	vand.u32 $0xFFFFFFF0, v14  }
0x1ee: {  	v13 =	vor.u32 v13, v14  }
0x1ef: {  	v14 =	vperm.xlane v13, v9;
	_ =	sdelay $0x1  }
0x1f0: {  	v13 =	vperm.xlane v13, v11;
	v14 =	vadd.s32 v10, v14;
	_ =	sdelay $0x1  }
0x1f1: {  	v13 =	vadd.s32 v10, v13;
	_ =	sdelay $0x1  }
0x1f2: {  	s1 =	simm.s32 $0x4880  }
0x1f3: {  	[tilespmem:s1], [sflag:$0x1] =	stream.indirect_vreg.gather [hbm4b:s2+s3], $0x80, v14, vm0, $0xb8;
	[tilespmem:$0x19A80] =	vst v63  }
0x1f4: {  	s7 =	simm.s32 $0x5080  }
0x1f5: {  	[tilespmem:s7], [sflag:$0x1] =	stream.indirect_vreg.gather [hbm4b:s2+s3], $0x80, v13, vm0, $0xb8;
	[tilespmem:$0x19A80] =	vst v63  }
0x1f6: {  	v13 =	vld [tilespmem:$0x1240];
	_ =	sdelay $0x4  }
0x1f7: {  	v14 =	vshll.u32 v13, $0x1  }
0x1f8: {  	v13 =	vand.u32 $0x7, v13;
	v14 =	vand.u32 $0xFFFFFFF0, v14  }
0x1f9: {  	v13 =	vor.u32 v13, v14  }
0x1fa: {  	v14 =	vperm.xlane v13, v9;
	_ =	sdelay $0x1  }
0x1fb: {  	v13 =	vperm.xlane v13, v11;
	v14 =	vadd.s32 v10, v14;
	_ =	sdelay $0x1  }
0x1fc: {  	v13 =	vadd.s32 v10, v13;
	_ =	sdelay $0x1  }
0x1fd: {  	s4 =	simm.s32 $0x5880  }
0x1fe: {  	[tilespmem:s4], [sflag:$0x1] =	stream.indirect_vreg.gather [hbm4b:s2+s3], $0x80, v14, vm0, $0xb8;
	[tilespmem:$0x19A80] =	vst v63  }
0x1ff: {  	s13 =	simm.s32 $0x6080  }
0x200: {  	[tilespmem:s13], [sflag:$0x1] =	stream.indirect_vreg.gather [hbm4b:s2+s3], $0x80, v13, vm0, $0xb8;
	[tilespmem:$0x19A80] =	vst v63  }
0x201: {  	v13 =	vld [tilespmem:$0x1250];
	_ =	sdelay $0x4  }
0x202: {  	v14 =	vshll.u32 v13, $0x1  }
0x203: {  	v13 =	vand.u32 $0x7, v13;
	v14 =	vand.u32 $0xFFFFFFF0, v14  }
0x204: {  	v13 =	vor.u32 v13, v14  }
0x205: {  	v14 =	vperm.xlane v13, v9;
	_ =	sdelay $0x1  }
0x206: {  	v13 =	vperm.xlane v13, v11;
	v14 =	vadd.s32 v10, v14;
	_ =	sdelay $0x1  }
0x207: {  	v13 =	vadd.s32 v10, v13;
	_ =	sdelay $0x1  }
0x208: {  	s13 =	simm.s32 $0x6880  }
0x209: {  	[tilespmem:s13], [sflag:$0x1] =	stream.indirect_vreg.gather [hbm4b:s2+s3], $0x80, v14, vm0, $0xb8;
	[tilespmem:$0x19A80] =	vst v63  }
0x20a: {  	s8 =	simm.s32 $0x7080  }
0x20b: {  	[tilespmem:s8], [sflag:$0x1] =	stream.indirect_vreg.gather [hbm4b:s2+s3], $0x80, v13, vm0, $0xb8;
	[tilespmem:$0x19A80] =	vst v63  }
0x20c: {  	v13 =	vld [tilespmem:$0x1260];
	_ =	sdelay $0x4  }
0x20d: {  	v14 =	vshll.u32 v13, $0x1  }
0x20e: {  	v13 =	vand.u32 $0x7, v13;
	v14 =	vand.u32 $0xFFFFFFF0, v14  }
0x20f: {  	v13 =	vor.u32 v13, v14  }
0x210: {  	v14 =	vperm.xlane v13, v9;
	_ =	sdelay $0x1  }
0x211: {  	v13 =	vperm.xlane v13, v11;
	v14 =	vadd.s32 v10, v14;
	_ =	sdelay $0x1  }
0x212: {  	v13 =	vadd.s32 v10, v13;
	_ =	sdelay $0x1  }
0x213: {  	s6 =	simm.s32 $0x7880  }
0x214: {  	[tilespmem:s6], [sflag:$0x1] =	stream.indirect_vreg.gather [hbm4b:s2+s3], $0x80, v14, vm0, $0xb8;
	[tilespmem:$0x19A80] =	vst v63  }
0x215: {  	s9 =	simm.s32 $0x8080  }
0x216: {  	[tilespmem:s9], [sflag:$0x1] =	stream.indirect_vreg.gather [hbm4b:s2+s3], $0x80, v13, vm0, $0xb8;
	[tilespmem:$0x19A80] =	vst v63  }
0x217: {  	v13 =	vld [tilespmem:$0x1270];
	_ =	sdelay $0x4  }
0x218: {  	v14 =	vshll.u32 v13, $0x1  }
0x219: {  	v13 =	vand.u32 $0x7, v13;
	v14 =	vand.u32 $0xFFFFFFF0, v14  }
0x21a: {  	v13 =	vor.u32 v13, v14  }
0x21b: {  	v14 =	vperm.xlane v13, v9;
	_ =	sdelay $0x1  }
0x21c: {  	v13 =	vperm.xlane v13, v11;
	v14 =	vadd.s32 v10, v14;
	_ =	sdelay $0x1  }
0x21d: {  	v13 =	vadd.s32 v10, v13;
	_ =	sdelay $0x1  }
0x21e: {  	s7 =	simm.s32 $0x8880  }
0x21f: {  	[tilespmem:s7], [sflag:$0x1] =	stream.indirect_vreg.gather [hbm4b:s2+s3], $0x80, v14, vm0, $0xb8;
	[tilespmem:$0x19A80] =	vst v63  }
0x220: {  	s10 =	simm.s32 $0x9080  }
0x221: {  	[tilespmem:s10], [sflag:$0x1] =	stream.indirect_vreg.gather [hbm4b:s2+s3], $0x80, v13, vm0, $0xb8;
	[tilespmem:$0x19A80] =	vst v63  }
0x222: {  	_ =	swait.ge [sflag:s21], $0x8000  }
0x223: {  	[sflag:s21] =	ssyncset.done $0x0  }
0x224: {  	s10 =	rddreg [dreg:$0x6];
	[sflag:s21] =	ssyncadd.s32 $0xFFFF8000  }
0x225: {  	[hbm4b:s10+s3] =	stream.linear.scatter [tilespmem:s28], [sflag:$0x5], $0x8000, $0x38;
	[tilespmem:$0x19A80] =	vst v63  }
0x226: {  	_ =	swait.ge [sflag:s14], $0x8000  }
0x227: {  	[sflag:s14] =	ssyncset.done $0x0  }
0x228: {  	[sflag:s14] =	ssyncadd.s32 $0xFFFF8000  }
0x229: {  	v13 =	vld [tilespmem:$0x1280];
	_ =	sdelay $0x4  }
0x22a: {  	v14 =	vshll.u32 v13, $0x1  }
0x22b: {  	v13 =	vand.u32 $0x7, v13;
	v14 =	vand.u32 $0xFFFFFFF0, v14  }
0x22c: {  	v13 =	vor.u32 v13, v14  }
0x22d: {  	v14 =	vperm.xlane v13, v9;
	_ =	sdelay $0x1  }
0x22e: {  	v13 =	vperm.xlane v13, v11;
	v14 =	vadd.s32 v10, v14;
	_ =	sdelay $0x1  }
0x22f: {  	v13 =	vadd.s32 v10, v13;
	_ =	sdelay $0x2  }
0x230: {  	[tilespmem:s28], [sflag:$0x2] =	stream.indirect_vreg.gather [hbm4b:s2+s3], $0x80, v14, vm0, $0xb8;
	[tilespmem:$0x19A80] =	vst v63  }
0x231: {  	s5 =	simm.s32 $0xA080  }
0x232: {  	[tilespmem:s5], [sflag:$0x2] =	stream.indirect_vreg.gather [hbm4b:s2+s3], $0x80, v13, vm0, $0xb8;
	[tilespmem:$0x19A80] =	vst v63  }
0x233: {  	v13 =	vld [tilespmem:$0x1290];
	_ =	sdelay $0x4  }
0x234: {  	v14 =	vshll.u32 v13, $0x1  }
0x235: {  	v13 =	vand.u32 $0x7, v13;
	v14 =	vand.u32 $0xFFFFFFF0, v14  }
0x236: {  	v13 =	vor.u32 v13, v14  }
0x237: {  	v14 =	vperm.xlane v13, v9;
	_ =	sdelay $0x1  }
0x238: {  	v13 =	vperm.xlane v13, v11;
	v14 =	vadd.s32 v10, v14;
	_ =	sdelay $0x1  }
0x239: {  	v13 =	vadd.s32 v10, v13;
	_ =	sdelay $0x1  }
0x23a: {  	s25 =	simm.s32 $0xA880  }
0x23b: {  	[tilespmem:s25], [sflag:$0x2] =	stream.indirect_vreg.gather [hbm4b:s2+s3], $0x80, v14, vm0, $0xb8;
	[tilespmem:$0x19A80] =	vst v63  }
0x23c: {  	s11 =	simm.s32 $0xB080  }
0x23d: {  	[tilespmem:s11], [sflag:$0x2] =	stream.indirect_vreg.gather [hbm4b:s2+s3], $0x80, v13, vm0, $0xb8;
	[tilespmem:$0x19A80] =	vst v63  }
0x23e: {  	v13 =	vld [tilespmem:$0x12A0];
	_ =	sdelay $0x4  }
0x23f: {  	v14 =	vshll.u32 v13, $0x1  }
0x240: {  	v13 =	vand.u32 $0x7, v13;
	v14 =	vand.u32 $0xFFFFFFF0, v14  }
0x241: {  	v13 =	vor.u32 v13, v14  }
0x242: {  	v14 =	vperm.xlane v13, v9;
	_ =	sdelay $0x1  }
0x243: {  	v13 =	vperm.xlane v13, v11;
	v14 =	vadd.s32 v10, v14;
	_ =	sdelay $0x1  }
0x244: {  	v13 =	vadd.s32 v10, v13;
	_ =	sdelay $0x1  }
0x245: {  	s29 =	simm.s32 $0xB880  }
0x246: {  	[tilespmem:s29], [sflag:$0x2] =	stream.indirect_vreg.gather [hbm4b:s2+s3], $0x80, v14, vm0, $0xb8;
	[tilespmem:$0x19A80] =	vst v63  }
0x247: {  	s12 =	simm.s32 $0xC080  }
0x248: {  	[tilespmem:s12], [sflag:$0x2] =	stream.indirect_vreg.gather [hbm4b:s2+s3], $0x80, v13, vm0, $0xb8;
	[tilespmem:$0x19A80] =	vst v63  }
0x249: {  	v13 =	vld [tilespmem:$0x12B0];
	_ =	sdelay $0x4  }
0x24a: {  	v14 =	vshll.u32 v13, $0x1  }
0x24b: {  	v13 =	vand.u32 $0x7, v13;
	v14 =	vand.u32 $0xFFFFFFF0, v14  }
0x24c: {  	v13 =	vor.u32 v13, v14  }
0x24d: {  	v14 =	vperm.xlane v13, v9;
	_ =	sdelay $0x1  }
0x24e: {  	v13 =	vperm.xlane v13, v11;
	v14 =	vadd.s32 v10, v14;
	_ =	sdelay $0x1  }
0x24f: {  	v13 =	vadd.s32 v10, v13;
	_ =	sdelay $0x1  }
0x250: {  	s31 =	simm.s32 $0xC880  }
0x251: {  	[tilespmem:s31], [sflag:$0x2] =	stream.indirect_vreg.gather [hbm4b:s2+s3], $0x80, v14, vm0, $0xb8;
	[tilespmem:$0x19A80] =	vst v63  }
0x252: {  	s15 =	simm.s32 $0xD080  }
0x253: {  	[tilespmem:s15], [sflag:$0x2] =	stream.indirect_vreg.gather [hbm4b:s2+s3], $0x80, v13, vm0, $0xb8;
	[tilespmem:$0x19A80] =	vst v63  }
0x254: {  	v13 =	vld [tilespmem:$0x12C0];
	_ =	sdelay $0x4  }
0x255: {  	v14 =	vshll.u32 v13, $0x1  }
0x256: {  	v13 =	vand.u32 $0x7, v13;
	v14 =	vand.u32 $0xFFFFFFF0, v14  }
0x257: {  	v13 =	vor.u32 v13, v14  }
0x258: {  	v14 =	vperm.xlane v13, v9;
	_ =	sdelay $0x1  }
0x259: {  	v13 =	vperm.xlane v13, v11;
	v14 =	vadd.s32 v10, v14;
	_ =	sdelay $0x1  }
0x25a: {  	v13 =	vadd.s32 v10, v13;
	_ =	sdelay $0x1  }
0x25b: {  	s31 =	simm.s32 $0xD880  }
0x25c: {  	[tilespmem:s31], [sflag:$0x2] =	stream.indirect_vreg.gather [hbm4b:s2+s3], $0x80, v14, vm0, $0xb8;
	[tilespmem:$0x19A80] =	vst v63  }
0x25d: {  	s16 =	simm.s32 $0xE080  }
0x25e: {  	[tilespmem:s16], [sflag:$0x2] =	stream.indirect_vreg.gather [hbm4b:s2+s3], $0x80, v13, vm0, $0xb8;
	[tilespmem:$0x19A80] =	vst v63  }
0x25f: {  	v13 =	vld [tilespmem:$0x12D0];
	_ =	sdelay $0x4  }
0x260: {  	v14 =	vshll.u32 v13, $0x1  }
0x261: {  	v13 =	vand.u32 $0x7, v13;
	v14 =	vand.u32 $0xFFFFFFF0, v14  }
0x262: {  	v13 =	vor.u32 v13, v14  }
0x263: {  	v14 =	vperm.xlane v13, v9;
	_ =	sdelay $0x1  }
0x264: {  	v13 =	vperm.xlane v13, v11;
	v14 =	vadd.s32 v10, v14;
	_ =	sdelay $0x1  }
0x265: {  	v13 =	vadd.s32 v10, v13;
	_ =	sdelay $0x1  }
0x266: {  	s10 =	simm.s32 $0xE880  }
0x267: {  	[tilespmem:s10], [sflag:$0x2] =	stream.indirect_vreg.gather [hbm4b:s2+s3], $0x80, v14, vm0, $0xb8;
	[tilespmem:$0x19A80] =	vst v63  }
0x268: {  	s20 =	simm.s32 $0xF080  }
0x269: {  	[tilespmem:s20], [sflag:$0x2] =	stream.indirect_vreg.gather [hbm4b:s2+s3], $0x80, v13, vm0, $0xb8;
	[tilespmem:$0x19A80] =	vst v63  }
0x26a: {  	v13 =	vld [tilespmem:$0x12E0];
	_ =	sdelay $0x4  }
0x26b: {  	v14 =	vshll.u32 v13, $0x1  }
0x26c: {  	v13 =	vand.u32 $0x7, v13;
	v14 =	vand.u32 $0xFFFFFFF0, v14  }
0x26d: {  	v13 =	vor.u32 v13, v14  }
0x26e: {  	v14 =	vperm.xlane v13, v9;
	_ =	sdelay $0x1  }
0x26f: {  	v13 =	vperm.xlane v13, v11;
	v14 =	vadd.s32 v10, v14;
	_ =	sdelay $0x1  }
0x270: {  	v13 =	vadd.s32 v10, v13;
	_ =	sdelay $0x1  }
0x271: {  	s30 =	simm.s32 $0xF880  }
0x272: {  	[tilespmem:s30], [sflag:$0x2] =	stream.indirect_vreg.gather [hbm4b:s2+s3], $0x80, v14, vm0, $0xb8;
	[tilespmem:$0x19A80] =	vst v63  }
0x273: {  	s22 =	simm.s32 $0x10080  }
0x274: {  	[tilespmem:s22], [sflag:$0x2] =	stream.indirect_vreg.gather [hbm4b:s2+s3], $0x80, v13, vm0, $0xb8;
	[tilespmem:$0x19A80] =	vst v63  }
0x275: {  	v13 =	vld [tilespmem:$0x12F0];
	_ =	sdelay $0x4  }
0x276: {  	v14 =	vshll.u32 v13, $0x1  }
0x277: {  	v13 =	vand.u32 $0x7, v13;
	v14 =	vand.u32 $0xFFFFFFF0, v14  }
0x278: {  	v13 =	vor.u32 v13, v14  }
0x279: {  	v14 =	vperm.xlane v13, v9;
	_ =	sdelay $0x1  }
0x27a: {  	v13 =	vperm.xlane v13, v11;
	v14 =	vadd.s32 v10, v14;
	_ =	sdelay $0x1  }
0x27b: {  	v13 =	vadd.s32 v10, v13;
	_ =	sdelay $0x1  }
0x27c: {  	s11 =	simm.s32 $0x10880  }
0x27d: {  	[tilespmem:s11], [sflag:$0x2] =	stream.indirect_vreg.gather [hbm4b:s2+s3], $0x80, v14, vm0, $0xb8;
	[tilespmem:$0x19A80] =	vst v63  }
0x27e: {  	s23 =	simm.s32 $0x11080;
	s15 =	simm.s32 $0x3  }
0x27f: {  	[tilespmem:s23], [sflag:$0x2] =	stream.indirect_vreg.gather [hbm4b:s2+s3], $0x80, v13, vm0, $0xb8;
	[tilespmem:$0x19A80] =	vst v63  }
0x280: {  	_ =	swait.ge [sflag:s15], $0x8000  }
0x281: {  	[sflag:s15] =	ssyncset.done $0x0  }
0x282: {  	s23 =	simm.s32 $0x6;
	s12 =	rddreg [dreg:$0x7];
	[sflag:s15] =	ssyncadd.s32 $0xFFFF8000  }
0x283: {  	[hbm4b:s12+s3] =	stream.linear.scatter [tilespmem:s26], [sflag:$0x6], $0x8000, $0x38;
	[tilespmem:$0x19A80] =	vst v63  }
0x284: {  	_ =	swait.ge [sflag:s23], $0x8000  }
0x285: {  	[sflag:s23] =	ssyncset.done $0x0  }
0x286: {  	[sflag:s23] =	ssyncadd.s32 $0xFFFF8000  }
0x287: {  	v13 =	vld [tilespmem:$0x1300];
	_ =	sdelay $0x4  }
0x288: {  	v14 =	vshll.u32 v13, $0x1  }
0x289: {  	v13 =	vand.u32 $0x7, v13;
	v14 =	vand.u32 $0xFFFFFFF0, v14  }
0x28a: {  	v13 =	vor.u32 v13, v14  }
0x28b: {  	v14 =	vperm.xlane v13, v9;
	_ =	sdelay $0x1  }
0x28c: {  	v13 =	vperm.xlane v13, v11;
	v14 =	vadd.s32 v10, v14;
	_ =	sdelay $0x1  }
0x28d: {  	v13 =	vadd.s32 v10, v13;
	_ =	sdelay $0x2  }
0x28e: {  	[tilespmem:s26], [sflag:$0x3] =	stream.indirect_vreg.gather [hbm4b:s2+s3], $0x80, v14, vm0, $0xb8;
	[tilespmem:$0x19A80] =	vst v63  }
0x28f: {  	s16 =	simm.s32 $0x12080  }
0x290: {  	[tilespmem:s16], [sflag:$0x3] =	stream.indirect_vreg.gather [hbm4b:s2+s3], $0x80, v13, vm0, $0xb8;
	[tilespmem:$0x19A80] =	vst v63  }
0x291: {  	v13 =	vld [tilespmem:$0x1310];
	_ =	sdelay $0x4  }
0x292: {  	v14 =	vshll.u32 v13, $0x1  }
0x293: {  	v13 =	vand.u32 $0x7, v13;
	v14 =	vand.u32 $0xFFFFFFF0, v14  }
0x294: {  	v13 =	vor.u32 v13, v14  }
0x295: {  	v14 =	vperm.xlane v13, v9;
	_ =	sdelay $0x1  }
0x296: {  	v13 =	vperm.xlane v13, v11;
	v14 =	vadd.s32 v10, v14;
	_ =	sdelay $0x1  }
0x297: {  	v13 =	vadd.s32 v10, v13;
	_ =	sdelay $0x1  }
0x298: {  	s10 =	simm.s32 $0x12880  }
0x299: {  	[tilespmem:s10], [sflag:$0x3] =	stream.indirect_vreg.gather [hbm4b:s2+s3], $0x80, v14, vm0, $0xb8;
	[tilespmem:$0x19A80] =	vst v63  }
0x29a: {  	s17 =	simm.s32 $0x13080  }
0x29b: {  	[tilespmem:s17], [sflag:$0x3] =	stream.indirect_vreg.gather [hbm4b:s2+s3], $0x80, v13, vm0, $0xb8;
	[tilespmem:$0x19A80] =	vst v63  }
0x29c: {  	v13 =	vld [tilespmem:$0x1320];
	_ =	sdelay $0x4  }
0x29d: {  	v14 =	vshll.u32 v13, $0x1  }
0x29e: {  	v13 =	vand.u32 $0x7, v13;
	v14 =	vand.u32 $0xFFFFFFF0, v14  }
0x29f: {  	v13 =	vor.u32 v13, v14  }
0x2a0: {  	v14 =	vperm.xlane v13, v9;
	_ =	sdelay $0x1  }
0x2a1: {  	v13 =	vperm.xlane v13, v11;
	v14 =	vadd.s32 v10, v14;
	_ =	sdelay $0x1  }
0x2a2: {  	v13 =	vadd.s32 v10, v13;
	_ =	sdelay $0x1  }
0x2a3: {  	s11 =	simm.s32 $0x13880  }
0x2a4: {  	[tilespmem:s11], [sflag:$0x3] =	stream.indirect_vreg.gather [hbm4b:s2+s3], $0x80, v14, vm0, $0xb8;
	[tilespmem:$0x19A80] =	vst v63  }
0x2a5: {  	s20 =	simm.s32 $0x14080  }
0x2a6: {  	[tilespmem:s20], [sflag:$0x3] =	stream.indirect_vreg.gather [hbm4b:s2+s3], $0x80, v13, vm0, $0xb8;
	[tilespmem:$0x19A80] =	vst v63  }
0x2a7: {  	v13 =	vld [tilespmem:$0x1330];
	_ =	sdelay $0x4  }
0x2a8: {  	v14 =	vshll.u32 v13, $0x1  }
0x2a9: {  	v13 =	vand.u32 $0x7, v13;
	v14 =	vand.u32 $0xFFFFFFF0, v14  }
0x2aa: {  	v13 =	vor.u32 v13, v14  }
0x2ab: {  	v14 =	vperm.xlane v13, v9;
	_ =	sdelay $0x1  }
0x2ac: {  	v13 =	vperm.xlane v13, v11;
	v14 =	vadd.s32 v10, v14;
	_ =	sdelay $0x1  }
0x2ad: {  	v13 =	vadd.s32 v10, v13;
	_ =	sdelay $0x1  }
0x2ae: {  	s12 =	simm.s32 $0x14880  }
0x2af: {  	[tilespmem:s12], [sflag:$0x3] =	stream.indirect_vreg.gather [hbm4b:s2+s3], $0x80, v14, vm0, $0xb8;
	[tilespmem:$0x19A80] =	vst v63  }
0x2b0: {  	s22 =	simm.s32 $0x15080  }
0x2b1: {  	[tilespmem:s22], [sflag:$0x3] =	stream.indirect_vreg.gather [hbm4b:s2+s3], $0x80, v13, vm0, $0xb8;
	[tilespmem:$0x19A80] =	vst v63  }
0x2b2: {  	v13 =	vld [tilespmem:$0x1340];
	_ =	sdelay $0x4  }
0x2b3: {  	v14 =	vshll.u32 v13, $0x1  }
0x2b4: {  	v13 =	vand.u32 $0x7, v13;
	v14 =	vand.u32 $0xFFFFFFF0, v14  }
0x2b5: {  	v13 =	vor.u32 v13, v14  }
0x2b6: {  	v14 =	vperm.xlane v13, v9;
	_ =	sdelay $0x1  }
0x2b7: {  	v13 =	vperm.xlane v13, v11;
	v14 =	vadd.s32 v10, v14;
	_ =	sdelay $0x1  }
0x2b8: {  	v13 =	vadd.s32 v10, v13;
	_ =	sdelay $0x1  }
0x2b9: {  	s30 =	simm.s32 $0x15880  }
0x2ba: {  	[tilespmem:s30], [sflag:$0x3] =	stream.indirect_vreg.gather [hbm4b:s2+s3], $0x80, v14, vm0, $0xb8;
	[tilespmem:$0x19A80] =	vst v63  }
0x2bb: {  	s25 =	simm.s32 $0x16080  }
0x2bc: {  	[tilespmem:s25], [sflag:$0x3] =	stream.indirect_vreg.gather [hbm4b:s2+s3], $0x80, v13, vm0, $0xb8;
	[tilespmem:$0x19A80] =	vst v63  }
0x2bd: {  	v13 =	vld [tilespmem:$0x1350];
	_ =	sdelay $0x4  }
0x2be: {  	v14 =	vshll.u32 v13, $0x1  }
0x2bf: {  	v13 =	vand.u32 $0x7, v13;
	v14 =	vand.u32 $0xFFFFFFF0, v14  }
0x2c0: {  	v13 =	vor.u32 v13, v14  }
0x2c1: {  	v14 =	vperm.xlane v13, v9;
	_ =	sdelay $0x1  }
0x2c2: {  	v13 =	vperm.xlane v13, v11;
	v14 =	vadd.s32 v10, v14;
	_ =	sdelay $0x1  }
0x2c3: {  	v13 =	vadd.s32 v10, v13;
	_ =	sdelay $0x1  }
0x2c4: {  	s31 =	simm.s32 $0x16880  }
0x2c5: {  	[tilespmem:s31], [sflag:$0x3] =	stream.indirect_vreg.gather [hbm4b:s2+s3], $0x80, v14, vm0, $0xb8;
	[tilespmem:$0x19A80] =	vst v63  }
0x2c6: {  	s20 =	simm.s32 $0x17080  }
0x2c7: {  	[tilespmem:s20], [sflag:$0x3] =	stream.indirect_vreg.gather [hbm4b:s2+s3], $0x80, v13, vm0, $0xb8;
	[tilespmem:$0x19A80] =	vst v63  }
0x2c8: {  	v13 =	vld [tilespmem:$0x1360];
	_ =	sdelay $0x4  }
0x2c9: {  	v14 =	vshll.u32 v13, $0x1  }
0x2ca: {  	v13 =	vand.u32 $0x7, v13;
	v14 =	vand.u32 $0xFFFFFFF0, v14  }
0x2cb: {  	v13 =	vor.u32 v13, v14  }
0x2cc: {  	v14 =	vperm.xlane v13, v9;
	_ =	sdelay $0x1  }
0x2cd: {  	v13 =	vperm.xlane v13, v11;
	v14 =	vadd.s32 v10, v14;
	_ =	sdelay $0x1  }
0x2ce: {  	v13 =	vadd.s32 v10, v13;
	_ =	sdelay $0x1  }
0x2cf: {  	s25 =	simm.s32 $0x17880  }
0x2d0: {  	[tilespmem:s25], [sflag:$0x3] =	stream.indirect_vreg.gather [hbm4b:s2+s3], $0x80, v14, vm0, $0xb8;
	[tilespmem:$0x19A80] =	vst v63  }
0x2d1: {  	s5 =	simm.s32 $0x18080  }
0x2d2: {  	[tilespmem:s5], [sflag:$0x3] =	stream.indirect_vreg.gather [hbm4b:s2+s3], $0x80, v13, vm0, $0xb8;
	[tilespmem:$0x19A80] =	vst v63  }
0x2d3: {  	v13 =	vld [tilespmem:$0x1370];
	_ =	sdelay $0x4  }
0x2d4: {  	v14 =	vshll.u32 v13, $0x1  }
0x2d5: {  	v13 =	vand.u32 $0x7, v13;
	v14 =	vand.u32 $0xFFFFFFF0, v14  }
0x2d6: {  	v13 =	vor.u32 v13, v14  }
0x2d7: {  	v14 =	vperm.xlane v13, v9;
	_ =	sdelay $0x1  }
0x2d8: {  	v13 =	vperm.xlane v13, v11;
	v14 =	vadd.s32 v10, v14;
	_ =	sdelay $0x1  }
0x2d9: {  	v13 =	vadd.s32 v10, v13;
	_ =	sdelay $0x1  }
0x2da: {  	s22 =	simm.s32 $0x18880  }
0x2db: {  	[tilespmem:s22], [sflag:$0x3] =	stream.indirect_vreg.gather [hbm4b:s2+s3], $0x80, v14, vm0, $0xb8;
	[tilespmem:$0x19A80] =	vst v63  }
0x2dc: {  	s16 =	simm.s32 $0x19080  }
0x2dd: {  	[tilespmem:s16], [sflag:$0x3] =	stream.indirect_vreg.gather [hbm4b:s2+s3], $0x80, v13, vm0, $0xb8;
	[tilespmem:$0x19A80] =	vst v63  }
0x2de: {  	_ =	swait.ge [sflag:s19], $0x8000  }
0x2df: {  	[sflag:s19] =	ssyncset.done $0x0  }
0x2e0: {  	s29 =	rddreg [dreg:$0x8];
	[sflag:s19] =	ssyncadd.s32 $0xFFFF8000  }
0x2e1: {  	[hbm4b:s29+s3] =	stream.linear.scatter [tilespmem:s24], [sflag:$0x4], $0x8000, $0x38;
	[tilespmem:$0x19A80] =	vst v63  }
0x2e2: {  	_ =	swait.ge [sflag:s0], $0x8000  }
0x2e3: {  	[sflag:s0] =	ssyncset.done $0x0  }
0x2e4: {  	[sflag:s0] =	ssyncadd.s32 $0xFFFF8000  }
0x2e5: {  	v13 =	vld [tilespmem:$0x1380];
	_ =	sdelay $0x4  }
0x2e6: {  	v14 =	vshll.u32 v13, $0x1  }
0x2e7: {  	v13 =	vand.u32 $0x7, v13;
	v14 =	vand.u32 $0xFFFFFFF0, v14  }
0x2e8: {  	v13 =	vor.u32 v13, v14  }
0x2e9: {  	v14 =	vperm.xlane v13, v9;
	_ =	sdelay $0x1  }
0x2ea: {  	v13 =	vperm.xlane v13, v11;
	v14 =	vadd.s32 v10, v14;
	_ =	sdelay $0x1  }
0x2eb: {  	v13 =	vadd.s32 v10, v13;
	_ =	sdelay $0x2  }
0x2ec: {  	[tilespmem:s24], [sflag:$0x1] =	stream.indirect_vreg.gather [hbm4b:s2+s3], $0x80, v14, vm0, $0xb8;
	[tilespmem:$0x19A80] =	vst v63  }
0x2ed: {  	s29 =	simm.s32 $0x2080  }
0x2ee: {  	[tilespmem:s29], [sflag:$0x1] =	stream.indirect_vreg.gather [hbm4b:s2+s3], $0x80, v13, vm0, $0xb8;
	[tilespmem:$0x19A80] =	vst v63  }
0x2ef: {  	v13 =	vld [tilespmem:$0x1390];
	_ =	sdelay $0x4  }
0x2f0: {  	v14 =	vshll.u32 v13, $0x1  }
0x2f1: {  	v13 =	vand.u32 $0x7, v13;
	v14 =	vand.u32 $0xFFFFFFF0, v14  }
0x2f2: {  	v13 =	vor.u32 v13, v14  }
0x2f3: {  	v14 =	vperm.xlane v13, v9;
	_ =	sdelay $0x1  }
0x2f4: {  	v13 =	vperm.xlane v13, v11;
	v14 =	vadd.s32 v10, v14;
	_ =	sdelay $0x1  }
0x2f5: {  	v13 =	vadd.s32 v10, v13;
	_ =	sdelay $0x1  }
0x2f6: {  	s29 =	simm.s32 $0x2880  }
0x2f7: {  	[tilespmem:s29], [sflag:$0x1] =	stream.indirect_vreg.gather [hbm4b:s2+s3], $0x80, v14, vm0, $0xb8;
	[tilespmem:$0x19A80] =	vst v63  }
0x2f8: {  	s17 =	simm.s32 $0x3080  }
0x2f9: {  	[tilespmem:s17], [sflag:$0x1] =	stream.indirect_vreg.gather [hbm4b:s2+s3], $0x80, v13, vm0, $0xb8;
	[tilespmem:$0x19A80] =	vst v63  }
0x2fa: {  	v13 =	vld [tilespmem:$0x13A0];
	_ =	sdelay $0x4  }
0x2fb: {  	v14 =	vshll.u32 v13, $0x1  }
0x2fc: {  	v13 =	vand.u32 $0x7, v13;
	v14 =	vand.u32 $0xFFFFFFF0, v14  }
0x2fd: {  	v13 =	vor.u32 v13, v14  }
0x2fe: {  	v14 =	vperm.xlane v13, v9;
	_ =	sdelay $0x1  }
0x2ff: {  	v13 =	vperm.xlane v13, v11;
	v14 =	vadd.s32 v10, v14;
	_ =	sdelay $0x1  }
0x300: {  	v13 =	vadd.s32 v10, v13;
	_ =	sdelay $0x2  }
0x301: {  	[tilespmem:s18], [sflag:$0x1] =	stream.indirect_vreg.gather [hbm4b:s2+s3], $0x80, v14, vm0, $0xb8;
	[tilespmem:$0x19A80] =	vst v63  }
0x302: {  	s17 =	simm.s32 $0x4080  }
0x303: {  	[tilespmem:s17], [sflag:$0x1] =	stream.indirect_vreg.gather [hbm4b:s2+s3], $0x80, v13, vm0, $0xb8;
	[tilespmem:$0x19A80] =	vst v63  }
0x304: {  	v13 =	vld [tilespmem:$0x13B0];
	_ =	sdelay $0x4  }
0x305: {  	v14 =	vshll.u32 v13, $0x1  }
0x306: {  	v13 =	vand.u32 $0x7, v13;
	v14 =	vand.u32 $0xFFFFFFF0, v14  }
0x307: {  	v13 =	vor.u32 v13, v14  }
0x308: {  	v14 =	vperm.xlane v13, v9;
	_ =	sdelay $0x1  }
0x309: {  	v13 =	vperm.xlane v13, v11;
	v14 =	vadd.s32 v10, v14;
	_ =	sdelay $0x1  }
0x30a: {  	v13 =	vadd.s32 v10, v13;
	_ =	sdelay $0x2  }
0x30b: {  	[tilespmem:s1], [sflag:$0x1] =	stream.indirect_vreg.gather [hbm4b:s2+s3], $0x80, v14, vm0, $0xb8;
	[tilespmem:$0x19A80] =	vst v63  }
0x30c: {  	s17 =	simm.s32 $0x5080  }
0x30d: {  	[tilespmem:s17], [sflag:$0x1] =	stream.indirect_vreg.gather [hbm4b:s2+s3], $0x80, v13, vm0, $0xb8;
	[tilespmem:$0x19A80] =	vst v63  }
0x30e: {  	v13 =	vld [tilespmem:$0x13C0];
	_ =	sdelay $0x4  }
0x30f: {  	v14 =	vshll.u32 v13, $0x1  }
0x310: {  	v13 =	vand.u32 $0x7, v13;
	v14 =	vand.u32 $0xFFFFFFF0, v14  }
0x311: {  	v13 =	vor.u32 v13, v14  }
0x312: {  	v14 =	vperm.xlane v13, v9;
	_ =	sdelay $0x1  }
0x313: {  	v13 =	vperm.xlane v13, v11;
	v14 =	vadd.s32 v10, v14;
	_ =	sdelay $0x1  }
0x314: {  	v13 =	vadd.s32 v10, v13;
	_ =	sdelay $0x2  }
0x315: {  	[tilespmem:s4], [sflag:$0x1] =	stream.indirect_vreg.gather [hbm4b:s2+s3], $0x80, v14, vm0, $0xb8;
	[tilespmem:$0x19A80] =	vst v63  }
0x316: {  	s17 =	simm.s32 $0x6080  }
0x317: {  	[tilespmem:s17], [sflag:$0x1] =	stream.indirect_vreg.gather [hbm4b:s2+s3], $0x80, v13, vm0, $0xb8;
	[tilespmem:$0x19A80] =	vst v63  }
0x318: {  	v13 =	vld [tilespmem:$0x13D0];
	_ =	sdelay $0x4  }
0x319: {  	v14 =	vshll.u32 v13, $0x1  }
0x31a: {  	v13 =	vand.u32 $0x7, v13;
	v14 =	vand.u32 $0xFFFFFFF0, v14  }
0x31b: {  	v13 =	vor.u32 v13, v14  }
0x31c: {  	v14 =	vperm.xlane v13, v9;
	_ =	sdelay $0x1  }
0x31d: {  	v13 =	vperm.xlane v13, v11;
	v14 =	vadd.s32 v10, v14;
	_ =	sdelay $0x1  }
0x31e: {  	v13 =	vadd.s32 v10, v13;
	_ =	sdelay $0x2  }
0x31f: {  	[tilespmem:s13], [sflag:$0x1] =	stream.indirect_vreg.gather [hbm4b:s2+s3], $0x80, v14, vm0, $0xb8;
	[tilespmem:$0x19A80] =	vst v63  }
0x320: {  	_ = 	snop  }
0x321: {  	[tilespmem:s8], [sflag:$0x1] =	stream.indirect_vreg.gather [hbm4b:s2+s3], $0x80, v13, vm0, $0xb8;
	[tilespmem:$0x19A80] =	vst v63  }
0x322: {  	v13 =	vld [tilespmem:$0x13E0];
	_ =	sdelay $0x4  }
0x323: {  	v14 =	vshll.u32 v13, $0x1  }
0x324: {  	v13 =	vand.u32 $0x7, v13;
	v14 =	vand.u32 $0xFFFFFFF0, v14  }
0x325: {  	v13 =	vor.u32 v13, v14  }
0x326: {  	v14 =	vperm.xlane v13, v9;
	_ =	sdelay $0x1  }
0x327: {  	v13 =	vperm.xlane v13, v11;
	v14 =	vadd.s32 v10, v14;
	_ =	sdelay $0x1  }
0x328: {  	v13 =	vadd.s32 v10, v13;
	_ =	sdelay $0x2  }
0x329: {  	[tilespmem:s6], [sflag:$0x1] =	stream.indirect_vreg.gather [hbm4b:s2+s3], $0x80, v14, vm0, $0xb8;
	[tilespmem:$0x19A80] =	vst v63  }
0x32a: {  	_ = 	snop  }
0x32b: {  	[tilespmem:s9], [sflag:$0x1] =	stream.indirect_vreg.gather [hbm4b:s2+s3], $0x80, v13, vm0, $0xb8;
	[tilespmem:$0x19A80] =	vst v63  }
0x32c: {  	v13 =	vld [tilespmem:$0x13F0];
	_ =	sdelay $0x4  }
0x32d: {  	v14 =	vshll.u32 v13, $0x1  }
0x32e: {  	v13 =	vand.u32 $0x7, v13;
	v14 =	vand.u32 $0xFFFFFFF0, v14  }
0x32f: {  	v13 =	vor.u32 v13, v14  }
0x330: {  	v14 =	vperm.xlane v13, v9;
	_ =	sdelay $0x1  }
0x331: {  	v13 =	vperm.xlane v13, v11;
	v14 =	vadd.s32 v10, v14;
	_ =	sdelay $0x1  }
0x332: {  	v13 =	vadd.s32 v10, v13;
	_ =	sdelay $0x2  }
0x333: {  	[tilespmem:s7], [sflag:$0x1] =	stream.indirect_vreg.gather [hbm4b:s2+s3], $0x80, v14, vm0, $0xb8;
	[tilespmem:$0x19A80] =	vst v63  }
0x334: {  	s17 =	simm.s32 $0x9080  }
0x335: {  	[tilespmem:s17], [sflag:$0x1] =	stream.indirect_vreg.gather [hbm4b:s2+s3], $0x80, v13, vm0, $0xb8;
	[tilespmem:$0x19A80] =	vst v63  }
0x336: {  	_ =	swait.ge [sflag:s21], $0x8000  }
0x337: {  	[sflag:s21] =	ssyncset.done $0x0  }
0x338: {  	s17 =	rddreg [dreg:$0x9];
	[sflag:s21] =	ssyncadd.s32 $0xFFFF8000  }
0x339: {  	[hbm4b:s17+s3] =	stream.linear.scatter [tilespmem:s28], [sflag:$0x5], $0x8000, $0x38;
	[tilespmem:$0x19A80] =	vst v63  }
0x33a: {  	_ =	swait.ge [sflag:s14], $0x8000  }
0x33b: {  	[sflag:s14] =	ssyncset.done $0x0  }
0x33c: {  	[sflag:s14] =	ssyncadd.s32 $0xFFFF8000  }
0x33d: {  	v13 =	vld [tilespmem:$0x1400];
	_ =	sdelay $0x4  }
0x33e: {  	v14 =	vshll.u32 v13, $0x1  }
0x33f: {  	v13 =	vand.u32 $0x7, v13;
	v14 =	vand.u32 $0xFFFFFFF0, v14  }
0x340: {  	v13 =	vor.u32 v13, v14  }
0x341: {  	v14 =	vperm.xlane v13, v9;
	_ =	sdelay $0x1  }
0x342: {  	v13 =	vperm.xlane v13, v11;
	v14 =	vadd.s32 v10, v14;
	_ =	sdelay $0x1  }
0x343: {  	v13 =	vadd.s32 v10, v13;
	_ =	sdelay $0x2  }
0x344: {  	[tilespmem:s28], [sflag:$0x2] =	stream.indirect_vreg.gather [hbm4b:s2+s3], $0x80, v14, vm0, $0xb8;
	[tilespmem:$0x19A80] =	vst v63  }
0x345: {  	s17 =	simm.s32 $0xA080  }
0x346: {  	[tilespmem:s17], [sflag:$0x2] =	stream.indirect_vreg.gather [hbm4b:s2+s3], $0x80, v13, vm0, $0xb8;
	[tilespmem:$0x19A80] =	vst v63  }
0x347: {  	v13 =	vld [tilespmem:$0x1410];
	_ =	sdelay $0x4  }
0x348: {  	v14 =	vshll.u32 v13, $0x1  }
0x349: {  	v13 =	vand.u32 $0x7, v13;
	v14 =	vand.u32 $0xFFFFFFF0, v14  }
0x34a: {  	v13 =	vor.u32 v13, v14  }
0x34b: {  	v14 =	vperm.xlane v13, v9;
	_ =	sdelay $0x1  }
0x34c: {  	v13 =	vperm.xlane v13, v11;
	v14 =	vadd.s32 v10, v14;
	_ =	sdelay $0x1  }
0x34d: {  	v13 =	vadd.s32 v10, v13;
	_ =	sdelay $0x1  }
0x34e: {  	s17 =	simm.s32 $0xA880  }
0x34f: {  	[tilespmem:s17], [sflag:$0x2] =	stream.indirect_vreg.gather [hbm4b:s2+s3], $0x80, v14, vm0, $0xb8;
	[tilespmem:$0x19A80] =	vst v63  }
0x350: {  	s17 =	simm.s32 $0xB080  }
0x351: {  	[tilespmem:s17], [sflag:$0x2] =	stream.indirect_vreg.gather [hbm4b:s2+s3], $0x80, v13, vm0, $0xb8;
	[tilespmem:$0x19A80] =	vst v63  }
0x352: {  	v13 =	vld [tilespmem:$0x1420];
	_ =	sdelay $0x4  }
0x353: {  	v14 =	vshll.u32 v13, $0x1  }
0x354: {  	v13 =	vand.u32 $0x7, v13;
	v14 =	vand.u32 $0xFFFFFFF0, v14  }
0x355: {  	v13 =	vor.u32 v13, v14  }
0x356: {  	v14 =	vperm.xlane v13, v9;
	_ =	sdelay $0x1  }
0x357: {  	v13 =	vperm.xlane v13, v11;
	v14 =	vadd.s32 v10, v14;
	_ =	sdelay $0x1  }
0x358: {  	v13 =	vadd.s32 v10, v13;
	_ =	sdelay $0x1  }
0x359: {  	s17 =	simm.s32 $0xB880  }
0x35a: {  	[tilespmem:s17], [sflag:$0x2] =	stream.indirect_vreg.gather [hbm4b:s2+s3], $0x80, v14, vm0, $0xb8;
	[tilespmem:$0x19A80] =	vst v63  }
0x35b: {  	s17 =	simm.s32 $0xC080  }
0x35c: {  	[tilespmem:s17], [sflag:$0x2] =	stream.indirect_vreg.gather [hbm4b:s2+s3], $0x80, v13, vm0, $0xb8;
	[tilespmem:$0x19A80] =	vst v63  }
0x35d: {  	v13 =	vld [tilespmem:$0x1430];
	_ =	sdelay $0x4  }
0x35e: {  	v14 =	vshll.u32 v13, $0x1  }
0x35f: {  	v13 =	vand.u32 $0x7, v13;
	v14 =	vand.u32 $0xFFFFFFF0, v14  }
0x360: {  	v13 =	vor.u32 v13, v14  }
0x361: {  	v14 =	vperm.xlane v13, v9;
	_ =	sdelay $0x1  }
0x362: {  	v13 =	vperm.xlane v13, v11;
	v14 =	vadd.s32 v10, v14;
	_ =	sdelay $0x1  }
0x363: {  	v13 =	vadd.s32 v10, v13;
	_ =	sdelay $0x1  }
0x364: {  	s17 =	simm.s32 $0xC880  }
0x365: {  	[tilespmem:s17], [sflag:$0x2] =	stream.indirect_vreg.gather [hbm4b:s2+s3], $0x80, v14, vm0, $0xb8;
	[tilespmem:$0x19A80] =	vst v63  }
0x366: {  	s17 =	simm.s32 $0xD080  }
0x367: {  	[tilespmem:s17], [sflag:$0x2] =	stream.indirect_vreg.gather [hbm4b:s2+s3], $0x80, v13, vm0, $0xb8;
	[tilespmem:$0x19A80] =	vst v63  }
0x368: {  	v13 =	vld [tilespmem:$0x1440];
	_ =	sdelay $0x4  }
0x369: {  	v14 =	vshll.u32 v13, $0x1  }
0x36a: {  	v13 =	vand.u32 $0x7, v13;
	v14 =	vand.u32 $0xFFFFFFF0, v14  }
0x36b: {  	v13 =	vor.u32 v13, v14  }
0x36c: {  	v14 =	vperm.xlane v13, v9;
	_ =	sdelay $0x1  }
0x36d: {  	v13 =	vperm.xlane v13, v11;
	v14 =	vadd.s32 v10, v14;
	_ =	sdelay $0x1  }
0x36e: {  	v13 =	vadd.s32 v10, v13;
	_ =	sdelay $0x1  }
0x36f: {  	s17 =	simm.s32 $0xD880  }
0x370: {  	[tilespmem:s17], [sflag:$0x2] =	stream.indirect_vreg.gather [hbm4b:s2+s3], $0x80, v14, vm0, $0xb8;
	[tilespmem:$0x19A80] =	vst v63  }
0x371: {  	s17 =	simm.s32 $0xE080  }
0x372: {  	[tilespmem:s17], [sflag:$0x2] =	stream.indirect_vreg.gather [hbm4b:s2+s3], $0x80, v13, vm0, $0xb8;
	[tilespmem:$0x19A80] =	vst v63  }
0x373: {  	v13 =	vld [tilespmem:$0x1450];
	_ =	sdelay $0x4  }
0x374: {  	v14 =	vshll.u32 v13, $0x1  }
0x375: {  	v13 =	vand.u32 $0x7, v13;
	v14 =	vand.u32 $0xFFFFFFF0, v14  }
0x376: {  	v13 =	vor.u32 v13, v14  }
0x377: {  	v14 =	vperm.xlane v13, v9;
	_ =	sdelay $0x1  }
0x378: {  	v13 =	vperm.xlane v13, v11;
	v14 =	vadd.s32 v10, v14;
	_ =	sdelay $0x1  }
0x379: {  	v13 =	vadd.s32 v10, v13;
	_ =	sdelay $0x1  }
0x37a: {  	s17 =	simm.s32 $0xE880  }
0x37b: {  	[tilespmem:s17], [sflag:$0x2] =	stream.indirect_vreg.gather [hbm4b:s2+s3], $0x80, v14, vm0, $0xb8;
	[tilespmem:$0x19A80] =	vst v63  }
0x37c: {  	s17 =	simm.s32 $0xF080  }
0x37d: {  	[tilespmem:s17], [sflag:$0x2] =	stream.indirect_vreg.gather [hbm4b:s2+s3], $0x80, v13, vm0, $0xb8;
	[tilespmem:$0x19A80] =	vst v63  }
0x37e: {  	v13 =	vld [tilespmem:$0x1460];
	_ =	sdelay $0x4  }
0x37f: {  	v14 =	vshll.u32 v13, $0x1  }
0x380: {  	v13 =	vand.u32 $0x7, v13;
	v14 =	vand.u32 $0xFFFFFFF0, v14  }
0x381: {  	v13 =	vor.u32 v13, v14  }
0x382: {  	v14 =	vperm.xlane v13, v9;
	_ =	sdelay $0x1  }
0x383: {  	v13 =	vperm.xlane v13, v11;
	v14 =	vadd.s32 v10, v14;
	_ =	sdelay $0x1  }
0x384: {  	v13 =	vadd.s32 v10, v13;
	_ =	sdelay $0x1  }
0x385: {  	s17 =	simm.s32 $0xF880  }
0x386: {  	[tilespmem:s17], [sflag:$0x2] =	stream.indirect_vreg.gather [hbm4b:s2+s3], $0x80, v14, vm0, $0xb8;
	[tilespmem:$0x19A80] =	vst v63  }
0x387: {  	s17 =	simm.s32 $0x10080  }
0x388: {  	[tilespmem:s17], [sflag:$0x2] =	stream.indirect_vreg.gather [hbm4b:s2+s3], $0x80, v13, vm0, $0xb8;
	[tilespmem:$0x19A80] =	vst v63  }
0x389: {  	v13 =	vld [tilespmem:$0x1470];
	_ =	sdelay $0x4  }
0x38a: {  	v14 =	vshll.u32 v13, $0x1  }
0x38b: {  	v13 =	vand.u32 $0x7, v13;
	v14 =	vand.u32 $0xFFFFFFF0, v14  }
0x38c: {  	v13 =	vor.u32 v13, v14  }
0x38d: {  	v14 =	vperm.xlane v13, v9;
	_ =	sdelay $0x1  }
0x38e: {  	v13 =	vperm.xlane v13, v11;
	v14 =	vadd.s32 v10, v14;
	_ =	sdelay $0x1  }
0x38f: {  	v13 =	vadd.s32 v10, v13;
	_ =	sdelay $0x1  }
0x390: {  	s17 =	simm.s32 $0x10880  }
0x391: {  	[tilespmem:s17], [sflag:$0x2] =	stream.indirect_vreg.gather [hbm4b:s2+s3], $0x80, v14, vm0, $0xb8;
	[tilespmem:$0x19A80] =	vst v63  }
0x392: {  	s17 =	simm.s32 $0x11080  }
0x393: {  	[tilespmem:s17], [sflag:$0x2] =	stream.indirect_vreg.gather [hbm4b:s2+s3], $0x80, v13, vm0, $0xb8;
	[tilespmem:$0x19A80] =	vst v63  }
0x394: {  	_ =	swait.ge [sflag:s15], $0x8000  }
0x395: {  	[sflag:s15] =	ssyncset.done $0x0  }
0x396: {  	s17 =	rddreg [dreg:$0xa];
	[sflag:s15] =	ssyncadd.s32 $0xFFFF8000  }
0x397: {  	[hbm4b:s17+s3] =	stream.linear.scatter [tilespmem:s26], [sflag:$0x6], $0x8000, $0x38;
	[tilespmem:$0x19A80] =	vst v63  }
0x398: {  	_ =	swait.ge [sflag:s23], $0x8000  }
0x399: {  	[sflag:s23] =	ssyncset.done $0x0  }
0x39a: {  	[sflag:s23] =	ssyncadd.s32 $0xFFFF8000  }
0x39b: {  	v13 =	vld [tilespmem:$0x1480];
	_ =	sdelay $0x4  }
0x39c: {  	v14 =	vshll.u32 v13, $0x1  }
0x39d: {  	v13 =	vand.u32 $0x7, v13;
	v14 =	vand.u32 $0xFFFFFFF0, v14  }
0x39e: {  	v13 =	vor.u32 v13, v14  }
0x39f: {  	v14 =	vperm.xlane v13, v9;
	_ =	sdelay $0x1  }
0x3a0: {  	v13 =	vperm.xlane v13, v11;
	v14 =	vadd.s32 v10, v14;
	_ =	sdelay $0x1  }
0x3a1: {  	v13 =	vadd.s32 v10, v13;
	_ =	sdelay $0x2  }
0x3a2: {  	[tilespmem:s26], [sflag:$0x3] =	stream.indirect_vreg.gather [hbm4b:s2+s3], $0x80, v14, vm0, $0xb8;
	[tilespmem:$0x19A80] =	vst v63  }
0x3a3: {  	s17 =	simm.s32 $0x12080  }
0x3a4: {  	[tilespmem:s17], [sflag:$0x3] =	stream.indirect_vreg.gather [hbm4b:s2+s3], $0x80, v13, vm0, $0xb8;
	[tilespmem:$0x19A80] =	vst v63  }
0x3a5: {  	v13 =	vld [tilespmem:$0x1490];
	_ =	sdelay $0x4  }
0x3a6: {  	v14 =	vshll.u32 v13, $0x1  }
0x3a7: {  	v13 =	vand.u32 $0x7, v13;
	v14 =	vand.u32 $0xFFFFFFF0, v14  }
0x3a8: {  	v13 =	vor.u32 v13, v14  }
0x3a9: {  	v14 =	vperm.xlane v13, v9;
	_ =	sdelay $0x1  }
0x3aa: {  	v13 =	vperm.xlane v13, v11;
	v14 =	vadd.s32 v10, v14;
	_ =	sdelay $0x1  }
0x3ab: {  	v13 =	vadd.s32 v10, v13;
	_ =	sdelay $0x2  }
0x3ac: {  	[tilespmem:s10], [sflag:$0x3] =	stream.indirect_vreg.gather [hbm4b:s2+s3], $0x80, v14, vm0, $0xb8;
	[tilespmem:$0x19A80] =	vst v63  }
0x3ad: {  	s17 =	simm.s32 $0x13080  }
0x3ae: {  	[tilespmem:s17], [sflag:$0x3] =	stream.indirect_vreg.gather [hbm4b:s2+s3], $0x80, v13, vm0, $0xb8;
	[tilespmem:$0x19A80] =	vst v63  }
0x3af: {  	v13 =	vld [tilespmem:$0x14A0];
	_ =	sdelay $0x4  }
0x3b0: {  	v14 =	vshll.u32 v13, $0x1  }
0x3b1: {  	v13 =	vand.u32 $0x7, v13;
	v14 =	vand.u32 $0xFFFFFFF0, v14  }
0x3b2: {  	v13 =	vor.u32 v13, v14  }
0x3b3: {  	v14 =	vperm.xlane v13, v9;
	_ =	sdelay $0x1  }
0x3b4: {  	v13 =	vperm.xlane v13, v11;
	v14 =	vadd.s32 v10, v14;
	_ =	sdelay $0x1  }
0x3b5: {  	v13 =	vadd.s32 v10, v13;
	_ =	sdelay $0x2  }
0x3b6: {  	[tilespmem:s11], [sflag:$0x3] =	stream.indirect_vreg.gather [hbm4b:s2+s3], $0x80, v14, vm0, $0xb8;
	[tilespmem:$0x19A80] =	vst v63  }
0x3b7: {  	s17 =	simm.s32 $0x14080  }
0x3b8: {  	[tilespmem:s17], [sflag:$0x3] =	stream.indirect_vreg.gather [hbm4b:s2+s3], $0x80, v13, vm0, $0xb8;
	[tilespmem:$0x19A80] =	vst v63  }
0x3b9: {  	v13 =	vld [tilespmem:$0x14B0];
	_ =	sdelay $0x4  }
0x3ba: {  	v14 =	vshll.u32 v13, $0x1  }
0x3bb: {  	v13 =	vand.u32 $0x7, v13;
	v14 =	vand.u32 $0xFFFFFFF0, v14  }
0x3bc: {  	v13 =	vor.u32 v13, v14  }
0x3bd: {  	v14 =	vperm.xlane v13, v9;
	_ =	sdelay $0x1  }
0x3be: {  	v13 =	vperm.xlane v13, v11;
	v14 =	vadd.s32 v10, v14;
	_ =	sdelay $0x1  }
0x3bf: {  	v13 =	vadd.s32 v10, v13;
	_ =	sdelay $0x2  }
0x3c0: {  	[tilespmem:s12], [sflag:$0x3] =	stream.indirect_vreg.gather [hbm4b:s2+s3], $0x80, v14, vm0, $0xb8;
	[tilespmem:$0x19A80] =	vst v63  }
0x3c1: {  	s17 =	simm.s32 $0x15080  }
0x3c2: {  	[tilespmem:s17], [sflag:$0x3] =	stream.indirect_vreg.gather [hbm4b:s2+s3], $0x80, v13, vm0, $0xb8;
	[tilespmem:$0x19A80] =	vst v63  }
0x3c3: {  	v13 =	vld [tilespmem:$0x14C0];
	_ =	sdelay $0x4  }
0x3c4: {  	v14 =	vshll.u32 v13, $0x1  }
0x3c5: {  	v13 =	vand.u32 $0x7, v13;
	v14 =	vand.u32 $0xFFFFFFF0, v14  }
0x3c6: {  	v13 =	vor.u32 v13, v14  }
0x3c7: {  	v14 =	vperm.xlane v13, v9;
	_ =	sdelay $0x1  }
0x3c8: {  	v13 =	vperm.xlane v13, v11;
	v14 =	vadd.s32 v10, v14;
	_ =	sdelay $0x1  }
0x3c9: {  	v13 =	vadd.s32 v10, v13;
	_ =	sdelay $0x2  }
0x3ca: {  	[tilespmem:s30], [sflag:$0x3] =	stream.indirect_vreg.gather [hbm4b:s2+s3], $0x80, v14, vm0, $0xb8;
	[tilespmem:$0x19A80] =	vst v63  }
0x3cb: {  	s17 =	simm.s32 $0x16080  }
0x3cc: {  	[tilespmem:s17], [sflag:$0x3] =	stream.indirect_vreg.gather [hbm4b:s2+s3], $0x80, v13, vm0, $0xb8;
	[tilespmem:$0x19A80] =	vst v63  }
0x3cd: {  	v13 =	vld [tilespmem:$0x14D0];
	_ =	sdelay $0x4  }
0x3ce: {  	v14 =	vshll.u32 v13, $0x1  }
0x3cf: {  	v13 =	vand.u32 $0x7, v13;
	v14 =	vand.u32 $0xFFFFFFF0, v14  }
0x3d0: {  	v13 =	vor.u32 v13, v14  }
0x3d1: {  	v14 =	vperm.xlane v13, v9;
	_ =	sdelay $0x1  }
0x3d2: {  	v13 =	vperm.xlane v13, v11;
	v14 =	vadd.s32 v10, v14;
	_ =	sdelay $0x1  }
0x3d3: {  	v13 =	vadd.s32 v10, v13;
	_ =	sdelay $0x2  }
0x3d4: {  	[tilespmem:s31], [sflag:$0x3] =	stream.indirect_vreg.gather [hbm4b:s2+s3], $0x80, v14, vm0, $0xb8;
	[tilespmem:$0x19A80] =	vst v63  }
0x3d5: {  	_ = 	snop  }
0x3d6: {  	[tilespmem:s20], [sflag:$0x3] =	stream.indirect_vreg.gather [hbm4b:s2+s3], $0x80, v13, vm0, $0xb8;
	[tilespmem:$0x19A80] =	vst v63  }
0x3d7: {  	v13 =	vld [tilespmem:$0x14E0];
	_ =	sdelay $0x4  }
0x3d8: {  	v14 =	vshll.u32 v13, $0x1  }
0x3d9: {  	v13 =	vand.u32 $0x7, v13;
	v14 =	vand.u32 $0xFFFFFFF0, v14  }
0x3da: {  	v13 =	vor.u32 v13, v14  }
0x3db: {  	v14 =	vperm.xlane v13, v9;
	_ =	sdelay $0x1  }
0x3dc: {  	v13 =	vperm.xlane v13, v11;
	v14 =	vadd.s32 v10, v14;
	_ =	sdelay $0x1  }
0x3dd: {  	v13 =	vadd.s32 v10, v13;
	_ =	sdelay $0x2  }
0x3de: {  	[tilespmem:s25], [sflag:$0x3] =	stream.indirect_vreg.gather [hbm4b:s2+s3], $0x80, v14, vm0, $0xb8;
	[tilespmem:$0x19A80] =	vst v63  }
0x3df: {  	_ = 	snop  }
0x3e0: {  	[tilespmem:s5], [sflag:$0x3] =	stream.indirect_vreg.gather [hbm4b:s2+s3], $0x80, v13, vm0, $0xb8;
	[tilespmem:$0x19A80] =	vst v63  }
0x3e1: {  	v13 =	vld [tilespmem:$0x14F0];
	_ =	sdelay $0x4  }
0x3e2: {  	v14 =	vshll.u32 v13, $0x1  }
0x3e3: {  	v13 =	vand.u32 $0x7, v13;
	v14 =	vand.u32 $0xFFFFFFF0, v14  }
0x3e4: {  	v13 =	vor.u32 v13, v14  }
0x3e5: {  	v14 =	vperm.xlane v13, v9;
	_ =	sdelay $0x1  }
0x3e6: {  	v13 =	vperm.xlane v13, v11;
	v14 =	vadd.s32 v10, v14;
	_ =	sdelay $0x1  }
0x3e7: {  	v13 =	vadd.s32 v10, v13;
	_ =	sdelay $0x2  }
0x3e8: {  	[tilespmem:s22], [sflag:$0x3] =	stream.indirect_vreg.gather [hbm4b:s2+s3], $0x80, v14, vm0, $0xb8;
	[tilespmem:$0x19A80] =	vst v63  }
0x3e9: {  	_ = 	snop  }
0x3ea: {  	[tilespmem:s16], [sflag:$0x3] =	stream.indirect_vreg.gather [hbm4b:s2+s3], $0x80, v13, vm0, $0xb8;
	[tilespmem:$0x19A80] =	vst v63  }
0x3eb: {  	_ =	swait.ge [sflag:s19], $0x8000  }
0x3ec: {  	[sflag:s19] =	ssyncset.done $0x0  }
0x3ed: {  	s22 =	rddreg [dreg:$0xb];
	[sflag:s19] =	ssyncadd.s32 $0xFFFF8000  }
0x3ee: {  	[hbm4b:s22+s3] =	stream.linear.scatter [tilespmem:s24], [sflag:$0x4], $0x8000, $0x38;
	[tilespmem:$0x19A80] =	vst v63  }
0x3ef: {  	_ =	swait.ge [sflag:s0], $0x8000  }
0x3f0: {  	[sflag:s0] =	ssyncset.done $0x0  }
0x3f1: {  	[sflag:s0] =	ssyncadd.s32 $0xFFFF8000  }
0x3f2: {  	v13 =	vld [tilespmem:$0x1500];
	_ =	sdelay $0x4  }
0x3f3: {  	v14 =	vshll.u32 v13, $0x1  }
0x3f4: {  	v13 =	vand.u32 $0x7, v13;
	v14 =	vand.u32 $0xFFFFFFF0, v14  }
0x3f5: {  	v13 =	vor.u32 v13, v14  }
0x3f6: {  	v14 =	vperm.xlane v13, v9;
	_ =	sdelay $0x1  }
0x3f7: {  	v13 =	vperm.xlane v13, v11;
	v14 =	vadd.s32 v10, v14;
	_ =	sdelay $0x1  }
0x3f8: {  	v13 =	vadd.s32 v10, v13;
	_ =	sdelay $0x2  }
0x3f9: {  	[tilespmem:s24], [sflag:$0x1] =	stream.indirect_vreg.gather [hbm4b:s2+s3], $0x80, v14, vm0, $0xb8;
	[tilespmem:$0x19A80] =	vst v63  }
0x3fa: {  	s25 =	simm.s32 $0x2080  }
0x3fb: {  	[tilespmem:s25], [sflag:$0x1] =	stream.indirect_vreg.gather [hbm4b:s2+s3], $0x80, v13, vm0, $0xb8;
	[tilespmem:$0x19A80] =	vst v63  }
0x3fc: {  	v13 =	vld [tilespmem:$0x1510];
	_ =	sdelay $0x4  }
0x3fd: {  	v14 =	vshll.u32 v13, $0x1  }
0x3fe: {  	v13 =	vand.u32 $0x7, v13;
	v14 =	vand.u32 $0xFFFFFFF0, v14  }
0x3ff: {  	v13 =	vor.u32 v13, v14  }
0x400: {  	v14 =	vperm.xlane v13, v9;
	_ =	sdelay $0x1  }
0x401: {  	v13 =	vperm.xlane v13, v11;
	v14 =	vadd.s32 v10, v14;
	_ =	sdelay $0x1  }
0x402: {  	v13 =	vadd.s32 v10, v13;
	_ =	sdelay $0x1  }
0x403: {  	s29 =	simm.s32 $0x2880  }
0x404: {  	[tilespmem:s29], [sflag:$0x1] =	stream.indirect_vreg.gather [hbm4b:s2+s3], $0x80, v14, vm0, $0xb8;
	[tilespmem:$0x19A80] =	vst v63  }
0x405: {  	s29 =	simm.s32 $0x3080  }
0x406: {  	[tilespmem:s29], [sflag:$0x1] =	stream.indirect_vreg.gather [hbm4b:s2+s3], $0x80, v13, vm0, $0xb8;
	[tilespmem:$0x19A80] =	vst v63  }
0x407: {  	v13 =	vld [tilespmem:$0x1520];
	_ =	sdelay $0x4  }
0x408: {  	v14 =	vshll.u32 v13, $0x1  }
0x409: {  	v13 =	vand.u32 $0x7, v13;
	v14 =	vand.u32 $0xFFFFFFF0, v14  }
0x40a: {  	v13 =	vor.u32 v13, v14  }
0x40b: {  	v14 =	vperm.xlane v13, v9;
	_ =	sdelay $0x1  }
0x40c: {  	v13 =	vperm.xlane v13, v11;
	v14 =	vadd.s32 v10, v14;
	_ =	sdelay $0x1  }
0x40d: {  	v13 =	vadd.s32 v10, v13;
	_ =	sdelay $0x1  }
0x40e: {  	s18 =	simm.s32 $0x3880  }
0x40f: {  	[tilespmem:s18], [sflag:$0x1] =	stream.indirect_vreg.gather [hbm4b:s2+s3], $0x80, v14, vm0, $0xb8;
	[tilespmem:$0x19A80] =	vst v63  }
0x410: {  	s22 =	simm.s32 $0x4080  }
0x411: {  	[tilespmem:s22], [sflag:$0x1] =	stream.indirect_vreg.gather [hbm4b:s2+s3], $0x80, v13, vm0, $0xb8;
	[tilespmem:$0x19A80] =	vst v63  }
0x412: {  	v13 =	vld [tilespmem:$0x1530];
	_ =	sdelay $0x4  }
0x413: {  	v14 =	vshll.u32 v13, $0x1  }
0x414: {  	v13 =	vand.u32 $0x7, v13;
	v14 =	vand.u32 $0xFFFFFFF0, v14  }
0x415: {  	v13 =	vor.u32 v13, v14  }
0x416: {  	v14 =	vperm.xlane v13, v9;
	_ =	sdelay $0x1  }
0x417: {  	v13 =	vperm.xlane v13, v11;
	v14 =	vadd.s32 v10, v14;
	_ =	sdelay $0x1  }
0x418: {  	v13 =	vadd.s32 v10, v13;
	_ =	sdelay $0x1  }
0x419: {  	s1 =	simm.s32 $0x4880  }
0x41a: {  	[tilespmem:s1], [sflag:$0x1] =	stream.indirect_vreg.gather [hbm4b:s2+s3], $0x80, v14, vm0, $0xb8;
	[tilespmem:$0x19A80] =	vst v63  }
0x41b: {  	s25 =	simm.s32 $0x5080  }
0x41c: {  	[tilespmem:s25], [sflag:$0x1] =	stream.indirect_vreg.gather [hbm4b:s2+s3], $0x80, v13, vm0, $0xb8;
	[tilespmem:$0x19A80] =	vst v63  }
0x41d: {  	v13 =	vld [tilespmem:$0x1540];
	_ =	sdelay $0x4  }
0x41e: {  	v14 =	vshll.u32 v13, $0x1  }
0x41f: {  	v13 =	vand.u32 $0x7, v13;
	v14 =	vand.u32 $0xFFFFFFF0, v14  }
0x420: {  	v13 =	vor.u32 v13, v14  }
0x421: {  	v14 =	vperm.xlane v13, v9;
	_ =	sdelay $0x1  }
0x422: {  	v13 =	vperm.xlane v13, v11;
	v14 =	vadd.s32 v10, v14;
	_ =	sdelay $0x1  }
0x423: {  	v13 =	vadd.s32 v10, v13;
	_ =	sdelay $0x1  }
0x424: {  	s4 =	simm.s32 $0x5880  }
0x425: {  	[tilespmem:s4], [sflag:$0x1] =	stream.indirect_vreg.gather [hbm4b:s2+s3], $0x80, v14, vm0, $0xb8;
	[tilespmem:$0x19A80] =	vst v63  }
0x426: {  	s29 =	simm.s32 $0x6080  }
0x427: {  	[tilespmem:s29], [sflag:$0x1] =	stream.indirect_vreg.gather [hbm4b:s2+s3], $0x80, v13, vm0, $0xb8;
	[tilespmem:$0x19A80] =	vst v63  }
0x428: {  	v13 =	vld [tilespmem:$0x1550];
	_ =	sdelay $0x4  }
0x429: {  	v14 =	vshll.u32 v13, $0x1  }
0x42a: {  	v13 =	vand.u32 $0x7, v13;
	v14 =	vand.u32 $0xFFFFFFF0, v14  }
0x42b: {  	v13 =	vor.u32 v13, v14  }
0x42c: {  	v14 =	vperm.xlane v13, v9;
	_ =	sdelay $0x1  }
0x42d: {  	v13 =	vperm.xlane v13, v11;
	v14 =	vadd.s32 v10, v14;
	_ =	sdelay $0x1  }
0x42e: {  	v13 =	vadd.s32 v10, v13;
	_ =	sdelay $0x1  }
0x42f: {  	s13 =	simm.s32 $0x6880  }
0x430: {  	[tilespmem:s13], [sflag:$0x1] =	stream.indirect_vreg.gather [hbm4b:s2+s3], $0x80, v14, vm0, $0xb8;
	[tilespmem:$0x19A80] =	vst v63  }
0x431: {  	s8 =	simm.s32 $0x7080  }
0x432: {  	[tilespmem:s8], [sflag:$0x1] =	stream.indirect_vreg.gather [hbm4b:s2+s3], $0x80, v13, vm0, $0xb8;
	[tilespmem:$0x19A80] =	vst v63  }
0x433: {  	v13 =	vld [tilespmem:$0x1560];
	_ =	sdelay $0x4  }
0x434: {  	v14 =	vshll.u32 v13, $0x1  }
0x435: {  	v13 =	vand.u32 $0x7, v13;
	v14 =	vand.u32 $0xFFFFFFF0, v14  }
0x436: {  	v13 =	vor.u32 v13, v14  }
0x437: {  	v14 =	vperm.xlane v13, v9;
	_ =	sdelay $0x1  }
0x438: {  	v13 =	vperm.xlane v13, v11;
	v14 =	vadd.s32 v10, v14;
	_ =	sdelay $0x1  }
0x439: {  	v13 =	vadd.s32 v10, v13;
	_ =	sdelay $0x1  }
0x43a: {  	s6 =	simm.s32 $0x7880  }
0x43b: {  	[tilespmem:s6], [sflag:$0x1] =	stream.indirect_vreg.gather [hbm4b:s2+s3], $0x80, v14, vm0, $0xb8;
	[tilespmem:$0x19A80] =	vst v63  }
0x43c: {  	s9 =	simm.s32 $0x8080  }
0x43d: {  	[tilespmem:s9], [sflag:$0x1] =	stream.indirect_vreg.gather [hbm4b:s2+s3], $0x80, v13, vm0, $0xb8;
	[tilespmem:$0x19A80] =	vst v63  }
0x43e: {  	v13 =	vld [tilespmem:$0x1570];
	_ =	sdelay $0x4  }
0x43f: {  	v14 =	vshll.u32 v13, $0x1  }
0x440: {  	v13 =	vand.u32 $0x7, v13;
	v14 =	vand.u32 $0xFFFFFFF0, v14  }
0x441: {  	v13 =	vor.u32 v13, v14  }
0x442: {  	v14 =	vperm.xlane v13, v9;
	_ =	sdelay $0x1  }
0x443: {  	v13 =	vperm.xlane v13, v11;
	v14 =	vadd.s32 v10, v14;
	_ =	sdelay $0x1  }
0x444: {  	v13 =	vadd.s32 v10, v13;
	_ =	sdelay $0x1  }
0x445: {  	s7 =	simm.s32 $0x8880  }
0x446: {  	[tilespmem:s7], [sflag:$0x1] =	stream.indirect_vreg.gather [hbm4b:s2+s3], $0x80, v14, vm0, $0xb8;
	[tilespmem:$0x19A80] =	vst v63  }
0x447: {  	s4 =	simm.s32 $0x9080  }
0x448: {  	[tilespmem:s4], [sflag:$0x1] =	stream.indirect_vreg.gather [hbm4b:s2+s3], $0x80, v13, vm0, $0xb8;
	[tilespmem:$0x19A80] =	vst v63  }
0x449: {  	_ =	swait.ge [sflag:s21], $0x8000  }
0x44a: {  	[sflag:s21] =	ssyncset.done $0x0  }
0x44b: {  	s6 =	rddreg [dreg:$0xc];
	[sflag:s21] =	ssyncadd.s32 $0xFFFF8000  }
0x44c: {  	[hbm4b:s6+s3] =	stream.linear.scatter [tilespmem:s28], [sflag:$0x5], $0x8000, $0x38;
	[tilespmem:$0x19A80] =	vst v63  }
0x44d: {  	_ =	swait.ge [sflag:s14], $0x8000  }
0x44e: {  	[sflag:s14] =	ssyncset.done $0x0  }
0x44f: {  	[sflag:s14] =	ssyncadd.s32 $0xFFFF8000  }
0x450: {  	v13 =	vld [tilespmem:$0x1580];
	_ =	sdelay $0x4  }
0x451: {  	v14 =	vshll.u32 v13, $0x1  }
0x452: {  	v13 =	vand.u32 $0x7, v13;
	v14 =	vand.u32 $0xFFFFFFF0, v14  }
0x453: {  	v13 =	vor.u32 v13, v14  }
0x454: {  	v14 =	vperm.xlane v13, v9;
	_ =	sdelay $0x1  }
0x455: {  	v13 =	vperm.xlane v13, v11;
	v14 =	vadd.s32 v10, v14;
	_ =	sdelay $0x1  }
0x456: {  	v13 =	vadd.s32 v10, v13;
	_ =	sdelay $0x2  }
0x457: {  	[tilespmem:s28], [sflag:$0x2] =	stream.indirect_vreg.gather [hbm4b:s2+s3], $0x80, v14, vm0, $0xb8;
	[tilespmem:$0x19A80] =	vst v63  }
0x458: {  	s9 =	simm.s32 $0xA080  }
0x459: {  	[tilespmem:s9], [sflag:$0x2] =	stream.indirect_vreg.gather [hbm4b:s2+s3], $0x80, v13, vm0, $0xb8;
	[tilespmem:$0x19A80] =	vst v63  }
0x45a: {  	v13 =	vld [tilespmem:$0x1590];
	_ =	sdelay $0x4  }
0x45b: {  	v14 =	vshll.u32 v13, $0x1  }
0x45c: {  	v13 =	vand.u32 $0x7, v13;
	v14 =	vand.u32 $0xFFFFFFF0, v14  }
0x45d: {  	v13 =	vor.u32 v13, v14  }
0x45e: {  	v14 =	vperm.xlane v13, v9;
	_ =	sdelay $0x1  }
0x45f: {  	v13 =	vperm.xlane v13, v11;
	v14 =	vadd.s32 v10, v14;
	_ =	sdelay $0x1  }
0x460: {  	v13 =	vadd.s32 v10, v13;
	_ =	sdelay $0x1  }
0x461: {  	s17 =	simm.s32 $0xA880  }
0x462: {  	[tilespmem:s17], [sflag:$0x2] =	stream.indirect_vreg.gather [hbm4b:s2+s3], $0x80, v14, vm0, $0xb8;
	[tilespmem:$0x19A80] =	vst v63  }
0x463: {  	s4 =	simm.s32 $0xB080  }
0x464: {  	[tilespmem:s4], [sflag:$0x2] =	stream.indirect_vreg.gather [hbm4b:s2+s3], $0x80, v13, vm0, $0xb8;
	[tilespmem:$0x19A80] =	vst v63  }
0x465: {  	v13 =	vld [tilespmem:$0x15A0];
	_ =	sdelay $0x4  }
0x466: {  	v14 =	vshll.u32 v13, $0x1  }
0x467: {  	v13 =	vand.u32 $0x7, v13;
	v14 =	vand.u32 $0xFFFFFFF0, v14  }
0x468: {  	v13 =	vor.u32 v13, v14  }
0x469: {  	v14 =	vperm.xlane v13, v9;
	_ =	sdelay $0x1  }
0x46a: {  	v13 =	vperm.xlane v13, v11;
	v14 =	vadd.s32 v10, v14;
	_ =	sdelay $0x1  }
0x46b: {  	v13 =	vadd.s32 v10, v13;
	_ =	sdelay $0x1  }
0x46c: {  	s6 =	simm.s32 $0xB880  }
0x46d: {  	[tilespmem:s6], [sflag:$0x2] =	stream.indirect_vreg.gather [hbm4b:s2+s3], $0x80, v14, vm0, $0xb8;
	[tilespmem:$0x19A80] =	vst v63  }
0x46e: {  	s9 =	simm.s32 $0xC080  }
0x46f: {  	[tilespmem:s9], [sflag:$0x2] =	stream.indirect_vreg.gather [hbm4b:s2+s3], $0x80, v13, vm0, $0xb8;
	[tilespmem:$0x19A80] =	vst v63  }
0x470: {  	v13 =	vld [tilespmem:$0x15B0];
	_ =	sdelay $0x4  }
0x471: {  	v14 =	vshll.u32 v13, $0x1  }
0x472: {  	v13 =	vand.u32 $0x7, v13;
	v14 =	vand.u32 $0xFFFFFFF0, v14  }
0x473: {  	v13 =	vor.u32 v13, v14  }
0x474: {  	v14 =	vperm.xlane v13, v9;
	_ =	sdelay $0x1  }
0x475: {  	v13 =	vperm.xlane v13, v11;
	v14 =	vadd.s32 v10, v14;
	_ =	sdelay $0x1  }
0x476: {  	v13 =	vadd.s32 v10, v13;
	_ =	sdelay $0x1  }
0x477: {  	s17 =	simm.s32 $0xC880  }
0x478: {  	[tilespmem:s17], [sflag:$0x2] =	stream.indirect_vreg.gather [hbm4b:s2+s3], $0x80, v14, vm0, $0xb8;
	[tilespmem:$0x19A80] =	vst v63  }
0x479: {  	s4 =	simm.s32 $0xD080  }
0x47a: {  	[tilespmem:s4], [sflag:$0x2] =	stream.indirect_vreg.gather [hbm4b:s2+s3], $0x80, v13, vm0, $0xb8;
	[tilespmem:$0x19A80] =	vst v63  }
0x47b: {  	v13 =	vld [tilespmem:$0x15C0];
	_ =	sdelay $0x4  }
0x47c: {  	v14 =	vshll.u32 v13, $0x1  }
0x47d: {  	v13 =	vand.u32 $0x7, v13;
	v14 =	vand.u32 $0xFFFFFFF0, v14  }
0x47e: {  	v13 =	vor.u32 v13, v14  }
0x47f: {  	v14 =	vperm.xlane v13, v9;
	_ =	sdelay $0x1  }
0x480: {  	v13 =	vperm.xlane v13, v11;
	v14 =	vadd.s32 v10, v14;
	_ =	sdelay $0x1  }
0x481: {  	v13 =	vadd.s32 v10, v13;
	_ =	sdelay $0x1  }
0x482: {  	s6 =	simm.s32 $0xD880  }
0x483: {  	[tilespmem:s6], [sflag:$0x2] =	stream.indirect_vreg.gather [hbm4b:s2+s3], $0x80, v14, vm0, $0xb8;
	[tilespmem:$0x19A80] =	vst v63  }
0x484: {  	s9 =	simm.s32 $0xE080  }
0x485: {  	[tilespmem:s9], [sflag:$0x2] =	stream.indirect_vreg.gather [hbm4b:s2+s3], $0x80, v13, vm0, $0xb8;
	[tilespmem:$0x19A80] =	vst v63  }
0x486: {  	v13 =	vld [tilespmem:$0x15D0];
	_ =	sdelay $0x4  }
0x487: {  	v14 =	vshll.u32 v13, $0x1  }
0x488: {  	v13 =	vand.u32 $0x7, v13;
	v14 =	vand.u32 $0xFFFFFFF0, v14  }
0x489: {  	v13 =	vor.u32 v13, v14  }
0x48a: {  	v14 =	vperm.xlane v13, v9;
	_ =	sdelay $0x1  }
0x48b: {  	v13 =	vperm.xlane v13, v11;
	v14 =	vadd.s32 v10, v14;
	_ =	sdelay $0x1  }
0x48c: {  	v13 =	vadd.s32 v10, v13;
	_ =	sdelay $0x1  }
0x48d: {  	s17 =	simm.s32 $0xE880  }
0x48e: {  	[tilespmem:s17], [sflag:$0x2] =	stream.indirect_vreg.gather [hbm4b:s2+s3], $0x80, v14, vm0, $0xb8;
	[tilespmem:$0x19A80] =	vst v63  }
0x48f: {  	s4 =	simm.s32 $0xF080  }
0x490: {  	[tilespmem:s4], [sflag:$0x2] =	stream.indirect_vreg.gather [hbm4b:s2+s3], $0x80, v13, vm0, $0xb8;
	[tilespmem:$0x19A80] =	vst v63  }
0x491: {  	v13 =	vld [tilespmem:$0x15E0];
	_ =	sdelay $0x4  }
0x492: {  	v14 =	vshll.u32 v13, $0x1  }
0x493: {  	v13 =	vand.u32 $0x7, v13;
	v14 =	vand.u32 $0xFFFFFFF0, v14  }
0x494: {  	v13 =	vor.u32 v13, v14  }
0x495: {  	v14 =	vperm.xlane v13, v9;
	_ =	sdelay $0x1  }
0x496: {  	v13 =	vperm.xlane v13, v11;
	v14 =	vadd.s32 v10, v14;
	_ =	sdelay $0x1  }
0x497: {  	v13 =	vadd.s32 v10, v13;
	_ =	sdelay $0x1  }
0x498: {  	s6 =	simm.s32 $0xF880  }
0x499: {  	[tilespmem:s6], [sflag:$0x2] =	stream.indirect_vreg.gather [hbm4b:s2+s3], $0x80, v14, vm0, $0xb8;
	[tilespmem:$0x19A80] =	vst v63  }
0x49a: {  	s9 =	simm.s32 $0x10080  }
0x49b: {  	[tilespmem:s9], [sflag:$0x2] =	stream.indirect_vreg.gather [hbm4b:s2+s3], $0x80, v13, vm0, $0xb8;
	[tilespmem:$0x19A80] =	vst v63  }
0x49c: {  	v13 =	vld [tilespmem:$0x15F0];
	_ =	sdelay $0x4  }
0x49d: {  	v14 =	vshll.u32 v13, $0x1  }
0x49e: {  	v13 =	vand.u32 $0x7, v13;
	v14 =	vand.u32 $0xFFFFFFF0, v14  }
0x49f: {  	v13 =	vor.u32 v13, v14  }
0x4a0: {  	v14 =	vperm.xlane v13, v9;
	_ =	sdelay $0x1  }
0x4a1: {  	v13 =	vperm.xlane v13, v11;
	v14 =	vadd.s32 v10, v14;
	_ =	sdelay $0x1  }
0x4a2: {  	v13 =	vadd.s32 v10, v13;
	_ =	sdelay $0x1  }
0x4a3: {  	s17 =	simm.s32 $0x10880  }
0x4a4: {  	[tilespmem:s17], [sflag:$0x2] =	stream.indirect_vreg.gather [hbm4b:s2+s3], $0x80, v14, vm0, $0xb8;
	[tilespmem:$0x19A80] =	vst v63  }
0x4a5: {  	s4 =	simm.s32 $0x11080  }
0x4a6: {  	[tilespmem:s4], [sflag:$0x2] =	stream.indirect_vreg.gather [hbm4b:s2+s3], $0x80, v13, vm0, $0xb8;
	[tilespmem:$0x19A80] =	vst v63  }
0x4a7: {  	_ =	swait.ge [sflag:s15], $0x8000  }
0x4a8: {  	[sflag:s15] =	ssyncset.done $0x0  }
0x4a9: {  	s6 =	rddreg [dreg:$0xd];
	[sflag:s15] =	ssyncadd.s32 $0xFFFF8000  }
0x4aa: {  	[hbm4b:s6+s3] =	stream.linear.scatter [tilespmem:s26], [sflag:$0x6], $0x8000, $0x38;
	[tilespmem:$0x19A80] =	vst v63  }
0x4ab: {  	_ =	swait.ge [sflag:s23], $0x8000  }
0x4ac: {  	[sflag:s23] =	ssyncset.done $0x0  }
0x4ad: {  	[sflag:s23] =	ssyncadd.s32 $0xFFFF8000  }
0x4ae: {  	v13 =	vld [tilespmem:$0x1600];
	_ =	sdelay $0x4  }
0x4af: {  	v14 =	vshll.u32 v13, $0x1  }
0x4b0: {  	v13 =	vand.u32 $0x7, v13;
	v14 =	vand.u32 $0xFFFFFFF0, v14  }
0x4b1: {  	v13 =	vor.u32 v13, v14  }
0x4b2: {  	v14 =	vperm.xlane v13, v9;
	_ =	sdelay $0x1  }
0x4b3: {  	v13 =	vperm.xlane v13, v11;
	v14 =	vadd.s32 v10, v14;
	_ =	sdelay $0x1  }
0x4b4: {  	v13 =	vadd.s32 v10, v13;
	_ =	sdelay $0x2  }
0x4b5: {  	[tilespmem:s26], [sflag:$0x3] =	stream.indirect_vreg.gather [hbm4b:s2+s3], $0x80, v14, vm0, $0xb8;
	[tilespmem:$0x19A80] =	vst v63  }
0x4b6: {  	s9 =	simm.s32 $0x12080  }
0x4b7: {  	[tilespmem:s9], [sflag:$0x3] =	stream.indirect_vreg.gather [hbm4b:s2+s3], $0x80, v13, vm0, $0xb8;
	[tilespmem:$0x19A80] =	vst v63  }
0x4b8: {  	v13 =	vld [tilespmem:$0x1610];
	_ =	sdelay $0x4  }
0x4b9: {  	v14 =	vshll.u32 v13, $0x1  }
0x4ba: {  	v13 =	vand.u32 $0x7, v13;
	v14 =	vand.u32 $0xFFFFFFF0, v14  }
0x4bb: {  	v13 =	vor.u32 v13, v14  }
0x4bc: {  	v14 =	vperm.xlane v13, v9;
	_ =	sdelay $0x1  }
0x4bd: {  	v13 =	vperm.xlane v13, v11;
	v14 =	vadd.s32 v10, v14;
	_ =	sdelay $0x1  }
0x4be: {  	v13 =	vadd.s32 v10, v13;
	_ =	sdelay $0x1  }
0x4bf: {  	s10 =	simm.s32 $0x12880  }
0x4c0: {  	[tilespmem:s10], [sflag:$0x3] =	stream.indirect_vreg.gather [hbm4b:s2+s3], $0x80, v14, vm0, $0xb8;
	[tilespmem:$0x19A80] =	vst v63  }
0x4c1: {  	s10 =	simm.s32 $0x13080  }
0x4c2: {  	[tilespmem:s10], [sflag:$0x3] =	stream.indirect_vreg.gather [hbm4b:s2+s3], $0x80, v13, vm0, $0xb8;
	[tilespmem:$0x19A80] =	vst v63  }
0x4c3: {  	v13 =	vld [tilespmem:$0x1620];
	_ =	sdelay $0x4  }
0x4c4: {  	v14 =	vshll.u32 v13, $0x1  }
0x4c5: {  	v13 =	vand.u32 $0x7, v13;
	v14 =	vand.u32 $0xFFFFFFF0, v14  }
0x4c6: {  	v13 =	vor.u32 v13, v14  }
0x4c7: {  	v14 =	vperm.xlane v13, v9;
	_ =	sdelay $0x1  }
0x4c8: {  	v13 =	vperm.xlane v13, v11;
	v14 =	vadd.s32 v10, v14;
	_ =	sdelay $0x1  }
0x4c9: {  	v13 =	vadd.s32 v10, v13;
	_ =	sdelay $0x1  }
0x4ca: {  	s11 =	simm.s32 $0x13880  }
0x4cb: {  	[tilespmem:s11], [sflag:$0x3] =	stream.indirect_vreg.gather [hbm4b:s2+s3], $0x80, v14, vm0, $0xb8;
	[tilespmem:$0x19A80] =	vst v63  }
0x4cc: {  	s11 =	simm.s32 $0x14080  }
0x4cd: {  	[tilespmem:s11], [sflag:$0x3] =	stream.indirect_vreg.gather [hbm4b:s2+s3], $0x80, v13, vm0, $0xb8;
	[tilespmem:$0x19A80] =	vst v63  }
0x4ce: {  	v13 =	vld [tilespmem:$0x1630];
	_ =	sdelay $0x4  }
0x4cf: {  	v14 =	vshll.u32 v13, $0x1  }
0x4d0: {  	v13 =	vand.u32 $0x7, v13;
	v14 =	vand.u32 $0xFFFFFFF0, v14  }
0x4d1: {  	v13 =	vor.u32 v13, v14  }
0x4d2: {  	v14 =	vperm.xlane v13, v9;
	_ =	sdelay $0x1  }
0x4d3: {  	v13 =	vperm.xlane v13, v11;
	v14 =	vadd.s32 v10, v14;
	_ =	sdelay $0x1  }
0x4d4: {  	v13 =	vadd.s32 v10, v13;
	_ =	sdelay $0x1  }
0x4d5: {  	s12 =	simm.s32 $0x14880  }
0x4d6: {  	[tilespmem:s12], [sflag:$0x3] =	stream.indirect_vreg.gather [hbm4b:s2+s3], $0x80, v14, vm0, $0xb8;
	[tilespmem:$0x19A80] =	vst v63  }
0x4d7: {  	s17 =	simm.s32 $0x15080  }
0x4d8: {  	[tilespmem:s17], [sflag:$0x3] =	stream.indirect_vreg.gather [hbm4b:s2+s3], $0x80, v13, vm0, $0xb8;
	[tilespmem:$0x19A80] =	vst v63  }
0x4d9: {  	v13 =	vld [tilespmem:$0x1640];
	_ =	sdelay $0x4  }
0x4da: {  	v14 =	vshll.u32 v13, $0x1  }
0x4db: {  	v13 =	vand.u32 $0x7, v13;
	v14 =	vand.u32 $0xFFFFFFF0, v14  }
0x4dc: {  	v13 =	vor.u32 v13, v14  }
0x4dd: {  	v14 =	vperm.xlane v13, v9;
	_ =	sdelay $0x1  }
0x4de: {  	v13 =	vperm.xlane v13, v11;
	v14 =	vadd.s32 v10, v14;
	_ =	sdelay $0x1  }
0x4df: {  	v13 =	vadd.s32 v10, v13;
	_ =	sdelay $0x1  }
0x4e0: {  	s30 =	simm.s32 $0x15880  }
0x4e1: {  	[tilespmem:s30], [sflag:$0x3] =	stream.indirect_vreg.gather [hbm4b:s2+s3], $0x80, v14, vm0, $0xb8;
	[tilespmem:$0x19A80] =	vst v63  }
0x4e2: {  	s30 =	simm.s32 $0x16080  }
0x4e3: {  	[tilespmem:s30], [sflag:$0x3] =	stream.indirect_vreg.gather [hbm4b:s2+s3], $0x80, v13, vm0, $0xb8;
	[tilespmem:$0x19A80] =	vst v63  }
0x4e4: {  	v13 =	vld [tilespmem:$0x1650];
	_ =	sdelay $0x4  }
0x4e5: {  	v14 =	vshll.u32 v13, $0x1  }
0x4e6: {  	v13 =	vand.u32 $0x7, v13;
	v14 =	vand.u32 $0xFFFFFFF0, v14  }
0x4e7: {  	v13 =	vor.u32 v13, v14  }
0x4e8: {  	v14 =	vperm.xlane v13, v9;
	_ =	sdelay $0x1  }
0x4e9: {  	v13 =	vperm.xlane v13, v11;
	v14 =	vadd.s32 v10, v14;
	_ =	sdelay $0x1  }
0x4ea: {  	v13 =	vadd.s32 v10, v13;
	_ =	sdelay $0x1  }
0x4eb: {  	s31 =	simm.s32 $0x16880  }
0x4ec: {  	[tilespmem:s31], [sflag:$0x3] =	stream.indirect_vreg.gather [hbm4b:s2+s3], $0x80, v14, vm0, $0xb8;
	[tilespmem:$0x19A80] =	vst v63  }
0x4ed: {  	s31 =	simm.s32 $0x17080  }
0x4ee: {  	[tilespmem:s31], [sflag:$0x3] =	stream.indirect_vreg.gather [hbm4b:s2+s3], $0x80, v13, vm0, $0xb8;
	[tilespmem:$0x19A80] =	vst v63  }
0x4ef: {  	v13 =	vld [tilespmem:$0x1660];
	_ =	sdelay $0x4  }
0x4f0: {  	v14 =	vshll.u32 v13, $0x1  }
0x4f1: {  	v13 =	vand.u32 $0x7, v13;
	v14 =	vand.u32 $0xFFFFFFF0, v14  }
0x4f2: {  	v13 =	vor.u32 v13, v14  }
0x4f3: {  	v14 =	vperm.xlane v13, v9;
	_ =	sdelay $0x1  }
0x4f4: {  	v13 =	vperm.xlane v13, v11;
	v14 =	vadd.s32 v10, v14;
	_ =	sdelay $0x1  }
0x4f5: {  	v13 =	vadd.s32 v10, v13;
	_ =	sdelay $0x1  }
0x4f6: {  	s20 =	simm.s32 $0x17880  }
0x4f7: {  	[tilespmem:s20], [sflag:$0x3] =	stream.indirect_vreg.gather [hbm4b:s2+s3], $0x80, v14, vm0, $0xb8;
	[tilespmem:$0x19A80] =	vst v63  }
0x4f8: {  	s5 =	simm.s32 $0x18080  }
0x4f9: {  	[tilespmem:s5], [sflag:$0x3] =	stream.indirect_vreg.gather [hbm4b:s2+s3], $0x80, v13, vm0, $0xb8;
	[tilespmem:$0x19A80] =	vst v63  }
0x4fa: {  	v13 =	vld [tilespmem:$0x1670];
	_ =	sdelay $0x4  }
0x4fb: {  	v14 =	vshll.u32 v13, $0x1  }
0x4fc: {  	v13 =	vand.u32 $0x7, v13;
	v14 =	vand.u32 $0xFFFFFFF0, v14  }
0x4fd: {  	v13 =	vor.u32 v13, v14  }
0x4fe: {  	v14 =	vperm.xlane v13, v9;
	_ =	sdelay $0x1  }
0x4ff: {  	v13 =	vperm.xlane v13, v11;
	v14 =	vadd.s32 v10, v14;
	_ =	sdelay $0x1  }
0x500: {  	v13 =	vadd.s32 v10, v13;
	_ =	sdelay $0x1  }
0x501: {  	s6 =	simm.s32 $0x18880  }
0x502: {  	[tilespmem:s6], [sflag:$0x3] =	stream.indirect_vreg.gather [hbm4b:s2+s3], $0x80, v14, vm0, $0xb8;
	[tilespmem:$0x19A80] =	vst v63  }
0x503: {  	s16 =	simm.s32 $0x19080  }
0x504: {  	[tilespmem:s16], [sflag:$0x3] =	stream.indirect_vreg.gather [hbm4b:s2+s3], $0x80, v13, vm0, $0xb8;
	[tilespmem:$0x19A80] =	vst v63  }
0x505: {  	_ =	swait.ge [sflag:s19], $0x8000  }
0x506: {  	[sflag:s19] =	ssyncset.done $0x0  }
0x507: {  	s16 =	rddreg [dreg:$0xe];
	[sflag:s19] =	ssyncadd.s32 $0xFFFF8000  }
0x508: {  	[hbm4b:s16+s3] =	stream.linear.scatter [tilespmem:s24], [sflag:$0x4], $0x8000, $0x38;
	[tilespmem:$0x19A80] =	vst v63  }
0x509: {  	_ =	swait.ge [sflag:s0], $0x8000  }
0x50a: {  	[sflag:s0] =	ssyncset.done $0x0  }
0x50b: {  	[sflag:s0] =	ssyncadd.s32 $0xFFFF8000  }
0x50c: {  	v13 =	vld [tilespmem:$0x1680];
	_ =	sdelay $0x4  }
0x50d: {  	v14 =	vshll.u32 v13, $0x1  }
0x50e: {  	v13 =	vand.u32 $0x7, v13;
	v14 =	vand.u32 $0xFFFFFFF0, v14  }
0x50f: {  	v13 =	vor.u32 v13, v14  }
0x510: {  	v14 =	vperm.xlane v13, v9;
	_ =	sdelay $0x1  }
0x511: {  	v13 =	vperm.xlane v13, v11;
	v14 =	vadd.s32 v10, v14;
	_ =	sdelay $0x1  }
0x512: {  	v13 =	vadd.s32 v10, v13;
	_ =	sdelay $0x2  }
0x513: {  	[tilespmem:s24], [sflag:$0x1] =	stream.indirect_vreg.gather [hbm4b:s2+s3], $0x80, v14, vm0, $0xb8;
	[tilespmem:$0x19A80] =	vst v63  }
0x514: {  	s17 =	simm.s32 $0x2080  }
0x515: {  	[tilespmem:s17], [sflag:$0x1] =	stream.indirect_vreg.gather [hbm4b:s2+s3], $0x80, v13, vm0, $0xb8;
	[tilespmem:$0x19A80] =	vst v63  }
0x516: {  	v13 =	vld [tilespmem:$0x1690];
	_ =	sdelay $0x4  }
0x517: {  	v14 =	vshll.u32 v13, $0x1  }
0x518: {  	v13 =	vand.u32 $0x7, v13;
	v14 =	vand.u32 $0xFFFFFFF0, v14  }
0x519: {  	v13 =	vor.u32 v13, v14  }
0x51a: {  	v14 =	vperm.xlane v13, v9;
	_ =	sdelay $0x1  }
0x51b: {  	v13 =	vperm.xlane v13, v11;
	v14 =	vadd.s32 v10, v14;
	_ =	sdelay $0x1  }
0x51c: {  	v13 =	vadd.s32 v10, v13;
	_ =	sdelay $0x1  }
0x51d: {  	s17 =	simm.s32 $0x2880  }
0x51e: {  	[tilespmem:s17], [sflag:$0x1] =	stream.indirect_vreg.gather [hbm4b:s2+s3], $0x80, v14, vm0, $0xb8;
	[tilespmem:$0x19A80] =	vst v63  }
0x51f: {  	s17 =	simm.s32 $0x3080  }
0x520: {  	[tilespmem:s17], [sflag:$0x1] =	stream.indirect_vreg.gather [hbm4b:s2+s3], $0x80, v13, vm0, $0xb8;
	[tilespmem:$0x19A80] =	vst v63  }
0x521: {  	v13 =	vld [tilespmem:$0x16A0];
	_ =	sdelay $0x4  }
0x522: {  	v14 =	vshll.u32 v13, $0x1  }
0x523: {  	v13 =	vand.u32 $0x7, v13;
	v14 =	vand.u32 $0xFFFFFFF0, v14  }
0x524: {  	v13 =	vor.u32 v13, v14  }
0x525: {  	v14 =	vperm.xlane v13, v9;
	_ =	sdelay $0x1  }
0x526: {  	v13 =	vperm.xlane v13, v11;
	v14 =	vadd.s32 v10, v14;
	_ =	sdelay $0x1  }
0x527: {  	v13 =	vadd.s32 v10, v13;
	_ =	sdelay $0x1  }
0x528: {  	s18 =	simm.s32 $0x3880  }
0x529: {  	[tilespmem:s18], [sflag:$0x1] =	stream.indirect_vreg.gather [hbm4b:s2+s3], $0x80, v14, vm0, $0xb8;
	[tilespmem:$0x19A80] =	vst v63  }
0x52a: {  	s18 =	simm.s32 $0x4080  }
0x52b: {  	[tilespmem:s18], [sflag:$0x1] =	stream.indirect_vreg.gather [hbm4b:s2+s3], $0x80, v13, vm0, $0xb8;
	[tilespmem:$0x19A80] =	vst v63  }
0x52c: {  	v13 =	vld [tilespmem:$0x16B0];
	_ =	sdelay $0x4  }
0x52d: {  	v14 =	vshll.u32 v13, $0x1  }
0x52e: {  	v13 =	vand.u32 $0x7, v13;
	v14 =	vand.u32 $0xFFFFFFF0, v14  }
0x52f: {  	v13 =	vor.u32 v13, v14  }
0x530: {  	v14 =	vperm.xlane v13, v9;
	_ =	sdelay $0x1  }
0x531: {  	v13 =	vperm.xlane v13, v11;
	v14 =	vadd.s32 v10, v14;
	_ =	sdelay $0x1  }
0x532: {  	v13 =	vadd.s32 v10, v13;
	_ =	sdelay $0x1  }
0x533: {  	s22 =	simm.s32 $0x4880  }
0x534: {  	[tilespmem:s22], [sflag:$0x1] =	stream.indirect_vreg.gather [hbm4b:s2+s3], $0x80, v14, vm0, $0xb8;
	[tilespmem:$0x19A80] =	vst v63  }
0x535: {  	s22 =	simm.s32 $0x5080  }
0x536: {  	[tilespmem:s22], [sflag:$0x1] =	stream.indirect_vreg.gather [hbm4b:s2+s3], $0x80, v13, vm0, $0xb8;
	[tilespmem:$0x19A80] =	vst v63  }
0x537: {  	v13 =	vld [tilespmem:$0x16C0];
	_ =	sdelay $0x4  }
0x538: {  	v14 =	vshll.u32 v13, $0x1  }
0x539: {  	v13 =	vand.u32 $0x7, v13;
	v14 =	vand.u32 $0xFFFFFFF0, v14  }
0x53a: {  	v13 =	vor.u32 v13, v14  }
0x53b: {  	v14 =	vperm.xlane v13, v9;
	_ =	sdelay $0x1  }
0x53c: {  	v13 =	vperm.xlane v13, v11;
	v14 =	vadd.s32 v10, v14;
	_ =	sdelay $0x1  }
0x53d: {  	v13 =	vadd.s32 v10, v13;
	_ =	sdelay $0x1  }
0x53e: {  	s25 =	simm.s32 $0x5880  }
0x53f: {  	[tilespmem:s25], [sflag:$0x1] =	stream.indirect_vreg.gather [hbm4b:s2+s3], $0x80, v14, vm0, $0xb8;
	[tilespmem:$0x19A80] =	vst v63  }
0x540: {  	s25 =	simm.s32 $0x6080  }
0x541: {  	[tilespmem:s25], [sflag:$0x1] =	stream.indirect_vreg.gather [hbm4b:s2+s3], $0x80, v13, vm0, $0xb8;
	[tilespmem:$0x19A80] =	vst v63  }
0x542: {  	v13 =	vld [tilespmem:$0x16D0];
	_ =	sdelay $0x4  }
0x543: {  	v14 =	vshll.u32 v13, $0x1  }
0x544: {  	v13 =	vand.u32 $0x7, v13;
	v14 =	vand.u32 $0xFFFFFFF0, v14  }
0x545: {  	v13 =	vor.u32 v13, v14  }
0x546: {  	v14 =	vperm.xlane v13, v9;
	_ =	sdelay $0x1  }
0x547: {  	v13 =	vperm.xlane v13, v11;
	v14 =	vadd.s32 v10, v14;
	_ =	sdelay $0x1  }
0x548: {  	v13 =	vadd.s32 v10, v13;
	_ =	sdelay $0x1  }
0x549: {  	s13 =	simm.s32 $0x6880  }
0x54a: {  	[tilespmem:s13], [sflag:$0x1] =	stream.indirect_vreg.gather [hbm4b:s2+s3], $0x80, v14, vm0, $0xb8;
	[tilespmem:$0x19A80] =	vst v63  }
0x54b: {  	s29 =	simm.s32 $0x7080  }
0x54c: {  	[tilespmem:s29], [sflag:$0x1] =	stream.indirect_vreg.gather [hbm4b:s2+s3], $0x80, v13, vm0, $0xb8;
	[tilespmem:$0x19A80] =	vst v63  }
0x54d: {  	v13 =	vld [tilespmem:$0x16E0];
	_ =	sdelay $0x4  }
0x54e: {  	v14 =	vshll.u32 v13, $0x1  }
0x54f: {  	v13 =	vand.u32 $0x7, v13;
	v14 =	vand.u32 $0xFFFFFFF0, v14  }
0x550: {  	v13 =	vor.u32 v13, v14  }
0x551: {  	v14 =	vperm.xlane v13, v9;
	_ =	sdelay $0x1  }
0x552: {  	v13 =	vperm.xlane v13, v11;
	v14 =	vadd.s32 v10, v14;
	_ =	sdelay $0x1  }
0x553: {  	v13 =	vadd.s32 v10, v13;
	_ =	sdelay $0x1  }
0x554: {  	s8 =	simm.s32 $0x7880  }
0x555: {  	[tilespmem:s8], [sflag:$0x1] =	stream.indirect_vreg.gather [hbm4b:s2+s3], $0x80, v14, vm0, $0xb8;
	[tilespmem:$0x19A80] =	vst v63  }
0x556: {  	s17 =	simm.s32 $0x8080  }
0x557: {  	[tilespmem:s17], [sflag:$0x1] =	stream.indirect_vreg.gather [hbm4b:s2+s3], $0x80, v13, vm0, $0xb8;
	[tilespmem:$0x19A80] =	vst v63  }
0x558: {  	v13 =	vld [tilespmem:$0x16F0];
	_ =	sdelay $0x4  }
0x559: {  	v14 =	vshll.u32 v13, $0x1  }
0x55a: {  	v13 =	vand.u32 $0x7, v13;
	v14 =	vand.u32 $0xFFFFFFF0, v14  }
0x55b: {  	v13 =	vor.u32 v13, v14  }
0x55c: {  	v14 =	vperm.xlane v13, v9;
	_ =	sdelay $0x1  }
0x55d: {  	v13 =	vperm.xlane v13, v11;
	v14 =	vadd.s32 v10, v14;
	_ =	sdelay $0x1  }
0x55e: {  	v13 =	vadd.s32 v10, v13;
	_ =	sdelay $0x1  }
0x55f: {  	s7 =	simm.s32 $0x8880  }
0x560: {  	[tilespmem:s7], [sflag:$0x1] =	stream.indirect_vreg.gather [hbm4b:s2+s3], $0x80, v14, vm0, $0xb8;
	[tilespmem:$0x19A80] =	vst v63  }
0x561: {  	s17 =	simm.s32 $0x9080  }
0x562: {  	[tilespmem:s17], [sflag:$0x1] =	stream.indirect_vreg.gather [hbm4b:s2+s3], $0x80, v13, vm0, $0xb8;
	[tilespmem:$0x19A80] =	vst v63  }
0x563: {  	_ =	swait.ge [sflag:s21], $0x8000  }
0x564: {  	[sflag:s21] =	ssyncset.done $0x0  }
0x565: {  	s17 =	rddreg [dreg:$0xf];
	[sflag:s21] =	ssyncadd.s32 $0xFFFF8000  }
0x566: {  	[hbm4b:s17+s3] =	stream.linear.scatter [tilespmem:s28], [sflag:$0x5], $0x8000, $0x38;
	[tilespmem:$0x19A80] =	vst v63  }
0x567: {  	_ =	swait.ge [sflag:s14], $0x8000  }
0x568: {  	[sflag:s14] =	ssyncset.done $0x0  }
0x569: {  	[sflag:s14] =	ssyncadd.s32 $0xFFFF8000  }
0x56a: {  	v13 =	vld [tilespmem:$0x1700];
	_ =	sdelay $0x4  }
0x56b: {  	v14 =	vshll.u32 v13, $0x1  }
0x56c: {  	v13 =	vand.u32 $0x7, v13;
	v14 =	vand.u32 $0xFFFFFFF0, v14  }
0x56d: {  	v13 =	vor.u32 v13, v14  }
0x56e: {  	v14 =	vperm.xlane v13, v9;
	_ =	sdelay $0x1  }
0x56f: {  	v13 =	vperm.xlane v13, v11;
	v14 =	vadd.s32 v10, v14;
	_ =	sdelay $0x1  }
0x570: {  	v13 =	vadd.s32 v10, v13;
	_ =	sdelay $0x2  }
0x571: {  	[tilespmem:s28], [sflag:$0x2] =	stream.indirect_vreg.gather [hbm4b:s2+s3], $0x80, v14, vm0, $0xb8;
	[tilespmem:$0x19A80] =	vst v63  }
0x572: {  	s17 =	simm.s32 $0xA080  }
0x573: {  	[tilespmem:s17], [sflag:$0x2] =	stream.indirect_vreg.gather [hbm4b:s2+s3], $0x80, v13, vm0, $0xb8;
	[tilespmem:$0x19A80] =	vst v63  }
0x574: {  	v13 =	vld [tilespmem:$0x1710];
	_ =	sdelay $0x4  }
0x575: {  	v14 =	vshll.u32 v13, $0x1  }
0x576: {  	v13 =	vand.u32 $0x7, v13;
	v14 =	vand.u32 $0xFFFFFFF0, v14  }
0x577: {  	v13 =	vor.u32 v13, v14  }
0x578: {  	v14 =	vperm.xlane v13, v9;
	_ =	sdelay $0x1  }
0x579: {  	v13 =	vperm.xlane v13, v11;
	v14 =	vadd.s32 v10, v14;
	_ =	sdelay $0x1  }
0x57a: {  	v13 =	vadd.s32 v10, v13;
	_ =	sdelay $0x1  }
0x57b: {  	s17 =	simm.s32 $0xA880  }
0x57c: {  	[tilespmem:s17], [sflag:$0x2] =	stream.indirect_vreg.gather [hbm4b:s2+s3], $0x80, v14, vm0, $0xb8;
	[tilespmem:$0x19A80] =	vst v63  }
0x57d: {  	s17 =	simm.s32 $0xB080  }
0x57e: {  	[tilespmem:s17], [sflag:$0x2] =	stream.indirect_vreg.gather [hbm4b:s2+s3], $0x80, v13, vm0, $0xb8;
	[tilespmem:$0x19A80] =	vst v63  }
0x57f: {  	v13 =	vld [tilespmem:$0x1720];
	_ =	sdelay $0x4  }
0x580: {  	v14 =	vshll.u32 v13, $0x1  }
0x581: {  	v13 =	vand.u32 $0x7, v13;
	v14 =	vand.u32 $0xFFFFFFF0, v14  }
0x582: {  	v13 =	vor.u32 v13, v14  }
0x583: {  	v14 =	vperm.xlane v13, v9;
	_ =	sdelay $0x1  }
0x584: {  	v13 =	vperm.xlane v13, v11;
	v14 =	vadd.s32 v10, v14;
	_ =	sdelay $0x1  }
0x585: {  	v13 =	vadd.s32 v10, v13;
	_ =	sdelay $0x1  }
0x586: {  	s17 =	simm.s32 $0xB880  }
0x587: {  	[tilespmem:s17], [sflag:$0x2] =	stream.indirect_vreg.gather [hbm4b:s2+s3], $0x80, v14, vm0, $0xb8;
	[tilespmem:$0x19A80] =	vst v63  }
0x588: {  	s17 =	simm.s32 $0xC080  }
0x589: {  	[tilespmem:s17], [sflag:$0x2] =	stream.indirect_vreg.gather [hbm4b:s2+s3], $0x80, v13, vm0, $0xb8;
	[tilespmem:$0x19A80] =	vst v63  }
0x58a: {  	v13 =	vld [tilespmem:$0x1730];
	_ =	sdelay $0x4  }
0x58b: {  	v14 =	vshll.u32 v13, $0x1  }
0x58c: {  	v13 =	vand.u32 $0x7, v13;
	v14 =	vand.u32 $0xFFFFFFF0, v14  }
0x58d: {  	v13 =	vor.u32 v13, v14  }
0x58e: {  	v14 =	vperm.xlane v13, v9;
	_ =	sdelay $0x1  }
0x58f: {  	v13 =	vperm.xlane v13, v11;
	v14 =	vadd.s32 v10, v14;
	_ =	sdelay $0x1  }
0x590: {  	v13 =	vadd.s32 v10, v13;
	_ =	sdelay $0x1  }
0x591: {  	s17 =	simm.s32 $0xC880  }
0x592: {  	[tilespmem:s17], [sflag:$0x2] =	stream.indirect_vreg.gather [hbm4b:s2+s3], $0x80, v14, vm0, $0xb8;
	[tilespmem:$0x19A80] =	vst v63  }
0x593: {  	s17 =	simm.s32 $0xD080  }
0x594: {  	[tilespmem:s17], [sflag:$0x2] =	stream.indirect_vreg.gather [hbm4b:s2+s3], $0x80, v13, vm0, $0xb8;
	[tilespmem:$0x19A80] =	vst v63  }
0x595: {  	v13 =	vld [tilespmem:$0x1740];
	_ =	sdelay $0x4  }
0x596: {  	v14 =	vshll.u32 v13, $0x1  }
0x597: {  	v13 =	vand.u32 $0x7, v13;
	v14 =	vand.u32 $0xFFFFFFF0, v14  }
0x598: {  	v13 =	vor.u32 v13, v14  }
0x599: {  	v14 =	vperm.xlane v13, v9;
	_ =	sdelay $0x1  }
0x59a: {  	v13 =	vperm.xlane v13, v11;
	v14 =	vadd.s32 v10, v14;
	_ =	sdelay $0x1  }
0x59b: {  	v13 =	vadd.s32 v10, v13;
	_ =	sdelay $0x1  }
0x59c: {  	s17 =	simm.s32 $0xD880  }
0x59d: {  	[tilespmem:s17], [sflag:$0x2] =	stream.indirect_vreg.gather [hbm4b:s2+s3], $0x80, v14, vm0, $0xb8;
	[tilespmem:$0x19A80] =	vst v63  }
0x59e: {  	s17 =	simm.s32 $0xE080  }
0x59f: {  	[tilespmem:s17], [sflag:$0x2] =	stream.indirect_vreg.gather [hbm4b:s2+s3], $0x80, v13, vm0, $0xb8;
	[tilespmem:$0x19A80] =	vst v63  }
0x5a0: {  	v13 =	vld [tilespmem:$0x1750];
	_ =	sdelay $0x4  }
0x5a1: {  	v14 =	vshll.u32 v13, $0x1  }
0x5a2: {  	v13 =	vand.u32 $0x7, v13;
	v14 =	vand.u32 $0xFFFFFFF0, v14  }
0x5a3: {  	v13 =	vor.u32 v13, v14  }
0x5a4: {  	v14 =	vperm.xlane v13, v9;
	_ =	sdelay $0x1  }
0x5a5: {  	v13 =	vperm.xlane v13, v11;
	v14 =	vadd.s32 v10, v14;
	_ =	sdelay $0x1  }
0x5a6: {  	v13 =	vadd.s32 v10, v13;
	_ =	sdelay $0x1  }
0x5a7: {  	s17 =	simm.s32 $0xE880  }
0x5a8: {  	[tilespmem:s17], [sflag:$0x2] =	stream.indirect_vreg.gather [hbm4b:s2+s3], $0x80, v14, vm0, $0xb8;
	[tilespmem:$0x19A80] =	vst v63  }
0x5a9: {  	s17 =	simm.s32 $0xF080  }
0x5aa: {  	[tilespmem:s17], [sflag:$0x2] =	stream.indirect_vreg.gather [hbm4b:s2+s3], $0x80, v13, vm0, $0xb8;
	[tilespmem:$0x19A80] =	vst v63  }
0x5ab: {  	v13 =	vld [tilespmem:$0x1760];
	_ =	sdelay $0x4  }
0x5ac: {  	v14 =	vshll.u32 v13, $0x1  }
0x5ad: {  	v13 =	vand.u32 $0x7, v13;
	v14 =	vand.u32 $0xFFFFFFF0, v14  }
0x5ae: {  	v13 =	vor.u32 v13, v14  }
0x5af: {  	v14 =	vperm.xlane v13, v9;
	_ =	sdelay $0x1  }
0x5b0: {  	v13 =	vperm.xlane v13, v11;
	v14 =	vadd.s32 v10, v14;
	_ =	sdelay $0x1  }
0x5b1: {  	v13 =	vadd.s32 v10, v13;
	_ =	sdelay $0x1  }
0x5b2: {  	s17 =	simm.s32 $0xF880  }
0x5b3: {  	[tilespmem:s17], [sflag:$0x2] =	stream.indirect_vreg.gather [hbm4b:s2+s3], $0x80, v14, vm0, $0xb8;
	[tilespmem:$0x19A80] =	vst v63  }
0x5b4: {  	s17 =	simm.s32 $0x10080  }
0x5b5: {  	[tilespmem:s17], [sflag:$0x2] =	stream.indirect_vreg.gather [hbm4b:s2+s3], $0x80, v13, vm0, $0xb8;
	[tilespmem:$0x19A80] =	vst v63  }
0x5b6: {  	v13 =	vld [tilespmem:$0x1770];
	_ =	sdelay $0x4  }
0x5b7: {  	v14 =	vshll.u32 v13, $0x1  }
0x5b8: {  	v13 =	vand.u32 $0x7, v13;
	v14 =	vand.u32 $0xFFFFFFF0, v14  }
0x5b9: {  	v13 =	vor.u32 v13, v14  }
0x5ba: {  	v14 =	vperm.xlane v13, v9;
	_ =	sdelay $0x1  }
0x5bb: {  	v13 =	vperm.xlane v13, v11;
	v14 =	vadd.s32 v10, v14;
	_ =	sdelay $0x1  }
0x5bc: {  	v13 =	vadd.s32 v10, v13;
	_ =	sdelay $0x1  }
0x5bd: {  	s17 =	simm.s32 $0x10880  }
0x5be: {  	[tilespmem:s17], [sflag:$0x2] =	stream.indirect_vreg.gather [hbm4b:s2+s3], $0x80, v14, vm0, $0xb8;
	[tilespmem:$0x19A80] =	vst v63  }
0x5bf: {  	s4 =	simm.s32 $0x11080  }
0x5c0: {  	[tilespmem:s4], [sflag:$0x2] =	stream.indirect_vreg.gather [hbm4b:s2+s3], $0x80, v13, vm0, $0xb8;
	[tilespmem:$0x19A80] =	vst v63  }
0x5c1: {  	_ =	swait.ge [sflag:s15], $0x8000  }
0x5c2: {  	[sflag:s15] =	ssyncset.done $0x0  }
0x5c3: {  	s4 =	rddreg [dreg:$0x10];
	[sflag:s15] =	ssyncadd.s32 $0xFFFF8000  }
0x5c4: {  	[hbm4b:s4+s3] =	stream.linear.scatter [tilespmem:s26], [sflag:$0x6], $0x8000, $0x38;
	[tilespmem:$0x19A80] =	vst v63  }
0x5c5: {  	_ =	swait.ge [sflag:s23], $0x8000  }
0x5c6: {  	[sflag:s23] =	ssyncset.done $0x0  }
0x5c7: {  	[sflag:s23] =	ssyncadd.s32 $0xFFFF8000  }
0x5c8: {  	v13 =	vld [tilespmem:$0x1780];
	_ =	sdelay $0x4  }
0x5c9: {  	v14 =	vshll.u32 v13, $0x1  }
0x5ca: {  	v13 =	vand.u32 $0x7, v13;
	v14 =	vand.u32 $0xFFFFFFF0, v14  }
0x5cb: {  	v13 =	vor.u32 v13, v14  }
0x5cc: {  	v14 =	vperm.xlane v13, v9;
	_ =	sdelay $0x1  }
0x5cd: {  	v13 =	vperm.xlane v13, v11;
	v14 =	vadd.s32 v10, v14;
	_ =	sdelay $0x1  }
0x5ce: {  	v13 =	vadd.s32 v10, v13;
	_ =	sdelay $0x2  }
0x5cf: {  	[tilespmem:s26], [sflag:$0x3] =	stream.indirect_vreg.gather [hbm4b:s2+s3], $0x80, v14, vm0, $0xb8;
	[tilespmem:$0x19A80] =	vst v63  }
0x5d0: {  	s17 =	simm.s32 $0x12080  }
0x5d1: {  	[tilespmem:s17], [sflag:$0x3] =	stream.indirect_vreg.gather [hbm4b:s2+s3], $0x80, v13, vm0, $0xb8;
	[tilespmem:$0x19A80] =	vst v63  }
0x5d2: {  	v13 =	vld [tilespmem:$0x1790];
	_ =	sdelay $0x4  }
0x5d3: {  	v14 =	vshll.u32 v13, $0x1  }
0x5d4: {  	v13 =	vand.u32 $0x7, v13;
	v14 =	vand.u32 $0xFFFFFFF0, v14  }
0x5d5: {  	v13 =	vor.u32 v13, v14  }
0x5d6: {  	v14 =	vperm.xlane v13, v9;
	_ =	sdelay $0x1  }
0x5d7: {  	v13 =	vperm.xlane v13, v11;
	v14 =	vadd.s32 v10, v14;
	_ =	sdelay $0x1  }
0x5d8: {  	v13 =	vadd.s32 v10, v13;
	_ =	sdelay $0x1  }
0x5d9: {  	s9 =	simm.s32 $0x12880  }
0x5da: {  	[tilespmem:s9], [sflag:$0x3] =	stream.indirect_vreg.gather [hbm4b:s2+s3], $0x80, v14, vm0, $0xb8;
	[tilespmem:$0x19A80] =	vst v63  }
0x5db: {  	s9 =	simm.s32 $0x13080  }
0x5dc: {  	[tilespmem:s9], [sflag:$0x3] =	stream.indirect_vreg.gather [hbm4b:s2+s3], $0x80, v13, vm0, $0xb8;
	[tilespmem:$0x19A80] =	vst v63  }
0x5dd: {  	v13 =	vld [tilespmem:$0x17A0];
	_ =	sdelay $0x4  }
0x5de: {  	v14 =	vshll.u32 v13, $0x1  }
0x5df: {  	v13 =	vand.u32 $0x7, v13;
	v14 =	vand.u32 $0xFFFFFFF0, v14  }
0x5e0: {  	v13 =	vor.u32 v13, v14  }
0x5e1: {  	v14 =	vperm.xlane v13, v9;
	_ =	sdelay $0x1  }
0x5e2: {  	v13 =	vperm.xlane v13, v11;
	v14 =	vadd.s32 v10, v14;
	_ =	sdelay $0x1  }
0x5e3: {  	v13 =	vadd.s32 v10, v13;
	_ =	sdelay $0x1  }
0x5e4: {  	s10 =	simm.s32 $0x13880  }
0x5e5: {  	[tilespmem:s10], [sflag:$0x3] =	stream.indirect_vreg.gather [hbm4b:s2+s3], $0x80, v14, vm0, $0xb8;
	[tilespmem:$0x19A80] =	vst v63  }
0x5e6: {  	s10 =	simm.s32 $0x14080  }
0x5e7: {  	[tilespmem:s10], [sflag:$0x3] =	stream.indirect_vreg.gather [hbm4b:s2+s3], $0x80, v13, vm0, $0xb8;
	[tilespmem:$0x19A80] =	vst v63  }
0x5e8: {  	v13 =	vld [tilespmem:$0x17B0];
	_ =	sdelay $0x4  }
0x5e9: {  	v14 =	vshll.u32 v13, $0x1  }
0x5ea: {  	v13 =	vand.u32 $0x7, v13;
	v14 =	vand.u32 $0xFFFFFFF0, v14  }
0x5eb: {  	v13 =	vor.u32 v13, v14  }
0x5ec: {  	v14 =	vperm.xlane v13, v9;
	_ =	sdelay $0x1  }
0x5ed: {  	v13 =	vperm.xlane v13, v11;
	v14 =	vadd.s32 v10, v14;
	_ =	sdelay $0x1  }
0x5ee: {  	v13 =	vadd.s32 v10, v13;
	_ =	sdelay $0x1  }
0x5ef: {  	s11 =	simm.s32 $0x14880  }
0x5f0: {  	[tilespmem:s11], [sflag:$0x3] =	stream.indirect_vreg.gather [hbm4b:s2+s3], $0x80, v14, vm0, $0xb8;
	[tilespmem:$0x19A80] =	vst v63  }
0x5f1: {  	s11 =	simm.s32 $0x15080  }
0x5f2: {  	[tilespmem:s11], [sflag:$0x3] =	stream.indirect_vreg.gather [hbm4b:s2+s3], $0x80, v13, vm0, $0xb8;
	[tilespmem:$0x19A80] =	vst v63  }
0x5f3: {  	v13 =	vld [tilespmem:$0x17C0];
	_ =	sdelay $0x4  }
0x5f4: {  	v14 =	vshll.u32 v13, $0x1  }
0x5f5: {  	v13 =	vand.u32 $0x7, v13;
	v14 =	vand.u32 $0xFFFFFFF0, v14  }
0x5f6: {  	v13 =	vor.u32 v13, v14  }
0x5f7: {  	v14 =	vperm.xlane v13, v9;
	_ =	sdelay $0x1  }
0x5f8: {  	v13 =	vperm.xlane v13, v11;
	v14 =	vadd.s32 v10, v14;
	_ =	sdelay $0x1  }
0x5f9: {  	v13 =	vadd.s32 v10, v13;
	_ =	sdelay $0x1  }
0x5fa: {  	s12 =	simm.s32 $0x15880  }
0x5fb: {  	[tilespmem:s12], [sflag:$0x3] =	stream.indirect_vreg.gather [hbm4b:s2+s3], $0x80, v14, vm0, $0xb8;
	[tilespmem:$0x19A80] =	vst v63  }
0x5fc: {  	s17 =	simm.s32 $0x16080  }
0x5fd: {  	[tilespmem:s17], [sflag:$0x3] =	stream.indirect_vreg.gather [hbm4b:s2+s3], $0x80, v13, vm0, $0xb8;
	[tilespmem:$0x19A80] =	vst v63  }
0x5fe: {  	v13 =	vld [tilespmem:$0x17D0];
	_ =	sdelay $0x4  }
0x5ff: {  	v14 =	vshll.u32 v13, $0x1  }
0x600: {  	v13 =	vand.u32 $0x7, v13;
	v14 =	vand.u32 $0xFFFFFFF0, v14  }
0x601: {  	v13 =	vor.u32 v13, v14  }
0x602: {  	v14 =	vperm.xlane v13, v9;
	_ =	sdelay $0x1  }
0x603: {  	v13 =	vperm.xlane v13, v11;
	v14 =	vadd.s32 v10, v14;
	_ =	sdelay $0x1  }
0x604: {  	v13 =	vadd.s32 v10, v13;
	_ =	sdelay $0x1  }
0x605: {  	s30 =	simm.s32 $0x16880  }
0x606: {  	[tilespmem:s30], [sflag:$0x3] =	stream.indirect_vreg.gather [hbm4b:s2+s3], $0x80, v14, vm0, $0xb8;
	[tilespmem:$0x19A80] =	vst v63  }
0x607: {  	s1 =	simm.s32 $0x17080  }
0x608: {  	[tilespmem:s1], [sflag:$0x3] =	stream.indirect_vreg.gather [hbm4b:s2+s3], $0x80, v13, vm0, $0xb8;
	[tilespmem:$0x19A80] =	vst v63  }
0x609: {  	v13 =	vld [tilespmem:$0x17E0];
	_ =	sdelay $0x4  }
0x60a: {  	v14 =	vshll.u32 v13, $0x1  }
0x60b: {  	v13 =	vand.u32 $0x7, v13;
	v14 =	vand.u32 $0xFFFFFFF0, v14  }
0x60c: {  	v13 =	vor.u32 v13, v14  }
0x60d: {  	v14 =	vperm.xlane v13, v9;
	_ =	sdelay $0x1  }
0x60e: {  	v13 =	vperm.xlane v13, v11;
	v14 =	vadd.s32 v10, v14;
	_ =	sdelay $0x1  }
0x60f: {  	v13 =	vadd.s32 v10, v13;
	_ =	sdelay $0x1  }
0x610: {  	s31 =	simm.s32 $0x17880  }
0x611: {  	[tilespmem:s31], [sflag:$0x3] =	stream.indirect_vreg.gather [hbm4b:s2+s3], $0x80, v14, vm0, $0xb8;
	[tilespmem:$0x19A80] =	vst v63  }
0x612: {  	s20 =	simm.s32 $0x18080  }
0x613: {  	[tilespmem:s20], [sflag:$0x3] =	stream.indirect_vreg.gather [hbm4b:s2+s3], $0x80, v13, vm0, $0xb8;
	[tilespmem:$0x19A80] =	vst v63  }
0x614: {  	v13 =	vld [tilespmem:$0x17F0];
	_ =	sdelay $0x4  }
0x615: {  	v14 =	vshll.u32 v13, $0x1  }
0x616: {  	v13 =	vand.u32 $0x7, v13;
	v14 =	vand.u32 $0xFFFFFFF0, v14  }
0x617: {  	v13 =	vor.u32 v13, v14  }
0x618: {  	v14 =	vperm.xlane v13, v9;
	_ =	sdelay $0x1  }
0x619: {  	v13 =	vperm.xlane v13, v11;
	v14 =	vadd.s32 v10, v14;
	_ =	sdelay $0x1  }
0x61a: {  	v13 =	vadd.s32 v10, v13;
	_ =	sdelay $0x1  }
0x61b: {  	s6 =	simm.s32 $0x18880  }
0x61c: {  	[tilespmem:s6], [sflag:$0x3] =	stream.indirect_vreg.gather [hbm4b:s2+s3], $0x80, v14, vm0, $0xb8;
	[tilespmem:$0x19A80] =	vst v63  }
0x61d: {  	s5 =	simm.s32 $0x19080  }
0x61e: {  	[tilespmem:s5], [sflag:$0x3] =	stream.indirect_vreg.gather [hbm4b:s2+s3], $0x80, v13, vm0, $0xb8;
	[tilespmem:$0x19A80] =	vst v63  }
0x61f: {  	_ =	swait.ge [sflag:s19], $0x8000  }
0x620: {  	[sflag:s19] =	ssyncset.done $0x0  }
0x621: {  	s5 =	rddreg [dreg:$0x11];
	[sflag:s19] =	ssyncadd.s32 $0xFFFF8000  }
0x622: {  	[hbm4b:s5+s3] =	stream.linear.scatter [tilespmem:s24], [sflag:$0x4], $0x8000, $0x38;
	[tilespmem:$0x19A80] =	vst v63  }
0x623: {  	_ =	swait.ge [sflag:s0], $0x8000  }
0x624: {  	[sflag:s0] =	ssyncset.done $0x0  }
0x625: {  	[sflag:s0] =	ssyncadd.s32 $0xFFFF8000  }
0x626: {  	v13 =	vld [tilespmem:$0x1800];
	_ =	sdelay $0x4  }
0x627: {  	v14 =	vshll.u32 v13, $0x1  }
0x628: {  	v13 =	vand.u32 $0x7, v13;
	v14 =	vand.u32 $0xFFFFFFF0, v14  }
0x629: {  	v13 =	vor.u32 v13, v14  }
0x62a: {  	v14 =	vperm.xlane v13, v9;
	_ =	sdelay $0x1  }
0x62b: {  	v13 =	vperm.xlane v13, v11;
	v14 =	vadd.s32 v10, v14;
	_ =	sdelay $0x1  }
0x62c: {  	v13 =	vadd.s32 v10, v13;
	_ =	sdelay $0x2  }
0x62d: {  	[tilespmem:s24], [sflag:$0x1] =	stream.indirect_vreg.gather [hbm4b:s2+s3], $0x80, v14, vm0, $0xb8;
	[tilespmem:$0x19A80] =	vst v63  }
0x62e: {  	s6 =	simm.s32 $0x2080  }
0x62f: {  	[tilespmem:s6], [sflag:$0x1] =	stream.indirect_vreg.gather [hbm4b:s2+s3], $0x80, v13, vm0, $0xb8;
	[tilespmem:$0x19A80] =	vst v63  }
0x630: {  	v13 =	vld [tilespmem:$0x1810];
	_ =	sdelay $0x4  }
0x631: {  	v14 =	vshll.u32 v13, $0x1  }
0x632: {  	v13 =	vand.u32 $0x7, v13;
	v14 =	vand.u32 $0xFFFFFFF0, v14  }
0x633: {  	v13 =	vor.u32 v13, v14  }
0x634: {  	v14 =	vperm.xlane v13, v9;
	_ =	sdelay $0x1  }
0x635: {  	v13 =	vperm.xlane v13, v11;
	v14 =	vadd.s32 v10, v14;
	_ =	sdelay $0x1  }
0x636: {  	v13 =	vadd.s32 v10, v13;
	_ =	sdelay $0x1  }
0x637: {  	s9 =	simm.s32 $0x2880  }
0x638: {  	[tilespmem:s9], [sflag:$0x1] =	stream.indirect_vreg.gather [hbm4b:s2+s3], $0x80, v14, vm0, $0xb8;
	[tilespmem:$0x19A80] =	vst v63  }
0x639: {  	s10 =	simm.s32 $0x3080  }
0x63a: {  	[tilespmem:s10], [sflag:$0x1] =	stream.indirect_vreg.gather [hbm4b:s2+s3], $0x80, v13, vm0, $0xb8;
	[tilespmem:$0x19A80] =	vst v63  }
0x63b: {  	v13 =	vld [tilespmem:$0x1820];
	_ =	sdelay $0x4  }
0x63c: {  	v14 =	vshll.u32 v13, $0x1  }
0x63d: {  	v13 =	vand.u32 $0x7, v13;
	v14 =	vand.u32 $0xFFFFFFF0, v14  }
0x63e: {  	v13 =	vor.u32 v13, v14  }
0x63f: {  	v14 =	vperm.xlane v13, v9;
	_ =	sdelay $0x1  }
0x640: {  	v13 =	vperm.xlane v13, v11;
	v14 =	vadd.s32 v10, v14;
	_ =	sdelay $0x1  }
0x641: {  	v13 =	vadd.s32 v10, v13;
	_ =	sdelay $0x1  }
0x642: {  	s16 =	simm.s32 $0x3880  }
0x643: {  	[tilespmem:s16], [sflag:$0x1] =	stream.indirect_vreg.gather [hbm4b:s2+s3], $0x80, v14, vm0, $0xb8;
	[tilespmem:$0x19A80] =	vst v63  }
0x644: {  	s11 =	simm.s32 $0x4080  }
0x645: {  	[tilespmem:s11], [sflag:$0x1] =	stream.indirect_vreg.gather [hbm4b:s2+s3], $0x80, v13, vm0, $0xb8;
	[tilespmem:$0x19A80] =	vst v63  }
0x646: {  	v13 =	vld [tilespmem:$0x1830];
	_ =	sdelay $0x4  }
0x647: {  	v14 =	vshll.u32 v13, $0x1  }
0x648: {  	v13 =	vand.u32 $0x7, v13;
	v14 =	vand.u32 $0xFFFFFFF0, v14  }
0x649: {  	v13 =	vor.u32 v13, v14  }
0x64a: {  	v14 =	vperm.xlane v13, v9;
	_ =	sdelay $0x1  }
0x64b: {  	v13 =	vperm.xlane v13, v11;
	v14 =	vadd.s32 v10, v14;
	_ =	sdelay $0x1  }
0x64c: {  	v13 =	vadd.s32 v10, v13;
	_ =	sdelay $0x1  }
0x64d: {  	s18 =	simm.s32 $0x4880  }
0x64e: {  	[tilespmem:s18], [sflag:$0x1] =	stream.indirect_vreg.gather [hbm4b:s2+s3], $0x80, v14, vm0, $0xb8;
	[tilespmem:$0x19A80] =	vst v63  }
0x64f: {  	s12 =	simm.s32 $0x5080  }
0x650: {  	[tilespmem:s12], [sflag:$0x1] =	stream.indirect_vreg.gather [hbm4b:s2+s3], $0x80, v13, vm0, $0xb8;
	[tilespmem:$0x19A80] =	vst v63  }
0x651: {  	v13 =	vld [tilespmem:$0x1840];
	_ =	sdelay $0x4  }
0x652: {  	v14 =	vshll.u32 v13, $0x1  }
0x653: {  	v13 =	vand.u32 $0x7, v13;
	v14 =	vand.u32 $0xFFFFFFF0, v14  }
0x654: {  	v13 =	vor.u32 v13, v14  }
0x655: {  	v14 =	vperm.xlane v13, v9;
	_ =	sdelay $0x1  }
0x656: {  	v13 =	vperm.xlane v13, v11;
	v14 =	vadd.s32 v10, v14;
	_ =	sdelay $0x1  }
0x657: {  	v13 =	vadd.s32 v10, v13;
	_ =	sdelay $0x1  }
0x658: {  	s22 =	simm.s32 $0x5880  }
0x659: {  	[tilespmem:s22], [sflag:$0x1] =	stream.indirect_vreg.gather [hbm4b:s2+s3], $0x80, v14, vm0, $0xb8;
	[tilespmem:$0x19A80] =	vst v63  }
0x65a: {  	s16 =	simm.s32 $0x6080  }
0x65b: {  	[tilespmem:s16], [sflag:$0x1] =	stream.indirect_vreg.gather [hbm4b:s2+s3], $0x80, v13, vm0, $0xb8;
	[tilespmem:$0x19A80] =	vst v63  }
0x65c: {  	v13 =	vld [tilespmem:$0x1850];
	_ =	sdelay $0x4  }
0x65d: {  	v14 =	vshll.u32 v13, $0x1  }
0x65e: {  	v13 =	vand.u32 $0x7, v13;
	v14 =	vand.u32 $0xFFFFFFF0, v14  }
0x65f: {  	v13 =	vor.u32 v13, v14  }
0x660: {  	v14 =	vperm.xlane v13, v9;
	_ =	sdelay $0x1  }
0x661: {  	v13 =	vperm.xlane v13, v11;
	v14 =	vadd.s32 v10, v14;
	_ =	sdelay $0x1  }
0x662: {  	v13 =	vadd.s32 v10, v13;
	_ =	sdelay $0x1  }
0x663: {  	s25 =	simm.s32 $0x6880  }
0x664: {  	[tilespmem:s25], [sflag:$0x1] =	stream.indirect_vreg.gather [hbm4b:s2+s3], $0x80, v14, vm0, $0xb8;
	[tilespmem:$0x19A80] =	vst v63  }
0x665: {  	s29 =	simm.s32 $0x7080  }
0x666: {  	[tilespmem:s29], [sflag:$0x1] =	stream.indirect_vreg.gather [hbm4b:s2+s3], $0x80, v13, vm0, $0xb8;
	[tilespmem:$0x19A80] =	vst v63  }
0x667: {  	v13 =	vld [tilespmem:$0x1860];
	_ =	sdelay $0x4  }
0x668: {  	v14 =	vshll.u32 v13, $0x1  }
0x669: {  	v13 =	vand.u32 $0x7, v13;
	v14 =	vand.u32 $0xFFFFFFF0, v14  }
0x66a: {  	v13 =	vor.u32 v13, v14  }
0x66b: {  	v14 =	vperm.xlane v13, v9;
	_ =	sdelay $0x1  }
0x66c: {  	v13 =	vperm.xlane v13, v11;
	v14 =	vadd.s32 v10, v14;
	_ =	sdelay $0x1  }
0x66d: {  	v13 =	vadd.s32 v10, v13;
	_ =	sdelay $0x1  }
0x66e: {  	s13 =	simm.s32 $0x7880  }
0x66f: {  	[tilespmem:s13], [sflag:$0x1] =	stream.indirect_vreg.gather [hbm4b:s2+s3], $0x80, v14, vm0, $0xb8;
	[tilespmem:$0x19A80] =	vst v63  }
0x670: {  	s17 =	simm.s32 $0x8080  }
0x671: {  	[tilespmem:s17], [sflag:$0x1] =	stream.indirect_vreg.gather [hbm4b:s2+s3], $0x80, v13, vm0, $0xb8;
	[tilespmem:$0x19A80] =	vst v63  }
0x672: {  	v13 =	vld [tilespmem:$0x1870];
	_ =	sdelay $0x4  }
0x673: {  	v14 =	vshll.u32 v13, $0x1  }
0x674: {  	v13 =	vand.u32 $0x7, v13;
	v14 =	vand.u32 $0xFFFFFFF0, v14  }
0x675: {  	v13 =	vor.u32 v13, v14  }
0x676: {  	v14 =	vperm.xlane v13, v9;
	_ =	sdelay $0x1  }
0x677: {  	v13 =	vperm.xlane v13, v11;
	v14 =	vadd.s32 v10, v14;
	_ =	sdelay $0x1  }
0x678: {  	v13 =	vadd.s32 v10, v13;
	_ =	sdelay $0x1  }
0x679: {  	s8 =	simm.s32 $0x8880  }
0x67a: {  	[tilespmem:s8], [sflag:$0x1] =	stream.indirect_vreg.gather [hbm4b:s2+s3], $0x80, v14, vm0, $0xb8;
	[tilespmem:$0x19A80] =	vst v63  }
0x67b: {  	s7 =	simm.s32 $0x9080  }
0x67c: {  	[tilespmem:s7], [sflag:$0x1] =	stream.indirect_vreg.gather [hbm4b:s2+s3], $0x80, v13, vm0, $0xb8;
	[tilespmem:$0x19A80] =	vst v63  }
0x67d: {  	_ =	swait.ge [sflag:s21], $0x8000  }
0x67e: {  	[sflag:s21] =	ssyncset.done $0x0  }
0x67f: {  	s18 =	rddreg [dreg:$0x12];
	[sflag:s21] =	ssyncadd.s32 $0xFFFF8000  }
0x680: {  	[hbm4b:s18+s3] =	stream.linear.scatter [tilespmem:s28], [sflag:$0x5], $0x8000, $0x38;
	[tilespmem:$0x19A80] =	vst v63  }
0x681: {  	_ =	swait.ge [sflag:s15], $0x8000  }
0x682: {  	[sflag:s15] =	ssyncset.done $0x0  }
0x683: {  	s20 =	rddreg [dreg:$0x13];
	[sflag:s15] =	ssyncadd.s32 $0xFFFF8000  }
0x684: {  	[hbm4b:s20+s3] =	stream.linear.scatter [tilespmem:s26], [sflag:$0x6], $0x8000, $0x38;
	[tilespmem:$0x19A80] =	vst v63  }
0x685: {  	_ =	swait.ge [sflag:s19], $0x8000  }
0x686: {  	[sflag:s19] =	ssyncset.done $0x0  }
0x687: {  	s22 =	rddreg [dreg:$0x14];
	[sflag:s19] =	ssyncadd.s32 $0xFFFF8000  }
0x688: {  	[hbm4b:s22+s3] =	stream.linear.scatter [tilespmem:s24], [sflag:$0x4], $0x8000, $0x38;
	[tilespmem:$0x19A80] =	vst v63  }
0x689: {  	_ =	swait.ge [sflag:s14], $0x8000  }
0x68a: {  	[sflag:s14] =	ssyncset.done $0x0  }
0x68b: {  	[sflag:s14] =	ssyncadd.s32 $0xFFFF8000  }
0x68c: {  	_ =	swait.ge [sflag:s23], $0x8000  }
0x68d: {  	[sflag:s23] =	ssyncset.done $0x0  }
0x68e: {  	[sflag:s23] =	ssyncadd.s32 $0xFFFF8000  }
0x68f: {  	_ =	swait.ge [sflag:s0], $0x8000  }
0x690: {  	[sflag:s0] =	ssyncset.done $0x0  }
0x691: {  	[sflag:s0] =	ssyncadd.s32 $0xFFFF8000  }
0x692: {  	[tilespmem:$0x19880] =	vst v12  }
0x693: {  	[tilespmem:$0x19890] =	vst v12  }
0x694: {  	[tilespmem:$0x198A0] =	vst v12  }
0x695: {  	[tilespmem:$0x198B0] =	vst v12  }
0x696: {  	[tilespmem:$0x198C0] =	vst v12  }
0x697: {  	[tilespmem:$0x198D0] =	vst v12  }
0x698: {  	[tilespmem:$0x198E0] =	vst v12  }
0x699: {  	[tilespmem:$0x198F0] =	vst v12  }
0x69a: {  	[tilespmem:$0x19980] =	vst v12  }
0x69b: {  	[tilespmem:$0x19990] =	vst v12  }
0x69c: {  	[tilespmem:$0x199A0] =	vst v12  }
0x69d: {  	[tilespmem:$0x199B0] =	vst v12  }
0x69e: {  	[tilespmem:$0x199C0] =	vst v12  }
0x69f: {  	[tilespmem:$0x199D0] =	vst v12  }
0x6a0: {  	[tilespmem:$0x199E0] =	vst v12  }
0x6a1: {  	[tilespmem:$0x199F0] =	vst v12  }
0x6a2: {  	[tilespmem:$0x19900] =	vst v12  }
0x6a3: {  	[tilespmem:$0x19910] =	vst v12  }
0x6a4: {  	[tilespmem:$0x19920] =	vst v12  }
0x6a5: {  	[tilespmem:$0x19930] =	vst v12  }
0x6a6: {  	[tilespmem:$0x19940] =	vst v12  }
0x6a7: {  	[tilespmem:$0x19950] =	vst v12  }
0x6a8: {  	[tilespmem:$0x19960] =	vst v12  }
0x6a9: {  	[tilespmem:$0x19970] =	vst v12  }
0x6aa: {  	[tilespmem:$0x19A00] =	vst v12  }
0x6ab: {  	[tilespmem:$0x19A10] =	vst v12  }
0x6ac: {  	[tilespmem:$0x19A20] =	vst v12  }
0x6ad: {  	[tilespmem:$0x19A30] =	vst v12  }
0x6ae: {  	[tilespmem:$0x19A40] =	vst v12  }
0x6af: {  	[tilespmem:$0x19A50] =	vst v12  }
0x6b0: {  	[tilespmem:$0x19A60] =	vst v12  }
0x6b1: {  	s25 =	simm.s32 $0x19880;
	s26 =	rddreg [dreg:$0x5];
	[tilespmem:$0x19A70] =	vst v12  }
0x6b2: {  	[hbm4b:s26+s3] =	stream.linear.scatter [tilespmem:s25], [sflag:$0x7], $0x80, $0x38;
	[tilespmem:$0x19A80] =	vst v63  }
0x6b3: {  	s29 =	simm.s32 $0x19980;
	s24 =	simm.s32 $0x7;
	s28 =	sadd.s32 $0x80, s26  }
0x6b4: {  	[hbm4b:s28+s3] =	stream.linear.scatter [tilespmem:s29], [sflag:$0x7], $0x80, $0x38;
	[tilespmem:$0x19A80] =	vst v63  }
0x6b5: {  	_ =	swait.ge [sflag:s24], $0x100  }
0x6b6: {  	s5 =	simm.s32 @!p0 $0x0;
	[sflag:s24] =	ssyncset.done $0x0  }
0x6b7: {  	s17 =	simm.s32 @!p0 $0x19900;
	s18 =	rddreg [dreg:$0x15];
	[sflag:s24] =	ssyncadd.s32 $0xFFFFFF00  }
0x6b8: {  	[hbm4b:s18+s5] =	stream.linear.scatter @!p0 [tilespmem:s17], [sflag:$0x7], $0x80, $0x38;
	[tilespmem:$0x19A80] =	vst v63  }
0x6b9: {  	s17 =	sadd.s32 @!p0 $0x80, s18;
	s18 =	simm.s32 @!p0 $0x19A00  }
0x6ba: {  	[hbm4b:s17+s5] =	stream.linear.scatter @!p0 [tilespmem:s18], [sflag:$0x7], $0x80, $0x38;
	[tilespmem:$0x19A80] =	vst v63  }
0x6bb: {  	s5 =	simm.s32 @!p0 $0x7  }
0x6bc: {  	_ =	swait.ge @!p0 [sflag:s5], $0x100  }
0x6bd: {  	s30 =	rddreg [dreg:$0x17]  }
0x6be: {  	s31 =	rddreg [dreg:$0x16];
	s0 =	sadd.s32 $0x1, s30  }
0x6bf: {  	p1 =	sne.s32 s0, s31  }
.Ltmp1:
0x6c0: {  	_ = 	snop;
	(pc) =	sbr.rel @p1 .LBB2_1-.Ltmp1, $3  }
0x6c1: {  	_ =	sdelay $0x1  }
0x6c2: {  	[sflag:s5] =	ssyncset.done @!p0 $0x0  }
0x6c3: {  	[sflag:s5] =	ssyncadd.s32 @!p0 $0xFFFFFF00  }
0x6c4: {  	_ =	sfence.sel $0x180000  }
0x6c5: {  	[bflag:$0x0] =	sbarrier.arrive $0xFFFF  }
0x6c6: {  	_ =	strace $0x90000047  }
0x6c7: {  	s0 =	stileid.u32;
	[bflag:$0x2] =	sbarrier.arrive $0xFFFF  }
0x6c8: {  	p0 =	sne.s32 s0, $0x0;
	s0 =	rddreg [dreg:$0x3]  }
0x6c9: {  	s0 =	sadd.s32 @!p0 $0x100000, s0  }
0x6ca: {  	[sflag:s0] =	ssyncadd.tile.s32 @!p0 $0x1;
	_ =	shalt  }
.Lfunc_end2:
_tile_overlayer_lowered:
.L_overlay_start_2:
0x6cb: {  	(tag) =	ssettag $0x2  }
0x6cc: {  	s0 =	rddreg [dreg:$0x0];
	s2 =	stileid.u32  }
0x6cd: {  	s1 =	rddreg [dreg:$0x1];
	p0 =	sne.s32 s2, $0x0  }
0x6ce: {  	s3 =	rddreg [dreg:$0x2];
	[bflag:$0x3] =	sbarrier.arrive $0xFFFF;
	s2 =	simm.s32 @!p0 $0x1C07  }
0x6cf: {  	[timem:s3], [sflag:s2] =	dma.local @!p0 [hbm:s0], s1  }
0x6d0: {  	s0 =	simm.s32 @!p0 $0x7  }
0x6d1: {  	_ =	swait.ge @!p0 [sflag:s0], s1  }
0x6d2: {  	s1 =	ssub.s32 @!p0 $0x0, s1;
	[sflag:s0] =	ssyncset.done @!p0 $0x0  }
0x6d3: {  	[sflag:s0] =	ssyncadd.s32 @!p0 s1  }
0x6d4: {  	[bflag:$0x3] =	sbarrier.arrive $0xFFFF  }
0x6d5: {  	_ =	shalt  }

</sc_bundles>
